<compile_context>
chip_gen: v7x
topology: tpu7x:2x2x1
jax: 0.10.2.dev20260603
libtpu: 0.0.44.dev20260713+nightly
codegen_flags: <defaults>
</compile_context>

<pallas_src>
import dataclasses
import functools

import jax
import jax.numpy as jnp
from jax import lax
from jax.experimental import pallas as pl
from jax.experimental.pallas import tpu as pltpu
from jax.experimental.pallas import tpu_sc as plsc

LANES = 16
WIN = 800
SUB = 80
NWORK = 32


def _compiler_params():
    cp = pltpu.CompilerParams(use_tc_tiling_on_sc=False)
    if "needs_layout_passes" in pltpu.CompilerParams.__dataclass_fields__:
        cp = dataclasses.replace(cp, needs_layout_passes=False)
    return cp


def kernel(input, tok_table, pos_table):
    batch, seqlen = input.shape
    vocab, hdim = tok_table.shape
    n = batch * seqlen
    idx = input.reshape(n).astype(jnp.int32)
    nk = hdim // LANES
    nsub = WIN // SUB
    nchunk = n // (NWORK * WIN)
    jper = WIN // seqlen

    mesh = plsc.VectorSubcoreMesh(core_axis_name="core",
                                  subcore_axis_name="subcore")

    @functools.partial(
        pl.kernel,
        out_type=jax.ShapeDtypeStruct((n, hdim), jnp.float32),
        mesh=mesh,
        compiler_params=_compiler_params(),
        scratch_types=[
            pltpu.VMEM((pos_table.shape[0], hdim), jnp.float32),
            pltpu.VMEM((2, WIN, hdim), jnp.float32),
            pltpu.VMEM((2, WIN), jnp.int32),
            pltpu.SemaphoreType.DMA,
            pltpu.SemaphoreType.DMA,
            pltpu.SemaphoreType.DMA,
        ],
    )
    def emb(tok_hbm, idx_hbm, pos_hbm, out_hbm, pos_vmem, obuf, ibuf,
            sem_g0, sem_g1, sem_out):
        wid = lax.axis_index("subcore") * 2 + lax.axis_index("core")
        base = wid * (nchunk * WIN)
        sems = [sem_g0, sem_g1]

        pltpu.sync_copy(pos_hbm, pos_vmem)

        def fire(c):
            b = c % 2
            pltpu.sync_copy(idx_hbm.at[pl.ds(base + c * WIN, WIN)], ibuf.at[b])
            return [
                pltpu.async_copy(
                    tok_hbm.at[ibuf.at[b, pl.ds(s * SUB, SUB)]],
                    obuf.at[b, pl.ds(s * SUB, SUB)],
                    sems[b],
                )
                for s in range(nsub)
            ]

        gathers = {0: fire(0)}
        writes = {}
        for c in range(nchunk):
            b = c % 2
            if c + 1 < nchunk:
                if c >= 1:
                    writes[c - 1].wait()
                gathers[c + 1] = fire(c + 1)
            for g in gathers.pop(c):
                g.wait()

            @pl.loop(0, seqlen)
            def _(l):
                pos_vecs = [pos_vmem[l + 1, pl.ds(k * LANES, LANES)]
                            for k in range(nk)]
                for j in range(jper):
                    for k in range(nk):
                        plsc.addupdate(
                            obuf.at[b, j * seqlen + l,
                                    pl.ds(k * LANES, LANES)],
                            pos_vecs[k])

            writes[c] = pltpu.async_copy(
                obuf.at[b], out_hbm.at[pl.ds(base + c * WIN, WIN)], sem_out)

        writes[nchunk - 2].wait()
        writes[nchunk - 1].wait()

    out = emb(tok_table, idx, pos_table)
    return out.reshape(batch, seqlen, hdim)

# --- scband reference (transcript-rebuilt; emitter-appended) ---
"""Pipeline reference for scband-embeddings-8555574854365 (READ-ONLY COPY).

The authoritative reference and input builder live on the scoring server;
editing this copy changes nothing except your own understanding.
"""

import jax, jax.numpy as jnp
import numpy as np

VOCAB = 100000
MAX_LEN = 256
H = 64
B = 1024
L = 200


def _make_pos_table():
    # sinusoidal positional encoding, row 0 is padding (zeros)
    enc = np.array([[pos / np.power(10000.0, 2 * i / H) for i in range(H)]
                    if pos != 0 else np.zeros(H) for pos in range(MAX_LEN)])
    enc[1:, 0::2] = np.sin(enc[1:, 0::2])
    enc[1:, 1::2] = np.cos(enc[1:, 1::2])
    return jnp.asarray(enc, dtype=jnp.float32)


def setup_inputs(seed: int = 0) -> dict:
    key = jax.random.key(seed)
    k1, k2 = jax.random.split(key)
    inp = jax.random.randint(k1, (B, L), 0, VOCAB, dtype=jnp.int64)
    tok_table = jax.random.normal(k2, (VOCAB, H), dtype=jnp.float32) / jnp.sqrt(float(H))
    pos_table = _make_pos_table()
    return {"input": inp, "tok_table": tok_table, "pos_table": pos_table}


def reference(input, tok_table, pos_table):
    batch_size, seq_len = input.shape
    positional = jnp.tile(jnp.arange(1, seq_len + 1, dtype=jnp.int32), batch_size).reshape(batch_size, seq_len)
    # non-mixed path: token embedding gather + positional embedding gather
    return jnp.take(tok_table, input, axis=0) + jnp.take(pos_table, positional, axis=0)

if __name__ == "__main__":
    import jax
    _d = setup_inputs()
    print(jax.jit(kernel)(*tuple(_d.values())))

</pallas_src>

<mosaic_0001>
#map = affine_map<(d0, d1) -> (0, 0)>
#map1 = affine_map<(d0, d1) -> (0)>
module attributes {stable_mosaic.version = 14 : i64} {
  func.func @emb(%arg0: i32, %arg1: i32, %arg2: memref<100000x64xf32, #tpu.memory_space<hbm>>, %arg3: memref<204800xi32, #tpu.memory_space<hbm>>, %arg4: memref<256x64xf32, #tpu.memory_space<hbm>>, %arg5: memref<204800x64xf32, #tpu.memory_space<hbm>>, %arg6: memref<256x64xf32, #tpu.memory_space<vmem>>, %arg7: memref<2x800x64xf32, #tpu.memory_space<vmem>>, %arg8: memref<2x800xi32, #tpu.memory_space<vmem>>, %arg9: memref<!tpu.dma_semaphore, #tpu.memory_space<semaphore_mem>>, %arg10: memref<!tpu.dma_semaphore, #tpu.memory_space<semaphore_mem>>, %arg11: memref<!tpu.dma_semaphore, #tpu.memory_space<semaphore_mem>>) attributes {dimension_semantics = [#tpu.dimension_semantics<core_parallel>, #tpu.dimension_semantics<subcore_parallel>], iteration_bounds = array<i64: 2, 16>, scalar_prefetch = 0 : i64, scratch_operands = 6 : i64, tpu.core_type = #tpu.core_type<sc_vector_subcore>, window_params = [{transform_indices = #map}, {transform_indices = #map1}, {transform_indices = #map}, {transform_indices = #map}]} {
    %mul3A = arith.constant 2 : i32
    %mul3A_0 = arith.muli %arg1, %mul3A : i32
    %add3A = arith.addi %mul3A_0, %arg0 : i32
    %mul3A_1 = arith.constant 6400 : i32
    %mul3A_2 = arith.muli %add3A, %mul3A_1 : i32
    "tpu.region"() ({
      %run_scoped3A_2207 = tpu.sem_alloc : memref<!tpu.dma_semaphore, #tpu.memory_space<semaphore_mem>>
      tpu.enqueue_dma source(%arg4 : memref<256x64xf32, #tpu.memory_space<hbm>>) target(%arg6 : memref<256x64xf32, #tpu.memory_space<vmem>>) target_semaphore(%run_scoped3A_2207 : memref<!tpu.dma_semaphore, #tpu.memory_space<semaphore_mem>>)
      tpu.wait_dma2 semaphore(%run_scoped3A_2207 : memref<!tpu.dma_semaphore, #tpu.memory_space<semaphore_mem>>) src(%arg4 : memref<256x64xf32, #tpu.memory_space<hbm>>) dst(%arg6 : memref<256x64xf32, #tpu.memory_space<vmem>>)
      tpu.yield
    }) : () -> ()
    %add3A_3 = arith.constant 0 : i32
    %add3A_4 = arith.addi %mul3A_2, %add3A_3 : i32
    %run_scoped3A = arith.constant 0 : i32
    "tpu.region"() ({
      %run_scoped3A_2207 = tpu.sem_alloc : memref<!tpu.dma_semaphore, #tpu.memory_space<semaphore_mem>>
      %dma_start3A_2208 = arith.constant 0 : i32
      %dma_start3A_2209 = tpu.memref_slice %arg8[%run_scoped3A, %dma_start3A_2208] : memref<2x800xi32, #tpu.memory_space<vmem>> -> memref<1x800xi32, #tpu.memory_space<vmem>>
      %dma_start3A_2210 = tpu.memref_squeeze %dma_start3A_2209 : memref<1x800xi32, #tpu.memory_space<vmem>> -> memref<800xi32, #tpu.memory_space<vmem>>
      %dma_start3A_2211 = tpu.memref_slice %arg3[%add3A_4] : memref<204800xi32, #tpu.memory_space<hbm>> -> memref<800xi32, #tpu.memory_space<hbm>>
      %dma_start3A_2212 = arith.constant 0 : i32
      %dma_start3A_2213 = tpu.memref_slice %arg8[%run_scoped3A, %dma_start3A_2212] : memref<2x800xi32, #tpu.memory_space<vmem>> -> memref<1x800xi32, #tpu.memory_space<vmem>>
      %dma_start3A_2214 = tpu.memref_squeeze %dma_start3A_2213 : memref<1x800xi32, #tpu.memory_space<vmem>> -> memref<800xi32, #tpu.memory_space<vmem>>
      %dma_start3A_2215 = tpu.memref_slice %arg3[%add3A_4] : memref<204800xi32, #tpu.memory_space<hbm>> -> memref<800xi32, #tpu.memory_space<hbm>>
      tpu.enqueue_dma source(%dma_start3A_2215 : memref<800xi32, #tpu.memory_space<hbm>>) target(%dma_start3A_2214 : memref<800xi32, #tpu.memory_space<vmem>>) target_semaphore(%run_scoped3A_2207 : memref<!tpu.dma_semaphore, #tpu.memory_space<semaphore_mem>>)
      %dma_wait3A_2216 = arith.constant 0 : i32
      %dma_wait3A_2217 = tpu.memref_slice %arg8[%run_scoped3A, %dma_wait3A_2216] : memref<2x800xi32, #tpu.memory_space<vmem>> -> memref<1x800xi32, #tpu.memory_space<vmem>>
      %dma_wait3A_2218 = tpu.memref_squeeze %dma_wait3A_2217 : memref<1x800xi32, #tpu.memory_space<vmem>> -> memref<800xi32, #tpu.memory_space<vmem>>
      %dma_wait3A_2219 = tpu.memref_slice %arg3[%add3A_4] : memref<204800xi32, #tpu.memory_space<hbm>> -> memref<800xi32, #tpu.memory_space<hbm>>
      %dma_wait3A_2220 = arith.constant 0 : i32
      %dma_wait3A_2221 = tpu.memref_slice %arg8[%run_scoped3A, %dma_wait3A_2220] : memref<2x800xi32, #tpu.memory_space<vmem>> -> memref<1x800xi32, #tpu.memory_space<vmem>>
      %dma_wait3A_2222 = tpu.memref_squeeze %dma_wait3A_2221 : memref<1x800xi32, #tpu.memory_space<vmem>> -> memref<800xi32, #tpu.memory_space<vmem>>
      %dma_wait3A_2223 = tpu.memref_slice %arg3[%add3A_4] : memref<204800xi32, #tpu.memory_space<hbm>> -> memref<800xi32, #tpu.memory_space<hbm>>
      tpu.wait_dma2 semaphore(%run_scoped3A_2207 : memref<!tpu.dma_semaphore, #tpu.memory_space<semaphore_mem>>) src(%dma_wait3A_2223 : memref<800xi32, #tpu.memory_space<hbm>>) dst(%dma_wait3A_2222 : memref<800xi32, #tpu.memory_space<vmem>>)
      tpu.yield
    }) : () -> ()
    %dma_start3A = arith.constant 0 : i32
    %dma_start3A_5 = arith.constant 0 : i32
    %dma_start3A_6 = arith.constant 0 : i32
    %dma_start3A_7 = arith.constant 0 : i32
    %dma_start3A_8 = tpu.memref_slice %arg7[%dma_start3A_5, %dma_start3A_6, %dma_start3A_7] : memref<2x800x64xf32, #tpu.memory_space<vmem>> -> memref<1x80x64xf32, #tpu.memory_space<vmem>>
    %dma_start3A_9 = tpu.memref_squeeze %dma_start3A_8 : memref<1x80x64xf32, #tpu.memory_space<vmem>> -> memref<80x64xf32, #tpu.memory_space<vmem>>
    %dma_start3A_10 = arith.constant 0 : i32
    %dma_start3A_11 = tpu.memref_slice %arg8[%dma_start3A, %dma_start3A_10] : memref<2x800xi32, #tpu.memory_space<vmem>> -> memref<1x80xi32, #tpu.memory_space<vmem>>
    %dma_start3A_12 = tpu.memref_squeeze %dma_start3A_11 : memref<1x80xi32, #tpu.memory_space<vmem>> -> memref<80xi32, #tpu.memory_space<vmem>>
    %dma_start3A_13 = arith.constant 0 : i32
    %dma_start3A_14 = arith.constant 0 : i32
    %dma_start3A_15 = tpu.memref_slice %arg2[%dma_start3A_13, %dma_start3A_14] : memref<100000x64xf32, #tpu.memory_space<hbm>> -> memref<100000x64xf32, #tpu.memory_space<hbm>>
    tpu.enqueue_indirect_dma source(%dma_start3A_15 : memref<100000x64xf32, #tpu.memory_space<hbm>>) target(%dma_start3A_9 : memref<80x64xf32, #tpu.memory_space<vmem>>) offsets(%dma_start3A_12 : memref<80xi32, #tpu.memory_space<vmem>>) semaphore(%arg9 : memref<!tpu.dma_semaphore, #tpu.memory_space<semaphore_mem>>)
    %dma_start3A_16 = arith.constant 0 : i32
    %dma_start3A_17 = arith.constant 0 : i32
    %dma_start3A_18 = arith.constant 80 : i32
    %dma_start3A_19 = arith.constant 0 : i32
    %dma_start3A_20 = tpu.memref_slice %arg7[%dma_start3A_17, %dma_start3A_18, %dma_start3A_19] : memref<2x800x64xf32, #tpu.memory_space<vmem>> -> memref<1x80x64xf32, #tpu.memory_space<vmem>>
    %dma_start3A_21 = tpu.memref_squeeze %dma_start3A_20 : memref<1x80x64xf32, #tpu.memory_space<vmem>> -> memref<80x64xf32, #tpu.memory_space<vmem>>
    %dma_start3A_22 = arith.constant 80 : i32
    %dma_start3A_23 = tpu.memref_slice %arg8[%dma_start3A_16, %dma_start3A_22] : memref<2x800xi32, #tpu.memory_space<vmem>> -> memref<1x80xi32, #tpu.memory_space<vmem>>
    %dma_start3A_24 = tpu.memref_squeeze %dma_start3A_23 : memref<1x80xi32, #tpu.memory_space<vmem>> -> memref<80xi32, #tpu.memory_space<vmem>>
    %dma_start3A_25 = arith.constant 0 : i32
    %dma_start3A_26 = arith.constant 0 : i32
    %dma_start3A_27 = tpu.memref_slice %arg2[%dma_start3A_25, %dma_start3A_26] : memref<100000x64xf32, #tpu.memory_space<hbm>> -> memref<100000x64xf32, #tpu.memory_space<hbm>>
    tpu.enqueue_indirect_dma source(%dma_start3A_27 : memref<100000x64xf32, #tpu.memory_space<hbm>>) target(%dma_start3A_21 : memref<80x64xf32, #tpu.memory_space<vmem>>) offsets(%dma_start3A_24 : memref<80xi32, #tpu.memory_space<vmem>>) semaphore(%arg9 : memref<!tpu.dma_semaphore, #tpu.memory_space<semaphore_mem>>)
    %dma_start3A_28 = arith.constant 0 : i32
    %dma_start3A_29 = arith.constant 0 : i32
    %dma_start3A_30 = arith.constant 160 : i32
    %dma_start3A_31 = arith.constant 0 : i32
    %dma_start3A_32 = tpu.memref_slice %arg7[%dma_start3A_29, %dma_start3A_30, %dma_start3A_31] : memref<2x800x64xf32, #tpu.memory_space<vmem>> -> memref<1x80x64xf32, #tpu.memory_space<vmem>>
    %dma_start3A_33 = tpu.memref_squeeze %dma_start3A_32 : memref<1x80x64xf32, #tpu.memory_space<vmem>> -> memref<80x64xf32, #tpu.memory_space<vmem>>
    %dma_start3A_34 = arith.constant 160 : i32
    %dma_start3A_35 = tpu.memref_slice %arg8[%dma_start3A_28, %dma_start3A_34] : memref<2x800xi32, #tpu.memory_space<vmem>> -> memref<1x80xi32, #tpu.memory_space<vmem>>
    %dma_start3A_36 = tpu.memref_squeeze %dma_start3A_35 : memref<1x80xi32, #tpu.memory_space<vmem>> -> memref<80xi32, #tpu.memory_space<vmem>>
    %dma_start3A_37 = arith.constant 0 : i32
    %dma_start3A_38 = arith.constant 0 : i32
    %dma_start3A_39 = tpu.memref_slice %arg2[%dma_start3A_37, %dma_start3A_38] : memref<100000x64xf32, #tpu.memory_space<hbm>> -> memref<100000x64xf32, #tpu.memory_space<hbm>>
    tpu.enqueue_indirect_dma source(%dma_start3A_39 : memref<100000x64xf32, #tpu.memory_space<hbm>>) target(%dma_start3A_33 : memref<80x64xf32, #tpu.memory_space<vmem>>) offsets(%dma_start3A_36 : memref<80xi32, #tpu.memory_space<vmem>>) semaphore(%arg9 : memref<!tpu.dma_semaphore, #tpu.memory_space<semaphore_mem>>)
    %dma_start3A_40 = arith.constant 0 : i32
    %dma_start3A_41 = arith.constant 0 : i32
    %dma_start3A_42 = arith.constant 240 : i32
    %dma_start3A_43 = arith.constant 0 : i32
    %dma_start3A_44 = tpu.memref_slice %arg7[%dma_start3A_41, %dma_start3A_42, %dma_start3A_43] : memref<2x800x64xf32, #tpu.memory_space<vmem>> -> memref<1x80x64xf32, #tpu.memory_space<vmem>>
    %dma_start3A_45 = tpu.memref_squeeze %dma_start3A_44 : memref<1x80x64xf32, #tpu.memory_space<vmem>> -> memref<80x64xf32, #tpu.memory_space<vmem>>
    %dma_start3A_46 = arith.constant 240 : i32
    %dma_start3A_47 = tpu.memref_slice %arg8[%dma_start3A_40, %dma_start3A_46] : memref<2x800xi32, #tpu.memory_space<vmem>> -> memref<1x80xi32, #tpu.memory_space<vmem>>
    %dma_start3A_48 = tpu.memref_squeeze %dma_start3A_47 : memref<1x80xi32, #tpu.memory_space<vmem>> -> memref<80xi32, #tpu.memory_space<vmem>>
    %dma_start3A_49 = arith.constant 0 : i32
    %dma_start3A_50 = arith.constant 0 : i32
    %dma_start3A_51 = tpu.memref_slice %arg2[%dma_start3A_49, %dma_start3A_50] : memref<100000x64xf32, #tpu.memory_space<hbm>> -> memref<100000x64xf32, #tpu.memory_space<hbm>>
    tpu.enqueue_indirect_dma source(%dma_start3A_51 : memref<100000x64xf32, #tpu.memory_space<hbm>>) target(%dma_start3A_45 : memref<80x64xf32, #tpu.memory_space<vmem>>) offsets(%dma_start3A_48 : memref<80xi32, #tpu.memory_space<vmem>>) semaphore(%arg9 : memref<!tpu.dma_semaphore, #tpu.memory_space<semaphore_mem>>)
    %dma_start3A_52 = arith.constant 0 : i32
    %dma_start3A_53 = arith.constant 0 : i32
    %dma_start3A_54 = arith.constant 320 : i32
    %dma_start3A_55 = arith.constant 0 : i32
    %dma_start3A_56 = tpu.memref_slice %arg7[%dma_start3A_53, %dma_start3A_54, %dma_start3A_55] : memref<2x800x64xf32, #tpu.memory_space<vmem>> -> memref<1x80x64xf32, #tpu.memory_space<vmem>>
    %dma_start3A_57 = tpu.memref_squeeze %dma_start3A_56 : memref<1x80x64xf32, #tpu.memory_space<vmem>> -> memref<80x64xf32, #tpu.memory_space<vmem>>
    %dma_start3A_58 = arith.constant 320 : i32
    %dma_start3A_59 = tpu.memref_slice %arg8[%dma_start3A_52, %dma_start3A_58] : memref<2x800xi32, #tpu.memory_space<vmem>> -> memref<1x80xi32, #tpu.memory_space<vmem>>
    %dma_start3A_60 = tpu.memref_squeeze %dma_start3A_59 : memref<1x80xi32, #tpu.memory_space<vmem>> -> memref<80xi32, #tpu.memory_space<vmem>>
    %dma_start3A_61 = arith.constant 0 : i32
    %dma_start3A_62 = arith.constant 0 : i32
    %dma_start3A_63 = tpu.memref_slice %arg2[%dma_start3A_61, %dma_start3A_62] : memref<100000x64xf32, #tpu.memory_space<hbm>> -> memref<100000x64xf32, #tpu.memory_space<hbm>>
    tpu.enqueue_indirect_dma source(%dma_start3A_63 : memref<100000x64xf32, #tpu.memory_space<hbm>>) target(%dma_start3A_57 : memref<80x64xf32, #tpu.memory_space<vmem>>) offsets(%dma_start3A_60 : memref<80xi32, #tpu.memory_space<vmem>>) semaphore(%arg9 : memref<!tpu.dma_semaphore, #tpu.memory_space<semaphore_mem>>)
    %dma_start3A_64 = arith.constant 0 : i32
    %dma_start3A_65 = arith.constant 0 : i32
    %dma_start3A_66 = arith.constant 400 : i32
    %dma_start3A_67 = arith.constant 0 : i32
    %dma_start3A_68 = tpu.memref_slice %arg7[%dma_start3A_65, %dma_start3A_66, %dma_start3A_67] : memref<2x800x64xf32, #tpu.memory_space<vmem>> -> memref<1x80x64xf32, #tpu.memory_space<vmem>>
    %dma_start3A_69 = tpu.memref_squeeze %dma_start3A_68 : memref<1x80x64xf32, #tpu.memory_space<vmem>> -> memref<80x64xf32, #tpu.memory_space<vmem>>
    %dma_start3A_70 = arith.constant 400 : i32
    %dma_start3A_71 = tpu.memref_slice %arg8[%dma_start3A_64, %dma_start3A_70] : memref<2x800xi32, #tpu.memory_space<vmem>> -> memref<1x80xi32, #tpu.memory_space<vmem>>
    %dma_start3A_72 = tpu.memref_squeeze %dma_start3A_71 : memref<1x80xi32, #tpu.memory_space<vmem>> -> memref<80xi32, #tpu.memory_space<vmem>>
    %dma_start3A_73 = arith.constant 0 : i32
    %dma_start3A_74 = arith.constant 0 : i32
    %dma_start3A_75 = tpu.memref_slice %arg2[%dma_start3A_73, %dma_start3A_74] : memref<100000x64xf32, #tpu.memory_space<hbm>> -> memref<100000x64xf32, #tpu.memory_space<hbm>>
    tpu.enqueue_indirect_dma source(%dma_start3A_75 : memref<100000x64xf32, #tpu.memory_space<hbm>>) target(%dma_start3A_69 : memref<80x64xf32, #tpu.memory_space<vmem>>) offsets(%dma_start3A_72 : memref<80xi32, #tpu.memory_space<vmem>>) semaphore(%arg9 : memref<!tpu.dma_semaphore, #tpu.memory_space<semaphore_mem>>)
    %dma_start3A_76 = arith.constant 0 : i32
    %dma_start3A_77 = arith.constant 0 : i32
    %dma_start3A_78 = arith.constant 480 : i32
    %dma_start3A_79 = arith.constant 0 : i32
    %dma_start3A_80 = tpu.memref_slice %arg7[%dma_start3A_77, %dma_start3A_78, %dma_start3A_79] : memref<2x800x64xf32, #tpu.memory_space<vmem>> -> memref<1x80x64xf32, #tpu.memory_space<vmem>>
    %dma_start3A_81 = tpu.memref_squeeze %dma_start3A_80 : memref<1x80x64xf32, #tpu.memory_space<vmem>> -> memref<80x64xf32, #tpu.memory_space<vmem>>
    %dma_start3A_82 = arith.constant 480 : i32
    %dma_start3A_83 = tpu.memref_slice %arg8[%dma_start3A_76, %dma_start3A_82] : memref<2x800xi32, #tpu.memory_space<vmem>> -> memref<1x80xi32, #tpu.memory_space<vmem>>
    %dma_start3A_84 = tpu.memref_squeeze %dma_start3A_83 : memref<1x80xi32, #tpu.memory_space<vmem>> -> memref<80xi32, #tpu.memory_space<vmem>>
    %dma_start3A_85 = arith.constant 0 : i32
    %dma_start3A_86 = arith.constant 0 : i32
    %dma_start3A_87 = tpu.memref_slice %arg2[%dma_start3A_85, %dma_start3A_86] : memref<100000x64xf32, #tpu.memory_space<hbm>> -> memref<100000x64xf32, #tpu.memory_space<hbm>>
    tpu.enqueue_indirect_dma source(%dma_start3A_87 : memref<100000x64xf32, #tpu.memory_space<hbm>>) target(%dma_start3A_81 : memref<80x64xf32, #tpu.memory_space<vmem>>) offsets(%dma_start3A_84 : memref<80xi32, #tpu.memory_space<vmem>>) semaphore(%arg9 : memref<!tpu.dma_semaphore, #tpu.memory_space<semaphore_mem>>)
    %dma_start3A_88 = arith.constant 0 : i32
    %dma_start3A_89 = arith.constant 0 : i32
    %dma_start3A_90 = arith.constant 560 : i32
    %dma_start3A_91 = arith.constant 0 : i32
    %dma_start3A_92 = tpu.memref_slice %arg7[%dma_start3A_89, %dma_start3A_90, %dma_start3A_91] : memref<2x800x64xf32, #tpu.memory_space<vmem>> -> memref<1x80x64xf32, #tpu.memory_space<vmem>>
    %dma_start3A_93 = tpu.memref_squeeze %dma_start3A_92 : memref<1x80x64xf32, #tpu.memory_space<vmem>> -> memref<80x64xf32, #tpu.memory_space<vmem>>
    %dma_start3A_94 = arith.constant 560 : i32
    %dma_start3A_95 = tpu.memref_slice %arg8[%dma_start3A_88, %dma_start3A_94] : memref<2x800xi32, #tpu.memory_space<vmem>> -> memref<1x80xi32, #tpu.memory_space<vmem>>
    %dma_start3A_96 = tpu.memref_squeeze %dma_start3A_95 : memref<1x80xi32, #tpu.memory_space<vmem>> -> memref<80xi32, #tpu.memory_space<vmem>>
    %dma_start3A_97 = arith.constant 0 : i32
    %dma_start3A_98 = arith.constant 0 : i32
    %dma_start3A_99 = tpu.memref_slice %arg2[%dma_start3A_97, %dma_start3A_98] : memref<100000x64xf32, #tpu.memory_space<hbm>> -> memref<100000x64xf32, #tpu.memory_space<hbm>>
    tpu.enqueue_indirect_dma source(%dma_start3A_99 : memref<100000x64xf32, #tpu.memory_space<hbm>>) target(%dma_start3A_93 : memref<80x64xf32, #tpu.memory_space<vmem>>) offsets(%dma_start3A_96 : memref<80xi32, #tpu.memory_space<vmem>>) semaphore(%arg9 : memref<!tpu.dma_semaphore, #tpu.memory_space<semaphore_mem>>)
    %dma_start3A_100 = arith.constant 0 : i32
    %dma_start3A_101 = arith.constant 0 : i32
    %dma_start3A_102 = arith.constant 640 : i32
    %dma_start3A_103 = arith.constant 0 : i32
    %dma_start3A_104 = tpu.memref_slice %arg7[%dma_start3A_101, %dma_start3A_102, %dma_start3A_103] : memref<2x800x64xf32, #tpu.memory_space<vmem>> -> memref<1x80x64xf32, #tpu.memory_space<vmem>>
    %dma_start3A_105 = tpu.memref_squeeze %dma_start3A_104 : memref<1x80x64xf32, #tpu.memory_space<vmem>> -> memref<80x64xf32, #tpu.memory_space<vmem>>
    %dma_start3A_106 = arith.constant 640 : i32
    %dma_start3A_107 = tpu.memref_slice %arg8[%dma_start3A_100, %dma_start3A_106] : memref<2x800xi32, #tpu.memory_space<vmem>> -> memref<1x80xi32, #tpu.memory_space<vmem>>
    %dma_start3A_108 = tpu.memref_squeeze %dma_start3A_107 : memref<1x80xi32, #tpu.memory_space<vmem>> -> memref<80xi32, #tpu.memory_space<vmem>>
    %dma_start3A_109 = arith.constant 0 : i32
    %dma_start3A_110 = arith.constant 0 : i32
    %dma_start3A_111 = tpu.memref_slice %arg2[%dma_start3A_109, %dma_start3A_110] : memref<100000x64xf32, #tpu.memory_space<hbm>> -> memref<100000x64xf32, #tpu.memory_space<hbm>>
    tpu.enqueue_indirect_dma source(%dma_start3A_111 : memref<100000x64xf32, #tpu.memory_space<hbm>>) target(%dma_start3A_105 : memref<80x64xf32, #tpu.memory_space<vmem>>) offsets(%dma_start3A_108 : memref<80xi32, #tpu.memory_space<vmem>>) semaphore(%arg9 : memref<!tpu.dma_semaphore, #tpu.memory_space<semaphore_mem>>)
    %dma_start3A_112 = arith.constant 0 : i32
    %dma_start3A_113 = arith.constant 0 : i32
    %dma_start3A_114 = arith.constant 720 : i32
    %dma_start3A_115 = arith.constant 0 : i32
    %dma_start3A_116 = tpu.memref_slice %arg7[%dma_start3A_113, %dma_start3A_114, %dma_start3A_115] : memref<2x800x64xf32, #tpu.memory_space<vmem>> -> memref<1x80x64xf32, #tpu.memory_space<vmem>>
    %dma_start3A_117 = tpu.memref_squeeze %dma_start3A_116 : memref<1x80x64xf32, #tpu.memory_space<vmem>> -> memref<80x64xf32, #tpu.memory_space<vmem>>
    %dma_start3A_118 = arith.constant 720 : i32
    %dma_start3A_119 = tpu.memref_slice %arg8[%dma_start3A_112, %dma_start3A_118] : memref<2x800xi32, #tpu.memory_space<vmem>> -> memref<1x80xi32, #tpu.memory_space<vmem>>
    %dma_start3A_120 = tpu.memref_squeeze %dma_start3A_119 : memref<1x80xi32, #tpu.memory_space<vmem>> -> memref<80xi32, #tpu.memory_space<vmem>>
    %dma_start3A_121 = arith.constant 0 : i32
    %dma_start3A_122 = arith.constant 0 : i32
    %dma_start3A_123 = tpu.memref_slice %arg2[%dma_start3A_121, %dma_start3A_122] : memref<100000x64xf32, #tpu.memory_space<hbm>> -> memref<100000x64xf32, #tpu.memory_space<hbm>>
    tpu.enqueue_indirect_dma source(%dma_start3A_123 : memref<100000x64xf32, #tpu.memory_space<hbm>>) target(%dma_start3A_117 : memref<80x64xf32, #tpu.memory_space<vmem>>) offsets(%dma_start3A_120 : memref<80xi32, #tpu.memory_space<vmem>>) semaphore(%arg9 : memref<!tpu.dma_semaphore, #tpu.memory_space<semaphore_mem>>)
    %add3A_124 = arith.constant 800 : i32
    %add3A_125 = arith.addi %mul3A_2, %add3A_124 : i32
    %run_scoped3A_126 = arith.constant 1 : i32
    "tpu.region"() ({
      %run_scoped3A_2207 = tpu.sem_alloc : memref<!tpu.dma_semaphore, #tpu.memory_space<semaphore_mem>>
      %dma_start3A_2208 = arith.constant 0 : i32
      %dma_start3A_2209 = tpu.memref_slice %arg8[%run_scoped3A_126, %dma_start3A_2208] : memref<2x800xi32, #tpu.memory_space<vmem>> -> memref<1x800xi32, #tpu.memory_space<vmem>>
      %dma_start3A_2210 = tpu.memref_squeeze %dma_start3A_2209 : memref<1x800xi32, #tpu.memory_space<vmem>> -> memref<800xi32, #tpu.memory_space<vmem>>
      %dma_start3A_2211 = tpu.memref_slice %arg3[%add3A_125] : memref<204800xi32, #tpu.memory_space<hbm>> -> memref<800xi32, #tpu.memory_space<hbm>>
      %dma_start3A_2212 = arith.constant 0 : i32
      %dma_start3A_2213 = tpu.memref_slice %arg8[%run_scoped3A_126, %dma_start3A_2212] : memref<2x800xi32, #tpu.memory_space<vmem>> -> memref<1x800xi32, #tpu.memory_space<vmem>>
      %dma_start3A_2214 = tpu.memref_squeeze %dma_start3A_2213 : memref<1x800xi32, #tpu.memory_space<vmem>> -> memref<800xi32, #tpu.memory_space<vmem>>
      %dma_start3A_2215 = tpu.memref_slice %arg3[%add3A_125] : memref<204800xi32, #tpu.memory_space<hbm>> -> memref<800xi32, #tpu.memory_space<hbm>>
      tpu.enqueue_dma source(%dma_start3A_2215 : memref<800xi32, #tpu.memory_space<hbm>>) target(%dma_start3A_2214 : memref<800xi32, #tpu.memory_space<vmem>>) target_semaphore(%run_scoped3A_2207 : memref<!tpu.dma_semaphore, #tpu.memory_space<semaphore_mem>>)
      %dma_wait3A_2216 = arith.constant 0 : i32
      %dma_wait3A_2217 = tpu.memref_slice %arg8[%run_scoped3A_126, %dma_wait3A_2216] : memref<2x800xi32, #tpu.memory_space<vmem>> -> memref<1x800xi32, #tpu.memory_space<vmem>>
      %dma_wait3A_2218 = tpu.memref_squeeze %dma_wait3A_2217 : memref<1x800xi32, #tpu.memory_space<vmem>> -> memref<800xi32, #tpu.memory_space<vmem>>
      %dma_wait3A_2219 = tpu.memref_slice %arg3[%add3A_125] : memref<204800xi32, #tpu.memory_space<hbm>> -> memref<800xi32, #tpu.memory_space<hbm>>
      %dma_wait3A_2220 = arith.constant 0 : i32
      %dma_wait3A_2221 = tpu.memref_slice %arg8[%run_scoped3A_126, %dma_wait3A_2220] : memref<2x800xi32, #tpu.memory_space<vmem>> -> memref<1x800xi32, #tpu.memory_space<vmem>>
      %dma_wait3A_2222 = tpu.memref_squeeze %dma_wait3A_2221 : memref<1x800xi32, #tpu.memory_space<vmem>> -> memref<800xi32, #tpu.memory_space<vmem>>
      %dma_wait3A_2223 = tpu.memref_slice %arg3[%add3A_125] : memref<204800xi32, #tpu.memory_space<hbm>> -> memref<800xi32, #tpu.memory_space<hbm>>
      tpu.wait_dma2 semaphore(%run_scoped3A_2207 : memref<!tpu.dma_semaphore, #tpu.memory_space<semaphore_mem>>) src(%dma_wait3A_2223 : memref<800xi32, #tpu.memory_space<hbm>>) dst(%dma_wait3A_2222 : memref<800xi32, #tpu.memory_space<vmem>>)
      tpu.yield
    }) : () -> ()
    %dma_start3A_127 = arith.constant 1 : i32
    %dma_start3A_128 = arith.constant 1 : i32
    %dma_start3A_129 = arith.constant 0 : i32
    %dma_start3A_130 = arith.constant 0 : i32
    %dma_start3A_131 = tpu.memref_slice %arg7[%dma_start3A_128, %dma_start3A_129, %dma_start3A_130] : memref<2x800x64xf32, #tpu.memory_space<vmem>> -> memref<1x80x64xf32, #tpu.memory_space<vmem>>
    %dma_start3A_132 = tpu.memref_squeeze %dma_start3A_131 : memref<1x80x64xf32, #tpu.memory_space<vmem>> -> memref<80x64xf32, #tpu.memory_space<vmem>>
    %dma_start3A_133 = arith.constant 0 : i32
    %dma_start3A_134 = tpu.memref_slice %arg8[%dma_start3A_127, %dma_start3A_133] : memref<2x800xi32, #tpu.memory_space<vmem>> -> memref<1x80xi32, #tpu.memory_space<vmem>>
    %dma_start3A_135 = tpu.memref_squeeze %dma_start3A_134 : memref<1x80xi32, #tpu.memory_space<vmem>> -> memref<80xi32, #tpu.memory_space<vmem>>
    %dma_start3A_136 = arith.constant 0 : i32
    %dma_start3A_137 = arith.constant 0 : i32
    %dma_start3A_138 = tpu.memref_slice %arg2[%dma_start3A_136, %dma_start3A_137] : memref<100000x64xf32, #tpu.memory_space<hbm>> -> memref<100000x64xf32, #tpu.memory_space<hbm>>
    tpu.enqueue_indirect_dma source(%dma_start3A_138 : memref<100000x64xf32, #tpu.memory_space<hbm>>) target(%dma_start3A_132 : memref<80x64xf32, #tpu.memory_space<vmem>>) offsets(%dma_start3A_135 : memref<80xi32, #tpu.memory_space<vmem>>) semaphore(%arg10 : memref<!tpu.dma_semaphore, #tpu.memory_space<semaphore_mem>>)
    %dma_start3A_139 = arith.constant 1 : i32
    %dma_start3A_140 = arith.constant 1 : i32
    %dma_start3A_141 = arith.constant 80 : i32
    %dma_start3A_142 = arith.constant 0 : i32
    %dma_start3A_143 = tpu.memref_slice %arg7[%dma_start3A_140, %dma_start3A_141, %dma_start3A_142] : memref<2x800x64xf32, #tpu.memory_space<vmem>> -> memref<1x80x64xf32, #tpu.memory_space<vmem>>
    %dma_start3A_144 = tpu.memref_squeeze %dma_start3A_143 : memref<1x80x64xf32, #tpu.memory_space<vmem>> -> memref<80x64xf32, #tpu.memory_space<vmem>>
    %dma_start3A_145 = arith.constant 80 : i32
    %dma_start3A_146 = tpu.memref_slice %arg8[%dma_start3A_139, %dma_start3A_145] : memref<2x800xi32, #tpu.memory_space<vmem>> -> memref<1x80xi32, #tpu.memory_space<vmem>>
    %dma_start3A_147 = tpu.memref_squeeze %dma_start3A_146 : memref<1x80xi32, #tpu.memory_space<vmem>> -> memref<80xi32, #tpu.memory_space<vmem>>
    %dma_start3A_148 = arith.constant 0 : i32
    %dma_start3A_149 = arith.constant 0 : i32
    %dma_start3A_150 = tpu.memref_slice %arg2[%dma_start3A_148, %dma_start3A_149] : memref<100000x64xf32, #tpu.memory_space<hbm>> -> memref<100000x64xf32, #tpu.memory_space<hbm>>
    tpu.enqueue_indirect_dma source(%dma_start3A_150 : memref<100000x64xf32, #tpu.memory_space<hbm>>) target(%dma_start3A_144 : memref<80x64xf32, #tpu.memory_space<vmem>>) offsets(%dma_start3A_147 : memref<80xi32, #tpu.memory_space<vmem>>) semaphore(%arg10 : memref<!tpu.dma_semaphore, #tpu.memory_space<semaphore_mem>>)
    %dma_start3A_151 = arith.constant 1 : i32
    %dma_start3A_152 = arith.constant 1 : i32
    %dma_start3A_153 = arith.constant 160 : i32
    %dma_start3A_154 = arith.constant 0 : i32
    %dma_start3A_155 = tpu.memref_slice %arg7[%dma_start3A_152, %dma_start3A_153, %dma_start3A_154] : memref<2x800x64xf32, #tpu.memory_space<vmem>> -> memref<1x80x64xf32, #tpu.memory_space<vmem>>
    %dma_start3A_156 = tpu.memref_squeeze %dma_start3A_155 : memref<1x80x64xf32, #tpu.memory_space<vmem>> -> memref<80x64xf32, #tpu.memory_space<vmem>>
    %dma_start3A_157 = arith.constant 160 : i32
    %dma_start3A_158 = tpu.memref_slice %arg8[%dma_start3A_151, %dma_start3A_157] : memref<2x800xi32, #tpu.memory_space<vmem>> -> memref<1x80xi32, #tpu.memory_space<vmem>>
    %dma_start3A_159 = tpu.memref_squeeze %dma_start3A_158 : memref<1x80xi32, #tpu.memory_space<vmem>> -> memref<80xi32, #tpu.memory_space<vmem>>
    %dma_start3A_160 = arith.constant 0 : i32
    %dma_start3A_161 = arith.constant 0 : i32
    %dma_start3A_162 = tpu.memref_slice %arg2[%dma_start3A_160, %dma_start3A_161] : memref<100000x64xf32, #tpu.memory_space<hbm>> -> memref<100000x64xf32, #tpu.memory_space<hbm>>
    tpu.enqueue_indirect_dma source(%dma_start3A_162 : memref<100000x64xf32, #tpu.memory_space<hbm>>) target(%dma_start3A_156 : memref<80x64xf32, #tpu.memory_space<vmem>>) offsets(%dma_start3A_159 : memref<80xi32, #tpu.memory_space<vmem>>) semaphore(%arg10 : memref<!tpu.dma_semaphore, #tpu.memory_space<semaphore_mem>>)
    %dma_start3A_163 = arith.constant 1 : i32
    %dma_start3A_164 = arith.constant 1 : i32
    %dma_start3A_165 = arith.constant 240 : i32
    %dma_start3A_166 = arith.constant 0 : i32
    %dma_start3A_167 = tpu.memref_slice %arg7[%dma_start3A_164, %dma_start3A_165, %dma_start3A_166] : memref<2x800x64xf32, #tpu.memory_space<vmem>> -> memref<1x80x64xf32, #tpu.memory_space<vmem>>
    %dma_start3A_168 = tpu.memref_squeeze %dma_start3A_167 : memref<1x80x64xf32, #tpu.memory_space<vmem>> -> memref<80x64xf32, #tpu.memory_space<vmem>>
    %dma_start3A_169 = arith.constant 240 : i32
    %dma_start3A_170 = tpu.memref_slice %arg8[%dma_start3A_163, %dma_start3A_169] : memref<2x800xi32, #tpu.memory_space<vmem>> -> memref<1x80xi32, #tpu.memory_space<vmem>>
    %dma_start3A_171 = tpu.memref_squeeze %dma_start3A_170 : memref<1x80xi32, #tpu.memory_space<vmem>> -> memref<80xi32, #tpu.memory_space<vmem>>
    %dma_start3A_172 = arith.constant 0 : i32
    %dma_start3A_173 = arith.constant 0 : i32
    %dma_start3A_174 = tpu.memref_slice %arg2[%dma_start3A_172, %dma_start3A_173] : memref<100000x64xf32, #tpu.memory_space<hbm>> -> memref<100000x64xf32, #tpu.memory_space<hbm>>
    tpu.enqueue_indirect_dma source(%dma_start3A_174 : memref<100000x64xf32, #tpu.memory_space<hbm>>) target(%dma_start3A_168 : memref<80x64xf32, #tpu.memory_space<vmem>>) offsets(%dma_start3A_171 : memref<80xi32, #tpu.memory_space<vmem>>) semaphore(%arg10 : memref<!tpu.dma_semaphore, #tpu.memory_space<semaphore_mem>>)
    %dma_start3A_175 = arith.constant 1 : i32
    %dma_start3A_176 = arith.constant 1 : i32
    %dma_start3A_177 = arith.constant 320 : i32
    %dma_start3A_178 = arith.constant 0 : i32
    %dma_start3A_179 = tpu.memref_slice %arg7[%dma_start3A_176, %dma_start3A_177, %dma_start3A_178] : memref<2x800x64xf32, #tpu.memory_space<vmem>> -> memref<1x80x64xf32, #tpu.memory_space<vmem>>
    %dma_start3A_180 = tpu.memref_squeeze %dma_start3A_179 : memref<1x80x64xf32, #tpu.memory_space<vmem>> -> memref<80x64xf32, #tpu.memory_space<vmem>>
    %dma_start3A_181 = arith.constant 320 : i32
    %dma_start3A_182 = tpu.memref_slice %arg8[%dma_start3A_175, %dma_start3A_181] : memref<2x800xi32, #tpu.memory_space<vmem>> -> memref<1x80xi32, #tpu.memory_space<vmem>>
    %dma_start3A_183 = tpu.memref_squeeze %dma_start3A_182 : memref<1x80xi32, #tpu.memory_space<vmem>> -> memref<80xi32, #tpu.memory_space<vmem>>
    %dma_start3A_184 = arith.constant 0 : i32
    %dma_start3A_185 = arith.constant 0 : i32
    %dma_start3A_186 = tpu.memref_slice %arg2[%dma_start3A_184, %dma_start3A_185] : memref<100000x64xf32, #tpu.memory_space<hbm>> -> memref<100000x64xf32, #tpu.memory_space<hbm>>
    tpu.enqueue_indirect_dma source(%dma_start3A_186 : memref<100000x64xf32, #tpu.memory_space<hbm>>) target(%dma_start3A_180 : memref<80x64xf32, #tpu.memory_space<vmem>>) offsets(%dma_start3A_183 : memref<80xi32, #tpu.memory_space<vmem>>) semaphore(%arg10 : memref<!tpu.dma_semaphore, #tpu.memory_space<semaphore_mem>>)
    %dma_start3A_187 = arith.constant 1 : i32
    %dma_start3A_188 = arith.constant 1 : i32
    %dma_start3A_189 = arith.constant 400 : i32
    %dma_start3A_190 = arith.constant 0 : i32
    %dma_start3A_191 = tpu.memref_slice %arg7[%dma_start3A_188, %dma_start3A_189, %dma_start3A_190] : memref<2x800x64xf32, #tpu.memory_space<vmem>> -> memref<1x80x64xf32, #tpu.memory_space<vmem>>
    %dma_start3A_192 = tpu.memref_squeeze %dma_start3A_191 : memref<1x80x64xf32, #tpu.memory_space<vmem>> -> memref<80x64xf32, #tpu.memory_space<vmem>>
    %dma_start3A_193 = arith.constant 400 : i32
    %dma_start3A_194 = tpu.memref_slice %arg8[%dma_start3A_187, %dma_start3A_193] : memref<2x800xi32, #tpu.memory_space<vmem>> -> memref<1x80xi32, #tpu.memory_space<vmem>>
    %dma_start3A_195 = tpu.memref_squeeze %dma_start3A_194 : memref<1x80xi32, #tpu.memory_space<vmem>> -> memref<80xi32, #tpu.memory_space<vmem>>
    %dma_start3A_196 = arith.constant 0 : i32
    %dma_start3A_197 = arith.constant 0 : i32
    %dma_start3A_198 = tpu.memref_slice %arg2[%dma_start3A_196, %dma_start3A_197] : memref<100000x64xf32, #tpu.memory_space<hbm>> -> memref<100000x64xf32, #tpu.memory_space<hbm>>
    tpu.enqueue_indirect_dma source(%dma_start3A_198 : memref<100000x64xf32, #tpu.memory_space<hbm>>) target(%dma_start3A_192 : memref<80x64xf32, #tpu.memory_space<vmem>>) offsets(%dma_start3A_195 : memref<80xi32, #tpu.memory_space<vmem>>) semaphore(%arg10 : memref<!tpu.dma_semaphore, #tpu.memory_space<semaphore_mem>>)
    %dma_start3A_199 = arith.constant 1 : i32
    %dma_start3A_200 = arith.constant 1 : i32
    %dma_start3A_201 = arith.constant 480 : i32
    %dma_start3A_202 = arith.constant 0 : i32
    %dma_start3A_203 = tpu.memref_slice %arg7[%dma_start3A_200, %dma_start3A_201, %dma_start3A_202] : memref<2x800x64xf32, #tpu.memory_space<vmem>> -> memref<1x80x64xf32, #tpu.memory_space<vmem>>
    %dma_start3A_204 = tpu.memref_squeeze %dma_start3A_203 : memref<1x80x64xf32, #tpu.memory_space<vmem>> -> memref<80x64xf32, #tpu.memory_space<vmem>>
    %dma_start3A_205 = arith.constant 480 : i32
    %dma_start3A_206 = tpu.memref_slice %arg8[%dma_start3A_199, %dma_start3A_205] : memref<2x800xi32, #tpu.memory_space<vmem>> -> memref<1x80xi32, #tpu.memory_space<vmem>>
    %dma_start3A_207 = tpu.memref_squeeze %dma_start3A_206 : memref<1x80xi32, #tpu.memory_space<vmem>> -> memref<80xi32, #tpu.memory_space<vmem>>
    %dma_start3A_208 = arith.constant 0 : i32
    %dma_start3A_209 = arith.constant 0 : i32
    %dma_start3A_210 = tpu.memref_slice %arg2[%dma_start3A_208, %dma_start3A_209] : memref<100000x64xf32, #tpu.memory_space<hbm>> -> memref<100000x64xf32, #tpu.memory_space<hbm>>
    tpu.enqueue_indirect_dma source(%dma_start3A_210 : memref<100000x64xf32, #tpu.memory_space<hbm>>) target(%dma_start3A_204 : memref<80x64xf32, #tpu.memory_space<vmem>>) offsets(%dma_start3A_207 : memref<80xi32, #tpu.memory_space<vmem>>) semaphore(%arg10 : memref<!tpu.dma_semaphore, #tpu.memory_space<semaphore_mem>>)
    %dma_start3A_211 = arith.constant 1 : i32
    %dma_start3A_212 = arith.constant 1 : i32
    %dma_start3A_213 = arith.constant 560 : i32
    %dma_start3A_214 = arith.constant 0 : i32
    %dma_start3A_215 = tpu.memref_slice %arg7[%dma_start3A_212, %dma_start3A_213, %dma_start3A_214] : memref<2x800x64xf32, #tpu.memory_space<vmem>> -> memref<1x80x64xf32, #tpu.memory_space<vmem>>
    %dma_start3A_216 = tpu.memref_squeeze %dma_start3A_215 : memref<1x80x64xf32, #tpu.memory_space<vmem>> -> memref<80x64xf32, #tpu.memory_space<vmem>>
    %dma_start3A_217 = arith.constant 560 : i32
    %dma_start3A_218 = tpu.memref_slice %arg8[%dma_start3A_211, %dma_start3A_217] : memref<2x800xi32, #tpu.memory_space<vmem>> -> memref<1x80xi32, #tpu.memory_space<vmem>>
    %dma_start3A_219 = tpu.memref_squeeze %dma_start3A_218 : memref<1x80xi32, #tpu.memory_space<vmem>> -> memref<80xi32, #tpu.memory_space<vmem>>
    %dma_start3A_220 = arith.constant 0 : i32
    %dma_start3A_221 = arith.constant 0 : i32
    %dma_start3A_222 = tpu.memref_slice %arg2[%dma_start3A_220, %dma_start3A_221] : memref<100000x64xf32, #tpu.memory_space<hbm>> -> memref<100000x64xf32, #tpu.memory_space<hbm>>
    tpu.enqueue_indirect_dma source(%dma_start3A_222 : memref<100000x64xf32, #tpu.memory_space<hbm>>) target(%dma_start3A_216 : memref<80x64xf32, #tpu.memory_space<vmem>>) offsets(%dma_start3A_219 : memref<80xi32, #tpu.memory_space<vmem>>) semaphore(%arg10 : memref<!tpu.dma_semaphore, #tpu.memory_space<semaphore_mem>>)
    %dma_start3A_223 = arith.constant 1 : i32
    %dma_start3A_224 = arith.constant 1 : i32
    %dma_start3A_225 = arith.constant 640 : i32
    %dma_start3A_226 = arith.constant 0 : i32
    %dma_start3A_227 = tpu.memref_slice %arg7[%dma_start3A_224, %dma_start3A_225, %dma_start3A_226] : memref<2x800x64xf32, #tpu.memory_space<vmem>> -> memref<1x80x64xf32, #tpu.memory_space<vmem>>
    %dma_start3A_228 = tpu.memref_squeeze %dma_start3A_227 : memref<1x80x64xf32, #tpu.memory_space<vmem>> -> memref<80x64xf32, #tpu.memory_space<vmem>>
    %dma_start3A_229 = arith.constant 640 : i32
    %dma_start3A_230 = tpu.memref_slice %arg8[%dma_start3A_223, %dma_start3A_229] : memref<2x800xi32, #tpu.memory_space<vmem>> -> memref<1x80xi32, #tpu.memory_space<vmem>>
    %dma_start3A_231 = tpu.memref_squeeze %dma_start3A_230 : memref<1x80xi32, #tpu.memory_space<vmem>> -> memref<80xi32, #tpu.memory_space<vmem>>
    %dma_start3A_232 = arith.constant 0 : i32
    %dma_start3A_233 = arith.constant 0 : i32
    %dma_start3A_234 = tpu.memref_slice %arg2[%dma_start3A_232, %dma_start3A_233] : memref<100000x64xf32, #tpu.memory_space<hbm>> -> memref<100000x64xf32, #tpu.memory_space<hbm>>
    tpu.enqueue_indirect_dma source(%dma_start3A_234 : memref<100000x64xf32, #tpu.memory_space<hbm>>) target(%dma_start3A_228 : memref<80x64xf32, #tpu.memory_space<vmem>>) offsets(%dma_start3A_231 : memref<80xi32, #tpu.memory_space<vmem>>) semaphore(%arg10 : memref<!tpu.dma_semaphore, #tpu.memory_space<semaphore_mem>>)
    %dma_start3A_235 = arith.constant 1 : i32
    %dma_start3A_236 = arith.constant 1 : i32
    %dma_start3A_237 = arith.constant 720 : i32
    %dma_start3A_238 = arith.constant 0 : i32
    %dma_start3A_239 = tpu.memref_slice %arg7[%dma_start3A_236, %dma_start3A_237, %dma_start3A_238] : memref<2x800x64xf32, #tpu.memory_space<vmem>> -> memref<1x80x64xf32, #tpu.memory_space<vmem>>
    %dma_start3A_240 = tpu.memref_squeeze %dma_start3A_239 : memref<1x80x64xf32, #tpu.memory_space<vmem>> -> memref<80x64xf32, #tpu.memory_space<vmem>>
    %dma_start3A_241 = arith.constant 720 : i32
    %dma_start3A_242 = tpu.memref_slice %arg8[%dma_start3A_235, %dma_start3A_241] : memref<2x800xi32, #tpu.memory_space<vmem>> -> memref<1x80xi32, #tpu.memory_space<vmem>>
    %dma_start3A_243 = tpu.memref_squeeze %dma_start3A_242 : memref<1x80xi32, #tpu.memory_space<vmem>> -> memref<80xi32, #tpu.memory_space<vmem>>
    %dma_start3A_244 = arith.constant 0 : i32
    %dma_start3A_245 = arith.constant 0 : i32
    %dma_start3A_246 = tpu.memref_slice %arg2[%dma_start3A_244, %dma_start3A_245] : memref<100000x64xf32, #tpu.memory_space<hbm>> -> memref<100000x64xf32, #tpu.memory_space<hbm>>
    tpu.enqueue_indirect_dma source(%dma_start3A_246 : memref<100000x64xf32, #tpu.memory_space<hbm>>) target(%dma_start3A_240 : memref<80x64xf32, #tpu.memory_space<vmem>>) offsets(%dma_start3A_243 : memref<80xi32, #tpu.memory_space<vmem>>) semaphore(%arg10 : memref<!tpu.dma_semaphore, #tpu.memory_space<semaphore_mem>>)
    %dma_wait3A = arith.constant 0 : i32
    %dma_wait3A_247 = arith.constant 0 : i32
    %dma_wait3A_248 = arith.constant 0 : i32
    %dma_wait3A_249 = arith.constant 0 : i32
    %dma_wait3A_250 = tpu.memref_slice %arg7[%dma_wait3A_247, %dma_wait3A_248, %dma_wait3A_249] : memref<2x800x64xf32, #tpu.memory_space<vmem>> -> memref<1x80x64xf32, #tpu.memory_space<vmem>>
    %dma_wait3A_251 = tpu.memref_squeeze %dma_wait3A_250 : memref<1x80x64xf32, #tpu.memory_space<vmem>> -> memref<80x64xf32, #tpu.memory_space<vmem>>
    %dma_wait3A_252 = arith.constant 0 : i32
    %dma_wait3A_253 = tpu.memref_slice %arg8[%dma_wait3A, %dma_wait3A_252] : memref<2x800xi32, #tpu.memory_space<vmem>> -> memref<1x80xi32, #tpu.memory_space<vmem>>
    %dma_wait3A_254 = tpu.memref_squeeze %dma_wait3A_253 : memref<1x80xi32, #tpu.memory_space<vmem>> -> memref<80xi32, #tpu.memory_space<vmem>>
    %dma_wait3A_255 = arith.constant 0 : i32
    %dma_wait3A_256 = arith.constant 0 : i32
    %dma_wait3A_257 = tpu.memref_slice %arg2[%dma_wait3A_255, %dma_wait3A_256] : memref<100000x64xf32, #tpu.memory_space<hbm>> -> memref<100000x64xf32, #tpu.memory_space<hbm>>
    tpu.wait_indirect_dma semaphore(%arg9 : memref<!tpu.dma_semaphore, #tpu.memory_space<semaphore_mem>>) src(%dma_wait3A_257 : memref<100000x64xf32, #tpu.memory_space<hbm>>) dst(%dma_wait3A_251 : memref<80x64xf32, #tpu.memory_space<vmem>>)
    %dma_wait3A_258 = arith.constant 0 : i32
    %dma_wait3A_259 = arith.constant 0 : i32
    %dma_wait3A_260 = arith.constant 80 : i32
    %dma_wait3A_261 = arith.constant 0 : i32
    %dma_wait3A_262 = tpu.memref_slice %arg7[%dma_wait3A_259, %dma_wait3A_260, %dma_wait3A_261] : memref<2x800x64xf32, #tpu.memory_space<vmem>> -> memref<1x80x64xf32, #tpu.memory_space<vmem>>
    %dma_wait3A_263 = tpu.memref_squeeze %dma_wait3A_262 : memref<1x80x64xf32, #tpu.memory_space<vmem>> -> memref<80x64xf32, #tpu.memory_space<vmem>>
    %dma_wait3A_264 = arith.constant 80 : i32
    %dma_wait3A_265 = tpu.memref_slice %arg8[%dma_wait3A_258, %dma_wait3A_264] : memref<2x800xi32, #tpu.memory_space<vmem>> -> memref<1x80xi32, #tpu.memory_space<vmem>>
    %dma_wait3A_266 = tpu.memref_squeeze %dma_wait3A_265 : memref<1x80xi32, #tpu.memory_space<vmem>> -> memref<80xi32, #tpu.memory_space<vmem>>
    %dma_wait3A_267 = arith.constant 0 : i32
    %dma_wait3A_268 = arith.constant 0 : i32
    %dma_wait3A_269 = tpu.memref_slice %arg2[%dma_wait3A_267, %dma_wait3A_268] : memref<100000x64xf32, #tpu.memory_space<hbm>> -> memref<100000x64xf32, #tpu.memory_space<hbm>>
    tpu.wait_indirect_dma semaphore(%arg9 : memref<!tpu.dma_semaphore, #tpu.memory_space<semaphore_mem>>) src(%dma_wait3A_269 : memref<100000x64xf32, #tpu.memory_space<hbm>>) dst(%dma_wait3A_263 : memref<80x64xf32, #tpu.memory_space<vmem>>)
    %dma_wait3A_270 = arith.constant 0 : i32
    %dma_wait3A_271 = arith.constant 0 : i32
    %dma_wait3A_272 = arith.constant 160 : i32
    %dma_wait3A_273 = arith.constant 0 : i32
    %dma_wait3A_274 = tpu.memref_slice %arg7[%dma_wait3A_271, %dma_wait3A_272, %dma_wait3A_273] : memref<2x800x64xf32, #tpu.memory_space<vmem>> -> memref<1x80x64xf32, #tpu.memory_space<vmem>>
    %dma_wait3A_275 = tpu.memref_squeeze %dma_wait3A_274 : memref<1x80x64xf32, #tpu.memory_space<vmem>> -> memref<80x64xf32, #tpu.memory_space<vmem>>
    %dma_wait3A_276 = arith.constant 160 : i32
    %dma_wait3A_277 = tpu.memref_slice %arg8[%dma_wait3A_270, %dma_wait3A_276] : memref<2x800xi32, #tpu.memory_space<vmem>> -> memref<1x80xi32, #tpu.memory_space<vmem>>
    %dma_wait3A_278 = tpu.memref_squeeze %dma_wait3A_277 : memref<1x80xi32, #tpu.memory_space<vmem>> -> memref<80xi32, #tpu.memory_space<vmem>>
    %dma_wait3A_279 = arith.constant 0 : i32
    %dma_wait3A_280 = arith.constant 0 : i32
    %dma_wait3A_281 = tpu.memref_slice %arg2[%dma_wait3A_279, %dma_wait3A_280] : memref<100000x64xf32, #tpu.memory_space<hbm>> -> memref<100000x64xf32, #tpu.memory_space<hbm>>
    tpu.wait_indirect_dma semaphore(%arg9 : memref<!tpu.dma_semaphore, #tpu.memory_space<semaphore_mem>>) src(%dma_wait3A_281 : memref<100000x64xf32, #tpu.memory_space<hbm>>) dst(%dma_wait3A_275 : memref<80x64xf32, #tpu.memory_space<vmem>>)
    %dma_wait3A_282 = arith.constant 0 : i32
    %dma_wait3A_283 = arith.constant 0 : i32
    %dma_wait3A_284 = arith.constant 240 : i32
    %dma_wait3A_285 = arith.constant 0 : i32
    %dma_wait3A_286 = tpu.memref_slice %arg7[%dma_wait3A_283, %dma_wait3A_284, %dma_wait3A_285] : memref<2x800x64xf32, #tpu.memory_space<vmem>> -> memref<1x80x64xf32, #tpu.memory_space<vmem>>
    %dma_wait3A_287 = tpu.memref_squeeze %dma_wait3A_286 : memref<1x80x64xf32, #tpu.memory_space<vmem>> -> memref<80x64xf32, #tpu.memory_space<vmem>>
    %dma_wait3A_288 = arith.constant 240 : i32
    %dma_wait3A_289 = tpu.memref_slice %arg8[%dma_wait3A_282, %dma_wait3A_288] : memref<2x800xi32, #tpu.memory_space<vmem>> -> memref<1x80xi32, #tpu.memory_space<vmem>>
    %dma_wait3A_290 = tpu.memref_squeeze %dma_wait3A_289 : memref<1x80xi32, #tpu.memory_space<vmem>> -> memref<80xi32, #tpu.memory_space<vmem>>
    %dma_wait3A_291 = arith.constant 0 : i32
    %dma_wait3A_292 = arith.constant 0 : i32
    %dma_wait3A_293 = tpu.memref_slice %arg2[%dma_wait3A_291, %dma_wait3A_292] : memref<100000x64xf32, #tpu.memory_space<hbm>> -> memref<100000x64xf32, #tpu.memory_space<hbm>>
    tpu.wait_indirect_dma semaphore(%arg9 : memref<!tpu.dma_semaphore, #tpu.memory_space<semaphore_mem>>) src(%dma_wait3A_293 : memref<100000x64xf32, #tpu.memory_space<hbm>>) dst(%dma_wait3A_287 : memref<80x64xf32, #tpu.memory_space<vmem>>)
    %dma_wait3A_294 = arith.constant 0 : i32
    %dma_wait3A_295 = arith.constant 0 : i32
    %dma_wait3A_296 = arith.constant 320 : i32
    %dma_wait3A_297 = arith.constant 0 : i32
    %dma_wait3A_298 = tpu.memref_slice %arg7[%dma_wait3A_295, %dma_wait3A_296, %dma_wait3A_297] : memref<2x800x64xf32, #tpu.memory_space<vmem>> -> memref<1x80x64xf32, #tpu.memory_space<vmem>>
    %dma_wait3A_299 = tpu.memref_squeeze %dma_wait3A_298 : memref<1x80x64xf32, #tpu.memory_space<vmem>> -> memref<80x64xf32, #tpu.memory_space<vmem>>
    %dma_wait3A_300 = arith.constant 320 : i32
    %dma_wait3A_301 = tpu.memref_slice %arg8[%dma_wait3A_294, %dma_wait3A_300] : memref<2x800xi32, #tpu.memory_space<vmem>> -> memref<1x80xi32, #tpu.memory_space<vmem>>
    %dma_wait3A_302 = tpu.memref_squeeze %dma_wait3A_301 : memref<1x80xi32, #tpu.memory_space<vmem>> -> memref<80xi32, #tpu.memory_space<vmem>>
    %dma_wait3A_303 = arith.constant 0 : i32
    %dma_wait3A_304 = arith.constant 0 : i32
    %dma_wait3A_305 = tpu.memref_slice %arg2[%dma_wait3A_303, %dma_wait3A_304] : memref<100000x64xf32, #tpu.memory_space<hbm>> -> memref<100000x64xf32, #tpu.memory_space<hbm>>
    tpu.wait_indirect_dma semaphore(%arg9 : memref<!tpu.dma_semaphore, #tpu.memory_space<semaphore_mem>>) src(%dma_wait3A_305 : memref<100000x64xf32, #tpu.memory_space<hbm>>) dst(%dma_wait3A_299 : memref<80x64xf32, #tpu.memory_space<vmem>>)
    %dma_wait3A_306 = arith.constant 0 : i32
    %dma_wait3A_307 = arith.constant 0 : i32
    %dma_wait3A_308 = arith.constant 400 : i32
    %dma_wait3A_309 = arith.constant 0 : i32
    %dma_wait3A_310 = tpu.memref_slice %arg7[%dma_wait3A_307, %dma_wait3A_308, %dma_wait3A_309] : memref<2x800x64xf32, #tpu.memory_space<vmem>> -> memref<1x80x64xf32, #tpu.memory_space<vmem>>
    %dma_wait3A_311 = tpu.memref_squeeze %dma_wait3A_310 : memref<1x80x64xf32, #tpu.memory_space<vmem>> -> memref<80x64xf32, #tpu.memory_space<vmem>>
    %dma_wait3A_312 = arith.constant 400 : i32
    %dma_wait3A_313 = tpu.memref_slice %arg8[%dma_wait3A_306, %dma_wait3A_312] : memref<2x800xi32, #tpu.memory_space<vmem>> -> memref<1x80xi32, #tpu.memory_space<vmem>>
    %dma_wait3A_314 = tpu.memref_squeeze %dma_wait3A_313 : memref<1x80xi32, #tpu.memory_space<vmem>> -> memref<80xi32, #tpu.memory_space<vmem>>
    %dma_wait3A_315 = arith.constant 0 : i32
    %dma_wait3A_316 = arith.constant 0 : i32
    %dma_wait3A_317 = tpu.memref_slice %arg2[%dma_wait3A_315, %dma_wait3A_316] : memref<100000x64xf32, #tpu.memory_space<hbm>> -> memref<100000x64xf32, #tpu.memory_space<hbm>>
    tpu.wait_indirect_dma semaphore(%arg9 : memref<!tpu.dma_semaphore, #tpu.memory_space<semaphore_mem>>) src(%dma_wait3A_317 : memref<100000x64xf32, #tpu.memory_space<hbm>>) dst(%dma_wait3A_311 : memref<80x64xf32, #tpu.memory_space<vmem>>)
    %dma_wait3A_318 = arith.constant 0 : i32
    %dma_wait3A_319 = arith.constant 0 : i32
    %dma_wait3A_320 = arith.constant 480 : i32
    %dma_wait3A_321 = arith.constant 0 : i32
    %dma_wait3A_322 = tpu.memref_slice %arg7[%dma_wait3A_319, %dma_wait3A_320, %dma_wait3A_321] : memref<2x800x64xf32, #tpu.memory_space<vmem>> -> memref<1x80x64xf32, #tpu.memory_space<vmem>>
    %dma_wait3A_323 = tpu.memref_squeeze %dma_wait3A_322 : memref<1x80x64xf32, #tpu.memory_space<vmem>> -> memref<80x64xf32, #tpu.memory_space<vmem>>
    %dma_wait3A_324 = arith.constant 480 : i32
    %dma_wait3A_325 = tpu.memref_slice %arg8[%dma_wait3A_318, %dma_wait3A_324] : memref<2x800xi32, #tpu.memory_space<vmem>> -> memref<1x80xi32, #tpu.memory_space<vmem>>
    %dma_wait3A_326 = tpu.memref_squeeze %dma_wait3A_325 : memref<1x80xi32, #tpu.memory_space<vmem>> -> memref<80xi32, #tpu.memory_space<vmem>>
    %dma_wait3A_327 = arith.constant 0 : i32
    %dma_wait3A_328 = arith.constant 0 : i32
    %dma_wait3A_329 = tpu.memref_slice %arg2[%dma_wait3A_327, %dma_wait3A_328] : memref<100000x64xf32, #tpu.memory_space<hbm>> -> memref<100000x64xf32, #tpu.memory_space<hbm>>
    tpu.wait_indirect_dma semaphore(%arg9 : memref<!tpu.dma_semaphore, #tpu.memory_space<semaphore_mem>>) src(%dma_wait3A_329 : memref<100000x64xf32, #tpu.memory_space<hbm>>) dst(%dma_wait3A_323 : memref<80x64xf32, #tpu.memory_space<vmem>>)
    %dma_wait3A_330 = arith.constant 0 : i32
    %dma_wait3A_331 = arith.constant 0 : i32
    %dma_wait3A_332 = arith.constant 560 : i32
    %dma_wait3A_333 = arith.constant 0 : i32
    %dma_wait3A_334 = tpu.memref_slice %arg7[%dma_wait3A_331, %dma_wait3A_332, %dma_wait3A_333] : memref<2x800x64xf32, #tpu.memory_space<vmem>> -> memref<1x80x64xf32, #tpu.memory_space<vmem>>
    %dma_wait3A_335 = tpu.memref_squeeze %dma_wait3A_334 : memref<1x80x64xf32, #tpu.memory_space<vmem>> -> memref<80x64xf32, #tpu.memory_space<vmem>>
    %dma_wait3A_336 = arith.constant 560 : i32
    %dma_wait3A_337 = tpu.memref_slice %arg8[%dma_wait3A_330, %dma_wait3A_336] : memref<2x800xi32, #tpu.memory_space<vmem>> -> memref<1x80xi32, #tpu.memory_space<vmem>>
    %dma_wait3A_338 = tpu.memref_squeeze %dma_wait3A_337 : memref<1x80xi32, #tpu.memory_space<vmem>> -> memref<80xi32, #tpu.memory_space<vmem>>
    %dma_wait3A_339 = arith.constant 0 : i32
    %dma_wait3A_340 = arith.constant 0 : i32
    %dma_wait3A_341 = tpu.memref_slice %arg2[%dma_wait3A_339, %dma_wait3A_340] : memref<100000x64xf32, #tpu.memory_space<hbm>> -> memref<100000x64xf32, #tpu.memory_space<hbm>>
    tpu.wait_indirect_dma semaphore(%arg9 : memref<!tpu.dma_semaphore, #tpu.memory_space<semaphore_mem>>) src(%dma_wait3A_341 : memref<100000x64xf32, #tpu.memory_space<hbm>>) dst(%dma_wait3A_335 : memref<80x64xf32, #tpu.memory_space<vmem>>)
    %dma_wait3A_342 = arith.constant 0 : i32
    %dma_wait3A_343 = arith.constant 0 : i32
    %dma_wait3A_344 = arith.constant 640 : i32
    %dma_wait3A_345 = arith.constant 0 : i32
    %dma_wait3A_346 = tpu.memref_slice %arg7[%dma_wait3A_343, %dma_wait3A_344, %dma_wait3A_345] : memref<2x800x64xf32, #tpu.memory_space<vmem>> -> memref<1x80x64xf32, #tpu.memory_space<vmem>>
    %dma_wait3A_347 = tpu.memref_squeeze %dma_wait3A_346 : memref<1x80x64xf32, #tpu.memory_space<vmem>> -> memref<80x64xf32, #tpu.memory_space<vmem>>
    %dma_wait3A_348 = arith.constant 640 : i32
    %dma_wait3A_349 = tpu.memref_slice %arg8[%dma_wait3A_342, %dma_wait3A_348] : memref<2x800xi32, #tpu.memory_space<vmem>> -> memref<1x80xi32, #tpu.memory_space<vmem>>
    %dma_wait3A_350 = tpu.memref_squeeze %dma_wait3A_349 : memref<1x80xi32, #tpu.memory_space<vmem>> -> memref<80xi32, #tpu.memory_space<vmem>>
    %dma_wait3A_351 = arith.constant 0 : i32
    %dma_wait3A_352 = arith.constant 0 : i32
    %dma_wait3A_353 = tpu.memref_slice %arg2[%dma_wait3A_351, %dma_wait3A_352] : memref<100000x64xf32, #tpu.memory_space<hbm>> -> memref<100000x64xf32, #tpu.memory_space<hbm>>
    tpu.wait_indirect_dma semaphore(%arg9 : memref<!tpu.dma_semaphore, #tpu.memory_space<semaphore_mem>>) src(%dma_wait3A_353 : memref<100000x64xf32, #tpu.memory_space<hbm>>) dst(%dma_wait3A_347 : memref<80x64xf32, #tpu.memory_space<vmem>>)
    %dma_wait3A_354 = arith.constant 0 : i32
    %dma_wait3A_355 = arith.constant 0 : i32
    %dma_wait3A_356 = arith.constant 720 : i32
    %dma_wait3A_357 = arith.constant 0 : i32
    %dma_wait3A_358 = tpu.memref_slice %arg7[%dma_wait3A_355, %dma_wait3A_356, %dma_wait3A_357] : memref<2x800x64xf32, #tpu.memory_space<vmem>> -> memref<1x80x64xf32, #tpu.memory_space<vmem>>
    %dma_wait3A_359 = tpu.memref_squeeze %dma_wait3A_358 : memref<1x80x64xf32, #tpu.memory_space<vmem>> -> memref<80x64xf32, #tpu.memory_space<vmem>>
    %dma_wait3A_360 = arith.constant 720 : i32
    %dma_wait3A_361 = tpu.memref_slice %arg8[%dma_wait3A_354, %dma_wait3A_360] : memref<2x800xi32, #tpu.memory_space<vmem>> -> memref<1x80xi32, #tpu.memory_space<vmem>>
    %dma_wait3A_362 = tpu.memref_squeeze %dma_wait3A_361 : memref<1x80xi32, #tpu.memory_space<vmem>> -> memref<80xi32, #tpu.memory_space<vmem>>
    %dma_wait3A_363 = arith.constant 0 : i32
    %dma_wait3A_364 = arith.constant 0 : i32
    %dma_wait3A_365 = tpu.memref_slice %arg2[%dma_wait3A_363, %dma_wait3A_364] : memref<100000x64xf32, #tpu.memory_space<hbm>> -> memref<100000x64xf32, #tpu.memory_space<hbm>>
    tpu.wait_indirect_dma semaphore(%arg9 : memref<!tpu.dma_semaphore, #tpu.memory_space<semaphore_mem>>) src(%dma_wait3A_365 : memref<100000x64xf32, #tpu.memory_space<hbm>>) dst(%dma_wait3A_359 : memref<80x64xf32, #tpu.memory_space<vmem>>)
    %scan3A = arith.constant 0 : i32
    %scan3A_366 = arith.constant 200 : i32
    %scan3A_367 = arith.addi %scan3A, %scan3A_366 : i32
    %scan3A_368 = arith.constant 1 : i32
    scf.for %scan3A_2207 = %scan3A to %scan3A_367 step %scan3A_368  : i32 {
      %mul3A_2208 = arith.constant 1 : i32
      %mul3A_2209 = arith.muli %scan3A_2207, %mul3A_2208 : i32
      %add3A_2210 = arith.constant 0 : i32
      %add3A_2211 = arith.addi %add3A_2210, %mul3A_2209 : i32
      %add3A_2212 = arith.constant 1 : i32
      %add3A_2213 = arith.addi %add3A_2211, %add3A_2212 : i32
      %get3A = arith.index_cast %add3A_2213 : i32 to index
      %get3A_2214 = arith.constant 0 : index
      %get3A_2215 = tpu.vector_load %arg6[%get3A, %get3A_2214] {strides = array<i32>} : memref<256x64xf32, #tpu.memory_space<vmem>>, vector<16xf32>,
      %add3A_2216 = arith.constant 1 : i32
      %add3A_2217 = arith.addi %add3A_2211, %add3A_2216 : i32
      %get3A_2218 = arith.index_cast %add3A_2217 : i32 to index
      %get3A_2219 = arith.constant 16 : index
      %get3A_2220 = tpu.vector_load %arg6[%get3A_2218, %get3A_2219] {strides = array<i32>} : memref<256x64xf32, #tpu.memory_space<vmem>>, vector<16xf32>,
      %add3A_2221 = arith.constant 1 : i32
      %add3A_2222 = arith.addi %add3A_2211, %add3A_2221 : i32
      %get3A_2223 = arith.index_cast %add3A_2222 : i32 to index
      %get3A_2224 = arith.constant 32 : index
      %get3A_2225 = tpu.vector_load %arg6[%get3A_2223, %get3A_2224] {strides = array<i32>} : memref<256x64xf32, #tpu.memory_space<vmem>>, vector<16xf32>,
      %add3A_2226 = arith.constant 1 : i32
      %add3A_2227 = arith.addi %add3A_2211, %add3A_2226 : i32
      %get3A_2228 = arith.index_cast %add3A_2227 : i32 to index
      %get3A_2229 = arith.constant 48 : index
      %get3A_2230 = tpu.vector_load %arg6[%get3A_2228, %get3A_2229] {strides = array<i32>} : memref<256x64xf32, #tpu.memory_space<vmem>>, vector<16xf32>,
      %add3A_2231 = arith.constant 0 : i32
      %add3A_2232 = arith.addi %add3A_2231, %add3A_2211 : i32
      %swap3A = arith.constant 0 : i32
      %swap3A_2233 = arith.index_cast %swap3A : i32 to index
      %swap3A_2234 = arith.index_cast %add3A_2232 : i32 to index
      %swap3A_2235 = arith.constant 0 : index
      %swap3A_2236 = tpu.vector_load %arg7[%swap3A_2233, %swap3A_2234, %swap3A_2235] {strides = array<i32>} : memref<2x800x64xf32, #tpu.memory_space<vmem>>, vector<16xf32>,
      tpu.vector_store %arg7[%swap3A_2233, %swap3A_2234, %swap3A_2235], %get3A_2215 {add = true, strides = array<i32>} : memref<2x800x64xf32, #tpu.memory_space<vmem>>, vector<16xf32>,
      %add3A_2237 = arith.constant 0 : i32
      %add3A_2238 = arith.addi %add3A_2237, %add3A_2211 : i32
      %swap3A_2239 = arith.constant 0 : i32
      %swap3A_2240 = arith.index_cast %swap3A_2239 : i32 to index
      %swap3A_2241 = arith.index_cast %add3A_2238 : i32 to index
      %swap3A_2242 = arith.constant 16 : index
      %swap3A_2243 = tpu.vector_load %arg7[%swap3A_2240, %swap3A_2241, %swap3A_2242] {strides = array<i32>} : memref<2x800x64xf32, #tpu.memory_space<vmem>>, vector<16xf32>,
      tpu.vector_store %arg7[%swap3A_2240, %swap3A_2241, %swap3A_2242], %get3A_2220 {add = true, strides = array<i32>} : memref<2x800x64xf32, #tpu.memory_space<vmem>>, vector<16xf32>,
      %add3A_2244 = arith.constant 0 : i32
      %add3A_2245 = arith.addi %add3A_2244, %add3A_2211 : i32
      %swap3A_2246 = arith.constant 0 : i32
      %swap3A_2247 = arith.index_cast %swap3A_2246 : i32 to index
      %swap3A_2248 = arith.index_cast %add3A_2245 : i32 to index
      %swap3A_2249 = arith.constant 32 : index
      %swap3A_2250 = tpu.vector_load %arg7[%swap3A_2247, %swap3A_2248, %swap3A_2249] {strides = array<i32>} : memref<2x800x64xf32, #tpu.memory_space<vmem>>, vector<16xf32>,
      tpu.vector_store %arg7[%swap3A_2247, %swap3A_2248, %swap3A_2249], %get3A_2225 {add = true, strides = array<i32>} : memref<2x800x64xf32, #tpu.memory_space<vmem>>, vector<16xf32>,
      %add3A_2251 = arith.constant 0 : i32
      %add3A_2252 = arith.addi %add3A_2251, %add3A_2211 : i32
      %swap3A_2253 = arith.constant 0 : i32
      %swap3A_2254 = arith.index_cast %swap3A_2253 : i32 to index
      %swap3A_2255 = arith.index_cast %add3A_2252 : i32 to index
      %swap3A_2256 = arith.constant 48 : index
      %swap3A_2257 = tpu.vector_load %arg7[%swap3A_2254, %swap3A_2255, %swap3A_2256] {strides = array<i32>} : memref<2x800x64xf32, #tpu.memory_space<vmem>>, vector<16xf32>,
      tpu.vector_store %arg7[%swap3A_2254, %swap3A_2255, %swap3A_2256], %get3A_2230 {add = true, strides = array<i32>} : memref<2x800x64xf32, #tpu.memory_space<vmem>>, vector<16xf32>,
      %add3A_2258 = arith.constant 200 : i32
      %add3A_2259 = arith.addi %add3A_2258, %add3A_2211 : i32
      %swap3A_2260 = arith.constant 0 : i32
      %swap3A_2261 = arith.index_cast %swap3A_2260 : i32 to index
      %swap3A_2262 = arith.index_cast %add3A_2259 : i32 to index
      %swap3A_2263 = arith.constant 0 : index
      %swap3A_2264 = tpu.vector_load %arg7[%swap3A_2261, %swap3A_2262, %swap3A_2263] {strides = array<i32>} : memref<2x800x64xf32, #tpu.memory_space<vmem>>, vector<16xf32>,
      tpu.vector_store %arg7[%swap3A_2261, %swap3A_2262, %swap3A_2263], %get3A_2215 {add = true, strides = array<i32>} : memref<2x800x64xf32, #tpu.memory_space<vmem>>, vector<16xf32>,
      %add3A_2265 = arith.constant 200 : i32
      %add3A_2266 = arith.addi %add3A_2265, %add3A_2211 : i32
      %swap3A_2267 = arith.constant 0 : i32
      %swap3A_2268 = arith.index_cast %swap3A_2267 : i32 to index
      %swap3A_2269 = arith.index_cast %add3A_2266 : i32 to index
      %swap3A_2270 = arith.constant 16 : index
      %swap3A_2271 = tpu.vector_load %arg7[%swap3A_2268, %swap3A_2269, %swap3A_2270] {strides = array<i32>} : memref<2x800x64xf32, #tpu.memory_space<vmem>>, vector<16xf32>,
      tpu.vector_store %arg7[%swap3A_2268, %swap3A_2269, %swap3A_2270], %get3A_2220 {add = true, strides = array<i32>} : memref<2x800x64xf32, #tpu.memory_space<vmem>>, vector<16xf32>,
      %add3A_2272 = arith.constant 200 : i32
      %add3A_2273 = arith.addi %add3A_2272, %add3A_2211 : i32
      %swap3A_2274 = arith.constant 0 : i32
      %swap3A_2275 = arith.index_cast %swap3A_2274 : i32 to index
      %swap3A_2276 = arith.index_cast %add3A_2273 : i32 to index
      %swap3A_2277 = arith.constant 32 : index
      %swap3A_2278 = tpu.vector_load %arg7[%swap3A_2275, %swap3A_2276, %swap3A_2277] {strides = array<i32>} : memref<2x800x64xf32, #tpu.memory_space<vmem>>, vector<16xf32>,
      tpu.vector_store %arg7[%swap3A_2275, %swap3A_2276, %swap3A_2277], %get3A_2225 {add = true, strides = array<i32>} : memref<2x800x64xf32, #tpu.memory_space<vmem>>, vector<16xf32>,
      %add3A_2279 = arith.constant 200 : i32
      %add3A_2280 = arith.addi %add3A_2279, %add3A_2211 : i32
      %swap3A_2281 = arith.constant 0 : i32
      %swap3A_2282 = arith.index_cast %swap3A_2281 : i32 to index
      %swap3A_2283 = arith.index_cast %add3A_2280 : i32 to index
      %swap3A_2284 = arith.constant 48 : index
      %swap3A_2285 = tpu.vector_load %arg7[%swap3A_2282, %swap3A_2283, %swap3A_2284] {strides = array<i32>} : memref<2x800x64xf32, #tpu.memory_space<vmem>>, vector<16xf32>,
      tpu.vector_store %arg7[%swap3A_2282, %swap3A_2283, %swap3A_2284], %get3A_2230 {add = true, strides = array<i32>} : memref<2x800x64xf32, #tpu.memory_space<vmem>>, vector<16xf32>,
      %add3A_2286 = arith.constant 400 : i32
      %add3A_2287 = arith.addi %add3A_2286, %add3A_2211 : i32
      %swap3A_2288 = arith.constant 0 : i32
      %swap3A_2289 = arith.index_cast %swap3A_2288 : i32 to index
      %swap3A_2290 = arith.index_cast %add3A_2287 : i32 to index
      %swap3A_2291 = arith.constant 0 : index
      %swap3A_2292 = tpu.vector_load %arg7[%swap3A_2289, %swap3A_2290, %swap3A_2291] {strides = array<i32>} : memref<2x800x64xf32, #tpu.memory_space<vmem>>, vector<16xf32>,
      tpu.vector_store %arg7[%swap3A_2289, %swap3A_2290, %swap3A_2291], %get3A_2215 {add = true, strides = array<i32>} : memref<2x800x64xf32, #tpu.memory_space<vmem>>, vector<16xf32>,
      %add3A_2293 = arith.constant 400 : i32
      %add3A_2294 = arith.addi %add3A_2293, %add3A_2211 : i32
      %swap3A_2295 = arith.constant 0 : i32
      %swap3A_2296 = arith.index_cast %swap3A_2295 : i32 to index
      %swap3A_2297 = arith.index_cast %add3A_2294 : i32 to index
      %swap3A_2298 = arith.constant 16 : index
      %swap3A_2299 = tpu.vector_load %arg7[%swap3A_2296, %swap3A_2297, %swap3A_2298] {strides = array<i32>} : memref<2x800x64xf32, #tpu.memory_space<vmem>>, vector<16xf32>,
      tpu.vector_store %arg7[%swap3A_2296, %swap3A_2297, %swap3A_2298], %get3A_2220 {add = true, strides = array<i32>} : memref<2x800x64xf32, #tpu.memory_space<vmem>>, vector<16xf32>,
      %add3A_2300 = arith.constant 400 : i32
      %add3A_2301 = arith.addi %add3A_2300, %add3A_2211 : i32
      %swap3A_2302 = arith.constant 0 : i32
      %swap3A_2303 = arith.index_cast %swap3A_2302 : i32 to index
      %swap3A_2304 = arith.index_cast %add3A_2301 : i32 to index
      %swap3A_2305 = arith.constant 32 : index
      %swap3A_2306 = tpu.vector_load %arg7[%swap3A_2303, %swap3A_2304, %swap3A_2305] {strides = array<i32>} : memref<2x800x64xf32, #tpu.memory_space<vmem>>, vector<16xf32>,
      tpu.vector_store %arg7[%swap3A_2303, %swap3A_2304, %swap3A_2305], %get3A_2225 {add = true, strides = array<i32>} : memref<2x800x64xf32, #tpu.memory_space<vmem>>, vector<16xf32>,
      %add3A_2307 = arith.constant 400 : i32
      %add3A_2308 = arith.addi %add3A_2307, %add3A_2211 : i32
      %swap3A_2309 = arith.constant 0 : i32
      %swap3A_2310 = arith.index_cast %swap3A_2309 : i32 to index
      %swap3A_2311 = arith.index_cast %add3A_2308 : i32 to index
      %swap3A_2312 = arith.constant 48 : index
      %swap3A_2313 = tpu.vector_load %arg7[%swap3A_2310, %swap3A_2311, %swap3A_2312] {strides = array<i32>} : memref<2x800x64xf32, #tpu.memory_space<vmem>>, vector<16xf32>,
      tpu.vector_store %arg7[%swap3A_2310, %swap3A_2311, %swap3A_2312], %get3A_2230 {add = true, strides = array<i32>} : memref<2x800x64xf32, #tpu.memory_space<vmem>>, vector<16xf32>,
      %add3A_2314 = arith.constant 600 : i32
      %add3A_2315 = arith.addi %add3A_2314, %add3A_2211 : i32
      %swap3A_2316 = arith.constant 0 : i32
      %swap3A_2317 = arith.index_cast %swap3A_2316 : i32 to index
      %swap3A_2318 = arith.index_cast %add3A_2315 : i32 to index
      %swap3A_2319 = arith.constant 0 : index
      %swap3A_2320 = tpu.vector_load %arg7[%swap3A_2317, %swap3A_2318, %swap3A_2319] {strides = array<i32>} : memref<2x800x64xf32, #tpu.memory_space<vmem>>, vector<16xf32>,
      tpu.vector_store %arg7[%swap3A_2317, %swap3A_2318, %swap3A_2319], %get3A_2215 {add = true, strides = array<i32>} : memref<2x800x64xf32, #tpu.memory_space<vmem>>, vector<16xf32>,
      %add3A_2321 = arith.constant 600 : i32
      %add3A_2322 = arith.addi %add3A_2321, %add3A_2211 : i32
      %swap3A_2323 = arith.constant 0 : i32
      %swap3A_2324 = arith.index_cast %swap3A_2323 : i32 to index
      %swap3A_2325 = arith.index_cast %add3A_2322 : i32 to index
      %swap3A_2326 = arith.constant 16 : index
      %swap3A_2327 = tpu.vector_load %arg7[%swap3A_2324, %swap3A_2325, %swap3A_2326] {strides = array<i32>} : memref<2x800x64xf32, #tpu.memory_space<vmem>>, vector<16xf32>,
      tpu.vector_store %arg7[%swap3A_2324, %swap3A_2325, %swap3A_2326], %get3A_2220 {add = true, strides = array<i32>} : memref<2x800x64xf32, #tpu.memory_space<vmem>>, vector<16xf32>,
      %add3A_2328 = arith.constant 600 : i32
      %add3A_2329 = arith.addi %add3A_2328, %add3A_2211 : i32
      %swap3A_2330 = arith.constant 0 : i32
      %swap3A_2331 = arith.index_cast %swap3A_2330 : i32 to index
      %swap3A_2332 = arith.index_cast %add3A_2329 : i32 to index
      %swap3A_2333 = arith.constant 32 : index
      %swap3A_2334 = tpu.vector_load %arg7[%swap3A_2331, %swap3A_2332, %swap3A_2333] {strides = array<i32>} : memref<2x800x64xf32, #tpu.memory_space<vmem>>, vector<16xf32>,
      tpu.vector_store %arg7[%swap3A_2331, %swap3A_2332, %swap3A_2333], %get3A_2225 {add = true, strides = array<i32>} : memref<2x800x64xf32, #tpu.memory_space<vmem>>, vector<16xf32>,
      %add3A_2335 = arith.constant 600 : i32
      %add3A_2336 = arith.addi %add3A_2335, %add3A_2211 : i32
      %swap3A_2337 = arith.constant 0 : i32
      %swap3A_2338 = arith.index_cast %swap3A_2337 : i32 to index
      %swap3A_2339 = arith.index_cast %add3A_2336 : i32 to index
      %swap3A_2340 = arith.constant 48 : index
      %swap3A_2341 = tpu.vector_load %arg7[%swap3A_2338, %swap3A_2339, %swap3A_2340] {strides = array<i32>} : memref<2x800x64xf32, #tpu.memory_space<vmem>>, vector<16xf32>,
      tpu.vector_store %arg7[%swap3A_2338, %swap3A_2339, %swap3A_2340], %get3A_2230 {add = true, strides = array<i32>} : memref<2x800x64xf32, #tpu.memory_space<vmem>>, vector<16xf32>,
    }
    %scan3A_369 = arith.constant 200 : i32
    %add3A_370 = arith.constant 0 : i32
    %add3A_371 = arith.addi %mul3A_2, %add3A_370 : i32
    %dma_start3A_372 = arith.constant 0 : i32
    %dma_start3A_373 = arith.constant 0 : i32
    %dma_start3A_374 = arith.constant 0 : i32
    %dma_start3A_375 = tpu.memref_slice %arg7[%dma_start3A_372, %dma_start3A_373, %dma_start3A_374] : memref<2x800x64xf32, #tpu.memory_space<vmem>> -> memref<1x800x64xf32, #tpu.memory_space<vmem>>
    %dma_start3A_376 = tpu.memref_squeeze %dma_start3A_375 : memref<1x800x64xf32, #tpu.memory_space<vmem>> -> memref<800x64xf32, #tpu.memory_space<vmem>>
    %dma_start3A_377 = arith.constant 0 : i32
    %dma_start3A_378 = tpu.memref_slice %arg5[%add3A_371, %dma_start3A_377] : memref<204800x64xf32, #tpu.memory_space<hbm>> -> memref<800x64xf32, #tpu.memory_space<hbm>>
    %dma_start3A_379 = arith.constant 0 : i32
    %dma_start3A_380 = tpu.memref_slice %arg5[%add3A_371, %dma_start3A_379] : memref<204800x64xf32, #tpu.memory_space<hbm>> -> memref<800x64xf32, #tpu.memory_space<hbm>>
    %dma_start3A_381 = arith.constant 0 : i32
    %dma_start3A_382 = arith.constant 0 : i32
    %dma_start3A_383 = tpu.memref_slice %arg7[%dma_start3A_372, %dma_start3A_381, %dma_start3A_382] : memref<2x800x64xf32, #tpu.memory_space<vmem>> -> memref<1x800x64xf32, #tpu.memory_space<vmem>>
    %dma_start3A_384 = tpu.memref_squeeze %dma_start3A_383 : memref<1x800x64xf32, #tpu.memory_space<vmem>> -> memref<800x64xf32, #tpu.memory_space<vmem>>
    tpu.enqueue_dma source(%dma_start3A_384 : memref<800x64xf32, #tpu.memory_space<vmem>>) target(%dma_start3A_380 : memref<800x64xf32, #tpu.memory_space<hbm>>) target_semaphore(%arg11 : memref<!tpu.dma_semaphore, #tpu.memory_space<semaphore_mem>>)
    %dma_wait3A_385 = arith.constant 0 : i32
    %dma_wait3A_386 = arith.constant 0 : i32
    %dma_wait3A_387 = arith.constant 0 : i32
    %dma_wait3A_388 = tpu.memref_slice %arg7[%dma_wait3A_385, %dma_wait3A_386, %dma_wait3A_387] : memref<2x800x64xf32, #tpu.memory_space<vmem>> -> memref<1x800x64xf32, #tpu.memory_space<vmem>>
    %dma_wait3A_389 = tpu.memref_squeeze %dma_wait3A_388 : memref<1x800x64xf32, #tpu.memory_space<vmem>> -> memref<800x64xf32, #tpu.memory_space<vmem>>
    %dma_wait3A_390 = arith.constant 0 : i32
    %dma_wait3A_391 = tpu.memref_slice %arg5[%add3A_371, %dma_wait3A_390] : memref<204800x64xf32, #tpu.memory_space<hbm>> -> memref<800x64xf32, #tpu.memory_space<hbm>>
    %dma_wait3A_392 = arith.constant 0 : i32
    %dma_wait3A_393 = tpu.memref_slice %arg5[%add3A_371, %dma_wait3A_392] : memref<204800x64xf32, #tpu.memory_space<hbm>> -> memref<800x64xf32, #tpu.memory_space<hbm>>
    %dma_wait3A_394 = arith.constant 0 : i32
    %dma_wait3A_395 = arith.constant 0 : i32
    %dma_wait3A_396 = tpu.memref_slice %arg7[%dma_wait3A_385, %dma_wait3A_394, %dma_wait3A_395] : memref<2x800x64xf32, #tpu.memory_space<vmem>> -> memref<1x800x64xf32, #tpu.memory_space<vmem>>
    %dma_wait3A_397 = tpu.memref_squeeze %dma_wait3A_396 : memref<1x800x64xf32, #tpu.memory_space<vmem>> -> memref<800x64xf32, #tpu.memory_space<vmem>>
    tpu.wait_dma2 semaphore(%arg11 : memref<!tpu.dma_semaphore, #tpu.memory_space<semaphore_mem>>) src(%dma_wait3A_397 : memref<800x64xf32, #tpu.memory_space<vmem>>) dst(%dma_wait3A_393 : memref<800x64xf32, #tpu.memory_space<hbm>>)
    %add3A_398 = arith.constant 1600 : i32
    %add3A_399 = arith.addi %mul3A_2, %add3A_398 : i32
    %run_scoped3A_400 = arith.constant 0 : i32
    "tpu.region"() ({
      %run_scoped3A_2207 = tpu.sem_alloc : memref<!tpu.dma_semaphore, #tpu.memory_space<semaphore_mem>>
      %dma_start3A_2208 = arith.constant 0 : i32
      %dma_start3A_2209 = tpu.memref_slice %arg8[%run_scoped3A_400, %dma_start3A_2208] : memref<2x800xi32, #tpu.memory_space<vmem>> -> memref<1x800xi32, #tpu.memory_space<vmem>>
      %dma_start3A_2210 = tpu.memref_squeeze %dma_start3A_2209 : memref<1x800xi32, #tpu.memory_space<vmem>> -> memref<800xi32, #tpu.memory_space<vmem>>
      %dma_start3A_2211 = tpu.memref_slice %arg3[%add3A_399] : memref<204800xi32, #tpu.memory_space<hbm>> -> memref<800xi32, #tpu.memory_space<hbm>>
      %dma_start3A_2212 = arith.constant 0 : i32
      %dma_start3A_2213 = tpu.memref_slice %arg8[%run_scoped3A_400, %dma_start3A_2212] : memref<2x800xi32, #tpu.memory_space<vmem>> -> memref<1x800xi32, #tpu.memory_space<vmem>>
      %dma_start3A_2214 = tpu.memref_squeeze %dma_start3A_2213 : memref<1x800xi32, #tpu.memory_space<vmem>> -> memref<800xi32, #tpu.memory_space<vmem>>
      %dma_start3A_2215 = tpu.memref_slice %arg3[%add3A_399] : memref<204800xi32, #tpu.memory_space<hbm>> -> memref<800xi32, #tpu.memory_space<hbm>>
      tpu.enqueue_dma source(%dma_start3A_2215 : memref<800xi32, #tpu.memory_space<hbm>>) target(%dma_start3A_2214 : memref<800xi32, #tpu.memory_space<vmem>>) target_semaphore(%run_scoped3A_2207 : memref<!tpu.dma_semaphore, #tpu.memory_space<semaphore_mem>>)
      %dma_wait3A_2216 = arith.constant 0 : i32
      %dma_wait3A_2217 = tpu.memref_slice %arg8[%run_scoped3A_400, %dma_wait3A_2216] : memref<2x800xi32, #tpu.memory_space<vmem>> -> memref<1x800xi32, #tpu.memory_space<vmem>>
      %dma_wait3A_2218 = tpu.memref_squeeze %dma_wait3A_2217 : memref<1x800xi32, #tpu.memory_space<vmem>> -> memref<800xi32, #tpu.memory_space<vmem>>
      %dma_wait3A_2219 = tpu.memref_slice %arg3[%add3A_399] : memref<204800xi32, #tpu.memory_space<hbm>> -> memref<800xi32, #tpu.memory_space<hbm>>
      %dma_wait3A_2220 = arith.constant 0 : i32
      %dma_wait3A_2221 = tpu.memref_slice %arg8[%run_scoped3A_400, %dma_wait3A_2220] : memref<2x800xi32, #tpu.memory_space<vmem>> -> memref<1x800xi32, #tpu.memory_space<vmem>>
      %dma_wait3A_2222 = tpu.memref_squeeze %dma_wait3A_2221 : memref<1x800xi32, #tpu.memory_space<vmem>> -> memref<800xi32, #tpu.memory_space<vmem>>
      %dma_wait3A_2223 = tpu.memref_slice %arg3[%add3A_399] : memref<204800xi32, #tpu.memory_space<hbm>> -> memref<800xi32, #tpu.memory_space<hbm>>
      tpu.wait_dma2 semaphore(%run_scoped3A_2207 : memref<!tpu.dma_semaphore, #tpu.memory_space<semaphore_mem>>) src(%dma_wait3A_2223 : memref<800xi32, #tpu.memory_space<hbm>>) dst(%dma_wait3A_2222 : memref<800xi32, #tpu.memory_space<vmem>>)
      tpu.yield
    }) : () -> ()
    %dma_start3A_401 = arith.constant 0 : i32
    %dma_start3A_402 = arith.constant 0 : i32
    %dma_start3A_403 = arith.constant 0 : i32
    %dma_start3A_404 = arith.constant 0 : i32
    %dma_start3A_405 = tpu.memref_slice %arg7[%dma_start3A_402, %dma_start3A_403, %dma_start3A_404] : memref<2x800x64xf32, #tpu.memory_space<vmem>> -> memref<1x80x64xf32, #tpu.memory_space<vmem>>
    %dma_start3A_406 = tpu.memref_squeeze %dma_start3A_405 : memref<1x80x64xf32, #tpu.memory_space<vmem>> -> memref<80x64xf32, #tpu.memory_space<vmem>>
    %dma_start3A_407 = arith.constant 0 : i32
    %dma_start3A_408 = tpu.memref_slice %arg8[%dma_start3A_401, %dma_start3A_407] : memref<2x800xi32, #tpu.memory_space<vmem>> -> memref<1x80xi32, #tpu.memory_space<vmem>>
    %dma_start3A_409 = tpu.memref_squeeze %dma_start3A_408 : memref<1x80xi32, #tpu.memory_space<vmem>> -> memref<80xi32, #tpu.memory_space<vmem>>
    %dma_start3A_410 = arith.constant 0 : i32
    %dma_start3A_411 = arith.constant 0 : i32
    %dma_start3A_412 = tpu.memref_slice %arg2[%dma_start3A_410, %dma_start3A_411] : memref<100000x64xf32, #tpu.memory_space<hbm>> -> memref<100000x64xf32, #tpu.memory_space<hbm>>
    tpu.enqueue_indirect_dma source(%dma_start3A_412 : memref<100000x64xf32, #tpu.memory_space<hbm>>) target(%dma_start3A_406 : memref<80x64xf32, #tpu.memory_space<vmem>>) offsets(%dma_start3A_409 : memref<80xi32, #tpu.memory_space<vmem>>) semaphore(%arg9 : memref<!tpu.dma_semaphore, #tpu.memory_space<semaphore_mem>>)
    %dma_start3A_413 = arith.constant 0 : i32
    %dma_start3A_414 = arith.constant 0 : i32
    %dma_start3A_415 = arith.constant 80 : i32
    %dma_start3A_416 = arith.constant 0 : i32
    %dma_start3A_417 = tpu.memref_slice %arg7[%dma_start3A_414, %dma_start3A_415, %dma_start3A_416] : memref<2x800x64xf32, #tpu.memory_space<vmem>> -> memref<1x80x64xf32, #tpu.memory_space<vmem>>
    %dma_start3A_418 = tpu.memref_squeeze %dma_start3A_417 : memref<1x80x64xf32, #tpu.memory_space<vmem>> -> memref<80x64xf32, #tpu.memory_space<vmem>>
    %dma_start3A_419 = arith.constant 80 : i32
    %dma_start3A_420 = tpu.memref_slice %arg8[%dma_start3A_413, %dma_start3A_419] : memref<2x800xi32, #tpu.memory_space<vmem>> -> memref<1x80xi32, #tpu.memory_space<vmem>>
    %dma_start3A_421 = tpu.memref_squeeze %dma_start3A_420 : memref<1x80xi32, #tpu.memory_space<vmem>> -> memref<80xi32, #tpu.memory_space<vmem>>
    %dma_start3A_422 = arith.constant 0 : i32
    %dma_start3A_423 = arith.constant 0 : i32
    %dma_start3A_424 = tpu.memref_slice %arg2[%dma_start3A_422, %dma_start3A_423] : memref<100000x64xf32, #tpu.memory_space<hbm>> -> memref<100000x64xf32, #tpu.memory_space<hbm>>
    tpu.enqueue_indirect_dma source(%dma_start3A_424 : memref<100000x64xf32, #tpu.memory_space<hbm>>) target(%dma_start3A_418 : memref<80x64xf32, #tpu.memory_space<vmem>>) offsets(%dma_start3A_421 : memref<80xi32, #tpu.memory_space<vmem>>) semaphore(%arg9 : memref<!tpu.dma_semaphore, #tpu.memory_space<semaphore_mem>>)
    %dma_start3A_425 = arith.constant 0 : i32
    %dma_start3A_426 = arith.constant 0 : i32
    %dma_start3A_427 = arith.constant 160 : i32
    %dma_start3A_428 = arith.constant 0 : i32
    %dma_start3A_429 = tpu.memref_slice %arg7[%dma_start3A_426, %dma_start3A_427, %dma_start3A_428] : memref<2x800x64xf32, #tpu.memory_space<vmem>> -> memref<1x80x64xf32, #tpu.memory_space<vmem>>
    %dma_start3A_430 = tpu.memref_squeeze %dma_start3A_429 : memref<1x80x64xf32, #tpu.memory_space<vmem>> -> memref<80x64xf32, #tpu.memory_space<vmem>>
    %dma_start3A_431 = arith.constant 160 : i32
    %dma_start3A_432 = tpu.memref_slice %arg8[%dma_start3A_425, %dma_start3A_431] : memref<2x800xi32, #tpu.memory_space<vmem>> -> memref<1x80xi32, #tpu.memory_space<vmem>>
    %dma_start3A_433 = tpu.memref_squeeze %dma_start3A_432 : memref<1x80xi32, #tpu.memory_space<vmem>> -> memref<80xi32, #tpu.memory_space<vmem>>
    %dma_start3A_434 = arith.constant 0 : i32
    %dma_start3A_435 = arith.constant 0 : i32
    %dma_start3A_436 = tpu.memref_slice %arg2[%dma_start3A_434, %dma_start3A_435] : memref<100000x64xf32, #tpu.memory_space<hbm>> -> memref<100000x64xf32, #tpu.memory_space<hbm>>
    tpu.enqueue_indirect_dma source(%dma_start3A_436 : memref<100000x64xf32, #tpu.memory_space<hbm>>) target(%dma_start3A_430 : memref<80x64xf32, #tpu.memory_space<vmem>>) offsets(%dma_start3A_433 : memref<80xi32, #tpu.memory_space<vmem>>) semaphore(%arg9 : memref<!tpu.dma_semaphore, #tpu.memory_space<semaphore_mem>>)
    %dma_start3A_437 = arith.constant 0 : i32
    %dma_start3A_438 = arith.constant 0 : i32
    %dma_start3A_439 = arith.constant 240 : i32
    %dma_start3A_440 = arith.constant 0 : i32
    %dma_start3A_441 = tpu.memref_slice %arg7[%dma_start3A_438, %dma_start3A_439, %dma_start3A_440] : memref<2x800x64xf32, #tpu.memory_space<vmem>> -> memref<1x80x64xf32, #tpu.memory_space<vmem>>
    %dma_start3A_442 = tpu.memref_squeeze %dma_start3A_441 : memref<1x80x64xf32, #tpu.memory_space<vmem>> -> memref<80x64xf32, #tpu.memory_space<vmem>>
    %dma_start3A_443 = arith.constant 240 : i32
    %dma_start3A_444 = tpu.memref_slice %arg8[%dma_start3A_437, %dma_start3A_443] : memref<2x800xi32, #tpu.memory_space<vmem>> -> memref<1x80xi32, #tpu.memory_space<vmem>>
    %dma_start3A_445 = tpu.memref_squeeze %dma_start3A_444 : memref<1x80xi32, #tpu.memory_space<vmem>> -> memref<80xi32, #tpu.memory_space<vmem>>
    %dma_start3A_446 = arith.constant 0 : i32
    %dma_start3A_447 = arith.constant 0 : i32
    %dma_start3A_448 = tpu.memref_slice %arg2[%dma_start3A_446, %dma_start3A_447] : memref<100000x64xf32, #tpu.memory_space<hbm>> -> memref<100000x64xf32, #tpu.memory_space<hbm>>
    tpu.enqueue_indirect_dma source(%dma_start3A_448 : memref<100000x64xf32, #tpu.memory_space<hbm>>) target(%dma_start3A_442 : memref<80x64xf32, #tpu.memory_space<vmem>>) offsets(%dma_start3A_445 : memref<80xi32, #tpu.memory_space<vmem>>) semaphore(%arg9 : memref<!tpu.dma_semaphore, #tpu.memory_space<semaphore_mem>>)
    %dma_start3A_449 = arith.constant 0 : i32
    %dma_start3A_450 = arith.constant 0 : i32
    %dma_start3A_451 = arith.constant 320 : i32
    %dma_start3A_452 = arith.constant 0 : i32
    %dma_start3A_453 = tpu.memref_slice %arg7[%dma_start3A_450, %dma_start3A_451, %dma_start3A_452] : memref<2x800x64xf32, #tpu.memory_space<vmem>> -> memref<1x80x64xf32, #tpu.memory_space<vmem>>
    %dma_start3A_454 = tpu.memref_squeeze %dma_start3A_453 : memref<1x80x64xf32, #tpu.memory_space<vmem>> -> memref<80x64xf32, #tpu.memory_space<vmem>>
    %dma_start3A_455 = arith.constant 320 : i32
    %dma_start3A_456 = tpu.memref_slice %arg8[%dma_start3A_449, %dma_start3A_455] : memref<2x800xi32, #tpu.memory_space<vmem>> -> memref<1x80xi32, #tpu.memory_space<vmem>>
    %dma_start3A_457 = tpu.memref_squeeze %dma_start3A_456 : memref<1x80xi32, #tpu.memory_space<vmem>> -> memref<80xi32, #tpu.memory_space<vmem>>
    %dma_start3A_458 = arith.constant 0 : i32
    %dma_start3A_459 = arith.constant 0 : i32
    %dma_start3A_460 = tpu.memref_slice %arg2[%dma_start3A_458, %dma_start3A_459] : memref<100000x64xf32, #tpu.memory_space<hbm>> -> memref<100000x64xf32, #tpu.memory_space<hbm>>
    tpu.enqueue_indirect_dma source(%dma_start3A_460 : memref<100000x64xf32, #tpu.memory_space<hbm>>) target(%dma_start3A_454 : memref<80x64xf32, #tpu.memory_space<vmem>>) offsets(%dma_start3A_457 : memref<80xi32, #tpu.memory_space<vmem>>) semaphore(%arg9 : memref<!tpu.dma_semaphore, #tpu.memory_space<semaphore_mem>>)
    %dma_start3A_461 = arith.constant 0 : i32
    %dma_start3A_462 = arith.constant 0 : i32
    %dma_start3A_463 = arith.constant 400 : i32
    %dma_start3A_464 = arith.constant 0 : i32
    %dma_start3A_465 = tpu.memref_slice %arg7[%dma_start3A_462, %dma_start3A_463, %dma_start3A_464] : memref<2x800x64xf32, #tpu.memory_space<vmem>> -> memref<1x80x64xf32, #tpu.memory_space<vmem>>
    %dma_start3A_466 = tpu.memref_squeeze %dma_start3A_465 : memref<1x80x64xf32, #tpu.memory_space<vmem>> -> memref<80x64xf32, #tpu.memory_space<vmem>>
    %dma_start3A_467 = arith.constant 400 : i32
    %dma_start3A_468 = tpu.memref_slice %arg8[%dma_start3A_461, %dma_start3A_467] : memref<2x800xi32, #tpu.memory_space<vmem>> -> memref<1x80xi32, #tpu.memory_space<vmem>>
    %dma_start3A_469 = tpu.memref_squeeze %dma_start3A_468 : memref<1x80xi32, #tpu.memory_space<vmem>> -> memref<80xi32, #tpu.memory_space<vmem>>
    %dma_start3A_470 = arith.constant 0 : i32
    %dma_start3A_471 = arith.constant 0 : i32
    %dma_start3A_472 = tpu.memref_slice %arg2[%dma_start3A_470, %dma_start3A_471] : memref<100000x64xf32, #tpu.memory_space<hbm>> -> memref<100000x64xf32, #tpu.memory_space<hbm>>
    tpu.enqueue_indirect_dma source(%dma_start3A_472 : memref<100000x64xf32, #tpu.memory_space<hbm>>) target(%dma_start3A_466 : memref<80x64xf32, #tpu.memory_space<vmem>>) offsets(%dma_start3A_469 : memref<80xi32, #tpu.memory_space<vmem>>) semaphore(%arg9 : memref<!tpu.dma_semaphore, #tpu.memory_space<semaphore_mem>>)
    %dma_start3A_473 = arith.constant 0 : i32
    %dma_start3A_474 = arith.constant 0 : i32
    %dma_start3A_475 = arith.constant 480 : i32
    %dma_start3A_476 = arith.constant 0 : i32
    %dma_start3A_477 = tpu.memref_slice %arg7[%dma_start3A_474, %dma_start3A_475, %dma_start3A_476] : memref<2x800x64xf32, #tpu.memory_space<vmem>> -> memref<1x80x64xf32, #tpu.memory_space<vmem>>
    %dma_start3A_478 = tpu.memref_squeeze %dma_start3A_477 : memref<1x80x64xf32, #tpu.memory_space<vmem>> -> memref<80x64xf32, #tpu.memory_space<vmem>>
    %dma_start3A_479 = arith.constant 480 : i32
    %dma_start3A_480 = tpu.memref_slice %arg8[%dma_start3A_473, %dma_start3A_479] : memref<2x800xi32, #tpu.memory_space<vmem>> -> memref<1x80xi32, #tpu.memory_space<vmem>>
    %dma_start3A_481 = tpu.memref_squeeze %dma_start3A_480 : memref<1x80xi32, #tpu.memory_space<vmem>> -> memref<80xi32, #tpu.memory_space<vmem>>
    %dma_start3A_482 = arith.constant 0 : i32
    %dma_start3A_483 = arith.constant 0 : i32
    %dma_start3A_484 = tpu.memref_slice %arg2[%dma_start3A_482, %dma_start3A_483] : memref<100000x64xf32, #tpu.memory_space<hbm>> -> memref<100000x64xf32, #tpu.memory_space<hbm>>
    tpu.enqueue_indirect_dma source(%dma_start3A_484 : memref<100000x64xf32, #tpu.memory_space<hbm>>) target(%dma_start3A_478 : memref<80x64xf32, #tpu.memory_space<vmem>>) offsets(%dma_start3A_481 : memref<80xi32, #tpu.memory_space<vmem>>) semaphore(%arg9 : memref<!tpu.dma_semaphore, #tpu.memory_space<semaphore_mem>>)
    %dma_start3A_485 = arith.constant 0 : i32
    %dma_start3A_486 = arith.constant 0 : i32
    %dma_start3A_487 = arith.constant 560 : i32
    %dma_start3A_488 = arith.constant 0 : i32
    %dma_start3A_489 = tpu.memref_slice %arg7[%dma_start3A_486, %dma_start3A_487, %dma_start3A_488] : memref<2x800x64xf32, #tpu.memory_space<vmem>> -> memref<1x80x64xf32, #tpu.memory_space<vmem>>
    %dma_start3A_490 = tpu.memref_squeeze %dma_start3A_489 : memref<1x80x64xf32, #tpu.memory_space<vmem>> -> memref<80x64xf32, #tpu.memory_space<vmem>>
    %dma_start3A_491 = arith.constant 560 : i32
    %dma_start3A_492 = tpu.memref_slice %arg8[%dma_start3A_485, %dma_start3A_491] : memref<2x800xi32, #tpu.memory_space<vmem>> -> memref<1x80xi32, #tpu.memory_space<vmem>>
    %dma_start3A_493 = tpu.memref_squeeze %dma_start3A_492 : memref<1x80xi32, #tpu.memory_space<vmem>> -> memref<80xi32, #tpu.memory_space<vmem>>
    %dma_start3A_494 = arith.constant 0 : i32
    %dma_start3A_495 = arith.constant 0 : i32
    %dma_start3A_496 = tpu.memref_slice %arg2[%dma_start3A_494, %dma_start3A_495] : memref<100000x64xf32, #tpu.memory_space<hbm>> -> memref<100000x64xf32, #tpu.memory_space<hbm>>
    tpu.enqueue_indirect_dma source(%dma_start3A_496 : memref<100000x64xf32, #tpu.memory_space<hbm>>) target(%dma_start3A_490 : memref<80x64xf32, #tpu.memory_space<vmem>>) offsets(%dma_start3A_493 : memref<80xi32, #tpu.memory_space<vmem>>) semaphore(%arg9 : memref<!tpu.dma_semaphore, #tpu.memory_space<semaphore_mem>>)
    %dma_start3A_497 = arith.constant 0 : i32
    %dma_start3A_498 = arith.constant 0 : i32
    %dma_start3A_499 = arith.constant 640 : i32
    %dma_start3A_500 = arith.constant 0 : i32
    %dma_start3A_501 = tpu.memref_slice %arg7[%dma_start3A_498, %dma_start3A_499, %dma_start3A_500] : memref<2x800x64xf32, #tpu.memory_space<vmem>> -> memref<1x80x64xf32, #tpu.memory_space<vmem>>
    %dma_start3A_502 = tpu.memref_squeeze %dma_start3A_501 : memref<1x80x64xf32, #tpu.memory_space<vmem>> -> memref<80x64xf32, #tpu.memory_space<vmem>>
    %dma_start3A_503 = arith.constant 640 : i32
    %dma_start3A_504 = tpu.memref_slice %arg8[%dma_start3A_497, %dma_start3A_503] : memref<2x800xi32, #tpu.memory_space<vmem>> -> memref<1x80xi32, #tpu.memory_space<vmem>>
    %dma_start3A_505 = tpu.memref_squeeze %dma_start3A_504 : memref<1x80xi32, #tpu.memory_space<vmem>> -> memref<80xi32, #tpu.memory_space<vmem>>
    %dma_start3A_506 = arith.constant 0 : i32
    %dma_start3A_507 = arith.constant 0 : i32
    %dma_start3A_508 = tpu.memref_slice %arg2[%dma_start3A_506, %dma_start3A_507] : memref<100000x64xf32, #tpu.memory_space<hbm>> -> memref<100000x64xf32, #tpu.memory_space<hbm>>
    tpu.enqueue_indirect_dma source(%dma_start3A_508 : memref<100000x64xf32, #tpu.memory_space<hbm>>) target(%dma_start3A_502 : memref<80x64xf32, #tpu.memory_space<vmem>>) offsets(%dma_start3A_505 : memref<80xi32, #tpu.memory_space<vmem>>) semaphore(%arg9 : memref<!tpu.dma_semaphore, #tpu.memory_space<semaphore_mem>>)
    %dma_start3A_509 = arith.constant 0 : i32
    %dma_start3A_510 = arith.constant 0 : i32
    %dma_start3A_511 = arith.constant 720 : i32
    %dma_start3A_512 = arith.constant 0 : i32
    %dma_start3A_513 = tpu.memref_slice %arg7[%dma_start3A_510, %dma_start3A_511, %dma_start3A_512] : memref<2x800x64xf32, #tpu.memory_space<vmem>> -> memref<1x80x64xf32, #tpu.memory_space<vmem>>
    %dma_start3A_514 = tpu.memref_squeeze %dma_start3A_513 : memref<1x80x64xf32, #tpu.memory_space<vmem>> -> memref<80x64xf32, #tpu.memory_space<vmem>>
    %dma_start3A_515 = arith.constant 720 : i32
    %dma_start3A_516 = tpu.memref_slice %arg8[%dma_start3A_509, %dma_start3A_515] : memref<2x800xi32, #tpu.memory_space<vmem>> -> memref<1x80xi32, #tpu.memory_space<vmem>>
    %dma_start3A_517 = tpu.memref_squeeze %dma_start3A_516 : memref<1x80xi32, #tpu.memory_space<vmem>> -> memref<80xi32, #tpu.memory_space<vmem>>
    %dma_start3A_518 = arith.constant 0 : i32
    %dma_start3A_519 = arith.constant 0 : i32
    %dma_start3A_520 = tpu.memref_slice %arg2[%dma_start3A_518, %dma_start3A_519] : memref<100000x64xf32, #tpu.memory_space<hbm>> -> memref<100000x64xf32, #tpu.memory_space<hbm>>
    tpu.enqueue_indirect_dma source(%dma_start3A_520 : memref<100000x64xf32, #tpu.memory_space<hbm>>) target(%dma_start3A_514 : memref<80x64xf32, #tpu.memory_space<vmem>>) offsets(%dma_start3A_517 : memref<80xi32, #tpu.memory_space<vmem>>) semaphore(%arg9 : memref<!tpu.dma_semaphore, #tpu.memory_space<semaphore_mem>>)
    %dma_wait3A_521 = arith.constant 1 : i32
    %dma_wait3A_522 = arith.constant 1 : i32
    %dma_wait3A_523 = arith.constant 0 : i32
    %dma_wait3A_524 = arith.constant 0 : i32
    %dma_wait3A_525 = tpu.memref_slice %arg7[%dma_wait3A_522, %dma_wait3A_523, %dma_wait3A_524] : memref<2x800x64xf32, #tpu.memory_space<vmem>> -> memref<1x80x64xf32, #tpu.memory_space<vmem>>
    %dma_wait3A_526 = tpu.memref_squeeze %dma_wait3A_525 : memref<1x80x64xf32, #tpu.memory_space<vmem>> -> memref<80x64xf32, #tpu.memory_space<vmem>>
    %dma_wait3A_527 = arith.constant 0 : i32
    %dma_wait3A_528 = tpu.memref_slice %arg8[%dma_wait3A_521, %dma_wait3A_527] : memref<2x800xi32, #tpu.memory_space<vmem>> -> memref<1x80xi32, #tpu.memory_space<vmem>>
    %dma_wait3A_529 = tpu.memref_squeeze %dma_wait3A_528 : memref<1x80xi32, #tpu.memory_space<vmem>> -> memref<80xi32, #tpu.memory_space<vmem>>
    %dma_wait3A_530 = arith.constant 0 : i32
    %dma_wait3A_531 = arith.constant 0 : i32
    %dma_wait3A_532 = tpu.memref_slice %arg2[%dma_wait3A_530, %dma_wait3A_531] : memref<100000x64xf32, #tpu.memory_space<hbm>> -> memref<100000x64xf32, #tpu.memory_space<hbm>>
    tpu.wait_indirect_dma semaphore(%arg10 : memref<!tpu.dma_semaphore, #tpu.memory_space<semaphore_mem>>) src(%dma_wait3A_532 : memref<100000x64xf32, #tpu.memory_space<hbm>>) dst(%dma_wait3A_526 : memref<80x64xf32, #tpu.memory_space<vmem>>)
    %dma_wait3A_533 = arith.constant 1 : i32
    %dma_wait3A_534 = arith.constant 1 : i32
    %dma_wait3A_535 = arith.constant 80 : i32
    %dma_wait3A_536 = arith.constant 0 : i32
    %dma_wait3A_537 = tpu.memref_slice %arg7[%dma_wait3A_534, %dma_wait3A_535, %dma_wait3A_536] : memref<2x800x64xf32, #tpu.memory_space<vmem>> -> memref<1x80x64xf32, #tpu.memory_space<vmem>>
    %dma_wait3A_538 = tpu.memref_squeeze %dma_wait3A_537 : memref<1x80x64xf32, #tpu.memory_space<vmem>> -> memref<80x64xf32, #tpu.memory_space<vmem>>
    %dma_wait3A_539 = arith.constant 80 : i32
    %dma_wait3A_540 = tpu.memref_slice %arg8[%dma_wait3A_533, %dma_wait3A_539] : memref<2x800xi32, #tpu.memory_space<vmem>> -> memref<1x80xi32, #tpu.memory_space<vmem>>
    %dma_wait3A_541 = tpu.memref_squeeze %dma_wait3A_540 : memref<1x80xi32, #tpu.memory_space<vmem>> -> memref<80xi32, #tpu.memory_space<vmem>>
    %dma_wait3A_542 = arith.constant 0 : i32
    %dma_wait3A_543 = arith.constant 0 : i32
    %dma_wait3A_544 = tpu.memref_slice %arg2[%dma_wait3A_542, %dma_wait3A_543] : memref<100000x64xf32, #tpu.memory_space<hbm>> -> memref<100000x64xf32, #tpu.memory_space<hbm>>
    tpu.wait_indirect_dma semaphore(%arg10 : memref<!tpu.dma_semaphore, #tpu.memory_space<semaphore_mem>>) src(%dma_wait3A_544 : memref<100000x64xf32, #tpu.memory_space<hbm>>) dst(%dma_wait3A_538 : memref<80x64xf32, #tpu.memory_space<vmem>>)
    %dma_wait3A_545 = arith.constant 1 : i32
    %dma_wait3A_546 = arith.constant 1 : i32
    %dma_wait3A_547 = arith.constant 160 : i32
    %dma_wait3A_548 = arith.constant 0 : i32
    %dma_wait3A_549 = tpu.memref_slice %arg7[%dma_wait3A_546, %dma_wait3A_547, %dma_wait3A_548] : memref<2x800x64xf32, #tpu.memory_space<vmem>> -> memref<1x80x64xf32, #tpu.memory_space<vmem>>
    %dma_wait3A_550 = tpu.memref_squeeze %dma_wait3A_549 : memref<1x80x64xf32, #tpu.memory_space<vmem>> -> memref<80x64xf32, #tpu.memory_space<vmem>>
    %dma_wait3A_551 = arith.constant 160 : i32
    %dma_wait3A_552 = tpu.memref_slice %arg8[%dma_wait3A_545, %dma_wait3A_551] : memref<2x800xi32, #tpu.memory_space<vmem>> -> memref<1x80xi32, #tpu.memory_space<vmem>>
    %dma_wait3A_553 = tpu.memref_squeeze %dma_wait3A_552 : memref<1x80xi32, #tpu.memory_space<vmem>> -> memref<80xi32, #tpu.memory_space<vmem>>
    %dma_wait3A_554 = arith.constant 0 : i32
    %dma_wait3A_555 = arith.constant 0 : i32
    %dma_wait3A_556 = tpu.memref_slice %arg2[%dma_wait3A_554, %dma_wait3A_555] : memref<100000x64xf32, #tpu.memory_space<hbm>> -> memref<100000x64xf32, #tpu.memory_space<hbm>>
    tpu.wait_indirect_dma semaphore(%arg10 : memref<!tpu.dma_semaphore, #tpu.memory_space<semaphore_mem>>) src(%dma_wait3A_556 : memref<100000x64xf32, #tpu.memory_space<hbm>>) dst(%dma_wait3A_550 : memref<80x64xf32, #tpu.memory_space<vmem>>)
    %dma_wait3A_557 = arith.constant 1 : i32
    %dma_wait3A_558 = arith.constant 1 : i32
    %dma_wait3A_559 = arith.constant 240 : i32
    %dma_wait3A_560 = arith.constant 0 : i32
    %dma_wait3A_561 = tpu.memref_slice %arg7[%dma_wait3A_558, %dma_wait3A_559, %dma_wait3A_560] : memref<2x800x64xf32, #tpu.memory_space<vmem>> -> memref<1x80x64xf32, #tpu.memory_space<vmem>>
    %dma_wait3A_562 = tpu.memref_squeeze %dma_wait3A_561 : memref<1x80x64xf32, #tpu.memory_space<vmem>> -> memref<80x64xf32, #tpu.memory_space<vmem>>
    %dma_wait3A_563 = arith.constant 240 : i32
    %dma_wait3A_564 = tpu.memref_slice %arg8[%dma_wait3A_557, %dma_wait3A_563] : memref<2x800xi32, #tpu.memory_space<vmem>> -> memref<1x80xi32, #tpu.memory_space<vmem>>
    %dma_wait3A_565 = tpu.memref_squeeze %dma_wait3A_564 : memref<1x80xi32, #tpu.memory_space<vmem>> -> memref<80xi32, #tpu.memory_space<vmem>>
    %dma_wait3A_566 = arith.constant 0 : i32
    %dma_wait3A_567 = arith.constant 0 : i32
    %dma_wait3A_568 = tpu.memref_slice %arg2[%dma_wait3A_566, %dma_wait3A_567] : memref<100000x64xf32, #tpu.memory_space<hbm>> -> memref<100000x64xf32, #tpu.memory_space<hbm>>
    tpu.wait_indirect_dma semaphore(%arg10 : memref<!tpu.dma_semaphore, #tpu.memory_space<semaphore_mem>>) src(%dma_wait3A_568 : memref<100000x64xf32, #tpu.memory_space<hbm>>) dst(%dma_wait3A_562 : memref<80x64xf32, #tpu.memory_space<vmem>>)
    %dma_wait3A_569 = arith.constant 1 : i32
    %dma_wait3A_570 = arith.constant 1 : i32
    %dma_wait3A_571 = arith.constant 320 : i32
    %dma_wait3A_572 = arith.constant 0 : i32
    %dma_wait3A_573 = tpu.memref_slice %arg7[%dma_wait3A_570, %dma_wait3A_571, %dma_wait3A_572] : memref<2x800x64xf32, #tpu.memory_space<vmem>> -> memref<1x80x64xf32, #tpu.memory_space<vmem>>
    %dma_wait3A_574 = tpu.memref_squeeze %dma_wait3A_573 : memref<1x80x64xf32, #tpu.memory_space<vmem>> -> memref<80x64xf32, #tpu.memory_space<vmem>>
    %dma_wait3A_575 = arith.constant 320 : i32
    %dma_wait3A_576 = tpu.memref_slice %arg8[%dma_wait3A_569, %dma_wait3A_575] : memref<2x800xi32, #tpu.memory_space<vmem>> -> memref<1x80xi32, #tpu.memory_space<vmem>>
    %dma_wait3A_577 = tpu.memref_squeeze %dma_wait3A_576 : memref<1x80xi32, #tpu.memory_space<vmem>> -> memref<80xi32, #tpu.memory_space<vmem>>
    %dma_wait3A_578 = arith.constant 0 : i32
    %dma_wait3A_579 = arith.constant 0 : i32
    %dma_wait3A_580 = tpu.memref_slice %arg2[%dma_wait3A_578, %dma_wait3A_579] : memref<100000x64xf32, #tpu.memory_space<hbm>> -> memref<100000x64xf32, #tpu.memory_space<hbm>>
    tpu.wait_indirect_dma semaphore(%arg10 : memref<!tpu.dma_semaphore, #tpu.memory_space<semaphore_mem>>) src(%dma_wait3A_580 : memref<100000x64xf32, #tpu.memory_space<hbm>>) dst(%dma_wait3A_574 : memref<80x64xf32, #tpu.memory_space<vmem>>)
    %dma_wait3A_581 = arith.constant 1 : i32
    %dma_wait3A_582 = arith.constant 1 : i32
    %dma_wait3A_583 = arith.constant 400 : i32
    %dma_wait3A_584 = arith.constant 0 : i32
    %dma_wait3A_585 = tpu.memref_slice %arg7[%dma_wait3A_582, %dma_wait3A_583, %dma_wait3A_584] : memref<2x800x64xf32, #tpu.memory_space<vmem>> -> memref<1x80x64xf32, #tpu.memory_space<vmem>>
    %dma_wait3A_586 = tpu.memref_squeeze %dma_wait3A_585 : memref<1x80x64xf32, #tpu.memory_space<vmem>> -> memref<80x64xf32, #tpu.memory_space<vmem>>
    %dma_wait3A_587 = arith.constant 400 : i32
    %dma_wait3A_588 = tpu.memref_slice %arg8[%dma_wait3A_581, %dma_wait3A_587] : memref<2x800xi32, #tpu.memory_space<vmem>> -> memref<1x80xi32, #tpu.memory_space<vmem>>
    %dma_wait3A_589 = tpu.memref_squeeze %dma_wait3A_588 : memref<1x80xi32, #tpu.memory_space<vmem>> -> memref<80xi32, #tpu.memory_space<vmem>>
    %dma_wait3A_590 = arith.constant 0 : i32
    %dma_wait3A_591 = arith.constant 0 : i32
    %dma_wait3A_592 = tpu.memref_slice %arg2[%dma_wait3A_590, %dma_wait3A_591] : memref<100000x64xf32, #tpu.memory_space<hbm>> -> memref<100000x64xf32, #tpu.memory_space<hbm>>
    tpu.wait_indirect_dma semaphore(%arg10 : memref<!tpu.dma_semaphore, #tpu.memory_space<semaphore_mem>>) src(%dma_wait3A_592 : memref<100000x64xf32, #tpu.memory_space<hbm>>) dst(%dma_wait3A_586 : memref<80x64xf32, #tpu.memory_space<vmem>>)
    %dma_wait3A_593 = arith.constant 1 : i32
    %dma_wait3A_594 = arith.constant 1 : i32
    %dma_wait3A_595 = arith.constant 480 : i32
    %dma_wait3A_596 = arith.constant 0 : i32
    %dma_wait3A_597 = tpu.memref_slice %arg7[%dma_wait3A_594, %dma_wait3A_595, %dma_wait3A_596] : memref<2x800x64xf32, #tpu.memory_space<vmem>> -> memref<1x80x64xf32, #tpu.memory_space<vmem>>
    %dma_wait3A_598 = tpu.memref_squeeze %dma_wait3A_597 : memref<1x80x64xf32, #tpu.memory_space<vmem>> -> memref<80x64xf32, #tpu.memory_space<vmem>>
    %dma_wait3A_599 = arith.constant 480 : i32
    %dma_wait3A_600 = tpu.memref_slice %arg8[%dma_wait3A_593, %dma_wait3A_599] : memref<2x800xi32, #tpu.memory_space<vmem>> -> memref<1x80xi32, #tpu.memory_space<vmem>>
    %dma_wait3A_601 = tpu.memref_squeeze %dma_wait3A_600 : memref<1x80xi32, #tpu.memory_space<vmem>> -> memref<80xi32, #tpu.memory_space<vmem>>
    %dma_wait3A_602 = arith.constant 0 : i32
    %dma_wait3A_603 = arith.constant 0 : i32
    %dma_wait3A_604 = tpu.memref_slice %arg2[%dma_wait3A_602, %dma_wait3A_603] : memref<100000x64xf32, #tpu.memory_space<hbm>> -> memref<100000x64xf32, #tpu.memory_space<hbm>>
    tpu.wait_indirect_dma semaphore(%arg10 : memref<!tpu.dma_semaphore, #tpu.memory_space<semaphore_mem>>) src(%dma_wait3A_604 : memref<100000x64xf32, #tpu.memory_space<hbm>>) dst(%dma_wait3A_598 : memref<80x64xf32, #tpu.memory_space<vmem>>)
    %dma_wait3A_605 = arith.constant 1 : i32
    %dma_wait3A_606 = arith.constant 1 : i32
    %dma_wait3A_607 = arith.constant 560 : i32
    %dma_wait3A_608 = arith.constant 0 : i32
    %dma_wait3A_609 = tpu.memref_slice %arg7[%dma_wait3A_606, %dma_wait3A_607, %dma_wait3A_608] : memref<2x800x64xf32, #tpu.memory_space<vmem>> -> memref<1x80x64xf32, #tpu.memory_space<vmem>>
    %dma_wait3A_610 = tpu.memref_squeeze %dma_wait3A_609 : memref<1x80x64xf32, #tpu.memory_space<vmem>> -> memref<80x64xf32, #tpu.memory_space<vmem>>
    %dma_wait3A_611 = arith.constant 560 : i32
    %dma_wait3A_612 = tpu.memref_slice %arg8[%dma_wait3A_605, %dma_wait3A_611] : memref<2x800xi32, #tpu.memory_space<vmem>> -> memref<1x80xi32, #tpu.memory_space<vmem>>
    %dma_wait3A_613 = tpu.memref_squeeze %dma_wait3A_612 : memref<1x80xi32, #tpu.memory_space<vmem>> -> memref<80xi32, #tpu.memory_space<vmem>>
    %dma_wait3A_614 = arith.constant 0 : i32
    %dma_wait3A_615 = arith.constant 0 : i32
    %dma_wait3A_616 = tpu.memref_slice %arg2[%dma_wait3A_614, %dma_wait3A_615] : memref<100000x64xf32, #tpu.memory_space<hbm>> -> memref<100000x64xf32, #tpu.memory_space<hbm>>
    tpu.wait_indirect_dma semaphore(%arg10 : memref<!tpu.dma_semaphore, #tpu.memory_space<semaphore_mem>>) src(%dma_wait3A_616 : memref<100000x64xf32, #tpu.memory_space<hbm>>) dst(%dma_wait3A_610 : memref<80x64xf32, #tpu.memory_space<vmem>>)
    %dma_wait3A_617 = arith.constant 1 : i32
    %dma_wait3A_618 = arith.constant 1 : i32
    %dma_wait3A_619 = arith.constant 640 : i32
    %dma_wait3A_620 = arith.constant 0 : i32
    %dma_wait3A_621 = tpu.memref_slice %arg7[%dma_wait3A_618, %dma_wait3A_619, %dma_wait3A_620] : memref<2x800x64xf32, #tpu.memory_space<vmem>> -> memref<1x80x64xf32, #tpu.memory_space<vmem>>
    %dma_wait3A_622 = tpu.memref_squeeze %dma_wait3A_621 : memref<1x80x64xf32, #tpu.memory_space<vmem>> -> memref<80x64xf32, #tpu.memory_space<vmem>>
    %dma_wait3A_623 = arith.constant 640 : i32
    %dma_wait3A_624 = tpu.memref_slice %arg8[%dma_wait3A_617, %dma_wait3A_623] : memref<2x800xi32, #tpu.memory_space<vmem>> -> memref<1x80xi32, #tpu.memory_space<vmem>>
    %dma_wait3A_625 = tpu.memref_squeeze %dma_wait3A_624 : memref<1x80xi32, #tpu.memory_space<vmem>> -> memref<80xi32, #tpu.memory_space<vmem>>
    %dma_wait3A_626 = arith.constant 0 : i32
    %dma_wait3A_627 = arith.constant 0 : i32
    %dma_wait3A_628 = tpu.memref_slice %arg2[%dma_wait3A_626, %dma_wait3A_627] : memref<100000x64xf32, #tpu.memory_space<hbm>> -> memref<100000x64xf32, #tpu.memory_space<hbm>>
    tpu.wait_indirect_dma semaphore(%arg10 : memref<!tpu.dma_semaphore, #tpu.memory_space<semaphore_mem>>) src(%dma_wait3A_628 : memref<100000x64xf32, #tpu.memory_space<hbm>>) dst(%dma_wait3A_622 : memref<80x64xf32, #tpu.memory_space<vmem>>)
    %dma_wait3A_629 = arith.constant 1 : i32
    %dma_wait3A_630 = arith.constant 1 : i32
    %dma_wait3A_631 = arith.constant 720 : i32
    %dma_wait3A_632 = arith.constant 0 : i32
    %dma_wait3A_633 = tpu.memref_slice %arg7[%dma_wait3A_630, %dma_wait3A_631, %dma_wait3A_632] : memref<2x800x64xf32, #tpu.memory_space<vmem>> -> memref<1x80x64xf32, #tpu.memory_space<vmem>>
    %dma_wait3A_634 = tpu.memref_squeeze %dma_wait3A_633 : memref<1x80x64xf32, #tpu.memory_space<vmem>> -> memref<80x64xf32, #tpu.memory_space<vmem>>
    %dma_wait3A_635 = arith.constant 720 : i32
    %dma_wait3A_636 = tpu.memref_slice %arg8[%dma_wait3A_629, %dma_wait3A_635] : memref<2x800xi32, #tpu.memory_space<vmem>> -> memref<1x80xi32, #tpu.memory_space<vmem>>
    %dma_wait3A_637 = tpu.memref_squeeze %dma_wait3A_636 : memref<1x80xi32, #tpu.memory_space<vmem>> -> memref<80xi32, #tpu.memory_space<vmem>>
    %dma_wait3A_638 = arith.constant 0 : i32
    %dma_wait3A_639 = arith.constant 0 : i32
    %dma_wait3A_640 = tpu.memref_slice %arg2[%dma_wait3A_638, %dma_wait3A_639] : memref<100000x64xf32, #tpu.memory_space<hbm>> -> memref<100000x64xf32, #tpu.memory_space<hbm>>
    tpu.wait_indirect_dma semaphore(%arg10 : memref<!tpu.dma_semaphore, #tpu.memory_space<semaphore_mem>>) src(%dma_wait3A_640 : memref<100000x64xf32, #tpu.memory_space<hbm>>) dst(%dma_wait3A_634 : memref<80x64xf32, #tpu.memory_space<vmem>>)
    %scan3A_641 = arith.constant 0 : i32
    %scan3A_642 = arith.constant 200 : i32
    %scan3A_643 = arith.addi %scan3A_641, %scan3A_642 : i32
    %scan3A_644 = arith.constant 1 : i32
    scf.for %scan3A_2207 = %scan3A_641 to %scan3A_643 step %scan3A_644  : i32 {
      %mul3A_2208 = arith.constant 1 : i32
      %mul3A_2209 = arith.muli %scan3A_2207, %mul3A_2208 : i32
      %add3A_2210 = arith.constant 0 : i32
      %add3A_2211 = arith.addi %add3A_2210, %mul3A_2209 : i32
      %add3A_2212 = arith.constant 1 : i32
      %add3A_2213 = arith.addi %add3A_2211, %add3A_2212 : i32
      %get3A = arith.index_cast %add3A_2213 : i32 to index
      %get3A_2214 = arith.constant 0 : index
      %get3A_2215 = tpu.vector_load %arg6[%get3A, %get3A_2214] {strides = array<i32>} : memref<256x64xf32, #tpu.memory_space<vmem>>, vector<16xf32>,
      %add3A_2216 = arith.constant 1 : i32
      %add3A_2217 = arith.addi %add3A_2211, %add3A_2216 : i32
      %get3A_2218 = arith.index_cast %add3A_2217 : i32 to index
      %get3A_2219 = arith.constant 16 : index
      %get3A_2220 = tpu.vector_load %arg6[%get3A_2218, %get3A_2219] {strides = array<i32>} : memref<256x64xf32, #tpu.memory_space<vmem>>, vector<16xf32>,
      %add3A_2221 = arith.constant 1 : i32
      %add3A_2222 = arith.addi %add3A_2211, %add3A_2221 : i32
      %get3A_2223 = arith.index_cast %add3A_2222 : i32 to index
      %get3A_2224 = arith.constant 32 : index
      %get3A_2225 = tpu.vector_load %arg6[%get3A_2223, %get3A_2224] {strides = array<i32>} : memref<256x64xf32, #tpu.memory_space<vmem>>, vector<16xf32>,
      %add3A_2226 = arith.constant 1 : i32
      %add3A_2227 = arith.addi %add3A_2211, %add3A_2226 : i32
      %get3A_2228 = arith.index_cast %add3A_2227 : i32 to index
      %get3A_2229 = arith.constant 48 : index
      %get3A_2230 = tpu.vector_load %arg6[%get3A_2228, %get3A_2229] {strides = array<i32>} : memref<256x64xf32, #tpu.memory_space<vmem>>, vector<16xf32>,
      %add3A_2231 = arith.constant 0 : i32
      %add3A_2232 = arith.addi %add3A_2231, %add3A_2211 : i32
      %swap3A = arith.constant 1 : i32
      %swap3A_2233 = arith.index_cast %swap3A : i32 to index
      %swap3A_2234 = arith.index_cast %add3A_2232 : i32 to index
      %swap3A_2235 = arith.constant 0 : index
      %swap3A_2236 = tpu.vector_load %arg7[%swap3A_2233, %swap3A_2234, %swap3A_2235] {strides = array<i32>} : memref<2x800x64xf32, #tpu.memory_space<vmem>>, vector<16xf32>,
      tpu.vector_store %arg7[%swap3A_2233, %swap3A_2234, %swap3A_2235], %get3A_2215 {add = true, strides = array<i32>} : memref<2x800x64xf32, #tpu.memory_space<vmem>>, vector<16xf32>,
      %add3A_2237 = arith.constant 0 : i32
      %add3A_2238 = arith.addi %add3A_2237, %add3A_2211 : i32
      %swap3A_2239 = arith.constant 1 : i32
      %swap3A_2240 = arith.index_cast %swap3A_2239 : i32 to index
      %swap3A_2241 = arith.index_cast %add3A_2238 : i32 to index
      %swap3A_2242 = arith.constant 16 : index
      %swap3A_2243 = tpu.vector_load %arg7[%swap3A_2240, %swap3A_2241, %swap3A_2242] {strides = array<i32>} : memref<2x800x64xf32, #tpu.memory_space<vmem>>, vector<16xf32>,
      tpu.vector_store %arg7[%swap3A_2240, %swap3A_2241, %swap3A_2242], %get3A_2220 {add = true, strides = array<i32>} : memref<2x800x64xf32, #tpu.memory_space<vmem>>, vector<16xf32>,
      %add3A_2244 = arith.constant 0 : i32
      %add3A_2245 = arith.addi %add3A_2244, %add3A_2211 : i32
      %swap3A_2246 = arith.constant 1 : i32
      %swap3A_2247 = arith.index_cast %swap3A_2246 : i32 to index
      %swap3A_2248 = arith.index_cast %add3A_2245 : i32 to index
      %swap3A_2249 = arith.constant 32 : index
      %swap3A_2250 = tpu.vector_load %arg7[%swap3A_2247, %swap3A_2248, %swap3A_2249] {strides = array<i32>} : memref<2x800x64xf32, #tpu.memory_space<vmem>>, vector<16xf32>,
      tpu.vector_store %arg7[%swap3A_2247, %swap3A_2248, %swap3A_2249], %get3A_2225 {add = true, strides = array<i32>} : memref<2x800x64xf32, #tpu.memory_space<vmem>>, vector<16xf32>,
      %add3A_2251 = arith.constant 0 : i32
      %add3A_2252 = arith.addi %add3A_2251, %add3A_2211 : i32
      %swap3A_2253 = arith.constant 1 : i32
      %swap3A_2254 = arith.index_cast %swap3A_2253 : i32 to index
      %swap3A_2255 = arith.index_cast %add3A_2252 : i32 to index
      %swap3A_2256 = arith.constant 48 : index
      %swap3A_2257 = tpu.vector_load %arg7[%swap3A_2254, %swap3A_2255, %swap3A_2256] {strides = array<i32>} : memref<2x800x64xf32, #tpu.memory_space<vmem>>, vector<16xf32>,
      tpu.vector_store %arg7[%swap3A_2254, %swap3A_2255, %swap3A_2256], %get3A_2230 {add = true, strides = array<i32>} : memref<2x800x64xf32, #tpu.memory_space<vmem>>, vector<16xf32>,
      %add3A_2258 = arith.constant 200 : i32
      %add3A_2259 = arith.addi %add3A_2258, %add3A_2211 : i32
      %swap3A_2260 = arith.constant 1 : i32
      %swap3A_2261 = arith.index_cast %swap3A_2260 : i32 to index
      %swap3A_2262 = arith.index_cast %add3A_2259 : i32 to index
      %swap3A_2263 = arith.constant 0 : index
      %swap3A_2264 = tpu.vector_load %arg7[%swap3A_2261, %swap3A_2262, %swap3A_2263] {strides = array<i32>} : memref<2x800x64xf32, #tpu.memory_space<vmem>>, vector<16xf32>,
      tpu.vector_store %arg7[%swap3A_2261, %swap3A_2262, %swap3A_2263], %get3A_2215 {add = true, strides = array<i32>} : memref<2x800x64xf32, #tpu.memory_space<vmem>>, vector<16xf32>,
      %add3A_2265 = arith.constant 200 : i32
      %add3A_2266 = arith.addi %add3A_2265, %add3A_2211 : i32
      %swap3A_2267 = arith.constant 1 : i32
      %swap3A_2268 = arith.index_cast %swap3A_2267 : i32 to index
      %swap3A_2269 = arith.index_cast %add3A_2266 : i32 to index
      %swap3A_2270 = arith.constant 16 : index
      %swap3A_2271 = tpu.vector_load %arg7[%swap3A_2268, %swap3A_2269, %swap3A_2270] {strides = array<i32>} : memref<2x800x64xf32, #tpu.memory_space<vmem>>, vector<16xf32>,
      tpu.vector_store %arg7[%swap3A_2268, %swap3A_2269, %swap3A_2270], %get3A_2220 {add = true, strides = array<i32>} : memref<2x800x64xf32, #tpu.memory_space<vmem>>, vector<16xf32>,
      %add3A_2272 = arith.constant 200 : i32
      %add3A_2273 = arith.addi %add3A_2272, %add3A_2211 : i32
      %swap3A_2274 = arith.constant 1 : i32
      %swap3A_2275 = arith.index_cast %swap3A_2274 : i32 to index
      %swap3A_2276 = arith.index_cast %add3A_2273 : i32 to index
      %swap3A_2277 = arith.constant 32 : index
      %swap3A_2278 = tpu.vector_load %arg7[%swap3A_2275, %swap3A_2276, %swap3A_2277] {strides = array<i32>} : memref<2x800x64xf32, #tpu.memory_space<vmem>>, vector<16xf32>,
      tpu.vector_store %arg7[%swap3A_2275, %swap3A_2276, %swap3A_2277], %get3A_2225 {add = true, strides = array<i32>} : memref<2x800x64xf32, #tpu.memory_space<vmem>>, vector<16xf32>,
      %add3A_2279 = arith.constant 200 : i32
      %add3A_2280 = arith.addi %add3A_2279, %add3A_2211 : i32
      %swap3A_2281 = arith.constant 1 : i32
      %swap3A_2282 = arith.index_cast %swap3A_2281 : i32 to index
      %swap3A_2283 = arith.index_cast %add3A_2280 : i32 to index
      %swap3A_2284 = arith.constant 48 : index
      %swap3A_2285 = tpu.vector_load %arg7[%swap3A_2282, %swap3A_2283, %swap3A_2284] {strides = array<i32>} : memref<2x800x64xf32, #tpu.memory_space<vmem>>, vector<16xf32>,
      tpu.vector_store %arg7[%swap3A_2282, %swap3A_2283, %swap3A_2284], %get3A_2230 {add = true, strides = array<i32>} : memref<2x800x64xf32, #tpu.memory_space<vmem>>, vector<16xf32>,
      %add3A_2286 = arith.constant 400 : i32
      %add3A_2287 = arith.addi %add3A_2286, %add3A_2211 : i32
      %swap3A_2288 = arith.constant 1 : i32
      %swap3A_2289 = arith.index_cast %swap3A_2288 : i32 to index
      %swap3A_2290 = arith.index_cast %add3A_2287 : i32 to index
      %swap3A_2291 = arith.constant 0 : index
      %swap3A_2292 = tpu.vector_load %arg7[%swap3A_2289, %swap3A_2290, %swap3A_2291] {strides = array<i32>} : memref<2x800x64xf32, #tpu.memory_space<vmem>>, vector<16xf32>,
      tpu.vector_store %arg7[%swap3A_2289, %swap3A_2290, %swap3A_2291], %get3A_2215 {add = true, strides = array<i32>} : memref<2x800x64xf32, #tpu.memory_space<vmem>>, vector<16xf32>,
      %add3A_2293 = arith.constant 400 : i32
      %add3A_2294 = arith.addi %add3A_2293, %add3A_2211 : i32
      %swap3A_2295 = arith.constant 1 : i32
      %swap3A_2296 = arith.index_cast %swap3A_2295 : i32 to index
      %swap3A_2297 = arith.index_cast %add3A_2294 : i32 to index
      %swap3A_2298 = arith.constant 16 : index
      %swap3A_2299 = tpu.vector_load %arg7[%swap3A_2296, %swap3A_2297, %swap3A_2298] {strides = array<i32>} : memref<2x800x64xf32, #tpu.memory_space<vmem>>, vector<16xf32>,
      tpu.vector_store %arg7[%swap3A_2296, %swap3A_2297, %swap3A_2298], %get3A_2220 {add = true, strides = array<i32>} : memref<2x800x64xf32, #tpu.memory_space<vmem>>, vector<16xf32>,
      %add3A_2300 = arith.constant 400 : i32
      %add3A_2301 = arith.addi %add3A_2300, %add3A_2211 : i32
      %swap3A_2302 = arith.constant 1 : i32
      %swap3A_2303 = arith.index_cast %swap3A_2302 : i32 to index
      %swap3A_2304 = arith.index_cast %add3A_2301 : i32 to index
      %swap3A_2305 = arith.constant 32 : index
      %swap3A_2306 = tpu.vector_load %arg7[%swap3A_2303, %swap3A_2304, %swap3A_2305] {strides = array<i32>} : memref<2x800x64xf32, #tpu.memory_space<vmem>>, vector<16xf32>,
      tpu.vector_store %arg7[%swap3A_2303, %swap3A_2304, %swap3A_2305], %get3A_2225 {add = true, strides = array<i32>} : memref<2x800x64xf32, #tpu.memory_space<vmem>>, vector<16xf32>,
      %add3A_2307 = arith.constant 400 : i32
      %add3A_2308 = arith.addi %add3A_2307, %add3A_2211 : i32
      %swap3A_2309 = arith.constant 1 : i32
      %swap3A_2310 = arith.index_cast %swap3A_2309 : i32 to index
      %swap3A_2311 = arith.index_cast %add3A_2308 : i32 to index
      %swap3A_2312 = arith.constant 48 : index
      %swap3A_2313 = tpu.vector_load %arg7[%swap3A_2310, %swap3A_2311, %swap3A_2312] {strides = array<i32>} : memref<2x800x64xf32, #tpu.memory_space<vmem>>, vector<16xf32>,
      tpu.vector_store %arg7[%swap3A_2310, %swap3A_2311, %swap3A_2312], %get3A_2230 {add = true, strides = array<i32>} : memref<2x800x64xf32, #tpu.memory_space<vmem>>, vector<16xf32>,
      %add3A_2314 = arith.constant 600 : i32
      %add3A_2315 = arith.addi %add3A_2314, %add3A_2211 : i32
      %swap3A_2316 = arith.constant 1 : i32
      %swap3A_2317 = arith.index_cast %swap3A_2316 : i32 to index
      %swap3A_2318 = arith.index_cast %add3A_2315 : i32 to index
      %swap3A_2319 = arith.constant 0 : index
      %swap3A_2320 = tpu.vector_load %arg7[%swap3A_2317, %swap3A_2318, %swap3A_2319] {strides = array<i32>} : memref<2x800x64xf32, #tpu.memory_space<vmem>>, vector<16xf32>,
      tpu.vector_store %arg7[%swap3A_2317, %swap3A_2318, %swap3A_2319], %get3A_2215 {add = true, strides = array<i32>} : memref<2x800x64xf32, #tpu.memory_space<vmem>>, vector<16xf32>,
      %add3A_2321 = arith.constant 600 : i32
      %add3A_2322 = arith.addi %add3A_2321, %add3A_2211 : i32
      %swap3A_2323 = arith.constant 1 : i32
      %swap3A_2324 = arith.index_cast %swap3A_2323 : i32 to index
      %swap3A_2325 = arith.index_cast %add3A_2322 : i32 to index
      %swap3A_2326 = arith.constant 16 : index
      %swap3A_2327 = tpu.vector_load %arg7[%swap3A_2324, %swap3A_2325, %swap3A_2326] {strides = array<i32>} : memref<2x800x64xf32, #tpu.memory_space<vmem>>, vector<16xf32>,
      tpu.vector_store %arg7[%swap3A_2324, %swap3A_2325, %swap3A_2326], %get3A_2220 {add = true, strides = array<i32>} : memref<2x800x64xf32, #tpu.memory_space<vmem>>, vector<16xf32>,
      %add3A_2328 = arith.constant 600 : i32
      %add3A_2329 = arith.addi %add3A_2328, %add3A_2211 : i32
      %swap3A_2330 = arith.constant 1 : i32
      %swap3A_2331 = arith.index_cast %swap3A_2330 : i32 to index
      %swap3A_2332 = arith.index_cast %add3A_2329 : i32 to index
      %swap3A_2333 = arith.constant 32 : index
      %swap3A_2334 = tpu.vector_load %arg7[%swap3A_2331, %swap3A_2332, %swap3A_2333] {strides = array<i32>} : memref<2x800x64xf32, #tpu.memory_space<vmem>>, vector<16xf32>,
      tpu.vector_store %arg7[%swap3A_2331, %swap3A_2332, %swap3A_2333], %get3A_2225 {add = true, strides = array<i32>} : memref<2x800x64xf32, #tpu.memory_space<vmem>>, vector<16xf32>,
      %add3A_2335 = arith.constant 600 : i32
      %add3A_2336 = arith.addi %add3A_2335, %add3A_2211 : i32
      %swap3A_2337 = arith.constant 1 : i32
      %swap3A_2338 = arith.index_cast %swap3A_2337 : i32 to index
      %swap3A_2339 = arith.index_cast %add3A_2336 : i32 to index
      %swap3A_2340 = arith.constant 48 : index
      %swap3A_2341 = tpu.vector_load %arg7[%swap3A_2338, %swap3A_2339, %swap3A_2340] {strides = array<i32>} : memref<2x800x64xf32, #tpu.memory_space<vmem>>, vector<16xf32>,
      tpu.vector_store %arg7[%swap3A_2338, %swap3A_2339, %swap3A_2340], %get3A_2230 {add = true, strides = array<i32>} : memref<2x800x64xf32, #tpu.memory_space<vmem>>, vector<16xf32>,
    }
    %scan3A_645 = arith.constant 200 : i32
    %add3A_646 = arith.constant 800 : i32
    %add3A_647 = arith.addi %mul3A_2, %add3A_646 : i32
    %dma_start3A_648 = arith.constant 1 : i32
    %dma_start3A_649 = arith.constant 0 : i32
    %dma_start3A_650 = arith.constant 0 : i32
    %dma_start3A_651 = tpu.memref_slice %arg7[%dma_start3A_648, %dma_start3A_649, %dma_start3A_650] : memref<2x800x64xf32, #tpu.memory_space<vmem>> -> memref<1x800x64xf32, #tpu.memory_space<vmem>>
    %dma_start3A_652 = tpu.memref_squeeze %dma_start3A_651 : memref<1x800x64xf32, #tpu.memory_space<vmem>> -> memref<800x64xf32, #tpu.memory_space<vmem>>
    %dma_start3A_653 = arith.constant 0 : i32
    %dma_start3A_654 = tpu.memref_slice %arg5[%add3A_647, %dma_start3A_653] : memref<204800x64xf32, #tpu.memory_space<hbm>> -> memref<800x64xf32, #tpu.memory_space<hbm>>
    %dma_start3A_655 = arith.constant 0 : i32
    %dma_start3A_656 = tpu.memref_slice %arg5[%add3A_647, %dma_start3A_655] : memref<204800x64xf32, #tpu.memory_space<hbm>> -> memref<800x64xf32, #tpu.memory_space<hbm>>
    %dma_start3A_657 = arith.constant 0 : i32
    %dma_start3A_658 = arith.constant 0 : i32
    %dma_start3A_659 = tpu.memref_slice %arg7[%dma_start3A_648, %dma_start3A_657, %dma_start3A_658] : memref<2x800x64xf32, #tpu.memory_space<vmem>> -> memref<1x800x64xf32, #tpu.memory_space<vmem>>
    %dma_start3A_660 = tpu.memref_squeeze %dma_start3A_659 : memref<1x800x64xf32, #tpu.memory_space<vmem>> -> memref<800x64xf32, #tpu.memory_space<vmem>>
    tpu.enqueue_dma source(%dma_start3A_660 : memref<800x64xf32, #tpu.memory_space<vmem>>) target(%dma_start3A_656 : memref<800x64xf32, #tpu.memory_space<hbm>>) target_semaphore(%arg11 : memref<!tpu.dma_semaphore, #tpu.memory_space<semaphore_mem>>)
    %dma_wait3A_661 = arith.constant 1 : i32
    %dma_wait3A_662 = arith.constant 0 : i32
    %dma_wait3A_663 = arith.constant 0 : i32
    %dma_wait3A_664 = tpu.memref_slice %arg7[%dma_wait3A_661, %dma_wait3A_662, %dma_wait3A_663] : memref<2x800x64xf32, #tpu.memory_space<vmem>> -> memref<1x800x64xf32, #tpu.memory_space<vmem>>
    %dma_wait3A_665 = tpu.memref_squeeze %dma_wait3A_664 : memref<1x800x64xf32, #tpu.memory_space<vmem>> -> memref<800x64xf32, #tpu.memory_space<vmem>>
    %dma_wait3A_666 = arith.constant 0 : i32
    %dma_wait3A_667 = tpu.memref_slice %arg5[%add3A_647, %dma_wait3A_666] : memref<204800x64xf32, #tpu.memory_space<hbm>> -> memref<800x64xf32, #tpu.memory_space<hbm>>
    %dma_wait3A_668 = arith.constant 0 : i32
    %dma_wait3A_669 = tpu.memref_slice %arg5[%add3A_647, %dma_wait3A_668] : memref<204800x64xf32, #tpu.memory_space<hbm>> -> memref<800x64xf32, #tpu.memory_space<hbm>>
    %dma_wait3A_670 = arith.constant 0 : i32
    %dma_wait3A_671 = arith.constant 0 : i32
    %dma_wait3A_672 = tpu.memref_slice %arg7[%dma_wait3A_661, %dma_wait3A_670, %dma_wait3A_671] : memref<2x800x64xf32, #tpu.memory_space<vmem>> -> memref<1x800x64xf32, #tpu.memory_space<vmem>>
    %dma_wait3A_673 = tpu.memref_squeeze %dma_wait3A_672 : memref<1x800x64xf32, #tpu.memory_space<vmem>> -> memref<800x64xf32, #tpu.memory_space<vmem>>
    tpu.wait_dma2 semaphore(%arg11 : memref<!tpu.dma_semaphore, #tpu.memory_space<semaphore_mem>>) src(%dma_wait3A_673 : memref<800x64xf32, #tpu.memory_space<vmem>>) dst(%dma_wait3A_669 : memref<800x64xf32, #tpu.memory_space<hbm>>)
    %add3A_674 = arith.constant 2400 : i32
    %add3A_675 = arith.addi %mul3A_2, %add3A_674 : i32
    %run_scoped3A_676 = arith.constant 1 : i32
    "tpu.region"() ({
      %run_scoped3A_2207 = tpu.sem_alloc : memref<!tpu.dma_semaphore, #tpu.memory_space<semaphore_mem>>
      %dma_start3A_2208 = arith.constant 0 : i32
      %dma_start3A_2209 = tpu.memref_slice %arg8[%run_scoped3A_676, %dma_start3A_2208] : memref<2x800xi32, #tpu.memory_space<vmem>> -> memref<1x800xi32, #tpu.memory_space<vmem>>
      %dma_start3A_2210 = tpu.memref_squeeze %dma_start3A_2209 : memref<1x800xi32, #tpu.memory_space<vmem>> -> memref<800xi32, #tpu.memory_space<vmem>>
      %dma_start3A_2211 = tpu.memref_slice %arg3[%add3A_675] : memref<204800xi32, #tpu.memory_space<hbm>> -> memref<800xi32, #tpu.memory_space<hbm>>
      %dma_start3A_2212 = arith.constant 0 : i32
      %dma_start3A_2213 = tpu.memref_slice %arg8[%run_scoped3A_676, %dma_start3A_2212] : memref<2x800xi32, #tpu.memory_space<vmem>> -> memref<1x800xi32, #tpu.memory_space<vmem>>
      %dma_start3A_2214 = tpu.memref_squeeze %dma_start3A_2213 : memref<1x800xi32, #tpu.memory_space<vmem>> -> memref<800xi32, #tpu.memory_space<vmem>>
      %dma_start3A_2215 = tpu.memref_slice %arg3[%add3A_675] : memref<204800xi32, #tpu.memory_space<hbm>> -> memref<800xi32, #tpu.memory_space<hbm>>
      tpu.enqueue_dma source(%dma_start3A_2215 : memref<800xi32, #tpu.memory_space<hbm>>) target(%dma_start3A_2214 : memref<800xi32, #tpu.memory_space<vmem>>) target_semaphore(%run_scoped3A_2207 : memref<!tpu.dma_semaphore, #tpu.memory_space<semaphore_mem>>)
      %dma_wait3A_2216 = arith.constant 0 : i32
      %dma_wait3A_2217 = tpu.memref_slice %arg8[%run_scoped3A_676, %dma_wait3A_2216] : memref<2x800xi32, #tpu.memory_space<vmem>> -> memref<1x800xi32, #tpu.memory_space<vmem>>
      %dma_wait3A_2218 = tpu.memref_squeeze %dma_wait3A_2217 : memref<1x800xi32, #tpu.memory_space<vmem>> -> memref<800xi32, #tpu.memory_space<vmem>>
      %dma_wait3A_2219 = tpu.memref_slice %arg3[%add3A_675] : memref<204800xi32, #tpu.memory_space<hbm>> -> memref<800xi32, #tpu.memory_space<hbm>>
      %dma_wait3A_2220 = arith.constant 0 : i32
      %dma_wait3A_2221 = tpu.memref_slice %arg8[%run_scoped3A_676, %dma_wait3A_2220] : memref<2x800xi32, #tpu.memory_space<vmem>> -> memref<1x800xi32, #tpu.memory_space<vmem>>
      %dma_wait3A_2222 = tpu.memref_squeeze %dma_wait3A_2221 : memref<1x800xi32, #tpu.memory_space<vmem>> -> memref<800xi32, #tpu.memory_space<vmem>>
      %dma_wait3A_2223 = tpu.memref_slice %arg3[%add3A_675] : memref<204800xi32, #tpu.memory_space<hbm>> -> memref<800xi32, #tpu.memory_space<hbm>>
      tpu.wait_dma2 semaphore(%run_scoped3A_2207 : memref<!tpu.dma_semaphore, #tpu.memory_space<semaphore_mem>>) src(%dma_wait3A_2223 : memref<800xi32, #tpu.memory_space<hbm>>) dst(%dma_wait3A_2222 : memref<800xi32, #tpu.memory_space<vmem>>)
      tpu.yield
    }) : () -> ()
    %dma_start3A_677 = arith.constant 1 : i32
    %dma_start3A_678 = arith.constant 1 : i32
    %dma_start3A_679 = arith.constant 0 : i32
    %dma_start3A_680 = arith.constant 0 : i32
    %dma_start3A_681 = tpu.memref_slice %arg7[%dma_start3A_678, %dma_start3A_679, %dma_start3A_680] : memref<2x800x64xf32, #tpu.memory_space<vmem>> -> memref<1x80x64xf32, #tpu.memory_space<vmem>>
    %dma_start3A_682 = tpu.memref_squeeze %dma_start3A_681 : memref<1x80x64xf32, #tpu.memory_space<vmem>> -> memref<80x64xf32, #tpu.memory_space<vmem>>
    %dma_start3A_683 = arith.constant 0 : i32
    %dma_start3A_684 = tpu.memref_slice %arg8[%dma_start3A_677, %dma_start3A_683] : memref<2x800xi32, #tpu.memory_space<vmem>> -> memref<1x80xi32, #tpu.memory_space<vmem>>
    %dma_start3A_685 = tpu.memref_squeeze %dma_start3A_684 : memref<1x80xi32, #tpu.memory_space<vmem>> -> memref<80xi32, #tpu.memory_space<vmem>>
    %dma_start3A_686 = arith.constant 0 : i32
    %dma_start3A_687 = arith.constant 0 : i32
    %dma_start3A_688 = tpu.memref_slice %arg2[%dma_start3A_686, %dma_start3A_687] : memref<100000x64xf32, #tpu.memory_space<hbm>> -> memref<100000x64xf32, #tpu.memory_space<hbm>>
    tpu.enqueue_indirect_dma source(%dma_start3A_688 : memref<100000x64xf32, #tpu.memory_space<hbm>>) target(%dma_start3A_682 : memref<80x64xf32, #tpu.memory_space<vmem>>) offsets(%dma_start3A_685 : memref<80xi32, #tpu.memory_space<vmem>>) semaphore(%arg10 : memref<!tpu.dma_semaphore, #tpu.memory_space<semaphore_mem>>)
    %dma_start3A_689 = arith.constant 1 : i32
    %dma_start3A_690 = arith.constant 1 : i32
    %dma_start3A_691 = arith.constant 80 : i32
    %dma_start3A_692 = arith.constant 0 : i32
    %dma_start3A_693 = tpu.memref_slice %arg7[%dma_start3A_690, %dma_start3A_691, %dma_start3A_692] : memref<2x800x64xf32, #tpu.memory_space<vmem>> -> memref<1x80x64xf32, #tpu.memory_space<vmem>>
    %dma_start3A_694 = tpu.memref_squeeze %dma_start3A_693 : memref<1x80x64xf32, #tpu.memory_space<vmem>> -> memref<80x64xf32, #tpu.memory_space<vmem>>
    %dma_start3A_695 = arith.constant 80 : i32
    %dma_start3A_696 = tpu.memref_slice %arg8[%dma_start3A_689, %dma_start3A_695] : memref<2x800xi32, #tpu.memory_space<vmem>> -> memref<1x80xi32, #tpu.memory_space<vmem>>
    %dma_start3A_697 = tpu.memref_squeeze %dma_start3A_696 : memref<1x80xi32, #tpu.memory_space<vmem>> -> memref<80xi32, #tpu.memory_space<vmem>>
    %dma_start3A_698 = arith.constant 0 : i32
    %dma_start3A_699 = arith.constant 0 : i32
    %dma_start3A_700 = tpu.memref_slice %arg2[%dma_start3A_698, %dma_start3A_699] : memref<100000x64xf32, #tpu.memory_space<hbm>> -> memref<100000x64xf32, #tpu.memory_space<hbm>>
    tpu.enqueue_indirect_dma source(%dma_start3A_700 : memref<100000x64xf32, #tpu.memory_space<hbm>>) target(%dma_start3A_694 : memref<80x64xf32, #tpu.memory_space<vmem>>) offsets(%dma_start3A_697 : memref<80xi32, #tpu.memory_space<vmem>>) semaphore(%arg10 : memref<!tpu.dma_semaphore, #tpu.memory_space<semaphore_mem>>)
    %dma_start3A_701 = arith.constant 1 : i32
    %dma_start3A_702 = arith.constant 1 : i32
    %dma_start3A_703 = arith.constant 160 : i32
    %dma_start3A_704 = arith.constant 0 : i32
    %dma_start3A_705 = tpu.memref_slice %arg7[%dma_start3A_702, %dma_start3A_703, %dma_start3A_704] : memref<2x800x64xf32, #tpu.memory_space<vmem>> -> memref<1x80x64xf32, #tpu.memory_space<vmem>>
    %dma_start3A_706 = tpu.memref_squeeze %dma_start3A_705 : memref<1x80x64xf32, #tpu.memory_space<vmem>> -> memref<80x64xf32, #tpu.memory_space<vmem>>
    %dma_start3A_707 = arith.constant 160 : i32
    %dma_start3A_708 = tpu.memref_slice %arg8[%dma_start3A_701, %dma_start3A_707] : memref<2x800xi32, #tpu.memory_space<vmem>> -> memref<1x80xi32, #tpu.memory_space<vmem>>
    %dma_start3A_709 = tpu.memref_squeeze %dma_start3A_708 : memref<1x80xi32, #tpu.memory_space<vmem>> -> memref<80xi32, #tpu.memory_space<vmem>>
    %dma_start3A_710 = arith.constant 0 : i32
    %dma_start3A_711 = arith.constant 0 : i32
    %dma_start3A_712 = tpu.memref_slice %arg2[%dma_start3A_710, %dma_start3A_711] : memref<100000x64xf32, #tpu.memory_space<hbm>> -> memref<100000x64xf32, #tpu.memory_space<hbm>>
    tpu.enqueue_indirect_dma source(%dma_start3A_712 : memref<100000x64xf32, #tpu.memory_space<hbm>>) target(%dma_start3A_706 : memref<80x64xf32, #tpu.memory_space<vmem>>) offsets(%dma_start3A_709 : memref<80xi32, #tpu.memory_space<vmem>>) semaphore(%arg10 : memref<!tpu.dma_semaphore, #tpu.memory_space<semaphore_mem>>)
    %dma_start3A_713 = arith.constant 1 : i32
    %dma_start3A_714 = arith.constant 1 : i32
    %dma_start3A_715 = arith.constant 240 : i32
    %dma_start3A_716 = arith.constant 0 : i32
    %dma_start3A_717 = tpu.memref_slice %arg7[%dma_start3A_714, %dma_start3A_715, %dma_start3A_716] : memref<2x800x64xf32, #tpu.memory_space<vmem>> -> memref<1x80x64xf32, #tpu.memory_space<vmem>>
    %dma_start3A_718 = tpu.memref_squeeze %dma_start3A_717 : memref<1x80x64xf32, #tpu.memory_space<vmem>> -> memref<80x64xf32, #tpu.memory_space<vmem>>
    %dma_start3A_719 = arith.constant 240 : i32
    %dma_start3A_720 = tpu.memref_slice %arg8[%dma_start3A_713, %dma_start3A_719] : memref<2x800xi32, #tpu.memory_space<vmem>> -> memref<1x80xi32, #tpu.memory_space<vmem>>
    %dma_start3A_721 = tpu.memref_squeeze %dma_start3A_720 : memref<1x80xi32, #tpu.memory_space<vmem>> -> memref<80xi32, #tpu.memory_space<vmem>>
    %dma_start3A_722 = arith.constant 0 : i32
    %dma_start3A_723 = arith.constant 0 : i32
    %dma_start3A_724 = tpu.memref_slice %arg2[%dma_start3A_722, %dma_start3A_723] : memref<100000x64xf32, #tpu.memory_space<hbm>> -> memref<100000x64xf32, #tpu.memory_space<hbm>>
    tpu.enqueue_indirect_dma source(%dma_start3A_724 : memref<100000x64xf32, #tpu.memory_space<hbm>>) target(%dma_start3A_718 : memref<80x64xf32, #tpu.memory_space<vmem>>) offsets(%dma_start3A_721 : memref<80xi32, #tpu.memory_space<vmem>>) semaphore(%arg10 : memref<!tpu.dma_semaphore, #tpu.memory_space<semaphore_mem>>)
    %dma_start3A_725 = arith.constant 1 : i32
    %dma_start3A_726 = arith.constant 1 : i32
    %dma_start3A_727 = arith.constant 320 : i32
    %dma_start3A_728 = arith.constant 0 : i32
    %dma_start3A_729 = tpu.memref_slice %arg7[%dma_start3A_726, %dma_start3A_727, %dma_start3A_728] : memref<2x800x64xf32, #tpu.memory_space<vmem>> -> memref<1x80x64xf32, #tpu.memory_space<vmem>>
    %dma_start3A_730 = tpu.memref_squeeze %dma_start3A_729 : memref<1x80x64xf32, #tpu.memory_space<vmem>> -> memref<80x64xf32, #tpu.memory_space<vmem>>
    %dma_start3A_731 = arith.constant 320 : i32
    %dma_start3A_732 = tpu.memref_slice %arg8[%dma_start3A_725, %dma_start3A_731] : memref<2x800xi32, #tpu.memory_space<vmem>> -> memref<1x80xi32, #tpu.memory_space<vmem>>
    %dma_start3A_733 = tpu.memref_squeeze %dma_start3A_732 : memref<1x80xi32, #tpu.memory_space<vmem>> -> memref<80xi32, #tpu.memory_space<vmem>>
    %dma_start3A_734 = arith.constant 0 : i32
    %dma_start3A_735 = arith.constant 0 : i32
    %dma_start3A_736 = tpu.memref_slice %arg2[%dma_start3A_734, %dma_start3A_735] : memref<100000x64xf32, #tpu.memory_space<hbm>> -> memref<100000x64xf32, #tpu.memory_space<hbm>>
    tpu.enqueue_indirect_dma source(%dma_start3A_736 : memref<100000x64xf32, #tpu.memory_space<hbm>>) target(%dma_start3A_730 : memref<80x64xf32, #tpu.memory_space<vmem>>) offsets(%dma_start3A_733 : memref<80xi32, #tpu.memory_space<vmem>>) semaphore(%arg10 : memref<!tpu.dma_semaphore, #tpu.memory_space<semaphore_mem>>)
    %dma_start3A_737 = arith.constant 1 : i32
    %dma_start3A_738 = arith.constant 1 : i32
    %dma_start3A_739 = arith.constant 400 : i32
    %dma_start3A_740 = arith.constant 0 : i32
    %dma_start3A_741 = tpu.memref_slice %arg7[%dma_start3A_738, %dma_start3A_739, %dma_start3A_740] : memref<2x800x64xf32, #tpu.memory_space<vmem>> -> memref<1x80x64xf32, #tpu.memory_space<vmem>>
    %dma_start3A_742 = tpu.memref_squeeze %dma_start3A_741 : memref<1x80x64xf32, #tpu.memory_space<vmem>> -> memref<80x64xf32, #tpu.memory_space<vmem>>
    %dma_start3A_743 = arith.constant 400 : i32
    %dma_start3A_744 = tpu.memref_slice %arg8[%dma_start3A_737, %dma_start3A_743] : memref<2x800xi32, #tpu.memory_space<vmem>> -> memref<1x80xi32, #tpu.memory_space<vmem>>
    %dma_start3A_745 = tpu.memref_squeeze %dma_start3A_744 : memref<1x80xi32, #tpu.memory_space<vmem>> -> memref<80xi32, #tpu.memory_space<vmem>>
    %dma_start3A_746 = arith.constant 0 : i32
    %dma_start3A_747 = arith.constant 0 : i32
    %dma_start3A_748 = tpu.memref_slice %arg2[%dma_start3A_746, %dma_start3A_747] : memref<100000x64xf32, #tpu.memory_space<hbm>> -> memref<100000x64xf32, #tpu.memory_space<hbm>>
    tpu.enqueue_indirect_dma source(%dma_start3A_748 : memref<100000x64xf32, #tpu.memory_space<hbm>>) target(%dma_start3A_742 : memref<80x64xf32, #tpu.memory_space<vmem>>) offsets(%dma_start3A_745 : memref<80xi32, #tpu.memory_space<vmem>>) semaphore(%arg10 : memref<!tpu.dma_semaphore, #tpu.memory_space<semaphore_mem>>)
    %dma_start3A_749 = arith.constant 1 : i32
    %dma_start3A_750 = arith.constant 1 : i32
    %dma_start3A_751 = arith.constant 480 : i32
    %dma_start3A_752 = arith.constant 0 : i32
    %dma_start3A_753 = tpu.memref_slice %arg7[%dma_start3A_750, %dma_start3A_751, %dma_start3A_752] : memref<2x800x64xf32, #tpu.memory_space<vmem>> -> memref<1x80x64xf32, #tpu.memory_space<vmem>>
    %dma_start3A_754 = tpu.memref_squeeze %dma_start3A_753 : memref<1x80x64xf32, #tpu.memory_space<vmem>> -> memref<80x64xf32, #tpu.memory_space<vmem>>
    %dma_start3A_755 = arith.constant 480 : i32
    %dma_start3A_756 = tpu.memref_slice %arg8[%dma_start3A_749, %dma_start3A_755] : memref<2x800xi32, #tpu.memory_space<vmem>> -> memref<1x80xi32, #tpu.memory_space<vmem>>
    %dma_start3A_757 = tpu.memref_squeeze %dma_start3A_756 : memref<1x80xi32, #tpu.memory_space<vmem>> -> memref<80xi32, #tpu.memory_space<vmem>>
    %dma_start3A_758 = arith.constant 0 : i32
    %dma_start3A_759 = arith.constant 0 : i32
    %dma_start3A_760 = tpu.memref_slice %arg2[%dma_start3A_758, %dma_start3A_759] : memref<100000x64xf32, #tpu.memory_space<hbm>> -> memref<100000x64xf32, #tpu.memory_space<hbm>>
    tpu.enqueue_indirect_dma source(%dma_start3A_760 : memref<100000x64xf32, #tpu.memory_space<hbm>>) target(%dma_start3A_754 : memref<80x64xf32, #tpu.memory_space<vmem>>) offsets(%dma_start3A_757 : memref<80xi32, #tpu.memory_space<vmem>>) semaphore(%arg10 : memref<!tpu.dma_semaphore, #tpu.memory_space<semaphore_mem>>)
    %dma_start3A_761 = arith.constant 1 : i32
    %dma_start3A_762 = arith.constant 1 : i32
    %dma_start3A_763 = arith.constant 560 : i32
    %dma_start3A_764 = arith.constant 0 : i32
    %dma_start3A_765 = tpu.memref_slice %arg7[%dma_start3A_762, %dma_start3A_763, %dma_start3A_764] : memref<2x800x64xf32, #tpu.memory_space<vmem>> -> memref<1x80x64xf32, #tpu.memory_space<vmem>>
    %dma_start3A_766 = tpu.memref_squeeze %dma_start3A_765 : memref<1x80x64xf32, #tpu.memory_space<vmem>> -> memref<80x64xf32, #tpu.memory_space<vmem>>
    %dma_start3A_767 = arith.constant 560 : i32
    %dma_start3A_768 = tpu.memref_slice %arg8[%dma_start3A_761, %dma_start3A_767] : memref<2x800xi32, #tpu.memory_space<vmem>> -> memref<1x80xi32, #tpu.memory_space<vmem>>
    %dma_start3A_769 = tpu.memref_squeeze %dma_start3A_768 : memref<1x80xi32, #tpu.memory_space<vmem>> -> memref<80xi32, #tpu.memory_space<vmem>>
    %dma_start3A_770 = arith.constant 0 : i32
    %dma_start3A_771 = arith.constant 0 : i32
    %dma_start3A_772 = tpu.memref_slice %arg2[%dma_start3A_770, %dma_start3A_771] : memref<100000x64xf32, #tpu.memory_space<hbm>> -> memref<100000x64xf32, #tpu.memory_space<hbm>>
    tpu.enqueue_indirect_dma source(%dma_start3A_772 : memref<100000x64xf32, #tpu.memory_space<hbm>>) target(%dma_start3A_766 : memref<80x64xf32, #tpu.memory_space<vmem>>) offsets(%dma_start3A_769 : memref<80xi32, #tpu.memory_space<vmem>>) semaphore(%arg10 : memref<!tpu.dma_semaphore, #tpu.memory_space<semaphore_mem>>)
    %dma_start3A_773 = arith.constant 1 : i32
    %dma_start3A_774 = arith.constant 1 : i32
    %dma_start3A_775 = arith.constant 640 : i32
    %dma_start3A_776 = arith.constant 0 : i32
    %dma_start3A_777 = tpu.memref_slice %arg7[%dma_start3A_774, %dma_start3A_775, %dma_start3A_776] : memref<2x800x64xf32, #tpu.memory_space<vmem>> -> memref<1x80x64xf32, #tpu.memory_space<vmem>>
    %dma_start3A_778 = tpu.memref_squeeze %dma_start3A_777 : memref<1x80x64xf32, #tpu.memory_space<vmem>> -> memref<80x64xf32, #tpu.memory_space<vmem>>
    %dma_start3A_779 = arith.constant 640 : i32
    %dma_start3A_780 = tpu.memref_slice %arg8[%dma_start3A_773, %dma_start3A_779] : memref<2x800xi32, #tpu.memory_space<vmem>> -> memref<1x80xi32, #tpu.memory_space<vmem>>
    %dma_start3A_781 = tpu.memref_squeeze %dma_start3A_780 : memref<1x80xi32, #tpu.memory_space<vmem>> -> memref<80xi32, #tpu.memory_space<vmem>>
    %dma_start3A_782 = arith.constant 0 : i32
    %dma_start3A_783 = arith.constant 0 : i32
    %dma_start3A_784 = tpu.memref_slice %arg2[%dma_start3A_782, %dma_start3A_783] : memref<100000x64xf32, #tpu.memory_space<hbm>> -> memref<100000x64xf32, #tpu.memory_space<hbm>>
    tpu.enqueue_indirect_dma source(%dma_start3A_784 : memref<100000x64xf32, #tpu.memory_space<hbm>>) target(%dma_start3A_778 : memref<80x64xf32, #tpu.memory_space<vmem>>) offsets(%dma_start3A_781 : memref<80xi32, #tpu.memory_space<vmem>>) semaphore(%arg10 : memref<!tpu.dma_semaphore, #tpu.memory_space<semaphore_mem>>)
    %dma_start3A_785 = arith.constant 1 : i32
    %dma_start3A_786 = arith.constant 1 : i32
    %dma_start3A_787 = arith.constant 720 : i32
    %dma_start3A_788 = arith.constant 0 : i32
    %dma_start3A_789 = tpu.memref_slice %arg7[%dma_start3A_786, %dma_start3A_787, %dma_start3A_788] : memref<2x800x64xf32, #tpu.memory_space<vmem>> -> memref<1x80x64xf32, #tpu.memory_space<vmem>>
    %dma_start3A_790 = tpu.memref_squeeze %dma_start3A_789 : memref<1x80x64xf32, #tpu.memory_space<vmem>> -> memref<80x64xf32, #tpu.memory_space<vmem>>
    %dma_start3A_791 = arith.constant 720 : i32
    %dma_start3A_792 = tpu.memref_slice %arg8[%dma_start3A_785, %dma_start3A_791] : memref<2x800xi32, #tpu.memory_space<vmem>> -> memref<1x80xi32, #tpu.memory_space<vmem>>
    %dma_start3A_793 = tpu.memref_squeeze %dma_start3A_792 : memref<1x80xi32, #tpu.memory_space<vmem>> -> memref<80xi32, #tpu.memory_space<vmem>>
    %dma_start3A_794 = arith.constant 0 : i32
    %dma_start3A_795 = arith.constant 0 : i32
    %dma_start3A_796 = tpu.memref_slice %arg2[%dma_start3A_794, %dma_start3A_795] : memref<100000x64xf32, #tpu.memory_space<hbm>> -> memref<100000x64xf32, #tpu.memory_space<hbm>>
    tpu.enqueue_indirect_dma source(%dma_start3A_796 : memref<100000x64xf32, #tpu.memory_space<hbm>>) target(%dma_start3A_790 : memref<80x64xf32, #tpu.memory_space<vmem>>) offsets(%dma_start3A_793 : memref<80xi32, #tpu.memory_space<vmem>>) semaphore(%arg10 : memref<!tpu.dma_semaphore, #tpu.memory_space<semaphore_mem>>)
    %dma_wait3A_797 = arith.constant 0 : i32
    %dma_wait3A_798 = arith.constant 0 : i32
    %dma_wait3A_799 = arith.constant 0 : i32
    %dma_wait3A_800 = arith.constant 0 : i32
    %dma_wait3A_801 = tpu.memref_slice %arg7[%dma_wait3A_798, %dma_wait3A_799, %dma_wait3A_800] : memref<2x800x64xf32, #tpu.memory_space<vmem>> -> memref<1x80x64xf32, #tpu.memory_space<vmem>>
    %dma_wait3A_802 = tpu.memref_squeeze %dma_wait3A_801 : memref<1x80x64xf32, #tpu.memory_space<vmem>> -> memref<80x64xf32, #tpu.memory_space<vmem>>
    %dma_wait3A_803 = arith.constant 0 : i32
    %dma_wait3A_804 = tpu.memref_slice %arg8[%dma_wait3A_797, %dma_wait3A_803] : memref<2x800xi32, #tpu.memory_space<vmem>> -> memref<1x80xi32, #tpu.memory_space<vmem>>
    %dma_wait3A_805 = tpu.memref_squeeze %dma_wait3A_804 : memref<1x80xi32, #tpu.memory_space<vmem>> -> memref<80xi32, #tpu.memory_space<vmem>>
    %dma_wait3A_806 = arith.constant 0 : i32
    %dma_wait3A_807 = arith.constant 0 : i32
    %dma_wait3A_808 = tpu.memref_slice %arg2[%dma_wait3A_806, %dma_wait3A_807] : memref<100000x64xf32, #tpu.memory_space<hbm>> -> memref<100000x64xf32, #tpu.memory_space<hbm>>
    tpu.wait_indirect_dma semaphore(%arg9 : memref<!tpu.dma_semaphore, #tpu.memory_space<semaphore_mem>>) src(%dma_wait3A_808 : memref<100000x64xf32, #tpu.memory_space<hbm>>) dst(%dma_wait3A_802 : memref<80x64xf32, #tpu.memory_space<vmem>>)
    %dma_wait3A_809 = arith.constant 0 : i32
    %dma_wait3A_810 = arith.constant 0 : i32
    %dma_wait3A_811 = arith.constant 80 : i32
    %dma_wait3A_812 = arith.constant 0 : i32
    %dma_wait3A_813 = tpu.memref_slice %arg7[%dma_wait3A_810, %dma_wait3A_811, %dma_wait3A_812] : memref<2x800x64xf32, #tpu.memory_space<vmem>> -> memref<1x80x64xf32, #tpu.memory_space<vmem>>
    %dma_wait3A_814 = tpu.memref_squeeze %dma_wait3A_813 : memref<1x80x64xf32, #tpu.memory_space<vmem>> -> memref<80x64xf32, #tpu.memory_space<vmem>>
    %dma_wait3A_815 = arith.constant 80 : i32
    %dma_wait3A_816 = tpu.memref_slice %arg8[%dma_wait3A_809, %dma_wait3A_815] : memref<2x800xi32, #tpu.memory_space<vmem>> -> memref<1x80xi32, #tpu.memory_space<vmem>>
    %dma_wait3A_817 = tpu.memref_squeeze %dma_wait3A_816 : memref<1x80xi32, #tpu.memory_space<vmem>> -> memref<80xi32, #tpu.memory_space<vmem>>
    %dma_wait3A_818 = arith.constant 0 : i32
    %dma_wait3A_819 = arith.constant 0 : i32
    %dma_wait3A_820 = tpu.memref_slice %arg2[%dma_wait3A_818, %dma_wait3A_819] : memref<100000x64xf32, #tpu.memory_space<hbm>> -> memref<100000x64xf32, #tpu.memory_space<hbm>>
    tpu.wait_indirect_dma semaphore(%arg9 : memref<!tpu.dma_semaphore, #tpu.memory_space<semaphore_mem>>) src(%dma_wait3A_820 : memref<100000x64xf32, #tpu.memory_space<hbm>>) dst(%dma_wait3A_814 : memref<80x64xf32, #tpu.memory_space<vmem>>)
    %dma_wait3A_821 = arith.constant 0 : i32
    %dma_wait3A_822 = arith.constant 0 : i32
    %dma_wait3A_823 = arith.constant 160 : i32
    %dma_wait3A_824 = arith.constant 0 : i32
    %dma_wait3A_825 = tpu.memref_slice %arg7[%dma_wait3A_822, %dma_wait3A_823, %dma_wait3A_824] : memref<2x800x64xf32, #tpu.memory_space<vmem>> -> memref<1x80x64xf32, #tpu.memory_space<vmem>>
    %dma_wait3A_826 = tpu.memref_squeeze %dma_wait3A_825 : memref<1x80x64xf32, #tpu.memory_space<vmem>> -> memref<80x64xf32, #tpu.memory_space<vmem>>
    %dma_wait3A_827 = arith.constant 160 : i32
    %dma_wait3A_828 = tpu.memref_slice %arg8[%dma_wait3A_821, %dma_wait3A_827] : memref<2x800xi32, #tpu.memory_space<vmem>> -> memref<1x80xi32, #tpu.memory_space<vmem>>
    %dma_wait3A_829 = tpu.memref_squeeze %dma_wait3A_828 : memref<1x80xi32, #tpu.memory_space<vmem>> -> memref<80xi32, #tpu.memory_space<vmem>>
    %dma_wait3A_830 = arith.constant 0 : i32
    %dma_wait3A_831 = arith.constant 0 : i32
    %dma_wait3A_832 = tpu.memref_slice %arg2[%dma_wait3A_830, %dma_wait3A_831] : memref<100000x64xf32, #tpu.memory_space<hbm>> -> memref<100000x64xf32, #tpu.memory_space<hbm>>
    tpu.wait_indirect_dma semaphore(%arg9 : memref<!tpu.dma_semaphore, #tpu.memory_space<semaphore_mem>>) src(%dma_wait3A_832 : memref<100000x64xf32, #tpu.memory_space<hbm>>) dst(%dma_wait3A_826 : memref<80x64xf32, #tpu.memory_space<vmem>>)
    %dma_wait3A_833 = arith.constant 0 : i32
    %dma_wait3A_834 = arith.constant 0 : i32
    %dma_wait3A_835 = arith.constant 240 : i32
    %dma_wait3A_836 = arith.constant 0 : i32
    %dma_wait3A_837 = tpu.memref_slice %arg7[%dma_wait3A_834, %dma_wait3A_835, %dma_wait3A_836] : memref<2x800x64xf32, #tpu.memory_space<vmem>> -> memref<1x80x64xf32, #tpu.memory_space<vmem>>
    %dma_wait3A_838 = tpu.memref_squeeze %dma_wait3A_837 : memref<1x80x64xf32, #tpu.memory_space<vmem>> -> memref<80x64xf32, #tpu.memory_space<vmem>>
    %dma_wait3A_839 = arith.constant 240 : i32
    %dma_wait3A_840 = tpu.memref_slice %arg8[%dma_wait3A_833, %dma_wait3A_839] : memref<2x800xi32, #tpu.memory_space<vmem>> -> memref<1x80xi32, #tpu.memory_space<vmem>>
    %dma_wait3A_841 = tpu.memref_squeeze %dma_wait3A_840 : memref<1x80xi32, #tpu.memory_space<vmem>> -> memref<80xi32, #tpu.memory_space<vmem>>
    %dma_wait3A_842 = arith.constant 0 : i32
    %dma_wait3A_843 = arith.constant 0 : i32
    %dma_wait3A_844 = tpu.memref_slice %arg2[%dma_wait3A_842, %dma_wait3A_843] : memref<100000x64xf32, #tpu.memory_space<hbm>> -> memref<100000x64xf32, #tpu.memory_space<hbm>>
    tpu.wait_indirect_dma semaphore(%arg9 : memref<!tpu.dma_semaphore, #tpu.memory_space<semaphore_mem>>) src(%dma_wait3A_844 : memref<100000x64xf32, #tpu.memory_space<hbm>>) dst(%dma_wait3A_838 : memref<80x64xf32, #tpu.memory_space<vmem>>)
    %dma_wait3A_845 = arith.constant 0 : i32
    %dma_wait3A_846 = arith.constant 0 : i32
    %dma_wait3A_847 = arith.constant 320 : i32
    %dma_wait3A_848 = arith.constant 0 : i32
    %dma_wait3A_849 = tpu.memref_slice %arg7[%dma_wait3A_846, %dma_wait3A_847, %dma_wait3A_848] : memref<2x800x64xf32, #tpu.memory_space<vmem>> -> memref<1x80x64xf32, #tpu.memory_space<vmem>>
    %dma_wait3A_850 = tpu.memref_squeeze %dma_wait3A_849 : memref<1x80x64xf32, #tpu.memory_space<vmem>> -> memref<80x64xf32, #tpu.memory_space<vmem>>
    %dma_wait3A_851 = arith.constant 320 : i32
    %dma_wait3A_852 = tpu.memref_slice %arg8[%dma_wait3A_845, %dma_wait3A_851] : memref<2x800xi32, #tpu.memory_space<vmem>> -> memref<1x80xi32, #tpu.memory_space<vmem>>
    %dma_wait3A_853 = tpu.memref_squeeze %dma_wait3A_852 : memref<1x80xi32, #tpu.memory_space<vmem>> -> memref<80xi32, #tpu.memory_space<vmem>>
    %dma_wait3A_854 = arith.constant 0 : i32
    %dma_wait3A_855 = arith.constant 0 : i32
    %dma_wait3A_856 = tpu.memref_slice %arg2[%dma_wait3A_854, %dma_wait3A_855] : memref<100000x64xf32, #tpu.memory_space<hbm>> -> memref<100000x64xf32, #tpu.memory_space<hbm>>
    tpu.wait_indirect_dma semaphore(%arg9 : memref<!tpu.dma_semaphore, #tpu.memory_space<semaphore_mem>>) src(%dma_wait3A_856 : memref<100000x64xf32, #tpu.memory_space<hbm>>) dst(%dma_wait3A_850 : memref<80x64xf32, #tpu.memory_space<vmem>>)
    %dma_wait3A_857 = arith.constant 0 : i32
    %dma_wait3A_858 = arith.constant 0 : i32
    %dma_wait3A_859 = arith.constant 400 : i32
    %dma_wait3A_860 = arith.constant 0 : i32
    %dma_wait3A_861 = tpu.memref_slice %arg7[%dma_wait3A_858, %dma_wait3A_859, %dma_wait3A_860] : memref<2x800x64xf32, #tpu.memory_space<vmem>> -> memref<1x80x64xf32, #tpu.memory_space<vmem>>
    %dma_wait3A_862 = tpu.memref_squeeze %dma_wait3A_861 : memref<1x80x64xf32, #tpu.memory_space<vmem>> -> memref<80x64xf32, #tpu.memory_space<vmem>>
    %dma_wait3A_863 = arith.constant 400 : i32
    %dma_wait3A_864 = tpu.memref_slice %arg8[%dma_wait3A_857, %dma_wait3A_863] : memref<2x800xi32, #tpu.memory_space<vmem>> -> memref<1x80xi32, #tpu.memory_space<vmem>>
    %dma_wait3A_865 = tpu.memref_squeeze %dma_wait3A_864 : memref<1x80xi32, #tpu.memory_space<vmem>> -> memref<80xi32, #tpu.memory_space<vmem>>
    %dma_wait3A_866 = arith.constant 0 : i32
    %dma_wait3A_867 = arith.constant 0 : i32
    %dma_wait3A_868 = tpu.memref_slice %arg2[%dma_wait3A_866, %dma_wait3A_867] : memref<100000x64xf32, #tpu.memory_space<hbm>> -> memref<100000x64xf32, #tpu.memory_space<hbm>>
    tpu.wait_indirect_dma semaphore(%arg9 : memref<!tpu.dma_semaphore, #tpu.memory_space<semaphore_mem>>) src(%dma_wait3A_868 : memref<100000x64xf32, #tpu.memory_space<hbm>>) dst(%dma_wait3A_862 : memref<80x64xf32, #tpu.memory_space<vmem>>)
    %dma_wait3A_869 = arith.constant 0 : i32
    %dma_wait3A_870 = arith.constant 0 : i32
    %dma_wait3A_871 = arith.constant 480 : i32
    %dma_wait3A_872 = arith.constant 0 : i32
    %dma_wait3A_873 = tpu.memref_slice %arg7[%dma_wait3A_870, %dma_wait3A_871, %dma_wait3A_872] : memref<2x800x64xf32, #tpu.memory_space<vmem>> -> memref<1x80x64xf32, #tpu.memory_space<vmem>>
    %dma_wait3A_874 = tpu.memref_squeeze %dma_wait3A_873 : memref<1x80x64xf32, #tpu.memory_space<vmem>> -> memref<80x64xf32, #tpu.memory_space<vmem>>
    %dma_wait3A_875 = arith.constant 480 : i32
    %dma_wait3A_876 = tpu.memref_slice %arg8[%dma_wait3A_869, %dma_wait3A_875] : memref<2x800xi32, #tpu.memory_space<vmem>> -> memref<1x80xi32, #tpu.memory_space<vmem>>
    %dma_wait3A_877 = tpu.memref_squeeze %dma_wait3A_876 : memref<1x80xi32, #tpu.memory_space<vmem>> -> memref<80xi32, #tpu.memory_space<vmem>>
    %dma_wait3A_878 = arith.constant 0 : i32
    %dma_wait3A_879 = arith.constant 0 : i32
    %dma_wait3A_880 = tpu.memref_slice %arg2[%dma_wait3A_878, %dma_wait3A_879] : memref<100000x64xf32, #tpu.memory_space<hbm>> -> memref<100000x64xf32, #tpu.memory_space<hbm>>
    tpu.wait_indirect_dma semaphore(%arg9 : memref<!tpu.dma_semaphore, #tpu.memory_space<semaphore_mem>>) src(%dma_wait3A_880 : memref<100000x64xf32, #tpu.memory_space<hbm>>) dst(%dma_wait3A_874 : memref<80x64xf32, #tpu.memory_space<vmem>>)
    %dma_wait3A_881 = arith.constant 0 : i32
    %dma_wait3A_882 = arith.constant 0 : i32
    %dma_wait3A_883 = arith.constant 560 : i32
    %dma_wait3A_884 = arith.constant 0 : i32
    %dma_wait3A_885 = tpu.memref_slice %arg7[%dma_wait3A_882, %dma_wait3A_883, %dma_wait3A_884] : memref<2x800x64xf32, #tpu.memory_space<vmem>> -> memref<1x80x64xf32, #tpu.memory_space<vmem>>
    %dma_wait3A_886 = tpu.memref_squeeze %dma_wait3A_885 : memref<1x80x64xf32, #tpu.memory_space<vmem>> -> memref<80x64xf32, #tpu.memory_space<vmem>>
    %dma_wait3A_887 = arith.constant 560 : i32
    %dma_wait3A_888 = tpu.memref_slice %arg8[%dma_wait3A_881, %dma_wait3A_887] : memref<2x800xi32, #tpu.memory_space<vmem>> -> memref<1x80xi32, #tpu.memory_space<vmem>>
    %dma_wait3A_889 = tpu.memref_squeeze %dma_wait3A_888 : memref<1x80xi32, #tpu.memory_space<vmem>> -> memref<80xi32, #tpu.memory_space<vmem>>
    %dma_wait3A_890 = arith.constant 0 : i32
    %dma_wait3A_891 = arith.constant 0 : i32
    %dma_wait3A_892 = tpu.memref_slice %arg2[%dma_wait3A_890, %dma_wait3A_891] : memref<100000x64xf32, #tpu.memory_space<hbm>> -> memref<100000x64xf32, #tpu.memory_space<hbm>>
    tpu.wait_indirect_dma semaphore(%arg9 : memref<!tpu.dma_semaphore, #tpu.memory_space<semaphore_mem>>) src(%dma_wait3A_892 : memref<100000x64xf32, #tpu.memory_space<hbm>>) dst(%dma_wait3A_886 : memref<80x64xf32, #tpu.memory_space<vmem>>)
    %dma_wait3A_893 = arith.constant 0 : i32
    %dma_wait3A_894 = arith.constant 0 : i32
    %dma_wait3A_895 = arith.constant 640 : i32
    %dma_wait3A_896 = arith.constant 0 : i32
    %dma_wait3A_897 = tpu.memref_slice %arg7[%dma_wait3A_894, %dma_wait3A_895, %dma_wait3A_896] : memref<2x800x64xf32, #tpu.memory_space<vmem>> -> memref<1x80x64xf32, #tpu.memory_space<vmem>>
    %dma_wait3A_898 = tpu.memref_squeeze %dma_wait3A_897 : memref<1x80x64xf32, #tpu.memory_space<vmem>> -> memref<80x64xf32, #tpu.memory_space<vmem>>
    %dma_wait3A_899 = arith.constant 640 : i32
    %dma_wait3A_900 = tpu.memref_slice %arg8[%dma_wait3A_893, %dma_wait3A_899] : memref<2x800xi32, #tpu.memory_space<vmem>> -> memref<1x80xi32, #tpu.memory_space<vmem>>
    %dma_wait3A_901 = tpu.memref_squeeze %dma_wait3A_900 : memref<1x80xi32, #tpu.memory_space<vmem>> -> memref<80xi32, #tpu.memory_space<vmem>>
    %dma_wait3A_902 = arith.constant 0 : i32
    %dma_wait3A_903 = arith.constant 0 : i32
    %dma_wait3A_904 = tpu.memref_slice %arg2[%dma_wait3A_902, %dma_wait3A_903] : memref<100000x64xf32, #tpu.memory_space<hbm>> -> memref<100000x64xf32, #tpu.memory_space<hbm>>
    tpu.wait_indirect_dma semaphore(%arg9 : memref<!tpu.dma_semaphore, #tpu.memory_space<semaphore_mem>>) src(%dma_wait3A_904 : memref<100000x64xf32, #tpu.memory_space<hbm>>) dst(%dma_wait3A_898 : memref<80x64xf32, #tpu.memory_space<vmem>>)
    %dma_wait3A_905 = arith.constant 0 : i32
    %dma_wait3A_906 = arith.constant 0 : i32
    %dma_wait3A_907 = arith.constant 720 : i32
    %dma_wait3A_908 = arith.constant 0 : i32
    %dma_wait3A_909 = tpu.memref_slice %arg7[%dma_wait3A_906, %dma_wait3A_907, %dma_wait3A_908] : memref<2x800x64xf32, #tpu.memory_space<vmem>> -> memref<1x80x64xf32, #tpu.memory_space<vmem>>
    %dma_wait3A_910 = tpu.memref_squeeze %dma_wait3A_909 : memref<1x80x64xf32, #tpu.memory_space<vmem>> -> memref<80x64xf32, #tpu.memory_space<vmem>>
    %dma_wait3A_911 = arith.constant 720 : i32
    %dma_wait3A_912 = tpu.memref_slice %arg8[%dma_wait3A_905, %dma_wait3A_911] : memref<2x800xi32, #tpu.memory_space<vmem>> -> memref<1x80xi32, #tpu.memory_space<vmem>>
    %dma_wait3A_913 = tpu.memref_squeeze %dma_wait3A_912 : memref<1x80xi32, #tpu.memory_space<vmem>> -> memref<80xi32, #tpu.memory_space<vmem>>
    %dma_wait3A_914 = arith.constant 0 : i32
    %dma_wait3A_915 = arith.constant 0 : i32
    %dma_wait3A_916 = tpu.memref_slice %arg2[%dma_wait3A_914, %dma_wait3A_915] : memref<100000x64xf32, #tpu.memory_space<hbm>> -> memref<100000x64xf32, #tpu.memory_space<hbm>>
    tpu.wait_indirect_dma semaphore(%arg9 : memref<!tpu.dma_semaphore, #tpu.memory_space<semaphore_mem>>) src(%dma_wait3A_916 : memref<100000x64xf32, #tpu.memory_space<hbm>>) dst(%dma_wait3A_910 : memref<80x64xf32, #tpu.memory_space<vmem>>)
    %scan3A_917 = arith.constant 0 : i32
    %scan3A_918 = arith.constant 200 : i32
    %scan3A_919 = arith.addi %scan3A_917, %scan3A_918 : i32
    %scan3A_920 = arith.constant 1 : i32
    scf.for %scan3A_2207 = %scan3A_917 to %scan3A_919 step %scan3A_920  : i32 {
      %mul3A_2208 = arith.constant 1 : i32
      %mul3A_2209 = arith.muli %scan3A_2207, %mul3A_2208 : i32
      %add3A_2210 = arith.constant 0 : i32
      %add3A_2211 = arith.addi %add3A_2210, %mul3A_2209 : i32
      %add3A_2212 = arith.constant 1 : i32
      %add3A_2213 = arith.addi %add3A_2211, %add3A_2212 : i32
      %get3A = arith.index_cast %add3A_2213 : i32 to index
      %get3A_2214 = arith.constant 0 : index
      %get3A_2215 = tpu.vector_load %arg6[%get3A, %get3A_2214] {strides = array<i32>} : memref<256x64xf32, #tpu.memory_space<vmem>>, vector<16xf32>,
      %add3A_2216 = arith.constant 1 : i32
      %add3A_2217 = arith.addi %add3A_2211, %add3A_2216 : i32
      %get3A_2218 = arith.index_cast %add3A_2217 : i32 to index
      %get3A_2219 = arith.constant 16 : index
      %get3A_2220 = tpu.vector_load %arg6[%get3A_2218, %get3A_2219] {strides = array<i32>} : memref<256x64xf32, #tpu.memory_space<vmem>>, vector<16xf32>,
      %add3A_2221 = arith.constant 1 : i32
      %add3A_2222 = arith.addi %add3A_2211, %add3A_2221 : i32
      %get3A_2223 = arith.index_cast %add3A_2222 : i32 to index
      %get3A_2224 = arith.constant 32 : index
      %get3A_2225 = tpu.vector_load %arg6[%get3A_2223, %get3A_2224] {strides = array<i32>} : memref<256x64xf32, #tpu.memory_space<vmem>>, vector<16xf32>,
      %add3A_2226 = arith.constant 1 : i32
      %add3A_2227 = arith.addi %add3A_2211, %add3A_2226 : i32
      %get3A_2228 = arith.index_cast %add3A_2227 : i32 to index
      %get3A_2229 = arith.constant 48 : index
      %get3A_2230 = tpu.vector_load %arg6[%get3A_2228, %get3A_2229] {strides = array<i32>} : memref<256x64xf32, #tpu.memory_space<vmem>>, vector<16xf32>,
      %add3A_2231 = arith.constant 0 : i32
      %add3A_2232 = arith.addi %add3A_2231, %add3A_2211 : i32
      %swap3A = arith.constant 0 : i32
      %swap3A_2233 = arith.index_cast %swap3A : i32 to index
      %swap3A_2234 = arith.index_cast %add3A_2232 : i32 to index
      %swap3A_2235 = arith.constant 0 : index
      %swap3A_2236 = tpu.vector_load %arg7[%swap3A_2233, %swap3A_2234, %swap3A_2235] {strides = array<i32>} : memref<2x800x64xf32, #tpu.memory_space<vmem>>, vector<16xf32>,
      tpu.vector_store %arg7[%swap3A_2233, %swap3A_2234, %swap3A_2235], %get3A_2215 {add = true, strides = array<i32>} : memref<2x800x64xf32, #tpu.memory_space<vmem>>, vector<16xf32>,
      %add3A_2237 = arith.constant 0 : i32
      %add3A_2238 = arith.addi %add3A_2237, %add3A_2211 : i32
      %swap3A_2239 = arith.constant 0 : i32
      %swap3A_2240 = arith.index_cast %swap3A_2239 : i32 to index
      %swap3A_2241 = arith.index_cast %add3A_2238 : i32 to index
      %swap3A_2242 = arith.constant 16 : index
      %swap3A_2243 = tpu.vector_load %arg7[%swap3A_2240, %swap3A_2241, %swap3A_2242] {strides = array<i32>} : memref<2x800x64xf32, #tpu.memory_space<vmem>>, vector<16xf32>,
      tpu.vector_store %arg7[%swap3A_2240, %swap3A_2241, %swap3A_2242], %get3A_2220 {add = true, strides = array<i32>} : memref<2x800x64xf32, #tpu.memory_space<vmem>>, vector<16xf32>,
      %add3A_2244 = arith.constant 0 : i32
      %add3A_2245 = arith.addi %add3A_2244, %add3A_2211 : i32
      %swap3A_2246 = arith.constant 0 : i32
      %swap3A_2247 = arith.index_cast %swap3A_2246 : i32 to index
      %swap3A_2248 = arith.index_cast %add3A_2245 : i32 to index
      %swap3A_2249 = arith.constant 32 : index
      %swap3A_2250 = tpu.vector_load %arg7[%swap3A_2247, %swap3A_2248, %swap3A_2249] {strides = array<i32>} : memref<2x800x64xf32, #tpu.memory_space<vmem>>, vector<16xf32>,
      tpu.vector_store %arg7[%swap3A_2247, %swap3A_2248, %swap3A_2249], %get3A_2225 {add = true, strides = array<i32>} : memref<2x800x64xf32, #tpu.memory_space<vmem>>, vector<16xf32>,
      %add3A_2251 = arith.constant 0 : i32
      %add3A_2252 = arith.addi %add3A_2251, %add3A_2211 : i32
      %swap3A_2253 = arith.constant 0 : i32
      %swap3A_2254 = arith.index_cast %swap3A_2253 : i32 to index
      %swap3A_2255 = arith.index_cast %add3A_2252 : i32 to index
      %swap3A_2256 = arith.constant 48 : index
      %swap3A_2257 = tpu.vector_load %arg7[%swap3A_2254, %swap3A_2255, %swap3A_2256] {strides = array<i32>} : memref<2x800x64xf32, #tpu.memory_space<vmem>>, vector<16xf32>,
      tpu.vector_store %arg7[%swap3A_2254, %swap3A_2255, %swap3A_2256], %get3A_2230 {add = true, strides = array<i32>} : memref<2x800x64xf32, #tpu.memory_space<vmem>>, vector<16xf32>,
      %add3A_2258 = arith.constant 200 : i32
      %add3A_2259 = arith.addi %add3A_2258, %add3A_2211 : i32
      %swap3A_2260 = arith.constant 0 : i32
      %swap3A_2261 = arith.index_cast %swap3A_2260 : i32 to index
      %swap3A_2262 = arith.index_cast %add3A_2259 : i32 to index
      %swap3A_2263 = arith.constant 0 : index
      %swap3A_2264 = tpu.vector_load %arg7[%swap3A_2261, %swap3A_2262, %swap3A_2263] {strides = array<i32>} : memref<2x800x64xf32, #tpu.memory_space<vmem>>, vector<16xf32>,
      tpu.vector_store %arg7[%swap3A_2261, %swap3A_2262, %swap3A_2263], %get3A_2215 {add = true, strides = array<i32>} : memref<2x800x64xf32, #tpu.memory_space<vmem>>, vector<16xf32>,
      %add3A_2265 = arith.constant 200 : i32
      %add3A_2266 = arith.addi %add3A_2265, %add3A_2211 : i32
      %swap3A_2267 = arith.constant 0 : i32
      %swap3A_2268 = arith.index_cast %swap3A_2267 : i32 to index
      %swap3A_2269 = arith.index_cast %add3A_2266 : i32 to index
      %swap3A_2270 = arith.constant 16 : index
      %swap3A_2271 = tpu.vector_load %arg7[%swap3A_2268, %swap3A_2269, %swap3A_2270] {strides = array<i32>} : memref<2x800x64xf32, #tpu.memory_space<vmem>>, vector<16xf32>,
      tpu.vector_store %arg7[%swap3A_2268, %swap3A_2269, %swap3A_2270], %get3A_2220 {add = true, strides = array<i32>} : memref<2x800x64xf32, #tpu.memory_space<vmem>>, vector<16xf32>,
      %add3A_2272 = arith.constant 200 : i32
      %add3A_2273 = arith.addi %add3A_2272, %add3A_2211 : i32
      %swap3A_2274 = arith.constant 0 : i32
      %swap3A_2275 = arith.index_cast %swap3A_2274 : i32 to index
      %swap3A_2276 = arith.index_cast %add3A_2273 : i32 to index
      %swap3A_2277 = arith.constant 32 : index
      %swap3A_2278 = tpu.vector_load %arg7[%swap3A_2275, %swap3A_2276, %swap3A_2277] {strides = array<i32>} : memref<2x800x64xf32, #tpu.memory_space<vmem>>, vector<16xf32>,
      tpu.vector_store %arg7[%swap3A_2275, %swap3A_2276, %swap3A_2277], %get3A_2225 {add = true, strides = array<i32>} : memref<2x800x64xf32, #tpu.memory_space<vmem>>, vector<16xf32>,
      %add3A_2279 = arith.constant 200 : i32
      %add3A_2280 = arith.addi %add3A_2279, %add3A_2211 : i32
      %swap3A_2281 = arith.constant 0 : i32
      %swap3A_2282 = arith.index_cast %swap3A_2281 : i32 to index
      %swap3A_2283 = arith.index_cast %add3A_2280 : i32 to index
      %swap3A_2284 = arith.constant 48 : index
      %swap3A_2285 = tpu.vector_load %arg7[%swap3A_2282, %swap3A_2283, %swap3A_2284] {strides = array<i32>} : memref<2x800x64xf32, #tpu.memory_space<vmem>>, vector<16xf32>,
      tpu.vector_store %arg7[%swap3A_2282, %swap3A_2283, %swap3A_2284], %get3A_2230 {add = true, strides = array<i32>} : memref<2x800x64xf32, #tpu.memory_space<vmem>>, vector<16xf32>,
      %add3A_2286 = arith.constant 400 : i32
      %add3A_2287 = arith.addi %add3A_2286, %add3A_2211 : i32
      %swap3A_2288 = arith.constant 0 : i32
      %swap3A_2289 = arith.index_cast %swap3A_2288 : i32 to index
      %swap3A_2290 = arith.index_cast %add3A_2287 : i32 to index
      %swap3A_2291 = arith.constant 0 : index
      %swap3A_2292 = tpu.vector_load %arg7[%swap3A_2289, %swap3A_2290, %swap3A_2291] {strides = array<i32>} : memref<2x800x64xf32, #tpu.memory_space<vmem>>, vector<16xf32>,
      tpu.vector_store %arg7[%swap3A_2289, %swap3A_2290, %swap3A_2291], %get3A_2215 {add = true, strides = array<i32>} : memref<2x800x64xf32, #tpu.memory_space<vmem>>, vector<16xf32>,
      %add3A_2293 = arith.constant 400 : i32
      %add3A_2294 = arith.addi %add3A_2293, %add3A_2211 : i32
      %swap3A_2295 = arith.constant 0 : i32
      %swap3A_2296 = arith.index_cast %swap3A_2295 : i32 to index
      %swap3A_2297 = arith.index_cast %add3A_2294 : i32 to index
      %swap3A_2298 = arith.constant 16 : index
      %swap3A_2299 = tpu.vector_load %arg7[%swap3A_2296, %swap3A_2297, %swap3A_2298] {strides = array<i32>} : memref<2x800x64xf32, #tpu.memory_space<vmem>>, vector<16xf32>,
      tpu.vector_store %arg7[%swap3A_2296, %swap3A_2297, %swap3A_2298], %get3A_2220 {add = true, strides = array<i32>} : memref<2x800x64xf32, #tpu.memory_space<vmem>>, vector<16xf32>,
      %add3A_2300 = arith.constant 400 : i32
      %add3A_2301 = arith.addi %add3A_2300, %add3A_2211 : i32
      %swap3A_2302 = arith.constant 0 : i32
      %swap3A_2303 = arith.index_cast %swap3A_2302 : i32 to index
      %swap3A_2304 = arith.index_cast %add3A_2301 : i32 to index
      %swap3A_2305 = arith.constant 32 : index
      %swap3A_2306 = tpu.vector_load %arg7[%swap3A_2303, %swap3A_2304, %swap3A_2305] {strides = array<i32>} : memref<2x800x64xf32, #tpu.memory_space<vmem>>, vector<16xf32>,
      tpu.vector_store %arg7[%swap3A_2303, %swap3A_2304, %swap3A_2305], %get3A_2225 {add = true, strides = array<i32>} : memref<2x800x64xf32, #tpu.memory_space<vmem>>, vector<16xf32>,
      %add3A_2307 = arith.constant 400 : i32
      %add3A_2308 = arith.addi %add3A_2307, %add3A_2211 : i32
      %swap3A_2309 = arith.constant 0 : i32
      %swap3A_2310 = arith.index_cast %swap3A_2309 : i32 to index
      %swap3A_2311 = arith.index_cast %add3A_2308 : i32 to index
      %swap3A_2312 = arith.constant 48 : index
      %swap3A_2313 = tpu.vector_load %arg7[%swap3A_2310, %swap3A_2311, %swap3A_2312] {strides = array<i32>} : memref<2x800x64xf32, #tpu.memory_space<vmem>>, vector<16xf32>,
      tpu.vector_store %arg7[%swap3A_2310, %swap3A_2311, %swap3A_2312], %get3A_2230 {add = true, strides = array<i32>} : memref<2x800x64xf32, #tpu.memory_space<vmem>>, vector<16xf32>,
      %add3A_2314 = arith.constant 600 : i32
      %add3A_2315 = arith.addi %add3A_2314, %add3A_2211 : i32
      %swap3A_2316 = arith.constant 0 : i32
      %swap3A_2317 = arith.index_cast %swap3A_2316 : i32 to index
      %swap3A_2318 = arith.index_cast %add3A_2315 : i32 to index
      %swap3A_2319 = arith.constant 0 : index
      %swap3A_2320 = tpu.vector_load %arg7[%swap3A_2317, %swap3A_2318, %swap3A_2319] {strides = array<i32>} : memref<2x800x64xf32, #tpu.memory_space<vmem>>, vector<16xf32>,
      tpu.vector_store %arg7[%swap3A_2317, %swap3A_2318, %swap3A_2319], %get3A_2215 {add = true, strides = array<i32>} : memref<2x800x64xf32, #tpu.memory_space<vmem>>, vector<16xf32>,
      %add3A_2321 = arith.constant 600 : i32
      %add3A_2322 = arith.addi %add3A_2321, %add3A_2211 : i32
      %swap3A_2323 = arith.constant 0 : i32
      %swap3A_2324 = arith.index_cast %swap3A_2323 : i32 to index
      %swap3A_2325 = arith.index_cast %add3A_2322 : i32 to index
      %swap3A_2326 = arith.constant 16 : index
      %swap3A_2327 = tpu.vector_load %arg7[%swap3A_2324, %swap3A_2325, %swap3A_2326] {strides = array<i32>} : memref<2x800x64xf32, #tpu.memory_space<vmem>>, vector<16xf32>,
      tpu.vector_store %arg7[%swap3A_2324, %swap3A_2325, %swap3A_2326], %get3A_2220 {add = true, strides = array<i32>} : memref<2x800x64xf32, #tpu.memory_space<vmem>>, vector<16xf32>,
      %add3A_2328 = arith.constant 600 : i32
      %add3A_2329 = arith.addi %add3A_2328, %add3A_2211 : i32
      %swap3A_2330 = arith.constant 0 : i32
      %swap3A_2331 = arith.index_cast %swap3A_2330 : i32 to index
      %swap3A_2332 = arith.index_cast %add3A_2329 : i32 to index
      %swap3A_2333 = arith.constant 32 : index
      %swap3A_2334 = tpu.vector_load %arg7[%swap3A_2331, %swap3A_2332, %swap3A_2333] {strides = array<i32>} : memref<2x800x64xf32, #tpu.memory_space<vmem>>, vector<16xf32>,
      tpu.vector_store %arg7[%swap3A_2331, %swap3A_2332, %swap3A_2333], %get3A_2225 {add = true, strides = array<i32>} : memref<2x800x64xf32, #tpu.memory_space<vmem>>, vector<16xf32>,
      %add3A_2335 = arith.constant 600 : i32
      %add3A_2336 = arith.addi %add3A_2335, %add3A_2211 : i32
      %swap3A_2337 = arith.constant 0 : i32
      %swap3A_2338 = arith.index_cast %swap3A_2337 : i32 to index
      %swap3A_2339 = arith.index_cast %add3A_2336 : i32 to index
      %swap3A_2340 = arith.constant 48 : index
      %swap3A_2341 = tpu.vector_load %arg7[%swap3A_2338, %swap3A_2339, %swap3A_2340] {strides = array<i32>} : memref<2x800x64xf32, #tpu.memory_space<vmem>>, vector<16xf32>,
      tpu.vector_store %arg7[%swap3A_2338, %swap3A_2339, %swap3A_2340], %get3A_2230 {add = true, strides = array<i32>} : memref<2x800x64xf32, #tpu.memory_space<vmem>>, vector<16xf32>,
    }
    %scan3A_921 = arith.constant 200 : i32
    %add3A_922 = arith.constant 1600 : i32
    %add3A_923 = arith.addi %mul3A_2, %add3A_922 : i32
    %dma_start3A_924 = arith.constant 0 : i32
    %dma_start3A_925 = arith.constant 0 : i32
    %dma_start3A_926 = arith.constant 0 : i32
    %dma_start3A_927 = tpu.memref_slice %arg7[%dma_start3A_924, %dma_start3A_925, %dma_start3A_926] : memref<2x800x64xf32, #tpu.memory_space<vmem>> -> memref<1x800x64xf32, #tpu.memory_space<vmem>>
    %dma_start3A_928 = tpu.memref_squeeze %dma_start3A_927 : memref<1x800x64xf32, #tpu.memory_space<vmem>> -> memref<800x64xf32, #tpu.memory_space<vmem>>
    %dma_start3A_929 = arith.constant 0 : i32
    %dma_start3A_930 = tpu.memref_slice %arg5[%add3A_923, %dma_start3A_929] : memref<204800x64xf32, #tpu.memory_space<hbm>> -> memref<800x64xf32, #tpu.memory_space<hbm>>
    %dma_start3A_931 = arith.constant 0 : i32
    %dma_start3A_932 = tpu.memref_slice %arg5[%add3A_923, %dma_start3A_931] : memref<204800x64xf32, #tpu.memory_space<hbm>> -> memref<800x64xf32, #tpu.memory_space<hbm>>
    %dma_start3A_933 = arith.constant 0 : i32
    %dma_start3A_934 = arith.constant 0 : i32
    %dma_start3A_935 = tpu.memref_slice %arg7[%dma_start3A_924, %dma_start3A_933, %dma_start3A_934] : memref<2x800x64xf32, #tpu.memory_space<vmem>> -> memref<1x800x64xf32, #tpu.memory_space<vmem>>
    %dma_start3A_936 = tpu.memref_squeeze %dma_start3A_935 : memref<1x800x64xf32, #tpu.memory_space<vmem>> -> memref<800x64xf32, #tpu.memory_space<vmem>>
    tpu.enqueue_dma source(%dma_start3A_936 : memref<800x64xf32, #tpu.memory_space<vmem>>) target(%dma_start3A_932 : memref<800x64xf32, #tpu.memory_space<hbm>>) target_semaphore(%arg11 : memref<!tpu.dma_semaphore, #tpu.memory_space<semaphore_mem>>)
    %dma_wait3A_937 = arith.constant 0 : i32
    %dma_wait3A_938 = arith.constant 0 : i32
    %dma_wait3A_939 = arith.constant 0 : i32
    %dma_wait3A_940 = tpu.memref_slice %arg7[%dma_wait3A_937, %dma_wait3A_938, %dma_wait3A_939] : memref<2x800x64xf32, #tpu.memory_space<vmem>> -> memref<1x800x64xf32, #tpu.memory_space<vmem>>
    %dma_wait3A_941 = tpu.memref_squeeze %dma_wait3A_940 : memref<1x800x64xf32, #tpu.memory_space<vmem>> -> memref<800x64xf32, #tpu.memory_space<vmem>>
    %dma_wait3A_942 = arith.constant 0 : i32
    %dma_wait3A_943 = tpu.memref_slice %arg5[%add3A_923, %dma_wait3A_942] : memref<204800x64xf32, #tpu.memory_space<hbm>> -> memref<800x64xf32, #tpu.memory_space<hbm>>
    %dma_wait3A_944 = arith.constant 0 : i32
    %dma_wait3A_945 = tpu.memref_slice %arg5[%add3A_923, %dma_wait3A_944] : memref<204800x64xf32, #tpu.memory_space<hbm>> -> memref<800x64xf32, #tpu.memory_space<hbm>>
    %dma_wait3A_946 = arith.constant 0 : i32
    %dma_wait3A_947 = arith.constant 0 : i32
    %dma_wait3A_948 = tpu.memref_slice %arg7[%dma_wait3A_937, %dma_wait3A_946, %dma_wait3A_947] : memref<2x800x64xf32, #tpu.memory_space<vmem>> -> memref<1x800x64xf32, #tpu.memory_space<vmem>>
    %dma_wait3A_949 = tpu.memref_squeeze %dma_wait3A_948 : memref<1x800x64xf32, #tpu.memory_space<vmem>> -> memref<800x64xf32, #tpu.memory_space<vmem>>
    tpu.wait_dma2 semaphore(%arg11 : memref<!tpu.dma_semaphore, #tpu.memory_space<semaphore_mem>>) src(%dma_wait3A_949 : memref<800x64xf32, #tpu.memory_space<vmem>>) dst(%dma_wait3A_945 : memref<800x64xf32, #tpu.memory_space<hbm>>)
    %add3A_950 = arith.constant 3200 : i32
    %add3A_951 = arith.addi %mul3A_2, %add3A_950 : i32
    %run_scoped3A_952 = arith.constant 0 : i32
    "tpu.region"() ({
      %run_scoped3A_2207 = tpu.sem_alloc : memref<!tpu.dma_semaphore, #tpu.memory_space<semaphore_mem>>
      %dma_start3A_2208 = arith.constant 0 : i32
      %dma_start3A_2209 = tpu.memref_slice %arg8[%run_scoped3A_952, %dma_start3A_2208] : memref<2x800xi32, #tpu.memory_space<vmem>> -> memref<1x800xi32, #tpu.memory_space<vmem>>
      %dma_start3A_2210 = tpu.memref_squeeze %dma_start3A_2209 : memref<1x800xi32, #tpu.memory_space<vmem>> -> memref<800xi32, #tpu.memory_space<vmem>>
      %dma_start3A_2211 = tpu.memref_slice %arg3[%add3A_951] : memref<204800xi32, #tpu.memory_space<hbm>> -> memref<800xi32, #tpu.memory_space<hbm>>
      %dma_start3A_2212 = arith.constant 0 : i32
      %dma_start3A_2213 = tpu.memref_slice %arg8[%run_scoped3A_952, %dma_start3A_2212] : memref<2x800xi32, #tpu.memory_space<vmem>> -> memref<1x800xi32, #tpu.memory_space<vmem>>
      %dma_start3A_2214 = tpu.memref_squeeze %dma_start3A_2213 : memref<1x800xi32, #tpu.memory_space<vmem>> -> memref<800xi32, #tpu.memory_space<vmem>>
      %dma_start3A_2215 = tpu.memref_slice %arg3[%add3A_951] : memref<204800xi32, #tpu.memory_space<hbm>> -> memref<800xi32, #tpu.memory_space<hbm>>
      tpu.enqueue_dma source(%dma_start3A_2215 : memref<800xi32, #tpu.memory_space<hbm>>) target(%dma_start3A_2214 : memref<800xi32, #tpu.memory_space<vmem>>) target_semaphore(%run_scoped3A_2207 : memref<!tpu.dma_semaphore, #tpu.memory_space<semaphore_mem>>)
      %dma_wait3A_2216 = arith.constant 0 : i32
      %dma_wait3A_2217 = tpu.memref_slice %arg8[%run_scoped3A_952, %dma_wait3A_2216] : memref<2x800xi32, #tpu.memory_space<vmem>> -> memref<1x800xi32, #tpu.memory_space<vmem>>
      %dma_wait3A_2218 = tpu.memref_squeeze %dma_wait3A_2217 : memref<1x800xi32, #tpu.memory_space<vmem>> -> memref<800xi32, #tpu.memory_space<vmem>>
      %dma_wait3A_2219 = tpu.memref_slice %arg3[%add3A_951] : memref<204800xi32, #tpu.memory_space<hbm>> -> memref<800xi32, #tpu.memory_space<hbm>>
      %dma_wait3A_2220 = arith.constant 0 : i32
      %dma_wait3A_2221 = tpu.memref_slice %arg8[%run_scoped3A_952, %dma_wait3A_2220] : memref<2x800xi32, #tpu.memory_space<vmem>> -> memref<1x800xi32, #tpu.memory_space<vmem>>
      %dma_wait3A_2222 = tpu.memref_squeeze %dma_wait3A_2221 : memref<1x800xi32, #tpu.memory_space<vmem>> -> memref<800xi32, #tpu.memory_space<vmem>>
      %dma_wait3A_2223 = tpu.memref_slice %arg3[%add3A_951] : memref<204800xi32, #tpu.memory_space<hbm>> -> memref<800xi32, #tpu.memory_space<hbm>>
      tpu.wait_dma2 semaphore(%run_scoped3A_2207 : memref<!tpu.dma_semaphore, #tpu.memory_space<semaphore_mem>>) src(%dma_wait3A_2223 : memref<800xi32, #tpu.memory_space<hbm>>) dst(%dma_wait3A_2222 : memref<800xi32, #tpu.memory_space<vmem>>)
      tpu.yield
    }) : () -> ()
    %dma_start3A_953 = arith.constant 0 : i32
    %dma_start3A_954 = arith.constant 0 : i32
    %dma_start3A_955 = arith.constant 0 : i32
    %dma_start3A_956 = arith.constant 0 : i32
    %dma_start3A_957 = tpu.memref_slice %arg7[%dma_start3A_954, %dma_start3A_955, %dma_start3A_956] : memref<2x800x64xf32, #tpu.memory_space<vmem>> -> memref<1x80x64xf32, #tpu.memory_space<vmem>>
    %dma_start3A_958 = tpu.memref_squeeze %dma_start3A_957 : memref<1x80x64xf32, #tpu.memory_space<vmem>> -> memref<80x64xf32, #tpu.memory_space<vmem>>
    %dma_start3A_959 = arith.constant 0 : i32
    %dma_start3A_960 = tpu.memref_slice %arg8[%dma_start3A_953, %dma_start3A_959] : memref<2x800xi32, #tpu.memory_space<vmem>> -> memref<1x80xi32, #tpu.memory_space<vmem>>
    %dma_start3A_961 = tpu.memref_squeeze %dma_start3A_960 : memref<1x80xi32, #tpu.memory_space<vmem>> -> memref<80xi32, #tpu.memory_space<vmem>>
    %dma_start3A_962 = arith.constant 0 : i32
    %dma_start3A_963 = arith.constant 0 : i32
    %dma_start3A_964 = tpu.memref_slice %arg2[%dma_start3A_962, %dma_start3A_963] : memref<100000x64xf32, #tpu.memory_space<hbm>> -> memref<100000x64xf32, #tpu.memory_space<hbm>>
    tpu.enqueue_indirect_dma source(%dma_start3A_964 : memref<100000x64xf32, #tpu.memory_space<hbm>>) target(%dma_start3A_958 : memref<80x64xf32, #tpu.memory_space<vmem>>) offsets(%dma_start3A_961 : memref<80xi32, #tpu.memory_space<vmem>>) semaphore(%arg9 : memref<!tpu.dma_semaphore, #tpu.memory_space<semaphore_mem>>)
    %dma_start3A_965 = arith.constant 0 : i32
    %dma_start3A_966 = arith.constant 0 : i32
    %dma_start3A_967 = arith.constant 80 : i32
    %dma_start3A_968 = arith.constant 0 : i32
    %dma_start3A_969 = tpu.memref_slice %arg7[%dma_start3A_966, %dma_start3A_967, %dma_start3A_968] : memref<2x800x64xf32, #tpu.memory_space<vmem>> -> memref<1x80x64xf32, #tpu.memory_space<vmem>>
    %dma_start3A_970 = tpu.memref_squeeze %dma_start3A_969 : memref<1x80x64xf32, #tpu.memory_space<vmem>> -> memref<80x64xf32, #tpu.memory_space<vmem>>
    %dma_start3A_971 = arith.constant 80 : i32
    %dma_start3A_972 = tpu.memref_slice %arg8[%dma_start3A_965, %dma_start3A_971] : memref<2x800xi32, #tpu.memory_space<vmem>> -> memref<1x80xi32, #tpu.memory_space<vmem>>
    %dma_start3A_973 = tpu.memref_squeeze %dma_start3A_972 : memref<1x80xi32, #tpu.memory_space<vmem>> -> memref<80xi32, #tpu.memory_space<vmem>>
    %dma_start3A_974 = arith.constant 0 : i32
    %dma_start3A_975 = arith.constant 0 : i32
    %dma_start3A_976 = tpu.memref_slice %arg2[%dma_start3A_974, %dma_start3A_975] : memref<100000x64xf32, #tpu.memory_space<hbm>> -> memref<100000x64xf32, #tpu.memory_space<hbm>>
    tpu.enqueue_indirect_dma source(%dma_start3A_976 : memref<100000x64xf32, #tpu.memory_space<hbm>>) target(%dma_start3A_970 : memref<80x64xf32, #tpu.memory_space<vmem>>) offsets(%dma_start3A_973 : memref<80xi32, #tpu.memory_space<vmem>>) semaphore(%arg9 : memref<!tpu.dma_semaphore, #tpu.memory_space<semaphore_mem>>)
    %dma_start3A_977 = arith.constant 0 : i32
    %dma_start3A_978 = arith.constant 0 : i32
    %dma_start3A_979 = arith.constant 160 : i32
    %dma_start3A_980 = arith.constant 0 : i32
    %dma_start3A_981 = tpu.memref_slice %arg7[%dma_start3A_978, %dma_start3A_979, %dma_start3A_980] : memref<2x800x64xf32, #tpu.memory_space<vmem>> -> memref<1x80x64xf32, #tpu.memory_space<vmem>>
    %dma_start3A_982 = tpu.memref_squeeze %dma_start3A_981 : memref<1x80x64xf32, #tpu.memory_space<vmem>> -> memref<80x64xf32, #tpu.memory_space<vmem>>
    %dma_start3A_983 = arith.constant 160 : i32
    %dma_start3A_984 = tpu.memref_slice %arg8[%dma_start3A_977, %dma_start3A_983] : memref<2x800xi32, #tpu.memory_space<vmem>> -> memref<1x80xi32, #tpu.memory_space<vmem>>
    %dma_start3A_985 = tpu.memref_squeeze %dma_start3A_984 : memref<1x80xi32, #tpu.memory_space<vmem>> -> memref<80xi32, #tpu.memory_space<vmem>>
    %dma_start3A_986 = arith.constant 0 : i32
    %dma_start3A_987 = arith.constant 0 : i32
    %dma_start3A_988 = tpu.memref_slice %arg2[%dma_start3A_986, %dma_start3A_987] : memref<100000x64xf32, #tpu.memory_space<hbm>> -> memref<100000x64xf32, #tpu.memory_space<hbm>>
    tpu.enqueue_indirect_dma source(%dma_start3A_988 : memref<100000x64xf32, #tpu.memory_space<hbm>>) target(%dma_start3A_982 : memref<80x64xf32, #tpu.memory_space<vmem>>) offsets(%dma_start3A_985 : memref<80xi32, #tpu.memory_space<vmem>>) semaphore(%arg9 : memref<!tpu.dma_semaphore, #tpu.memory_space<semaphore_mem>>)
    %dma_start3A_989 = arith.constant 0 : i32
    %dma_start3A_990 = arith.constant 0 : i32
    %dma_start3A_991 = arith.constant 240 : i32
    %dma_start3A_992 = arith.constant 0 : i32
    %dma_start3A_993 = tpu.memref_slice %arg7[%dma_start3A_990, %dma_start3A_991, %dma_start3A_992] : memref<2x800x64xf32, #tpu.memory_space<vmem>> -> memref<1x80x64xf32, #tpu.memory_space<vmem>>
    %dma_start3A_994 = tpu.memref_squeeze %dma_start3A_993 : memref<1x80x64xf32, #tpu.memory_space<vmem>> -> memref<80x64xf32, #tpu.memory_space<vmem>>
    %dma_start3A_995 = arith.constant 240 : i32
    %dma_start3A_996 = tpu.memref_slice %arg8[%dma_start3A_989, %dma_start3A_995] : memref<2x800xi32, #tpu.memory_space<vmem>> -> memref<1x80xi32, #tpu.memory_space<vmem>>
    %dma_start3A_997 = tpu.memref_squeeze %dma_start3A_996 : memref<1x80xi32, #tpu.memory_space<vmem>> -> memref<80xi32, #tpu.memory_space<vmem>>
    %dma_start3A_998 = arith.constant 0 : i32
    %dma_start3A_999 = arith.constant 0 : i32
    %dma_start3A_1000 = tpu.memref_slice %arg2[%dma_start3A_998, %dma_start3A_999] : memref<100000x64xf32, #tpu.memory_space<hbm>> -> memref<100000x64xf32, #tpu.memory_space<hbm>>
    tpu.enqueue_indirect_dma source(%dma_start3A_1000 : memref<100000x64xf32, #tpu.memory_space<hbm>>) target(%dma_start3A_994 : memref<80x64xf32, #tpu.memory_space<vmem>>) offsets(%dma_start3A_997 : memref<80xi32, #tpu.memory_space<vmem>>) semaphore(%arg9 : memref<!tpu.dma_semaphore, #tpu.memory_space<semaphore_mem>>)
    %dma_start3A_1001 = arith.constant 0 : i32
    %dma_start3A_1002 = arith.constant 0 : i32
    %dma_start3A_1003 = arith.constant 320 : i32
    %dma_start3A_1004 = arith.constant 0 : i32
    %dma_start3A_1005 = tpu.memref_slice %arg7[%dma_start3A_1002, %dma_start3A_1003, %dma_start3A_1004] : memref<2x800x64xf32, #tpu.memory_space<vmem>> -> memref<1x80x64xf32, #tpu.memory_space<vmem>>
    %dma_start3A_1006 = tpu.memref_squeeze %dma_start3A_1005 : memref<1x80x64xf32, #tpu.memory_space<vmem>> -> memref<80x64xf32, #tpu.memory_space<vmem>>
    %dma_start3A_1007 = arith.constant 320 : i32
    %dma_start3A_1008 = tpu.memref_slice %arg8[%dma_start3A_1001, %dma_start3A_1007] : memref<2x800xi32, #tpu.memory_space<vmem>> -> memref<1x80xi32, #tpu.memory_space<vmem>>
    %dma_start3A_1009 = tpu.memref_squeeze %dma_start3A_1008 : memref<1x80xi32, #tpu.memory_space<vmem>> -> memref<80xi32, #tpu.memory_space<vmem>>
    %dma_start3A_1010 = arith.constant 0 : i32
    %dma_start3A_1011 = arith.constant 0 : i32
    %dma_start3A_1012 = tpu.memref_slice %arg2[%dma_start3A_1010, %dma_start3A_1011] : memref<100000x64xf32, #tpu.memory_space<hbm>> -> memref<100000x64xf32, #tpu.memory_space<hbm>>
    tpu.enqueue_indirect_dma source(%dma_start3A_1012 : memref<100000x64xf32, #tpu.memory_space<hbm>>) target(%dma_start3A_1006 : memref<80x64xf32, #tpu.memory_space<vmem>>) offsets(%dma_start3A_1009 : memref<80xi32, #tpu.memory_space<vmem>>) semaphore(%arg9 : memref<!tpu.dma_semaphore, #tpu.memory_space<semaphore_mem>>)
    %dma_start3A_1013 = arith.constant 0 : i32
    %dma_start3A_1014 = arith.constant 0 : i32
    %dma_start3A_1015 = arith.constant 400 : i32
    %dma_start3A_1016 = arith.constant 0 : i32
    %dma_start3A_1017 = tpu.memref_slice %arg7[%dma_start3A_1014, %dma_start3A_1015, %dma_start3A_1016] : memref<2x800x64xf32, #tpu.memory_space<vmem>> -> memref<1x80x64xf32, #tpu.memory_space<vmem>>
    %dma_start3A_1018 = tpu.memref_squeeze %dma_start3A_1017 : memref<1x80x64xf32, #tpu.memory_space<vmem>> -> memref<80x64xf32, #tpu.memory_space<vmem>>
    %dma_start3A_1019 = arith.constant 400 : i32
    %dma_start3A_1020 = tpu.memref_slice %arg8[%dma_start3A_1013, %dma_start3A_1019] : memref<2x800xi32, #tpu.memory_space<vmem>> -> memref<1x80xi32, #tpu.memory_space<vmem>>
    %dma_start3A_1021 = tpu.memref_squeeze %dma_start3A_1020 : memref<1x80xi32, #tpu.memory_space<vmem>> -> memref<80xi32, #tpu.memory_space<vmem>>
    %dma_start3A_1022 = arith.constant 0 : i32
    %dma_start3A_1023 = arith.constant 0 : i32
    %dma_start3A_1024 = tpu.memref_slice %arg2[%dma_start3A_1022, %dma_start3A_1023] : memref<100000x64xf32, #tpu.memory_space<hbm>> -> memref<100000x64xf32, #tpu.memory_space<hbm>>
    tpu.enqueue_indirect_dma source(%dma_start3A_1024 : memref<100000x64xf32, #tpu.memory_space<hbm>>) target(%dma_start3A_1018 : memref<80x64xf32, #tpu.memory_space<vmem>>) offsets(%dma_start3A_1021 : memref<80xi32, #tpu.memory_space<vmem>>) semaphore(%arg9 : memref<!tpu.dma_semaphore, #tpu.memory_space<semaphore_mem>>)
    %dma_start3A_1025 = arith.constant 0 : i32
    %dma_start3A_1026 = arith.constant 0 : i32
    %dma_start3A_1027 = arith.constant 480 : i32
    %dma_start3A_1028 = arith.constant 0 : i32
    %dma_start3A_1029 = tpu.memref_slice %arg7[%dma_start3A_1026, %dma_start3A_1027, %dma_start3A_1028] : memref<2x800x64xf32, #tpu.memory_space<vmem>> -> memref<1x80x64xf32, #tpu.memory_space<vmem>>
    %dma_start3A_1030 = tpu.memref_squeeze %dma_start3A_1029 : memref<1x80x64xf32, #tpu.memory_space<vmem>> -> memref<80x64xf32, #tpu.memory_space<vmem>>
    %dma_start3A_1031 = arith.constant 480 : i32
    %dma_start3A_1032 = tpu.memref_slice %arg8[%dma_start3A_1025, %dma_start3A_1031] : memref<2x800xi32, #tpu.memory_space<vmem>> -> memref<1x80xi32, #tpu.memory_space<vmem>>
    %dma_start3A_1033 = tpu.memref_squeeze %dma_start3A_1032 : memref<1x80xi32, #tpu.memory_space<vmem>> -> memref<80xi32, #tpu.memory_space<vmem>>
    %dma_start3A_1034 = arith.constant 0 : i32
    %dma_start3A_1035 = arith.constant 0 : i32
    %dma_start3A_1036 = tpu.memref_slice %arg2[%dma_start3A_1034, %dma_start3A_1035] : memref<100000x64xf32, #tpu.memory_space<hbm>> -> memref<100000x64xf32, #tpu.memory_space<hbm>>
    tpu.enqueue_indirect_dma source(%dma_start3A_1036 : memref<100000x64xf32, #tpu.memory_space<hbm>>) target(%dma_start3A_1030 : memref<80x64xf32, #tpu.memory_space<vmem>>) offsets(%dma_start3A_1033 : memref<80xi32, #tpu.memory_space<vmem>>) semaphore(%arg9 : memref<!tpu.dma_semaphore, #tpu.memory_space<semaphore_mem>>)
    %dma_start3A_1037 = arith.constant 0 : i32
    %dma_start3A_1038 = arith.constant 0 : i32
    %dma_start3A_1039 = arith.constant 560 : i32
    %dma_start3A_1040 = arith.constant 0 : i32
    %dma_start3A_1041 = tpu.memref_slice %arg7[%dma_start3A_1038, %dma_start3A_1039, %dma_start3A_1040] : memref<2x800x64xf32, #tpu.memory_space<vmem>> -> memref<1x80x64xf32, #tpu.memory_space<vmem>>
    %dma_start3A_1042 = tpu.memref_squeeze %dma_start3A_1041 : memref<1x80x64xf32, #tpu.memory_space<vmem>> -> memref<80x64xf32, #tpu.memory_space<vmem>>
    %dma_start3A_1043 = arith.constant 560 : i32
    %dma_start3A_1044 = tpu.memref_slice %arg8[%dma_start3A_1037, %dma_start3A_1043] : memref<2x800xi32, #tpu.memory_space<vmem>> -> memref<1x80xi32, #tpu.memory_space<vmem>>
    %dma_start3A_1045 = tpu.memref_squeeze %dma_start3A_1044 : memref<1x80xi32, #tpu.memory_space<vmem>> -> memref<80xi32, #tpu.memory_space<vmem>>
    %dma_start3A_1046 = arith.constant 0 : i32
    %dma_start3A_1047 = arith.constant 0 : i32
    %dma_start3A_1048 = tpu.memref_slice %arg2[%dma_start3A_1046, %dma_start3A_1047] : memref<100000x64xf32, #tpu.memory_space<hbm>> -> memref<100000x64xf32, #tpu.memory_space<hbm>>
    tpu.enqueue_indirect_dma source(%dma_start3A_1048 : memref<100000x64xf32, #tpu.memory_space<hbm>>) target(%dma_start3A_1042 : memref<80x64xf32, #tpu.memory_space<vmem>>) offsets(%dma_start3A_1045 : memref<80xi32, #tpu.memory_space<vmem>>) semaphore(%arg9 : memref<!tpu.dma_semaphore, #tpu.memory_space<semaphore_mem>>)
    %dma_start3A_1049 = arith.constant 0 : i32
    %dma_start3A_1050 = arith.constant 0 : i32
    %dma_start3A_1051 = arith.constant 640 : i32
    %dma_start3A_1052 = arith.constant 0 : i32
    %dma_start3A_1053 = tpu.memref_slice %arg7[%dma_start3A_1050, %dma_start3A_1051, %dma_start3A_1052] : memref<2x800x64xf32, #tpu.memory_space<vmem>> -> memref<1x80x64xf32, #tpu.memory_space<vmem>>
    %dma_start3A_1054 = tpu.memref_squeeze %dma_start3A_1053 : memref<1x80x64xf32, #tpu.memory_space<vmem>> -> memref<80x64xf32, #tpu.memory_space<vmem>>
    %dma_start3A_1055 = arith.constant 640 : i32
    %dma_start3A_1056 = tpu.memref_slice %arg8[%dma_start3A_1049, %dma_start3A_1055] : memref<2x800xi32, #tpu.memory_space<vmem>> -> memref<1x80xi32, #tpu.memory_space<vmem>>
    %dma_start3A_1057 = tpu.memref_squeeze %dma_start3A_1056 : memref<1x80xi32, #tpu.memory_space<vmem>> -> memref<80xi32, #tpu.memory_space<vmem>>
    %dma_start3A_1058 = arith.constant 0 : i32
    %dma_start3A_1059 = arith.constant 0 : i32
    %dma_start3A_1060 = tpu.memref_slice %arg2[%dma_start3A_1058, %dma_start3A_1059] : memref<100000x64xf32, #tpu.memory_space<hbm>> -> memref<100000x64xf32, #tpu.memory_space<hbm>>
    tpu.enqueue_indirect_dma source(%dma_start3A_1060 : memref<100000x64xf32, #tpu.memory_space<hbm>>) target(%dma_start3A_1054 : memref<80x64xf32, #tpu.memory_space<vmem>>) offsets(%dma_start3A_1057 : memref<80xi32, #tpu.memory_space<vmem>>) semaphore(%arg9 : memref<!tpu.dma_semaphore, #tpu.memory_space<semaphore_mem>>)
    %dma_start3A_1061 = arith.constant 0 : i32
    %dma_start3A_1062 = arith.constant 0 : i32
    %dma_start3A_1063 = arith.constant 720 : i32
    %dma_start3A_1064 = arith.constant 0 : i32
    %dma_start3A_1065 = tpu.memref_slice %arg7[%dma_start3A_1062, %dma_start3A_1063, %dma_start3A_1064] : memref<2x800x64xf32, #tpu.memory_space<vmem>> -> memref<1x80x64xf32, #tpu.memory_space<vmem>>
    %dma_start3A_1066 = tpu.memref_squeeze %dma_start3A_1065 : memref<1x80x64xf32, #tpu.memory_space<vmem>> -> memref<80x64xf32, #tpu.memory_space<vmem>>
    %dma_start3A_1067 = arith.constant 720 : i32
    %dma_start3A_1068 = tpu.memref_slice %arg8[%dma_start3A_1061, %dma_start3A_1067] : memref<2x800xi32, #tpu.memory_space<vmem>> -> memref<1x80xi32, #tpu.memory_space<vmem>>
    %dma_start3A_1069 = tpu.memref_squeeze %dma_start3A_1068 : memref<1x80xi32, #tpu.memory_space<vmem>> -> memref<80xi32, #tpu.memory_space<vmem>>
    %dma_start3A_1070 = arith.constant 0 : i32
    %dma_start3A_1071 = arith.constant 0 : i32
    %dma_start3A_1072 = tpu.memref_slice %arg2[%dma_start3A_1070, %dma_start3A_1071] : memref<100000x64xf32, #tpu.memory_space<hbm>> -> memref<100000x64xf32, #tpu.memory_space<hbm>>
    tpu.enqueue_indirect_dma source(%dma_start3A_1072 : memref<100000x64xf32, #tpu.memory_space<hbm>>) target(%dma_start3A_1066 : memref<80x64xf32, #tpu.memory_space<vmem>>) offsets(%dma_start3A_1069 : memref<80xi32, #tpu.memory_space<vmem>>) semaphore(%arg9 : memref<!tpu.dma_semaphore, #tpu.memory_space<semaphore_mem>>)
    %dma_wait3A_1073 = arith.constant 1 : i32
    %dma_wait3A_1074 = arith.constant 1 : i32
    %dma_wait3A_1075 = arith.constant 0 : i32
    %dma_wait3A_1076 = arith.constant 0 : i32
    %dma_wait3A_1077 = tpu.memref_slice %arg7[%dma_wait3A_1074, %dma_wait3A_1075, %dma_wait3A_1076] : memref<2x800x64xf32, #tpu.memory_space<vmem>> -> memref<1x80x64xf32, #tpu.memory_space<vmem>>
    %dma_wait3A_1078 = tpu.memref_squeeze %dma_wait3A_1077 : memref<1x80x64xf32, #tpu.memory_space<vmem>> -> memref<80x64xf32, #tpu.memory_space<vmem>>
    %dma_wait3A_1079 = arith.constant 0 : i32
    %dma_wait3A_1080 = tpu.memref_slice %arg8[%dma_wait3A_1073, %dma_wait3A_1079] : memref<2x800xi32, #tpu.memory_space<vmem>> -> memref<1x80xi32, #tpu.memory_space<vmem>>
    %dma_wait3A_1081 = tpu.memref_squeeze %dma_wait3A_1080 : memref<1x80xi32, #tpu.memory_space<vmem>> -> memref<80xi32, #tpu.memory_space<vmem>>
    %dma_wait3A_1082 = arith.constant 0 : i32
    %dma_wait3A_1083 = arith.constant 0 : i32
    %dma_wait3A_1084 = tpu.memref_slice %arg2[%dma_wait3A_1082, %dma_wait3A_1083] : memref<100000x64xf32, #tpu.memory_space<hbm>> -> memref<100000x64xf32, #tpu.memory_space<hbm>>
    tpu.wait_indirect_dma semaphore(%arg10 : memref<!tpu.dma_semaphore, #tpu.memory_space<semaphore_mem>>) src(%dma_wait3A_1084 : memref<100000x64xf32, #tpu.memory_space<hbm>>) dst(%dma_wait3A_1078 : memref<80x64xf32, #tpu.memory_space<vmem>>)
    %dma_wait3A_1085 = arith.constant 1 : i32
    %dma_wait3A_1086 = arith.constant 1 : i32
    %dma_wait3A_1087 = arith.constant 80 : i32
    %dma_wait3A_1088 = arith.constant 0 : i32
    %dma_wait3A_1089 = tpu.memref_slice %arg7[%dma_wait3A_1086, %dma_wait3A_1087, %dma_wait3A_1088] : memref<2x800x64xf32, #tpu.memory_space<vmem>> -> memref<1x80x64xf32, #tpu.memory_space<vmem>>
    %dma_wait3A_1090 = tpu.memref_squeeze %dma_wait3A_1089 : memref<1x80x64xf32, #tpu.memory_space<vmem>> -> memref<80x64xf32, #tpu.memory_space<vmem>>
    %dma_wait3A_1091 = arith.constant 80 : i32
    %dma_wait3A_1092 = tpu.memref_slice %arg8[%dma_wait3A_1085, %dma_wait3A_1091] : memref<2x800xi32, #tpu.memory_space<vmem>> -> memref<1x80xi32, #tpu.memory_space<vmem>>
    %dma_wait3A_1093 = tpu.memref_squeeze %dma_wait3A_1092 : memref<1x80xi32, #tpu.memory_space<vmem>> -> memref<80xi32, #tpu.memory_space<vmem>>
    %dma_wait3A_1094 = arith.constant 0 : i32
    %dma_wait3A_1095 = arith.constant 0 : i32
    %dma_wait3A_1096 = tpu.memref_slice %arg2[%dma_wait3A_1094, %dma_wait3A_1095] : memref<100000x64xf32, #tpu.memory_space<hbm>> -> memref<100000x64xf32, #tpu.memory_space<hbm>>
    tpu.wait_indirect_dma semaphore(%arg10 : memref<!tpu.dma_semaphore, #tpu.memory_space<semaphore_mem>>) src(%dma_wait3A_1096 : memref<100000x64xf32, #tpu.memory_space<hbm>>) dst(%dma_wait3A_1090 : memref<80x64xf32, #tpu.memory_space<vmem>>)
    %dma_wait3A_1097 = arith.constant 1 : i32
    %dma_wait3A_1098 = arith.constant 1 : i32
    %dma_wait3A_1099 = arith.constant 160 : i32
    %dma_wait3A_1100 = arith.constant 0 : i32
    %dma_wait3A_1101 = tpu.memref_slice %arg7[%dma_wait3A_1098, %dma_wait3A_1099, %dma_wait3A_1100] : memref<2x800x64xf32, #tpu.memory_space<vmem>> -> memref<1x80x64xf32, #tpu.memory_space<vmem>>
    %dma_wait3A_1102 = tpu.memref_squeeze %dma_wait3A_1101 : memref<1x80x64xf32, #tpu.memory_space<vmem>> -> memref<80x64xf32, #tpu.memory_space<vmem>>
    %dma_wait3A_1103 = arith.constant 160 : i32
    %dma_wait3A_1104 = tpu.memref_slice %arg8[%dma_wait3A_1097, %dma_wait3A_1103] : memref<2x800xi32, #tpu.memory_space<vmem>> -> memref<1x80xi32, #tpu.memory_space<vmem>>
    %dma_wait3A_1105 = tpu.memref_squeeze %dma_wait3A_1104 : memref<1x80xi32, #tpu.memory_space<vmem>> -> memref<80xi32, #tpu.memory_space<vmem>>
    %dma_wait3A_1106 = arith.constant 0 : i32
    %dma_wait3A_1107 = arith.constant 0 : i32
    %dma_wait3A_1108 = tpu.memref_slice %arg2[%dma_wait3A_1106, %dma_wait3A_1107] : memref<100000x64xf32, #tpu.memory_space<hbm>> -> memref<100000x64xf32, #tpu.memory_space<hbm>>
    tpu.wait_indirect_dma semaphore(%arg10 : memref<!tpu.dma_semaphore, #tpu.memory_space<semaphore_mem>>) src(%dma_wait3A_1108 : memref<100000x64xf32, #tpu.memory_space<hbm>>) dst(%dma_wait3A_1102 : memref<80x64xf32, #tpu.memory_space<vmem>>)
    %dma_wait3A_1109 = arith.constant 1 : i32
    %dma_wait3A_1110 = arith.constant 1 : i32
    %dma_wait3A_1111 = arith.constant 240 : i32
    %dma_wait3A_1112 = arith.constant 0 : i32
    %dma_wait3A_1113 = tpu.memref_slice %arg7[%dma_wait3A_1110, %dma_wait3A_1111, %dma_wait3A_1112] : memref<2x800x64xf32, #tpu.memory_space<vmem>> -> memref<1x80x64xf32, #tpu.memory_space<vmem>>
    %dma_wait3A_1114 = tpu.memref_squeeze %dma_wait3A_1113 : memref<1x80x64xf32, #tpu.memory_space<vmem>> -> memref<80x64xf32, #tpu.memory_space<vmem>>
    %dma_wait3A_1115 = arith.constant 240 : i32
    %dma_wait3A_1116 = tpu.memref_slice %arg8[%dma_wait3A_1109, %dma_wait3A_1115] : memref<2x800xi32, #tpu.memory_space<vmem>> -> memref<1x80xi32, #tpu.memory_space<vmem>>
    %dma_wait3A_1117 = tpu.memref_squeeze %dma_wait3A_1116 : memref<1x80xi32, #tpu.memory_space<vmem>> -> memref<80xi32, #tpu.memory_space<vmem>>
    %dma_wait3A_1118 = arith.constant 0 : i32
    %dma_wait3A_1119 = arith.constant 0 : i32
    %dma_wait3A_1120 = tpu.memref_slice %arg2[%dma_wait3A_1118, %dma_wait3A_1119] : memref<100000x64xf32, #tpu.memory_space<hbm>> -> memref<100000x64xf32, #tpu.memory_space<hbm>>
    tpu.wait_indirect_dma semaphore(%arg10 : memref<!tpu.dma_semaphore, #tpu.memory_space<semaphore_mem>>) src(%dma_wait3A_1120 : memref<100000x64xf32, #tpu.memory_space<hbm>>) dst(%dma_wait3A_1114 : memref<80x64xf32, #tpu.memory_space<vmem>>)
    %dma_wait3A_1121 = arith.constant 1 : i32
    %dma_wait3A_1122 = arith.constant 1 : i32
    %dma_wait3A_1123 = arith.constant 320 : i32
    %dma_wait3A_1124 = arith.constant 0 : i32
    %dma_wait3A_1125 = tpu.memref_slice %arg7[%dma_wait3A_1122, %dma_wait3A_1123, %dma_wait3A_1124] : memref<2x800x64xf32, #tpu.memory_space<vmem>> -> memref<1x80x64xf32, #tpu.memory_space<vmem>>
    %dma_wait3A_1126 = tpu.memref_squeeze %dma_wait3A_1125 : memref<1x80x64xf32, #tpu.memory_space<vmem>> -> memref<80x64xf32, #tpu.memory_space<vmem>>
    %dma_wait3A_1127 = arith.constant 320 : i32
    %dma_wait3A_1128 = tpu.memref_slice %arg8[%dma_wait3A_1121, %dma_wait3A_1127] : memref<2x800xi32, #tpu.memory_space<vmem>> -> memref<1x80xi32, #tpu.memory_space<vmem>>
    %dma_wait3A_1129 = tpu.memref_squeeze %dma_wait3A_1128 : memref<1x80xi32, #tpu.memory_space<vmem>> -> memref<80xi32, #tpu.memory_space<vmem>>
    %dma_wait3A_1130 = arith.constant 0 : i32
    %dma_wait3A_1131 = arith.constant 0 : i32
    %dma_wait3A_1132 = tpu.memref_slice %arg2[%dma_wait3A_1130, %dma_wait3A_1131] : memref<100000x64xf32, #tpu.memory_space<hbm>> -> memref<100000x64xf32, #tpu.memory_space<hbm>>
    tpu.wait_indirect_dma semaphore(%arg10 : memref<!tpu.dma_semaphore, #tpu.memory_space<semaphore_mem>>) src(%dma_wait3A_1132 : memref<100000x64xf32, #tpu.memory_space<hbm>>) dst(%dma_wait3A_1126 : memref<80x64xf32, #tpu.memory_space<vmem>>)
    %dma_wait3A_1133 = arith.constant 1 : i32
    %dma_wait3A_1134 = arith.constant 1 : i32
    %dma_wait3A_1135 = arith.constant 400 : i32
    %dma_wait3A_1136 = arith.constant 0 : i32
    %dma_wait3A_1137 = tpu.memref_slice %arg7[%dma_wait3A_1134, %dma_wait3A_1135, %dma_wait3A_1136] : memref<2x800x64xf32, #tpu.memory_space<vmem>> -> memref<1x80x64xf32, #tpu.memory_space<vmem>>
    %dma_wait3A_1138 = tpu.memref_squeeze %dma_wait3A_1137 : memref<1x80x64xf32, #tpu.memory_space<vmem>> -> memref<80x64xf32, #tpu.memory_space<vmem>>
    %dma_wait3A_1139 = arith.constant 400 : i32
    %dma_wait3A_1140 = tpu.memref_slice %arg8[%dma_wait3A_1133, %dma_wait3A_1139] : memref<2x800xi32, #tpu.memory_space<vmem>> -> memref<1x80xi32, #tpu.memory_space<vmem>>
    %dma_wait3A_1141 = tpu.memref_squeeze %dma_wait3A_1140 : memref<1x80xi32, #tpu.memory_space<vmem>> -> memref<80xi32, #tpu.memory_space<vmem>>
    %dma_wait3A_1142 = arith.constant 0 : i32
    %dma_wait3A_1143 = arith.constant 0 : i32
    %dma_wait3A_1144 = tpu.memref_slice %arg2[%dma_wait3A_1142, %dma_wait3A_1143] : memref<100000x64xf32, #tpu.memory_space<hbm>> -> memref<100000x64xf32, #tpu.memory_space<hbm>>
    tpu.wait_indirect_dma semaphore(%arg10 : memref<!tpu.dma_semaphore, #tpu.memory_space<semaphore_mem>>) src(%dma_wait3A_1144 : memref<100000x64xf32, #tpu.memory_space<hbm>>) dst(%dma_wait3A_1138 : memref<80x64xf32, #tpu.memory_space<vmem>>)
    %dma_wait3A_1145 = arith.constant 1 : i32
    %dma_wait3A_1146 = arith.constant 1 : i32
    %dma_wait3A_1147 = arith.constant 480 : i32
    %dma_wait3A_1148 = arith.constant 0 : i32
    %dma_wait3A_1149 = tpu.memref_slice %arg7[%dma_wait3A_1146, %dma_wait3A_1147, %dma_wait3A_1148] : memref<2x800x64xf32, #tpu.memory_space<vmem>> -> memref<1x80x64xf32, #tpu.memory_space<vmem>>
    %dma_wait3A_1150 = tpu.memref_squeeze %dma_wait3A_1149 : memref<1x80x64xf32, #tpu.memory_space<vmem>> -> memref<80x64xf32, #tpu.memory_space<vmem>>
    %dma_wait3A_1151 = arith.constant 480 : i32
    %dma_wait3A_1152 = tpu.memref_slice %arg8[%dma_wait3A_1145, %dma_wait3A_1151] : memref<2x800xi32, #tpu.memory_space<vmem>> -> memref<1x80xi32, #tpu.memory_space<vmem>>
    %dma_wait3A_1153 = tpu.memref_squeeze %dma_wait3A_1152 : memref<1x80xi32, #tpu.memory_space<vmem>> -> memref<80xi32, #tpu.memory_space<vmem>>
    %dma_wait3A_1154 = arith.constant 0 : i32
    %dma_wait3A_1155 = arith.constant 0 : i32
    %dma_wait3A_1156 = tpu.memref_slice %arg2[%dma_wait3A_1154, %dma_wait3A_1155] : memref<100000x64xf32, #tpu.memory_space<hbm>> -> memref<100000x64xf32, #tpu.memory_space<hbm>>
    tpu.wait_indirect_dma semaphore(%arg10 : memref<!tpu.dma_semaphore, #tpu.memory_space<semaphore_mem>>) src(%dma_wait3A_1156 : memref<100000x64xf32, #tpu.memory_space<hbm>>) dst(%dma_wait3A_1150 : memref<80x64xf32, #tpu.memory_space<vmem>>)
    %dma_wait3A_1157 = arith.constant 1 : i32
    %dma_wait3A_1158 = arith.constant 1 : i32
    %dma_wait3A_1159 = arith.constant 560 : i32
    %dma_wait3A_1160 = arith.constant 0 : i32
    %dma_wait3A_1161 = tpu.memref_slice %arg7[%dma_wait3A_1158, %dma_wait3A_1159, %dma_wait3A_1160] : memref<2x800x64xf32, #tpu.memory_space<vmem>> -> memref<1x80x64xf32, #tpu.memory_space<vmem>>
    %dma_wait3A_1162 = tpu.memref_squeeze %dma_wait3A_1161 : memref<1x80x64xf32, #tpu.memory_space<vmem>> -> memref<80x64xf32, #tpu.memory_space<vmem>>
    %dma_wait3A_1163 = arith.constant 560 : i32
    %dma_wait3A_1164 = tpu.memref_slice %arg8[%dma_wait3A_1157, %dma_wait3A_1163] : memref<2x800xi32, #tpu.memory_space<vmem>> -> memref<1x80xi32, #tpu.memory_space<vmem>>
    %dma_wait3A_1165 = tpu.memref_squeeze %dma_wait3A_1164 : memref<1x80xi32, #tpu.memory_space<vmem>> -> memref<80xi32, #tpu.memory_space<vmem>>
    %dma_wait3A_1166 = arith.constant 0 : i32
    %dma_wait3A_1167 = arith.constant 0 : i32
    %dma_wait3A_1168 = tpu.memref_slice %arg2[%dma_wait3A_1166, %dma_wait3A_1167] : memref<100000x64xf32, #tpu.memory_space<hbm>> -> memref<100000x64xf32, #tpu.memory_space<hbm>>
    tpu.wait_indirect_dma semaphore(%arg10 : memref<!tpu.dma_semaphore, #tpu.memory_space<semaphore_mem>>) src(%dma_wait3A_1168 : memref<100000x64xf32, #tpu.memory_space<hbm>>) dst(%dma_wait3A_1162 : memref<80x64xf32, #tpu.memory_space<vmem>>)
    %dma_wait3A_1169 = arith.constant 1 : i32
    %dma_wait3A_1170 = arith.constant 1 : i32
    %dma_wait3A_1171 = arith.constant 640 : i32
    %dma_wait3A_1172 = arith.constant 0 : i32
    %dma_wait3A_1173 = tpu.memref_slice %arg7[%dma_wait3A_1170, %dma_wait3A_1171, %dma_wait3A_1172] : memref<2x800x64xf32, #tpu.memory_space<vmem>> -> memref<1x80x64xf32, #tpu.memory_space<vmem>>
    %dma_wait3A_1174 = tpu.memref_squeeze %dma_wait3A_1173 : memref<1x80x64xf32, #tpu.memory_space<vmem>> -> memref<80x64xf32, #tpu.memory_space<vmem>>
    %dma_wait3A_1175 = arith.constant 640 : i32
    %dma_wait3A_1176 = tpu.memref_slice %arg8[%dma_wait3A_1169, %dma_wait3A_1175] : memref<2x800xi32, #tpu.memory_space<vmem>> -> memref<1x80xi32, #tpu.memory_space<vmem>>
    %dma_wait3A_1177 = tpu.memref_squeeze %dma_wait3A_1176 : memref<1x80xi32, #tpu.memory_space<vmem>> -> memref<80xi32, #tpu.memory_space<vmem>>
    %dma_wait3A_1178 = arith.constant 0 : i32
    %dma_wait3A_1179 = arith.constant 0 : i32
    %dma_wait3A_1180 = tpu.memref_slice %arg2[%dma_wait3A_1178, %dma_wait3A_1179] : memref<100000x64xf32, #tpu.memory_space<hbm>> -> memref<100000x64xf32, #tpu.memory_space<hbm>>
    tpu.wait_indirect_dma semaphore(%arg10 : memref<!tpu.dma_semaphore, #tpu.memory_space<semaphore_mem>>) src(%dma_wait3A_1180 : memref<100000x64xf32, #tpu.memory_space<hbm>>) dst(%dma_wait3A_1174 : memref<80x64xf32, #tpu.memory_space<vmem>>)
    %dma_wait3A_1181 = arith.constant 1 : i32
    %dma_wait3A_1182 = arith.constant 1 : i32
    %dma_wait3A_1183 = arith.constant 720 : i32
    %dma_wait3A_1184 = arith.constant 0 : i32
    %dma_wait3A_1185 = tpu.memref_slice %arg7[%dma_wait3A_1182, %dma_wait3A_1183, %dma_wait3A_1184] : memref<2x800x64xf32, #tpu.memory_space<vmem>> -> memref<1x80x64xf32, #tpu.memory_space<vmem>>
    %dma_wait3A_1186 = tpu.memref_squeeze %dma_wait3A_1185 : memref<1x80x64xf32, #tpu.memory_space<vmem>> -> memref<80x64xf32, #tpu.memory_space<vmem>>
    %dma_wait3A_1187 = arith.constant 720 : i32
    %dma_wait3A_1188 = tpu.memref_slice %arg8[%dma_wait3A_1181, %dma_wait3A_1187] : memref<2x800xi32, #tpu.memory_space<vmem>> -> memref<1x80xi32, #tpu.memory_space<vmem>>
    %dma_wait3A_1189 = tpu.memref_squeeze %dma_wait3A_1188 : memref<1x80xi32, #tpu.memory_space<vmem>> -> memref<80xi32, #tpu.memory_space<vmem>>
    %dma_wait3A_1190 = arith.constant 0 : i32
    %dma_wait3A_1191 = arith.constant 0 : i32
    %dma_wait3A_1192 = tpu.memref_slice %arg2[%dma_wait3A_1190, %dma_wait3A_1191] : memref<100000x64xf32, #tpu.memory_space<hbm>> -> memref<100000x64xf32, #tpu.memory_space<hbm>>
    tpu.wait_indirect_dma semaphore(%arg10 : memref<!tpu.dma_semaphore, #tpu.memory_space<semaphore_mem>>) src(%dma_wait3A_1192 : memref<100000x64xf32, #tpu.memory_space<hbm>>) dst(%dma_wait3A_1186 : memref<80x64xf32, #tpu.memory_space<vmem>>)
    %scan3A_1193 = arith.constant 0 : i32
    %scan3A_1194 = arith.constant 200 : i32
    %scan3A_1195 = arith.addi %scan3A_1193, %scan3A_1194 : i32
    %scan3A_1196 = arith.constant 1 : i32
    scf.for %scan3A_2207 = %scan3A_1193 to %scan3A_1195 step %scan3A_1196  : i32 {
      %mul3A_2208 = arith.constant 1 : i32
      %mul3A_2209 = arith.muli %scan3A_2207, %mul3A_2208 : i32
      %add3A_2210 = arith.constant 0 : i32
      %add3A_2211 = arith.addi %add3A_2210, %mul3A_2209 : i32
      %add3A_2212 = arith.constant 1 : i32
      %add3A_2213 = arith.addi %add3A_2211, %add3A_2212 : i32
      %get3A = arith.index_cast %add3A_2213 : i32 to index
      %get3A_2214 = arith.constant 0 : index
      %get3A_2215 = tpu.vector_load %arg6[%get3A, %get3A_2214] {strides = array<i32>} : memref<256x64xf32, #tpu.memory_space<vmem>>, vector<16xf32>,
      %add3A_2216 = arith.constant 1 : i32
      %add3A_2217 = arith.addi %add3A_2211, %add3A_2216 : i32
      %get3A_2218 = arith.index_cast %add3A_2217 : i32 to index
      %get3A_2219 = arith.constant 16 : index
      %get3A_2220 = tpu.vector_load %arg6[%get3A_2218, %get3A_2219] {strides = array<i32>} : memref<256x64xf32, #tpu.memory_space<vmem>>, vector<16xf32>,
      %add3A_2221 = arith.constant 1 : i32
      %add3A_2222 = arith.addi %add3A_2211, %add3A_2221 : i32
      %get3A_2223 = arith.index_cast %add3A_2222 : i32 to index
      %get3A_2224 = arith.constant 32 : index
      %get3A_2225 = tpu.vector_load %arg6[%get3A_2223, %get3A_2224] {strides = array<i32>} : memref<256x64xf32, #tpu.memory_space<vmem>>, vector<16xf32>,
      %add3A_2226 = arith.constant 1 : i32
      %add3A_2227 = arith.addi %add3A_2211, %add3A_2226 : i32
      %get3A_2228 = arith.index_cast %add3A_2227 : i32 to index
      %get3A_2229 = arith.constant 48 : index
      %get3A_2230 = tpu.vector_load %arg6[%get3A_2228, %get3A_2229] {strides = array<i32>} : memref<256x64xf32, #tpu.memory_space<vmem>>, vector<16xf32>,
      %add3A_2231 = arith.constant 0 : i32
      %add3A_2232 = arith.addi %add3A_2231, %add3A_2211 : i32
      %swap3A = arith.constant 1 : i32
      %swap3A_2233 = arith.index_cast %swap3A : i32 to index
      %swap3A_2234 = arith.index_cast %add3A_2232 : i32 to index
      %swap3A_2235 = arith.constant 0 : index
      %swap3A_2236 = tpu.vector_load %arg7[%swap3A_2233, %swap3A_2234, %swap3A_2235] {strides = array<i32>} : memref<2x800x64xf32, #tpu.memory_space<vmem>>, vector<16xf32>,
      tpu.vector_store %arg7[%swap3A_2233, %swap3A_2234, %swap3A_2235], %get3A_2215 {add = true, strides = array<i32>} : memref<2x800x64xf32, #tpu.memory_space<vmem>>, vector<16xf32>,
      %add3A_2237 = arith.constant 0 : i32
      %add3A_2238 = arith.addi %add3A_2237, %add3A_2211 : i32
      %swap3A_2239 = arith.constant 1 : i32
      %swap3A_2240 = arith.index_cast %swap3A_2239 : i32 to index
      %swap3A_2241 = arith.index_cast %add3A_2238 : i32 to index
      %swap3A_2242 = arith.constant 16 : index
      %swap3A_2243 = tpu.vector_load %arg7[%swap3A_2240, %swap3A_2241, %swap3A_2242] {strides = array<i32>} : memref<2x800x64xf32, #tpu.memory_space<vmem>>, vector<16xf32>,
      tpu.vector_store %arg7[%swap3A_2240, %swap3A_2241, %swap3A_2242], %get3A_2220 {add = true, strides = array<i32>} : memref<2x800x64xf32, #tpu.memory_space<vmem>>, vector<16xf32>,
      %add3A_2244 = arith.constant 0 : i32
      %add3A_2245 = arith.addi %add3A_2244, %add3A_2211 : i32
      %swap3A_2246 = arith.constant 1 : i32
      %swap3A_2247 = arith.index_cast %swap3A_2246 : i32 to index
      %swap3A_2248 = arith.index_cast %add3A_2245 : i32 to index
      %swap3A_2249 = arith.constant 32 : index
      %swap3A_2250 = tpu.vector_load %arg7[%swap3A_2247, %swap3A_2248, %swap3A_2249] {strides = array<i32>} : memref<2x800x64xf32, #tpu.memory_space<vmem>>, vector<16xf32>,
      tpu.vector_store %arg7[%swap3A_2247, %swap3A_2248, %swap3A_2249], %get3A_2225 {add = true, strides = array<i32>} : memref<2x800x64xf32, #tpu.memory_space<vmem>>, vector<16xf32>,
      %add3A_2251 = arith.constant 0 : i32
      %add3A_2252 = arith.addi %add3A_2251, %add3A_2211 : i32
      %swap3A_2253 = arith.constant 1 : i32
      %swap3A_2254 = arith.index_cast %swap3A_2253 : i32 to index
      %swap3A_2255 = arith.index_cast %add3A_2252 : i32 to index
      %swap3A_2256 = arith.constant 48 : index
      %swap3A_2257 = tpu.vector_load %arg7[%swap3A_2254, %swap3A_2255, %swap3A_2256] {strides = array<i32>} : memref<2x800x64xf32, #tpu.memory_space<vmem>>, vector<16xf32>,
      tpu.vector_store %arg7[%swap3A_2254, %swap3A_2255, %swap3A_2256], %get3A_2230 {add = true, strides = array<i32>} : memref<2x800x64xf32, #tpu.memory_space<vmem>>, vector<16xf32>,
      %add3A_2258 = arith.constant 200 : i32
      %add3A_2259 = arith.addi %add3A_2258, %add3A_2211 : i32
      %swap3A_2260 = arith.constant 1 : i32
      %swap3A_2261 = arith.index_cast %swap3A_2260 : i32 to index
      %swap3A_2262 = arith.index_cast %add3A_2259 : i32 to index
      %swap3A_2263 = arith.constant 0 : index
      %swap3A_2264 = tpu.vector_load %arg7[%swap3A_2261, %swap3A_2262, %swap3A_2263] {strides = array<i32>} : memref<2x800x64xf32, #tpu.memory_space<vmem>>, vector<16xf32>,
      tpu.vector_store %arg7[%swap3A_2261, %swap3A_2262, %swap3A_2263], %get3A_2215 {add = true, strides = array<i32>} : memref<2x800x64xf32, #tpu.memory_space<vmem>>, vector<16xf32>,
      %add3A_2265 = arith.constant 200 : i32
      %add3A_2266 = arith.addi %add3A_2265, %add3A_2211 : i32
      %swap3A_2267 = arith.constant 1 : i32
      %swap3A_2268 = arith.index_cast %swap3A_2267 : i32 to index
      %swap3A_2269 = arith.index_cast %add3A_2266 : i32 to index
      %swap3A_2270 = arith.constant 16 : index
      %swap3A_2271 = tpu.vector_load %arg7[%swap3A_2268, %swap3A_2269, %swap3A_2270] {strides = array<i32>} : memref<2x800x64xf32, #tpu.memory_space<vmem>>, vector<16xf32>,
      tpu.vector_store %arg7[%swap3A_2268, %swap3A_2269, %swap3A_2270], %get3A_2220 {add = true, strides = array<i32>} : memref<2x800x64xf32, #tpu.memory_space<vmem>>, vector<16xf32>,
      %add3A_2272 = arith.constant 200 : i32
      %add3A_2273 = arith.addi %add3A_2272, %add3A_2211 : i32
      %swap3A_2274 = arith.constant 1 : i32
      %swap3A_2275 = arith.index_cast %swap3A_2274 : i32 to index
      %swap3A_2276 = arith.index_cast %add3A_2273 : i32 to index
      %swap3A_2277 = arith.constant 32 : index
      %swap3A_2278 = tpu.vector_load %arg7[%swap3A_2275, %swap3A_2276, %swap3A_2277] {strides = array<i32>} : memref<2x800x64xf32, #tpu.memory_space<vmem>>, vector<16xf32>,
      tpu.vector_store %arg7[%swap3A_2275, %swap3A_2276, %swap3A_2277], %get3A_2225 {add = true, strides = array<i32>} : memref<2x800x64xf32, #tpu.memory_space<vmem>>, vector<16xf32>,
      %add3A_2279 = arith.constant 200 : i32
      %add3A_2280 = arith.addi %add3A_2279, %add3A_2211 : i32
      %swap3A_2281 = arith.constant 1 : i32
      %swap3A_2282 = arith.index_cast %swap3A_2281 : i32 to index
      %swap3A_2283 = arith.index_cast %add3A_2280 : i32 to index
      %swap3A_2284 = arith.constant 48 : index
      %swap3A_2285 = tpu.vector_load %arg7[%swap3A_2282, %swap3A_2283, %swap3A_2284] {strides = array<i32>} : memref<2x800x64xf32, #tpu.memory_space<vmem>>, vector<16xf32>,
      tpu.vector_store %arg7[%swap3A_2282, %swap3A_2283, %swap3A_2284], %get3A_2230 {add = true, strides = array<i32>} : memref<2x800x64xf32, #tpu.memory_space<vmem>>, vector<16xf32>,
      %add3A_2286 = arith.constant 400 : i32
      %add3A_2287 = arith.addi %add3A_2286, %add3A_2211 : i32
      %swap3A_2288 = arith.constant 1 : i32
      %swap3A_2289 = arith.index_cast %swap3A_2288 : i32 to index
      %swap3A_2290 = arith.index_cast %add3A_2287 : i32 to index
      %swap3A_2291 = arith.constant 0 : index
      %swap3A_2292 = tpu.vector_load %arg7[%swap3A_2289, %swap3A_2290, %swap3A_2291] {strides = array<i32>} : memref<2x800x64xf32, #tpu.memory_space<vmem>>, vector<16xf32>,
      tpu.vector_store %arg7[%swap3A_2289, %swap3A_2290, %swap3A_2291], %get3A_2215 {add = true, strides = array<i32>} : memref<2x800x64xf32, #tpu.memory_space<vmem>>, vector<16xf32>,
      %add3A_2293 = arith.constant 400 : i32
      %add3A_2294 = arith.addi %add3A_2293, %add3A_2211 : i32
      %swap3A_2295 = arith.constant 1 : i32
      %swap3A_2296 = arith.index_cast %swap3A_2295 : i32 to index
      %swap3A_2297 = arith.index_cast %add3A_2294 : i32 to index
      %swap3A_2298 = arith.constant 16 : index
      %swap3A_2299 = tpu.vector_load %arg7[%swap3A_2296, %swap3A_2297, %swap3A_2298] {strides = array<i32>} : memref<2x800x64xf32, #tpu.memory_space<vmem>>, vector<16xf32>,
      tpu.vector_store %arg7[%swap3A_2296, %swap3A_2297, %swap3A_2298], %get3A_2220 {add = true, strides = array<i32>} : memref<2x800x64xf32, #tpu.memory_space<vmem>>, vector<16xf32>,
      %add3A_2300 = arith.constant 400 : i32
      %add3A_2301 = arith.addi %add3A_2300, %add3A_2211 : i32
      %swap3A_2302 = arith.constant 1 : i32
      %swap3A_2303 = arith.index_cast %swap3A_2302 : i32 to index
      %swap3A_2304 = arith.index_cast %add3A_2301 : i32 to index
      %swap3A_2305 = arith.constant 32 : index
      %swap3A_2306 = tpu.vector_load %arg7[%swap3A_2303, %swap3A_2304, %swap3A_2305] {strides = array<i32>} : memref<2x800x64xf32, #tpu.memory_space<vmem>>, vector<16xf32>,
      tpu.vector_store %arg7[%swap3A_2303, %swap3A_2304, %swap3A_2305], %get3A_2225 {add = true, strides = array<i32>} : memref<2x800x64xf32, #tpu.memory_space<vmem>>, vector<16xf32>,
      %add3A_2307 = arith.constant 400 : i32
      %add3A_2308 = arith.addi %add3A_2307, %add3A_2211 : i32
      %swap3A_2309 = arith.constant 1 : i32
      %swap3A_2310 = arith.index_cast %swap3A_2309 : i32 to index
      %swap3A_2311 = arith.index_cast %add3A_2308 : i32 to index
      %swap3A_2312 = arith.constant 48 : index
      %swap3A_2313 = tpu.vector_load %arg7[%swap3A_2310, %swap3A_2311, %swap3A_2312] {strides = array<i32>} : memref<2x800x64xf32, #tpu.memory_space<vmem>>, vector<16xf32>,
      tpu.vector_store %arg7[%swap3A_2310, %swap3A_2311, %swap3A_2312], %get3A_2230 {add = true, strides = array<i32>} : memref<2x800x64xf32, #tpu.memory_space<vmem>>, vector<16xf32>,
      %add3A_2314 = arith.constant 600 : i32
      %add3A_2315 = arith.addi %add3A_2314, %add3A_2211 : i32
      %swap3A_2316 = arith.constant 1 : i32
      %swap3A_2317 = arith.index_cast %swap3A_2316 : i32 to index
      %swap3A_2318 = arith.index_cast %add3A_2315 : i32 to index
      %swap3A_2319 = arith.constant 0 : index
      %swap3A_2320 = tpu.vector_load %arg7[%swap3A_2317, %swap3A_2318, %swap3A_2319] {strides = array<i32>} : memref<2x800x64xf32, #tpu.memory_space<vmem>>, vector<16xf32>,
      tpu.vector_store %arg7[%swap3A_2317, %swap3A_2318, %swap3A_2319], %get3A_2215 {add = true, strides = array<i32>} : memref<2x800x64xf32, #tpu.memory_space<vmem>>, vector<16xf32>,
      %add3A_2321 = arith.constant 600 : i32
      %add3A_2322 = arith.addi %add3A_2321, %add3A_2211 : i32
      %swap3A_2323 = arith.constant 1 : i32
      %swap3A_2324 = arith.index_cast %swap3A_2323 : i32 to index
      %swap3A_2325 = arith.index_cast %add3A_2322 : i32 to index
      %swap3A_2326 = arith.constant 16 : index
      %swap3A_2327 = tpu.vector_load %arg7[%swap3A_2324, %swap3A_2325, %swap3A_2326] {strides = array<i32>} : memref<2x800x64xf32, #tpu.memory_space<vmem>>, vector<16xf32>,
      tpu.vector_store %arg7[%swap3A_2324, %swap3A_2325, %swap3A_2326], %get3A_2220 {add = true, strides = array<i32>} : memref<2x800x64xf32, #tpu.memory_space<vmem>>, vector<16xf32>,
      %add3A_2328 = arith.constant 600 : i32
      %add3A_2329 = arith.addi %add3A_2328, %add3A_2211 : i32
      %swap3A_2330 = arith.constant 1 : i32
      %swap3A_2331 = arith.index_cast %swap3A_2330 : i32 to index
      %swap3A_2332 = arith.index_cast %add3A_2329 : i32 to index
      %swap3A_2333 = arith.constant 32 : index
      %swap3A_2334 = tpu.vector_load %arg7[%swap3A_2331, %swap3A_2332, %swap3A_2333] {strides = array<i32>} : memref<2x800x64xf32, #tpu.memory_space<vmem>>, vector<16xf32>,
      tpu.vector_store %arg7[%swap3A_2331, %swap3A_2332, %swap3A_2333], %get3A_2225 {add = true, strides = array<i32>} : memref<2x800x64xf32, #tpu.memory_space<vmem>>, vector<16xf32>,
      %add3A_2335 = arith.constant 600 : i32
      %add3A_2336 = arith.addi %add3A_2335, %add3A_2211 : i32
      %swap3A_2337 = arith.constant 1 : i32
      %swap3A_2338 = arith.index_cast %swap3A_2337 : i32 to index
      %swap3A_2339 = arith.index_cast %add3A_2336 : i32 to index
      %swap3A_2340 = arith.constant 48 : index
      %swap3A_2341 = tpu.vector_load %arg7[%swap3A_2338, %swap3A_2339, %swap3A_2340] {strides = array<i32>} : memref<2x800x64xf32, #tpu.memory_space<vmem>>, vector<16xf32>,
      tpu.vector_store %arg7[%swap3A_2338, %swap3A_2339, %swap3A_2340], %get3A_2230 {add = true, strides = array<i32>} : memref<2x800x64xf32, #tpu.memory_space<vmem>>, vector<16xf32>,
    }
    %scan3A_1197 = arith.constant 200 : i32
    %add3A_1198 = arith.constant 2400 : i32
    %add3A_1199 = arith.addi %mul3A_2, %add3A_1198 : i32
    %dma_start3A_1200 = arith.constant 1 : i32
    %dma_start3A_1201 = arith.constant 0 : i32
    %dma_start3A_1202 = arith.constant 0 : i32
    %dma_start3A_1203 = tpu.memref_slice %arg7[%dma_start3A_1200, %dma_start3A_1201, %dma_start3A_1202] : memref<2x800x64xf32, #tpu.memory_space<vmem>> -> memref<1x800x64xf32, #tpu.memory_space<vmem>>
    %dma_start3A_1204 = tpu.memref_squeeze %dma_start3A_1203 : memref<1x800x64xf32, #tpu.memory_space<vmem>> -> memref<800x64xf32, #tpu.memory_space<vmem>>
    %dma_start3A_1205 = arith.constant 0 : i32
    %dma_start3A_1206 = tpu.memref_slice %arg5[%add3A_1199, %dma_start3A_1205] : memref<204800x64xf32, #tpu.memory_space<hbm>> -> memref<800x64xf32, #tpu.memory_space<hbm>>
    %dma_start3A_1207 = arith.constant 0 : i32
    %dma_start3A_1208 = tpu.memref_slice %arg5[%add3A_1199, %dma_start3A_1207] : memref<204800x64xf32, #tpu.memory_space<hbm>> -> memref<800x64xf32, #tpu.memory_space<hbm>>
    %dma_start3A_1209 = arith.constant 0 : i32
    %dma_start3A_1210 = arith.constant 0 : i32
    %dma_start3A_1211 = tpu.memref_slice %arg7[%dma_start3A_1200, %dma_start3A_1209, %dma_start3A_1210] : memref<2x800x64xf32, #tpu.memory_space<vmem>> -> memref<1x800x64xf32, #tpu.memory_space<vmem>>
    %dma_start3A_1212 = tpu.memref_squeeze %dma_start3A_1211 : memref<1x800x64xf32, #tpu.memory_space<vmem>> -> memref<800x64xf32, #tpu.memory_space<vmem>>
    tpu.enqueue_dma source(%dma_start3A_1212 : memref<800x64xf32, #tpu.memory_space<vmem>>) target(%dma_start3A_1208 : memref<800x64xf32, #tpu.memory_space<hbm>>) target_semaphore(%arg11 : memref<!tpu.dma_semaphore, #tpu.memory_space<semaphore_mem>>)
    %dma_wait3A_1213 = arith.constant 1 : i32
    %dma_wait3A_1214 = arith.constant 0 : i32
    %dma_wait3A_1215 = arith.constant 0 : i32
    %dma_wait3A_1216 = tpu.memref_slice %arg7[%dma_wait3A_1213, %dma_wait3A_1214, %dma_wait3A_1215] : memref<2x800x64xf32, #tpu.memory_space<vmem>> -> memref<1x800x64xf32, #tpu.memory_space<vmem>>
    %dma_wait3A_1217 = tpu.memref_squeeze %dma_wait3A_1216 : memref<1x800x64xf32, #tpu.memory_space<vmem>> -> memref<800x64xf32, #tpu.memory_space<vmem>>
    %dma_wait3A_1218 = arith.constant 0 : i32
    %dma_wait3A_1219 = tpu.memref_slice %arg5[%add3A_1199, %dma_wait3A_1218] : memref<204800x64xf32, #tpu.memory_space<hbm>> -> memref<800x64xf32, #tpu.memory_space<hbm>>
    %dma_wait3A_1220 = arith.constant 0 : i32
    %dma_wait3A_1221 = tpu.memref_slice %arg5[%add3A_1199, %dma_wait3A_1220] : memref<204800x64xf32, #tpu.memory_space<hbm>> -> memref<800x64xf32, #tpu.memory_space<hbm>>
    %dma_wait3A_1222 = arith.constant 0 : i32
    %dma_wait3A_1223 = arith.constant 0 : i32
    %dma_wait3A_1224 = tpu.memref_slice %arg7[%dma_wait3A_1213, %dma_wait3A_1222, %dma_wait3A_1223] : memref<2x800x64xf32, #tpu.memory_space<vmem>> -> memref<1x800x64xf32, #tpu.memory_space<vmem>>
    %dma_wait3A_1225 = tpu.memref_squeeze %dma_wait3A_1224 : memref<1x800x64xf32, #tpu.memory_space<vmem>> -> memref<800x64xf32, #tpu.memory_space<vmem>>
    tpu.wait_dma2 semaphore(%arg11 : memref<!tpu.dma_semaphore, #tpu.memory_space<semaphore_mem>>) src(%dma_wait3A_1225 : memref<800x64xf32, #tpu.memory_space<vmem>>) dst(%dma_wait3A_1221 : memref<800x64xf32, #tpu.memory_space<hbm>>)
    %add3A_1226 = arith.constant 4000 : i32
    %add3A_1227 = arith.addi %mul3A_2, %add3A_1226 : i32
    %run_scoped3A_1228 = arith.constant 1 : i32
    "tpu.region"() ({
      %run_scoped3A_2207 = tpu.sem_alloc : memref<!tpu.dma_semaphore, #tpu.memory_space<semaphore_mem>>
      %dma_start3A_2208 = arith.constant 0 : i32
      %dma_start3A_2209 = tpu.memref_slice %arg8[%run_scoped3A_1228, %dma_start3A_2208] : memref<2x800xi32, #tpu.memory_space<vmem>> -> memref<1x800xi32, #tpu.memory_space<vmem>>
      %dma_start3A_2210 = tpu.memref_squeeze %dma_start3A_2209 : memref<1x800xi32, #tpu.memory_space<vmem>> -> memref<800xi32, #tpu.memory_space<vmem>>
      %dma_start3A_2211 = tpu.memref_slice %arg3[%add3A_1227] : memref<204800xi32, #tpu.memory_space<hbm>> -> memref<800xi32, #tpu.memory_space<hbm>>
      %dma_start3A_2212 = arith.constant 0 : i32
      %dma_start3A_2213 = tpu.memref_slice %arg8[%run_scoped3A_1228, %dma_start3A_2212] : memref<2x800xi32, #tpu.memory_space<vmem>> -> memref<1x800xi32, #tpu.memory_space<vmem>>
      %dma_start3A_2214 = tpu.memref_squeeze %dma_start3A_2213 : memref<1x800xi32, #tpu.memory_space<vmem>> -> memref<800xi32, #tpu.memory_space<vmem>>
      %dma_start3A_2215 = tpu.memref_slice %arg3[%add3A_1227] : memref<204800xi32, #tpu.memory_space<hbm>> -> memref<800xi32, #tpu.memory_space<hbm>>
      tpu.enqueue_dma source(%dma_start3A_2215 : memref<800xi32, #tpu.memory_space<hbm>>) target(%dma_start3A_2214 : memref<800xi32, #tpu.memory_space<vmem>>) target_semaphore(%run_scoped3A_2207 : memref<!tpu.dma_semaphore, #tpu.memory_space<semaphore_mem>>)
      %dma_wait3A_2216 = arith.constant 0 : i32
      %dma_wait3A_2217 = tpu.memref_slice %arg8[%run_scoped3A_1228, %dma_wait3A_2216] : memref<2x800xi32, #tpu.memory_space<vmem>> -> memref<1x800xi32, #tpu.memory_space<vmem>>
      %dma_wait3A_2218 = tpu.memref_squeeze %dma_wait3A_2217 : memref<1x800xi32, #tpu.memory_space<vmem>> -> memref<800xi32, #tpu.memory_space<vmem>>
      %dma_wait3A_2219 = tpu.memref_slice %arg3[%add3A_1227] : memref<204800xi32, #tpu.memory_space<hbm>> -> memref<800xi32, #tpu.memory_space<hbm>>
      %dma_wait3A_2220 = arith.constant 0 : i32
      %dma_wait3A_2221 = tpu.memref_slice %arg8[%run_scoped3A_1228, %dma_wait3A_2220] : memref<2x800xi32, #tpu.memory_space<vmem>> -> memref<1x800xi32, #tpu.memory_space<vmem>>
      %dma_wait3A_2222 = tpu.memref_squeeze %dma_wait3A_2221 : memref<1x800xi32, #tpu.memory_space<vmem>> -> memref<800xi32, #tpu.memory_space<vmem>>
      %dma_wait3A_2223 = tpu.memref_slice %arg3[%add3A_1227] : memref<204800xi32, #tpu.memory_space<hbm>> -> memref<800xi32, #tpu.memory_space<hbm>>
      tpu.wait_dma2 semaphore(%run_scoped3A_2207 : memref<!tpu.dma_semaphore, #tpu.memory_space<semaphore_mem>>) src(%dma_wait3A_2223 : memref<800xi32, #tpu.memory_space<hbm>>) dst(%dma_wait3A_2222 : memref<800xi32, #tpu.memory_space<vmem>>)
      tpu.yield
    }) : () -> ()
    %dma_start3A_1229 = arith.constant 1 : i32
    %dma_start3A_1230 = arith.constant 1 : i32
    %dma_start3A_1231 = arith.constant 0 : i32
    %dma_start3A_1232 = arith.constant 0 : i32
    %dma_start3A_1233 = tpu.memref_slice %arg7[%dma_start3A_1230, %dma_start3A_1231, %dma_start3A_1232] : memref<2x800x64xf32, #tpu.memory_space<vmem>> -> memref<1x80x64xf32, #tpu.memory_space<vmem>>
    %dma_start3A_1234 = tpu.memref_squeeze %dma_start3A_1233 : memref<1x80x64xf32, #tpu.memory_space<vmem>> -> memref<80x64xf32, #tpu.memory_space<vmem>>
    %dma_start3A_1235 = arith.constant 0 : i32
    %dma_start3A_1236 = tpu.memref_slice %arg8[%dma_start3A_1229, %dma_start3A_1235] : memref<2x800xi32, #tpu.memory_space<vmem>> -> memref<1x80xi32, #tpu.memory_space<vmem>>
    %dma_start3A_1237 = tpu.memref_squeeze %dma_start3A_1236 : memref<1x80xi32, #tpu.memory_space<vmem>> -> memref<80xi32, #tpu.memory_space<vmem>>
    %dma_start3A_1238 = arith.constant 0 : i32
    %dma_start3A_1239 = arith.constant 0 : i32
    %dma_start3A_1240 = tpu.memref_slice %arg2[%dma_start3A_1238, %dma_start3A_1239] : memref<100000x64xf32, #tpu.memory_space<hbm>> -> memref<100000x64xf32, #tpu.memory_space<hbm>>
    tpu.enqueue_indirect_dma source(%dma_start3A_1240 : memref<100000x64xf32, #tpu.memory_space<hbm>>) target(%dma_start3A_1234 : memref<80x64xf32, #tpu.memory_space<vmem>>) offsets(%dma_start3A_1237 : memref<80xi32, #tpu.memory_space<vmem>>) semaphore(%arg10 : memref<!tpu.dma_semaphore, #tpu.memory_space<semaphore_mem>>)
    %dma_start3A_1241 = arith.constant 1 : i32
    %dma_start3A_1242 = arith.constant 1 : i32
    %dma_start3A_1243 = arith.constant 80 : i32
    %dma_start3A_1244 = arith.constant 0 : i32
    %dma_start3A_1245 = tpu.memref_slice %arg7[%dma_start3A_1242, %dma_start3A_1243, %dma_start3A_1244] : memref<2x800x64xf32, #tpu.memory_space<vmem>> -> memref<1x80x64xf32, #tpu.memory_space<vmem>>
    %dma_start3A_1246 = tpu.memref_squeeze %dma_start3A_1245 : memref<1x80x64xf32, #tpu.memory_space<vmem>> -> memref<80x64xf32, #tpu.memory_space<vmem>>
    %dma_start3A_1247 = arith.constant 80 : i32
    %dma_start3A_1248 = tpu.memref_slice %arg8[%dma_start3A_1241, %dma_start3A_1247] : memref<2x800xi32, #tpu.memory_space<vmem>> -> memref<1x80xi32, #tpu.memory_space<vmem>>
    %dma_start3A_1249 = tpu.memref_squeeze %dma_start3A_1248 : memref<1x80xi32, #tpu.memory_space<vmem>> -> memref<80xi32, #tpu.memory_space<vmem>>
    %dma_start3A_1250 = arith.constant 0 : i32
    %dma_start3A_1251 = arith.constant 0 : i32
    %dma_start3A_1252 = tpu.memref_slice %arg2[%dma_start3A_1250, %dma_start3A_1251] : memref<100000x64xf32, #tpu.memory_space<hbm>> -> memref<100000x64xf32, #tpu.memory_space<hbm>>
    tpu.enqueue_indirect_dma source(%dma_start3A_1252 : memref<100000x64xf32, #tpu.memory_space<hbm>>) target(%dma_start3A_1246 : memref<80x64xf32, #tpu.memory_space<vmem>>) offsets(%dma_start3A_1249 : memref<80xi32, #tpu.memory_space<vmem>>) semaphore(%arg10 : memref<!tpu.dma_semaphore, #tpu.memory_space<semaphore_mem>>)
    %dma_start3A_1253 = arith.constant 1 : i32
    %dma_start3A_1254 = arith.constant 1 : i32
    %dma_start3A_1255 = arith.constant 160 : i32
    %dma_start3A_1256 = arith.constant 0 : i32
    %dma_start3A_1257 = tpu.memref_slice %arg7[%dma_start3A_1254, %dma_start3A_1255, %dma_start3A_1256] : memref<2x800x64xf32, #tpu.memory_space<vmem>> -> memref<1x80x64xf32, #tpu.memory_space<vmem>>
    %dma_start3A_1258 = tpu.memref_squeeze %dma_start3A_1257 : memref<1x80x64xf32, #tpu.memory_space<vmem>> -> memref<80x64xf32, #tpu.memory_space<vmem>>
    %dma_start3A_1259 = arith.constant 160 : i32
    %dma_start3A_1260 = tpu.memref_slice %arg8[%dma_start3A_1253, %dma_start3A_1259] : memref<2x800xi32, #tpu.memory_space<vmem>> -> memref<1x80xi32, #tpu.memory_space<vmem>>
    %dma_start3A_1261 = tpu.memref_squeeze %dma_start3A_1260 : memref<1x80xi32, #tpu.memory_space<vmem>> -> memref<80xi32, #tpu.memory_space<vmem>>
    %dma_start3A_1262 = arith.constant 0 : i32
    %dma_start3A_1263 = arith.constant 0 : i32
    %dma_start3A_1264 = tpu.memref_slice %arg2[%dma_start3A_1262, %dma_start3A_1263] : memref<100000x64xf32, #tpu.memory_space<hbm>> -> memref<100000x64xf32, #tpu.memory_space<hbm>>
    tpu.enqueue_indirect_dma source(%dma_start3A_1264 : memref<100000x64xf32, #tpu.memory_space<hbm>>) target(%dma_start3A_1258 : memref<80x64xf32, #tpu.memory_space<vmem>>) offsets(%dma_start3A_1261 : memref<80xi32, #tpu.memory_space<vmem>>) semaphore(%arg10 : memref<!tpu.dma_semaphore, #tpu.memory_space<semaphore_mem>>)
    %dma_start3A_1265 = arith.constant 1 : i32
    %dma_start3A_1266 = arith.constant 1 : i32
    %dma_start3A_1267 = arith.constant 240 : i32
    %dma_start3A_1268 = arith.constant 0 : i32
    %dma_start3A_1269 = tpu.memref_slice %arg7[%dma_start3A_1266, %dma_start3A_1267, %dma_start3A_1268] : memref<2x800x64xf32, #tpu.memory_space<vmem>> -> memref<1x80x64xf32, #tpu.memory_space<vmem>>
    %dma_start3A_1270 = tpu.memref_squeeze %dma_start3A_1269 : memref<1x80x64xf32, #tpu.memory_space<vmem>> -> memref<80x64xf32, #tpu.memory_space<vmem>>
    %dma_start3A_1271 = arith.constant 240 : i32
    %dma_start3A_1272 = tpu.memref_slice %arg8[%dma_start3A_1265, %dma_start3A_1271] : memref<2x800xi32, #tpu.memory_space<vmem>> -> memref<1x80xi32, #tpu.memory_space<vmem>>
    %dma_start3A_1273 = tpu.memref_squeeze %dma_start3A_1272 : memref<1x80xi32, #tpu.memory_space<vmem>> -> memref<80xi32, #tpu.memory_space<vmem>>
    %dma_start3A_1274 = arith.constant 0 : i32
    %dma_start3A_1275 = arith.constant 0 : i32
    %dma_start3A_1276 = tpu.memref_slice %arg2[%dma_start3A_1274, %dma_start3A_1275] : memref<100000x64xf32, #tpu.memory_space<hbm>> -> memref<100000x64xf32, #tpu.memory_space<hbm>>
    tpu.enqueue_indirect_dma source(%dma_start3A_1276 : memref<100000x64xf32, #tpu.memory_space<hbm>>) target(%dma_start3A_1270 : memref<80x64xf32, #tpu.memory_space<vmem>>) offsets(%dma_start3A_1273 : memref<80xi32, #tpu.memory_space<vmem>>) semaphore(%arg10 : memref<!tpu.dma_semaphore, #tpu.memory_space<semaphore_mem>>)
    %dma_start3A_1277 = arith.constant 1 : i32
    %dma_start3A_1278 = arith.constant 1 : i32
    %dma_start3A_1279 = arith.constant 320 : i32
    %dma_start3A_1280 = arith.constant 0 : i32
    %dma_start3A_1281 = tpu.memref_slice %arg7[%dma_start3A_1278, %dma_start3A_1279, %dma_start3A_1280] : memref<2x800x64xf32, #tpu.memory_space<vmem>> -> memref<1x80x64xf32, #tpu.memory_space<vmem>>
    %dma_start3A_1282 = tpu.memref_squeeze %dma_start3A_1281 : memref<1x80x64xf32, #tpu.memory_space<vmem>> -> memref<80x64xf32, #tpu.memory_space<vmem>>
    %dma_start3A_1283 = arith.constant 320 : i32
    %dma_start3A_1284 = tpu.memref_slice %arg8[%dma_start3A_1277, %dma_start3A_1283] : memref<2x800xi32, #tpu.memory_space<vmem>> -> memref<1x80xi32, #tpu.memory_space<vmem>>
    %dma_start3A_1285 = tpu.memref_squeeze %dma_start3A_1284 : memref<1x80xi32, #tpu.memory_space<vmem>> -> memref<80xi32, #tpu.memory_space<vmem>>
    %dma_start3A_1286 = arith.constant 0 : i32
    %dma_start3A_1287 = arith.constant 0 : i32
    %dma_start3A_1288 = tpu.memref_slice %arg2[%dma_start3A_1286, %dma_start3A_1287] : memref<100000x64xf32, #tpu.memory_space<hbm>> -> memref<100000x64xf32, #tpu.memory_space<hbm>>
    tpu.enqueue_indirect_dma source(%dma_start3A_1288 : memref<100000x64xf32, #tpu.memory_space<hbm>>) target(%dma_start3A_1282 : memref<80x64xf32, #tpu.memory_space<vmem>>) offsets(%dma_start3A_1285 : memref<80xi32, #tpu.memory_space<vmem>>) semaphore(%arg10 : memref<!tpu.dma_semaphore, #tpu.memory_space<semaphore_mem>>)
    %dma_start3A_1289 = arith.constant 1 : i32
    %dma_start3A_1290 = arith.constant 1 : i32
    %dma_start3A_1291 = arith.constant 400 : i32
    %dma_start3A_1292 = arith.constant 0 : i32
    %dma_start3A_1293 = tpu.memref_slice %arg7[%dma_start3A_1290, %dma_start3A_1291, %dma_start3A_1292] : memref<2x800x64xf32, #tpu.memory_space<vmem>> -> memref<1x80x64xf32, #tpu.memory_space<vmem>>
    %dma_start3A_1294 = tpu.memref_squeeze %dma_start3A_1293 : memref<1x80x64xf32, #tpu.memory_space<vmem>> -> memref<80x64xf32, #tpu.memory_space<vmem>>
    %dma_start3A_1295 = arith.constant 400 : i32
    %dma_start3A_1296 = tpu.memref_slice %arg8[%dma_start3A_1289, %dma_start3A_1295] : memref<2x800xi32, #tpu.memory_space<vmem>> -> memref<1x80xi32, #tpu.memory_space<vmem>>
    %dma_start3A_1297 = tpu.memref_squeeze %dma_start3A_1296 : memref<1x80xi32, #tpu.memory_space<vmem>> -> memref<80xi32, #tpu.memory_space<vmem>>
    %dma_start3A_1298 = arith.constant 0 : i32
    %dma_start3A_1299 = arith.constant 0 : i32
    %dma_start3A_1300 = tpu.memref_slice %arg2[%dma_start3A_1298, %dma_start3A_1299] : memref<100000x64xf32, #tpu.memory_space<hbm>> -> memref<100000x64xf32, #tpu.memory_space<hbm>>
    tpu.enqueue_indirect_dma source(%dma_start3A_1300 : memref<100000x64xf32, #tpu.memory_space<hbm>>) target(%dma_start3A_1294 : memref<80x64xf32, #tpu.memory_space<vmem>>) offsets(%dma_start3A_1297 : memref<80xi32, #tpu.memory_space<vmem>>) semaphore(%arg10 : memref<!tpu.dma_semaphore, #tpu.memory_space<semaphore_mem>>)
    %dma_start3A_1301 = arith.constant 1 : i32
    %dma_start3A_1302 = arith.constant 1 : i32
    %dma_start3A_1303 = arith.constant 480 : i32
    %dma_start3A_1304 = arith.constant 0 : i32
    %dma_start3A_1305 = tpu.memref_slice %arg7[%dma_start3A_1302, %dma_start3A_1303, %dma_start3A_1304] : memref<2x800x64xf32, #tpu.memory_space<vmem>> -> memref<1x80x64xf32, #tpu.memory_space<vmem>>
    %dma_start3A_1306 = tpu.memref_squeeze %dma_start3A_1305 : memref<1x80x64xf32, #tpu.memory_space<vmem>> -> memref<80x64xf32, #tpu.memory_space<vmem>>
    %dma_start3A_1307 = arith.constant 480 : i32
    %dma_start3A_1308 = tpu.memref_slice %arg8[%dma_start3A_1301, %dma_start3A_1307] : memref<2x800xi32, #tpu.memory_space<vmem>> -> memref<1x80xi32, #tpu.memory_space<vmem>>
    %dma_start3A_1309 = tpu.memref_squeeze %dma_start3A_1308 : memref<1x80xi32, #tpu.memory_space<vmem>> -> memref<80xi32, #tpu.memory_space<vmem>>
    %dma_start3A_1310 = arith.constant 0 : i32
    %dma_start3A_1311 = arith.constant 0 : i32
    %dma_start3A_1312 = tpu.memref_slice %arg2[%dma_start3A_1310, %dma_start3A_1311] : memref<100000x64xf32, #tpu.memory_space<hbm>> -> memref<100000x64xf32, #tpu.memory_space<hbm>>
    tpu.enqueue_indirect_dma source(%dma_start3A_1312 : memref<100000x64xf32, #tpu.memory_space<hbm>>) target(%dma_start3A_1306 : memref<80x64xf32, #tpu.memory_space<vmem>>) offsets(%dma_start3A_1309 : memref<80xi32, #tpu.memory_space<vmem>>) semaphore(%arg10 : memref<!tpu.dma_semaphore, #tpu.memory_space<semaphore_mem>>)
    %dma_start3A_1313 = arith.constant 1 : i32
    %dma_start3A_1314 = arith.constant 1 : i32
    %dma_start3A_1315 = arith.constant 560 : i32
    %dma_start3A_1316 = arith.constant 0 : i32
    %dma_start3A_1317 = tpu.memref_slice %arg7[%dma_start3A_1314, %dma_start3A_1315, %dma_start3A_1316] : memref<2x800x64xf32, #tpu.memory_space<vmem>> -> memref<1x80x64xf32, #tpu.memory_space<vmem>>
    %dma_start3A_1318 = tpu.memref_squeeze %dma_start3A_1317 : memref<1x80x64xf32, #tpu.memory_space<vmem>> -> memref<80x64xf32, #tpu.memory_space<vmem>>
    %dma_start3A_1319 = arith.constant 560 : i32
    %dma_start3A_1320 = tpu.memref_slice %arg8[%dma_start3A_1313, %dma_start3A_1319] : memref<2x800xi32, #tpu.memory_space<vmem>> -> memref<1x80xi32, #tpu.memory_space<vmem>>
    %dma_start3A_1321 = tpu.memref_squeeze %dma_start3A_1320 : memref<1x80xi32, #tpu.memory_space<vmem>> -> memref<80xi32, #tpu.memory_space<vmem>>
    %dma_start3A_1322 = arith.constant 0 : i32
    %dma_start3A_1323 = arith.constant 0 : i32
    %dma_start3A_1324 = tpu.memref_slice %arg2[%dma_start3A_1322, %dma_start3A_1323] : memref<100000x64xf32, #tpu.memory_space<hbm>> -> memref<100000x64xf32, #tpu.memory_space<hbm>>
    tpu.enqueue_indirect_dma source(%dma_start3A_1324 : memref<100000x64xf32, #tpu.memory_space<hbm>>) target(%dma_start3A_1318 : memref<80x64xf32, #tpu.memory_space<vmem>>) offsets(%dma_start3A_1321 : memref<80xi32, #tpu.memory_space<vmem>>) semaphore(%arg10 : memref<!tpu.dma_semaphore, #tpu.memory_space<semaphore_mem>>)
    %dma_start3A_1325 = arith.constant 1 : i32
    %dma_start3A_1326 = arith.constant 1 : i32
    %dma_start3A_1327 = arith.constant 640 : i32
    %dma_start3A_1328 = arith.constant 0 : i32
    %dma_start3A_1329 = tpu.memref_slice %arg7[%dma_start3A_1326, %dma_start3A_1327, %dma_start3A_1328] : memref<2x800x64xf32, #tpu.memory_space<vmem>> -> memref<1x80x64xf32, #tpu.memory_space<vmem>>
    %dma_start3A_1330 = tpu.memref_squeeze %dma_start3A_1329 : memref<1x80x64xf32, #tpu.memory_space<vmem>> -> memref<80x64xf32, #tpu.memory_space<vmem>>
    %dma_start3A_1331 = arith.constant 640 : i32
    %dma_start3A_1332 = tpu.memref_slice %arg8[%dma_start3A_1325, %dma_start3A_1331] : memref<2x800xi32, #tpu.memory_space<vmem>> -> memref<1x80xi32, #tpu.memory_space<vmem>>
    %dma_start3A_1333 = tpu.memref_squeeze %dma_start3A_1332 : memref<1x80xi32, #tpu.memory_space<vmem>> -> memref<80xi32, #tpu.memory_space<vmem>>
    %dma_start3A_1334 = arith.constant 0 : i32
    %dma_start3A_1335 = arith.constant 0 : i32
    %dma_start3A_1336 = tpu.memref_slice %arg2[%dma_start3A_1334, %dma_start3A_1335] : memref<100000x64xf32, #tpu.memory_space<hbm>> -> memref<100000x64xf32, #tpu.memory_space<hbm>>
    tpu.enqueue_indirect_dma source(%dma_start3A_1336 : memref<100000x64xf32, #tpu.memory_space<hbm>>) target(%dma_start3A_1330 : memref<80x64xf32, #tpu.memory_space<vmem>>) offsets(%dma_start3A_1333 : memref<80xi32, #tpu.memory_space<vmem>>) semaphore(%arg10 : memref<!tpu.dma_semaphore, #tpu.memory_space<semaphore_mem>>)
    %dma_start3A_1337 = arith.constant 1 : i32
    %dma_start3A_1338 = arith.constant 1 : i32
    %dma_start3A_1339 = arith.constant 720 : i32
    %dma_start3A_1340 = arith.constant 0 : i32
    %dma_start3A_1341 = tpu.memref_slice %arg7[%dma_start3A_1338, %dma_start3A_1339, %dma_start3A_1340] : memref<2x800x64xf32, #tpu.memory_space<vmem>> -> memref<1x80x64xf32, #tpu.memory_space<vmem>>
    %dma_start3A_1342 = tpu.memref_squeeze %dma_start3A_1341 : memref<1x80x64xf32, #tpu.memory_space<vmem>> -> memref<80x64xf32, #tpu.memory_space<vmem>>
    %dma_start3A_1343 = arith.constant 720 : i32
    %dma_start3A_1344 = tpu.memref_slice %arg8[%dma_start3A_1337, %dma_start3A_1343] : memref<2x800xi32, #tpu.memory_space<vmem>> -> memref<1x80xi32, #tpu.memory_space<vmem>>
    %dma_start3A_1345 = tpu.memref_squeeze %dma_start3A_1344 : memref<1x80xi32, #tpu.memory_space<vmem>> -> memref<80xi32, #tpu.memory_space<vmem>>
    %dma_start3A_1346 = arith.constant 0 : i32
    %dma_start3A_1347 = arith.constant 0 : i32
    %dma_start3A_1348 = tpu.memref_slice %arg2[%dma_start3A_1346, %dma_start3A_1347] : memref<100000x64xf32, #tpu.memory_space<hbm>> -> memref<100000x64xf32, #tpu.memory_space<hbm>>
    tpu.enqueue_indirect_dma source(%dma_start3A_1348 : memref<100000x64xf32, #tpu.memory_space<hbm>>) target(%dma_start3A_1342 : memref<80x64xf32, #tpu.memory_space<vmem>>) offsets(%dma_start3A_1345 : memref<80xi32, #tpu.memory_space<vmem>>) semaphore(%arg10 : memref<!tpu.dma_semaphore, #tpu.memory_space<semaphore_mem>>)
    %dma_wait3A_1349 = arith.constant 0 : i32
    %dma_wait3A_1350 = arith.constant 0 : i32
    %dma_wait3A_1351 = arith.constant 0 : i32
    %dma_wait3A_1352 = arith.constant 0 : i32
    %dma_wait3A_1353 = tpu.memref_slice %arg7[%dma_wait3A_1350, %dma_wait3A_1351, %dma_wait3A_1352] : memref<2x800x64xf32, #tpu.memory_space<vmem>> -> memref<1x80x64xf32, #tpu.memory_space<vmem>>
    %dma_wait3A_1354 = tpu.memref_squeeze %dma_wait3A_1353 : memref<1x80x64xf32, #tpu.memory_space<vmem>> -> memref<80x64xf32, #tpu.memory_space<vmem>>
    %dma_wait3A_1355 = arith.constant 0 : i32
    %dma_wait3A_1356 = tpu.memref_slice %arg8[%dma_wait3A_1349, %dma_wait3A_1355] : memref<2x800xi32, #tpu.memory_space<vmem>> -> memref<1x80xi32, #tpu.memory_space<vmem>>
    %dma_wait3A_1357 = tpu.memref_squeeze %dma_wait3A_1356 : memref<1x80xi32, #tpu.memory_space<vmem>> -> memref<80xi32, #tpu.memory_space<vmem>>
    %dma_wait3A_1358 = arith.constant 0 : i32
    %dma_wait3A_1359 = arith.constant 0 : i32
    %dma_wait3A_1360 = tpu.memref_slice %arg2[%dma_wait3A_1358, %dma_wait3A_1359] : memref<100000x64xf32, #tpu.memory_space<hbm>> -> memref<100000x64xf32, #tpu.memory_space<hbm>>
    tpu.wait_indirect_dma semaphore(%arg9 : memref<!tpu.dma_semaphore, #tpu.memory_space<semaphore_mem>>) src(%dma_wait3A_1360 : memref<100000x64xf32, #tpu.memory_space<hbm>>) dst(%dma_wait3A_1354 : memref<80x64xf32, #tpu.memory_space<vmem>>)
    %dma_wait3A_1361 = arith.constant 0 : i32
    %dma_wait3A_1362 = arith.constant 0 : i32
    %dma_wait3A_1363 = arith.constant 80 : i32
    %dma_wait3A_1364 = arith.constant 0 : i32
    %dma_wait3A_1365 = tpu.memref_slice %arg7[%dma_wait3A_1362, %dma_wait3A_1363, %dma_wait3A_1364] : memref<2x800x64xf32, #tpu.memory_space<vmem>> -> memref<1x80x64xf32, #tpu.memory_space<vmem>>
    %dma_wait3A_1366 = tpu.memref_squeeze %dma_wait3A_1365 : memref<1x80x64xf32, #tpu.memory_space<vmem>> -> memref<80x64xf32, #tpu.memory_space<vmem>>
    %dma_wait3A_1367 = arith.constant 80 : i32
    %dma_wait3A_1368 = tpu.memref_slice %arg8[%dma_wait3A_1361, %dma_wait3A_1367] : memref<2x800xi32, #tpu.memory_space<vmem>> -> memref<1x80xi32, #tpu.memory_space<vmem>>
    %dma_wait3A_1369 = tpu.memref_squeeze %dma_wait3A_1368 : memref<1x80xi32, #tpu.memory_space<vmem>> -> memref<80xi32, #tpu.memory_space<vmem>>
    %dma_wait3A_1370 = arith.constant 0 : i32
    %dma_wait3A_1371 = arith.constant 0 : i32
    %dma_wait3A_1372 = tpu.memref_slice %arg2[%dma_wait3A_1370, %dma_wait3A_1371] : memref<100000x64xf32, #tpu.memory_space<hbm>> -> memref<100000x64xf32, #tpu.memory_space<hbm>>
    tpu.wait_indirect_dma semaphore(%arg9 : memref<!tpu.dma_semaphore, #tpu.memory_space<semaphore_mem>>) src(%dma_wait3A_1372 : memref<100000x64xf32, #tpu.memory_space<hbm>>) dst(%dma_wait3A_1366 : memref<80x64xf32, #tpu.memory_space<vmem>>)
    %dma_wait3A_1373 = arith.constant 0 : i32
    %dma_wait3A_1374 = arith.constant 0 : i32
    %dma_wait3A_1375 = arith.constant 160 : i32
    %dma_wait3A_1376 = arith.constant 0 : i32
    %dma_wait3A_1377 = tpu.memref_slice %arg7[%dma_wait3A_1374, %dma_wait3A_1375, %dma_wait3A_1376] : memref<2x800x64xf32, #tpu.memory_space<vmem>> -> memref<1x80x64xf32, #tpu.memory_space<vmem>>
    %dma_wait3A_1378 = tpu.memref_squeeze %dma_wait3A_1377 : memref<1x80x64xf32, #tpu.memory_space<vmem>> -> memref<80x64xf32, #tpu.memory_space<vmem>>
    %dma_wait3A_1379 = arith.constant 160 : i32
    %dma_wait3A_1380 = tpu.memref_slice %arg8[%dma_wait3A_1373, %dma_wait3A_1379] : memref<2x800xi32, #tpu.memory_space<vmem>> -> memref<1x80xi32, #tpu.memory_space<vmem>>
    %dma_wait3A_1381 = tpu.memref_squeeze %dma_wait3A_1380 : memref<1x80xi32, #tpu.memory_space<vmem>> -> memref<80xi32, #tpu.memory_space<vmem>>
    %dma_wait3A_1382 = arith.constant 0 : i32
    %dma_wait3A_1383 = arith.constant 0 : i32
    %dma_wait3A_1384 = tpu.memref_slice %arg2[%dma_wait3A_1382, %dma_wait3A_1383] : memref<100000x64xf32, #tpu.memory_space<hbm>> -> memref<100000x64xf32, #tpu.memory_space<hbm>>
    tpu.wait_indirect_dma semaphore(%arg9 : memref<!tpu.dma_semaphore, #tpu.memory_space<semaphore_mem>>) src(%dma_wait3A_1384 : memref<100000x64xf32, #tpu.memory_space<hbm>>) dst(%dma_wait3A_1378 : memref<80x64xf32, #tpu.memory_space<vmem>>)
    %dma_wait3A_1385 = arith.constant 0 : i32
    %dma_wait3A_1386 = arith.constant 0 : i32
    %dma_wait3A_1387 = arith.constant 240 : i32
    %dma_wait3A_1388 = arith.constant 0 : i32
    %dma_wait3A_1389 = tpu.memref_slice %arg7[%dma_wait3A_1386, %dma_wait3A_1387, %dma_wait3A_1388] : memref<2x800x64xf32, #tpu.memory_space<vmem>> -> memref<1x80x64xf32, #tpu.memory_space<vmem>>
    %dma_wait3A_1390 = tpu.memref_squeeze %dma_wait3A_1389 : memref<1x80x64xf32, #tpu.memory_space<vmem>> -> memref<80x64xf32, #tpu.memory_space<vmem>>
    %dma_wait3A_1391 = arith.constant 240 : i32
    %dma_wait3A_1392 = tpu.memref_slice %arg8[%dma_wait3A_1385, %dma_wait3A_1391] : memref<2x800xi32, #tpu.memory_space<vmem>> -> memref<1x80xi32, #tpu.memory_space<vmem>>
    %dma_wait3A_1393 = tpu.memref_squeeze %dma_wait3A_1392 : memref<1x80xi32, #tpu.memory_space<vmem>> -> memref<80xi32, #tpu.memory_space<vmem>>
    %dma_wait3A_1394 = arith.constant 0 : i32
    %dma_wait3A_1395 = arith.constant 0 : i32
    %dma_wait3A_1396 = tpu.memref_slice %arg2[%dma_wait3A_1394, %dma_wait3A_1395] : memref<100000x64xf32, #tpu.memory_space<hbm>> -> memref<100000x64xf32, #tpu.memory_space<hbm>>
    tpu.wait_indirect_dma semaphore(%arg9 : memref<!tpu.dma_semaphore, #tpu.memory_space<semaphore_mem>>) src(%dma_wait3A_1396 : memref<100000x64xf32, #tpu.memory_space<hbm>>) dst(%dma_wait3A_1390 : memref<80x64xf32, #tpu.memory_space<vmem>>)
    %dma_wait3A_1397 = arith.constant 0 : i32
    %dma_wait3A_1398 = arith.constant 0 : i32
    %dma_wait3A_1399 = arith.constant 320 : i32
    %dma_wait3A_1400 = arith.constant 0 : i32
    %dma_wait3A_1401 = tpu.memref_slice %arg7[%dma_wait3A_1398, %dma_wait3A_1399, %dma_wait3A_1400] : memref<2x800x64xf32, #tpu.memory_space<vmem>> -> memref<1x80x64xf32, #tpu.memory_space<vmem>>
    %dma_wait3A_1402 = tpu.memref_squeeze %dma_wait3A_1401 : memref<1x80x64xf32, #tpu.memory_space<vmem>> -> memref<80x64xf32, #tpu.memory_space<vmem>>
    %dma_wait3A_1403 = arith.constant 320 : i32
    %dma_wait3A_1404 = tpu.memref_slice %arg8[%dma_wait3A_1397, %dma_wait3A_1403] : memref<2x800xi32, #tpu.memory_space<vmem>> -> memref<1x80xi32, #tpu.memory_space<vmem>>
    %dma_wait3A_1405 = tpu.memref_squeeze %dma_wait3A_1404 : memref<1x80xi32, #tpu.memory_space<vmem>> -> memref<80xi32, #tpu.memory_space<vmem>>
    %dma_wait3A_1406 = arith.constant 0 : i32
    %dma_wait3A_1407 = arith.constant 0 : i32
    %dma_wait3A_1408 = tpu.memref_slice %arg2[%dma_wait3A_1406, %dma_wait3A_1407] : memref<100000x64xf32, #tpu.memory_space<hbm>> -> memref<100000x64xf32, #tpu.memory_space<hbm>>
    tpu.wait_indirect_dma semaphore(%arg9 : memref<!tpu.dma_semaphore, #tpu.memory_space<semaphore_mem>>) src(%dma_wait3A_1408 : memref<100000x64xf32, #tpu.memory_space<hbm>>) dst(%dma_wait3A_1402 : memref<80x64xf32, #tpu.memory_space<vmem>>)
    %dma_wait3A_1409 = arith.constant 0 : i32
    %dma_wait3A_1410 = arith.constant 0 : i32
    %dma_wait3A_1411 = arith.constant 400 : i32
    %dma_wait3A_1412 = arith.constant 0 : i32
    %dma_wait3A_1413 = tpu.memref_slice %arg7[%dma_wait3A_1410, %dma_wait3A_1411, %dma_wait3A_1412] : memref<2x800x64xf32, #tpu.memory_space<vmem>> -> memref<1x80x64xf32, #tpu.memory_space<vmem>>
    %dma_wait3A_1414 = tpu.memref_squeeze %dma_wait3A_1413 : memref<1x80x64xf32, #tpu.memory_space<vmem>> -> memref<80x64xf32, #tpu.memory_space<vmem>>
    %dma_wait3A_1415 = arith.constant 400 : i32
    %dma_wait3A_1416 = tpu.memref_slice %arg8[%dma_wait3A_1409, %dma_wait3A_1415] : memref<2x800xi32, #tpu.memory_space<vmem>> -> memref<1x80xi32, #tpu.memory_space<vmem>>
    %dma_wait3A_1417 = tpu.memref_squeeze %dma_wait3A_1416 : memref<1x80xi32, #tpu.memory_space<vmem>> -> memref<80xi32, #tpu.memory_space<vmem>>
    %dma_wait3A_1418 = arith.constant 0 : i32
    %dma_wait3A_1419 = arith.constant 0 : i32
    %dma_wait3A_1420 = tpu.memref_slice %arg2[%dma_wait3A_1418, %dma_wait3A_1419] : memref<100000x64xf32, #tpu.memory_space<hbm>> -> memref<100000x64xf32, #tpu.memory_space<hbm>>
    tpu.wait_indirect_dma semaphore(%arg9 : memref<!tpu.dma_semaphore, #tpu.memory_space<semaphore_mem>>) src(%dma_wait3A_1420 : memref<100000x64xf32, #tpu.memory_space<hbm>>) dst(%dma_wait3A_1414 : memref<80x64xf32, #tpu.memory_space<vmem>>)
    %dma_wait3A_1421 = arith.constant 0 : i32
    %dma_wait3A_1422 = arith.constant 0 : i32
    %dma_wait3A_1423 = arith.constant 480 : i32
    %dma_wait3A_1424 = arith.constant 0 : i32
    %dma_wait3A_1425 = tpu.memref_slice %arg7[%dma_wait3A_1422, %dma_wait3A_1423, %dma_wait3A_1424] : memref<2x800x64xf32, #tpu.memory_space<vmem>> -> memref<1x80x64xf32, #tpu.memory_space<vmem>>
    %dma_wait3A_1426 = tpu.memref_squeeze %dma_wait3A_1425 : memref<1x80x64xf32, #tpu.memory_space<vmem>> -> memref<80x64xf32, #tpu.memory_space<vmem>>
    %dma_wait3A_1427 = arith.constant 480 : i32
    %dma_wait3A_1428 = tpu.memref_slice %arg8[%dma_wait3A_1421, %dma_wait3A_1427] : memref<2x800xi32, #tpu.memory_space<vmem>> -> memref<1x80xi32, #tpu.memory_space<vmem>>
    %dma_wait3A_1429 = tpu.memref_squeeze %dma_wait3A_1428 : memref<1x80xi32, #tpu.memory_space<vmem>> -> memref<80xi32, #tpu.memory_space<vmem>>
    %dma_wait3A_1430 = arith.constant 0 : i32
    %dma_wait3A_1431 = arith.constant 0 : i32
    %dma_wait3A_1432 = tpu.memref_slice %arg2[%dma_wait3A_1430, %dma_wait3A_1431] : memref<100000x64xf32, #tpu.memory_space<hbm>> -> memref<100000x64xf32, #tpu.memory_space<hbm>>
    tpu.wait_indirect_dma semaphore(%arg9 : memref<!tpu.dma_semaphore, #tpu.memory_space<semaphore_mem>>) src(%dma_wait3A_1432 : memref<100000x64xf32, #tpu.memory_space<hbm>>) dst(%dma_wait3A_1426 : memref<80x64xf32, #tpu.memory_space<vmem>>)
    %dma_wait3A_1433 = arith.constant 0 : i32
    %dma_wait3A_1434 = arith.constant 0 : i32
    %dma_wait3A_1435 = arith.constant 560 : i32
    %dma_wait3A_1436 = arith.constant 0 : i32
    %dma_wait3A_1437 = tpu.memref_slice %arg7[%dma_wait3A_1434, %dma_wait3A_1435, %dma_wait3A_1436] : memref<2x800x64xf32, #tpu.memory_space<vmem>> -> memref<1x80x64xf32, #tpu.memory_space<vmem>>
    %dma_wait3A_1438 = tpu.memref_squeeze %dma_wait3A_1437 : memref<1x80x64xf32, #tpu.memory_space<vmem>> -> memref<80x64xf32, #tpu.memory_space<vmem>>
    %dma_wait3A_1439 = arith.constant 560 : i32
    %dma_wait3A_1440 = tpu.memref_slice %arg8[%dma_wait3A_1433, %dma_wait3A_1439] : memref<2x800xi32, #tpu.memory_space<vmem>> -> memref<1x80xi32, #tpu.memory_space<vmem>>
    %dma_wait3A_1441 = tpu.memref_squeeze %dma_wait3A_1440 : memref<1x80xi32, #tpu.memory_space<vmem>> -> memref<80xi32, #tpu.memory_space<vmem>>
    %dma_wait3A_1442 = arith.constant 0 : i32
    %dma_wait3A_1443 = arith.constant 0 : i32
    %dma_wait3A_1444 = tpu.memref_slice %arg2[%dma_wait3A_1442, %dma_wait3A_1443] : memref<100000x64xf32, #tpu.memory_space<hbm>> -> memref<100000x64xf32, #tpu.memory_space<hbm>>
    tpu.wait_indirect_dma semaphore(%arg9 : memref<!tpu.dma_semaphore, #tpu.memory_space<semaphore_mem>>) src(%dma_wait3A_1444 : memref<100000x64xf32, #tpu.memory_space<hbm>>) dst(%dma_wait3A_1438 : memref<80x64xf32, #tpu.memory_space<vmem>>)
    %dma_wait3A_1445 = arith.constant 0 : i32
    %dma_wait3A_1446 = arith.constant 0 : i32
    %dma_wait3A_1447 = arith.constant 640 : i32
    %dma_wait3A_1448 = arith.constant 0 : i32
    %dma_wait3A_1449 = tpu.memref_slice %arg7[%dma_wait3A_1446, %dma_wait3A_1447, %dma_wait3A_1448] : memref<2x800x64xf32, #tpu.memory_space<vmem>> -> memref<1x80x64xf32, #tpu.memory_space<vmem>>
    %dma_wait3A_1450 = tpu.memref_squeeze %dma_wait3A_1449 : memref<1x80x64xf32, #tpu.memory_space<vmem>> -> memref<80x64xf32, #tpu.memory_space<vmem>>
    %dma_wait3A_1451 = arith.constant 640 : i32
    %dma_wait3A_1452 = tpu.memref_slice %arg8[%dma_wait3A_1445, %dma_wait3A_1451] : memref<2x800xi32, #tpu.memory_space<vmem>> -> memref<1x80xi32, #tpu.memory_space<vmem>>
    %dma_wait3A_1453 = tpu.memref_squeeze %dma_wait3A_1452 : memref<1x80xi32, #tpu.memory_space<vmem>> -> memref<80xi32, #tpu.memory_space<vmem>>
    %dma_wait3A_1454 = arith.constant 0 : i32
    %dma_wait3A_1455 = arith.constant 0 : i32
    %dma_wait3A_1456 = tpu.memref_slice %arg2[%dma_wait3A_1454, %dma_wait3A_1455] : memref<100000x64xf32, #tpu.memory_space<hbm>> -> memref<100000x64xf32, #tpu.memory_space<hbm>>
    tpu.wait_indirect_dma semaphore(%arg9 : memref<!tpu.dma_semaphore, #tpu.memory_space<semaphore_mem>>) src(%dma_wait3A_1456 : memref<100000x64xf32, #tpu.memory_space<hbm>>) dst(%dma_wait3A_1450 : memref<80x64xf32, #tpu.memory_space<vmem>>)
    %dma_wait3A_1457 = arith.constant 0 : i32
    %dma_wait3A_1458 = arith.constant 0 : i32
    %dma_wait3A_1459 = arith.constant 720 : i32
    %dma_wait3A_1460 = arith.constant 0 : i32
    %dma_wait3A_1461 = tpu.memref_slice %arg7[%dma_wait3A_1458, %dma_wait3A_1459, %dma_wait3A_1460] : memref<2x800x64xf32, #tpu.memory_space<vmem>> -> memref<1x80x64xf32, #tpu.memory_space<vmem>>
    %dma_wait3A_1462 = tpu.memref_squeeze %dma_wait3A_1461 : memref<1x80x64xf32, #tpu.memory_space<vmem>> -> memref<80x64xf32, #tpu.memory_space<vmem>>
    %dma_wait3A_1463 = arith.constant 720 : i32
    %dma_wait3A_1464 = tpu.memref_slice %arg8[%dma_wait3A_1457, %dma_wait3A_1463] : memref<2x800xi32, #tpu.memory_space<vmem>> -> memref<1x80xi32, #tpu.memory_space<vmem>>
    %dma_wait3A_1465 = tpu.memref_squeeze %dma_wait3A_1464 : memref<1x80xi32, #tpu.memory_space<vmem>> -> memref<80xi32, #tpu.memory_space<vmem>>
    %dma_wait3A_1466 = arith.constant 0 : i32
    %dma_wait3A_1467 = arith.constant 0 : i32
    %dma_wait3A_1468 = tpu.memref_slice %arg2[%dma_wait3A_1466, %dma_wait3A_1467] : memref<100000x64xf32, #tpu.memory_space<hbm>> -> memref<100000x64xf32, #tpu.memory_space<hbm>>
    tpu.wait_indirect_dma semaphore(%arg9 : memref<!tpu.dma_semaphore, #tpu.memory_space<semaphore_mem>>) src(%dma_wait3A_1468 : memref<100000x64xf32, #tpu.memory_space<hbm>>) dst(%dma_wait3A_1462 : memref<80x64xf32, #tpu.memory_space<vmem>>)
    %scan3A_1469 = arith.constant 0 : i32
    %scan3A_1470 = arith.constant 200 : i32
    %scan3A_1471 = arith.addi %scan3A_1469, %scan3A_1470 : i32
    %scan3A_1472 = arith.constant 1 : i32
    scf.for %scan3A_2207 = %scan3A_1469 to %scan3A_1471 step %scan3A_1472  : i32 {
      %mul3A_2208 = arith.constant 1 : i32
      %mul3A_2209 = arith.muli %scan3A_2207, %mul3A_2208 : i32
      %add3A_2210 = arith.constant 0 : i32
      %add3A_2211 = arith.addi %add3A_2210, %mul3A_2209 : i32
      %add3A_2212 = arith.constant 1 : i32
      %add3A_2213 = arith.addi %add3A_2211, %add3A_2212 : i32
      %get3A = arith.index_cast %add3A_2213 : i32 to index
      %get3A_2214 = arith.constant 0 : index
      %get3A_2215 = tpu.vector_load %arg6[%get3A, %get3A_2214] {strides = array<i32>} : memref<256x64xf32, #tpu.memory_space<vmem>>, vector<16xf32>,
      %add3A_2216 = arith.constant 1 : i32
      %add3A_2217 = arith.addi %add3A_2211, %add3A_2216 : i32
      %get3A_2218 = arith.index_cast %add3A_2217 : i32 to index
      %get3A_2219 = arith.constant 16 : index
      %get3A_2220 = tpu.vector_load %arg6[%get3A_2218, %get3A_2219] {strides = array<i32>} : memref<256x64xf32, #tpu.memory_space<vmem>>, vector<16xf32>,
      %add3A_2221 = arith.constant 1 : i32
      %add3A_2222 = arith.addi %add3A_2211, %add3A_2221 : i32
      %get3A_2223 = arith.index_cast %add3A_2222 : i32 to index
      %get3A_2224 = arith.constant 32 : index
      %get3A_2225 = tpu.vector_load %arg6[%get3A_2223, %get3A_2224] {strides = array<i32>} : memref<256x64xf32, #tpu.memory_space<vmem>>, vector<16xf32>,
      %add3A_2226 = arith.constant 1 : i32
      %add3A_2227 = arith.addi %add3A_2211, %add3A_2226 : i32
      %get3A_2228 = arith.index_cast %add3A_2227 : i32 to index
      %get3A_2229 = arith.constant 48 : index
      %get3A_2230 = tpu.vector_load %arg6[%get3A_2228, %get3A_2229] {strides = array<i32>} : memref<256x64xf32, #tpu.memory_space<vmem>>, vector<16xf32>,
      %add3A_2231 = arith.constant 0 : i32
      %add3A_2232 = arith.addi %add3A_2231, %add3A_2211 : i32
      %swap3A = arith.constant 0 : i32
      %swap3A_2233 = arith.index_cast %swap3A : i32 to index
      %swap3A_2234 = arith.index_cast %add3A_2232 : i32 to index
      %swap3A_2235 = arith.constant 0 : index
      %swap3A_2236 = tpu.vector_load %arg7[%swap3A_2233, %swap3A_2234, %swap3A_2235] {strides = array<i32>} : memref<2x800x64xf32, #tpu.memory_space<vmem>>, vector<16xf32>,
      tpu.vector_store %arg7[%swap3A_2233, %swap3A_2234, %swap3A_2235], %get3A_2215 {add = true, strides = array<i32>} : memref<2x800x64xf32, #tpu.memory_space<vmem>>, vector<16xf32>,
      %add3A_2237 = arith.constant 0 : i32
      %add3A_2238 = arith.addi %add3A_2237, %add3A_2211 : i32
      %swap3A_2239 = arith.constant 0 : i32
      %swap3A_2240 = arith.index_cast %swap3A_2239 : i32 to index
      %swap3A_2241 = arith.index_cast %add3A_2238 : i32 to index
      %swap3A_2242 = arith.constant 16 : index
      %swap3A_2243 = tpu.vector_load %arg7[%swap3A_2240, %swap3A_2241, %swap3A_2242] {strides = array<i32>} : memref<2x800x64xf32, #tpu.memory_space<vmem>>, vector<16xf32>,
      tpu.vector_store %arg7[%swap3A_2240, %swap3A_2241, %swap3A_2242], %get3A_2220 {add = true, strides = array<i32>} : memref<2x800x64xf32, #tpu.memory_space<vmem>>, vector<16xf32>,
      %add3A_2244 = arith.constant 0 : i32
      %add3A_2245 = arith.addi %add3A_2244, %add3A_2211 : i32
      %swap3A_2246 = arith.constant 0 : i32
      %swap3A_2247 = arith.index_cast %swap3A_2246 : i32 to index
      %swap3A_2248 = arith.index_cast %add3A_2245 : i32 to index
      %swap3A_2249 = arith.constant 32 : index
      %swap3A_2250 = tpu.vector_load %arg7[%swap3A_2247, %swap3A_2248, %swap3A_2249] {strides = array<i32>} : memref<2x800x64xf32, #tpu.memory_space<vmem>>, vector<16xf32>,
      tpu.vector_store %arg7[%swap3A_2247, %swap3A_2248, %swap3A_2249], %get3A_2225 {add = true, strides = array<i32>} : memref<2x800x64xf32, #tpu.memory_space<vmem>>, vector<16xf32>,
      %add3A_2251 = arith.constant 0 : i32
      %add3A_2252 = arith.addi %add3A_2251, %add3A_2211 : i32
      %swap3A_2253 = arith.constant 0 : i32
      %swap3A_2254 = arith.index_cast %swap3A_2253 : i32 to index
      %swap3A_2255 = arith.index_cast %add3A_2252 : i32 to index
      %swap3A_2256 = arith.constant 48 : index
      %swap3A_2257 = tpu.vector_load %arg7[%swap3A_2254, %swap3A_2255, %swap3A_2256] {strides = array<i32>} : memref<2x800x64xf32, #tpu.memory_space<vmem>>, vector<16xf32>,
      tpu.vector_store %arg7[%swap3A_2254, %swap3A_2255, %swap3A_2256], %get3A_2230 {add = true, strides = array<i32>} : memref<2x800x64xf32, #tpu.memory_space<vmem>>, vector<16xf32>,
      %add3A_2258 = arith.constant 200 : i32
      %add3A_2259 = arith.addi %add3A_2258, %add3A_2211 : i32
      %swap3A_2260 = arith.constant 0 : i32
      %swap3A_2261 = arith.index_cast %swap3A_2260 : i32 to index
      %swap3A_2262 = arith.index_cast %add3A_2259 : i32 to index
      %swap3A_2263 = arith.constant 0 : index
      %swap3A_2264 = tpu.vector_load %arg7[%swap3A_2261, %swap3A_2262, %swap3A_2263] {strides = array<i32>} : memref<2x800x64xf32, #tpu.memory_space<vmem>>, vector<16xf32>,
      tpu.vector_store %arg7[%swap3A_2261, %swap3A_2262, %swap3A_2263], %get3A_2215 {add = true, strides = array<i32>} : memref<2x800x64xf32, #tpu.memory_space<vmem>>, vector<16xf32>,
      %add3A_2265 = arith.constant 200 : i32
      %add3A_2266 = arith.addi %add3A_2265, %add3A_2211 : i32
      %swap3A_2267 = arith.constant 0 : i32
      %swap3A_2268 = arith.index_cast %swap3A_2267 : i32 to index
      %swap3A_2269 = arith.index_cast %add3A_2266 : i32 to index
      %swap3A_2270 = arith.constant 16 : index
      %swap3A_2271 = tpu.vector_load %arg7[%swap3A_2268, %swap3A_2269, %swap3A_2270] {strides = array<i32>} : memref<2x800x64xf32, #tpu.memory_space<vmem>>, vector<16xf32>,
      tpu.vector_store %arg7[%swap3A_2268, %swap3A_2269, %swap3A_2270], %get3A_2220 {add = true, strides = array<i32>} : memref<2x800x64xf32, #tpu.memory_space<vmem>>, vector<16xf32>,
      %add3A_2272 = arith.constant 200 : i32
      %add3A_2273 = arith.addi %add3A_2272, %add3A_2211 : i32
      %swap3A_2274 = arith.constant 0 : i32
      %swap3A_2275 = arith.index_cast %swap3A_2274 : i32 to index
      %swap3A_2276 = arith.index_cast %add3A_2273 : i32 to index
      %swap3A_2277 = arith.constant 32 : index
      %swap3A_2278 = tpu.vector_load %arg7[%swap3A_2275, %swap3A_2276, %swap3A_2277] {strides = array<i32>} : memref<2x800x64xf32, #tpu.memory_space<vmem>>, vector<16xf32>,
      tpu.vector_store %arg7[%swap3A_2275, %swap3A_2276, %swap3A_2277], %get3A_2225 {add = true, strides = array<i32>} : memref<2x800x64xf32, #tpu.memory_space<vmem>>, vector<16xf32>,
      %add3A_2279 = arith.constant 200 : i32
      %add3A_2280 = arith.addi %add3A_2279, %add3A_2211 : i32
      %swap3A_2281 = arith.constant 0 : i32
      %swap3A_2282 = arith.index_cast %swap3A_2281 : i32 to index
      %swap3A_2283 = arith.index_cast %add3A_2280 : i32 to index
      %swap3A_2284 = arith.constant 48 : index
      %swap3A_2285 = tpu.vector_load %arg7[%swap3A_2282, %swap3A_2283, %swap3A_2284] {strides = array<i32>} : memref<2x800x64xf32, #tpu.memory_space<vmem>>, vector<16xf32>,
      tpu.vector_store %arg7[%swap3A_2282, %swap3A_2283, %swap3A_2284], %get3A_2230 {add = true, strides = array<i32>} : memref<2x800x64xf32, #tpu.memory_space<vmem>>, vector<16xf32>,
      %add3A_2286 = arith.constant 400 : i32
      %add3A_2287 = arith.addi %add3A_2286, %add3A_2211 : i32
      %swap3A_2288 = arith.constant 0 : i32
      %swap3A_2289 = arith.index_cast %swap3A_2288 : i32 to index
      %swap3A_2290 = arith.index_cast %add3A_2287 : i32 to index
      %swap3A_2291 = arith.constant 0 : index
      %swap3A_2292 = tpu.vector_load %arg7[%swap3A_2289, %swap3A_2290, %swap3A_2291] {strides = array<i32>} : memref<2x800x64xf32, #tpu.memory_space<vmem>>, vector<16xf32>,
      tpu.vector_store %arg7[%swap3A_2289, %swap3A_2290, %swap3A_2291], %get3A_2215 {add = true, strides = array<i32>} : memref<2x800x64xf32, #tpu.memory_space<vmem>>, vector<16xf32>,
      %add3A_2293 = arith.constant 400 : i32
      %add3A_2294 = arith.addi %add3A_2293, %add3A_2211 : i32
      %swap3A_2295 = arith.constant 0 : i32
      %swap3A_2296 = arith.index_cast %swap3A_2295 : i32 to index
      %swap3A_2297 = arith.index_cast %add3A_2294 : i32 to index
      %swap3A_2298 = arith.constant 16 : index
      %swap3A_2299 = tpu.vector_load %arg7[%swap3A_2296, %swap3A_2297, %swap3A_2298] {strides = array<i32>} : memref<2x800x64xf32, #tpu.memory_space<vmem>>, vector<16xf32>,
      tpu.vector_store %arg7[%swap3A_2296, %swap3A_2297, %swap3A_2298], %get3A_2220 {add = true, strides = array<i32>} : memref<2x800x64xf32, #tpu.memory_space<vmem>>, vector<16xf32>,
      %add3A_2300 = arith.constant 400 : i32
      %add3A_2301 = arith.addi %add3A_2300, %add3A_2211 : i32
      %swap3A_2302 = arith.constant 0 : i32
      %swap3A_2303 = arith.index_cast %swap3A_2302 : i32 to index
      %swap3A_2304 = arith.index_cast %add3A_2301 : i32 to index
      %swap3A_2305 = arith.constant 32 : index
      %swap3A_2306 = tpu.vector_load %arg7[%swap3A_2303, %swap3A_2304, %swap3A_2305] {strides = array<i32>} : memref<2x800x64xf32, #tpu.memory_space<vmem>>, vector<16xf32>,
      tpu.vector_store %arg7[%swap3A_2303, %swap3A_2304, %swap3A_2305], %get3A_2225 {add = true, strides = array<i32>} : memref<2x800x64xf32, #tpu.memory_space<vmem>>, vector<16xf32>,
      %add3A_2307 = arith.constant 400 : i32
      %add3A_2308 = arith.addi %add3A_2307, %add3A_2211 : i32
      %swap3A_2309 = arith.constant 0 : i32
      %swap3A_2310 = arith.index_cast %swap3A_2309 : i32 to index
      %swap3A_2311 = arith.index_cast %add3A_2308 : i32 to index
      %swap3A_2312 = arith.constant 48 : index
      %swap3A_2313 = tpu.vector_load %arg7[%swap3A_2310, %swap3A_2311, %swap3A_2312] {strides = array<i32>} : memref<2x800x64xf32, #tpu.memory_space<vmem>>, vector<16xf32>,
      tpu.vector_store %arg7[%swap3A_2310, %swap3A_2311, %swap3A_2312], %get3A_2230 {add = true, strides = array<i32>} : memref<2x800x64xf32, #tpu.memory_space<vmem>>, vector<16xf32>,
      %add3A_2314 = arith.constant 600 : i32
      %add3A_2315 = arith.addi %add3A_2314, %add3A_2211 : i32
      %swap3A_2316 = arith.constant 0 : i32
      %swap3A_2317 = arith.index_cast %swap3A_2316 : i32 to index
      %swap3A_2318 = arith.index_cast %add3A_2315 : i32 to index
      %swap3A_2319 = arith.constant 0 : index
      %swap3A_2320 = tpu.vector_load %arg7[%swap3A_2317, %swap3A_2318, %swap3A_2319] {strides = array<i32>} : memref<2x800x64xf32, #tpu.memory_space<vmem>>, vector<16xf32>,
      tpu.vector_store %arg7[%swap3A_2317, %swap3A_2318, %swap3A_2319], %get3A_2215 {add = true, strides = array<i32>} : memref<2x800x64xf32, #tpu.memory_space<vmem>>, vector<16xf32>,
      %add3A_2321 = arith.constant 600 : i32
      %add3A_2322 = arith.addi %add3A_2321, %add3A_2211 : i32
      %swap3A_2323 = arith.constant 0 : i32
      %swap3A_2324 = arith.index_cast %swap3A_2323 : i32 to index
      %swap3A_2325 = arith.index_cast %add3A_2322 : i32 to index
      %swap3A_2326 = arith.constant 16 : index
      %swap3A_2327 = tpu.vector_load %arg7[%swap3A_2324, %swap3A_2325, %swap3A_2326] {strides = array<i32>} : memref<2x800x64xf32, #tpu.memory_space<vmem>>, vector<16xf32>,
      tpu.vector_store %arg7[%swap3A_2324, %swap3A_2325, %swap3A_2326], %get3A_2220 {add = true, strides = array<i32>} : memref<2x800x64xf32, #tpu.memory_space<vmem>>, vector<16xf32>,
      %add3A_2328 = arith.constant 600 : i32
      %add3A_2329 = arith.addi %add3A_2328, %add3A_2211 : i32
      %swap3A_2330 = arith.constant 0 : i32
      %swap3A_2331 = arith.index_cast %swap3A_2330 : i32 to index
      %swap3A_2332 = arith.index_cast %add3A_2329 : i32 to index
      %swap3A_2333 = arith.constant 32 : index
      %swap3A_2334 = tpu.vector_load %arg7[%swap3A_2331, %swap3A_2332, %swap3A_2333] {strides = array<i32>} : memref<2x800x64xf32, #tpu.memory_space<vmem>>, vector<16xf32>,
      tpu.vector_store %arg7[%swap3A_2331, %swap3A_2332, %swap3A_2333], %get3A_2225 {add = true, strides = array<i32>} : memref<2x800x64xf32, #tpu.memory_space<vmem>>, vector<16xf32>,
      %add3A_2335 = arith.constant 600 : i32
      %add3A_2336 = arith.addi %add3A_2335, %add3A_2211 : i32
      %swap3A_2337 = arith.constant 0 : i32
      %swap3A_2338 = arith.index_cast %swap3A_2337 : i32 to index
      %swap3A_2339 = arith.index_cast %add3A_2336 : i32 to index
      %swap3A_2340 = arith.constant 48 : index
      %swap3A_2341 = tpu.vector_load %arg7[%swap3A_2338, %swap3A_2339, %swap3A_2340] {strides = array<i32>} : memref<2x800x64xf32, #tpu.memory_space<vmem>>, vector<16xf32>,
      tpu.vector_store %arg7[%swap3A_2338, %swap3A_2339, %swap3A_2340], %get3A_2230 {add = true, strides = array<i32>} : memref<2x800x64xf32, #tpu.memory_space<vmem>>, vector<16xf32>,
    }
    %scan3A_1473 = arith.constant 200 : i32
    %add3A_1474 = arith.constant 3200 : i32
    %add3A_1475 = arith.addi %mul3A_2, %add3A_1474 : i32
    %dma_start3A_1476 = arith.constant 0 : i32
    %dma_start3A_1477 = arith.constant 0 : i32
    %dma_start3A_1478 = arith.constant 0 : i32
    %dma_start3A_1479 = tpu.memref_slice %arg7[%dma_start3A_1476, %dma_start3A_1477, %dma_start3A_1478] : memref<2x800x64xf32, #tpu.memory_space<vmem>> -> memref<1x800x64xf32, #tpu.memory_space<vmem>>
    %dma_start3A_1480 = tpu.memref_squeeze %dma_start3A_1479 : memref<1x800x64xf32, #tpu.memory_space<vmem>> -> memref<800x64xf32, #tpu.memory_space<vmem>>
    %dma_start3A_1481 = arith.constant 0 : i32
    %dma_start3A_1482 = tpu.memref_slice %arg5[%add3A_1475, %dma_start3A_1481] : memref<204800x64xf32, #tpu.memory_space<hbm>> -> memref<800x64xf32, #tpu.memory_space<hbm>>
    %dma_start3A_1483 = arith.constant 0 : i32
    %dma_start3A_1484 = tpu.memref_slice %arg5[%add3A_1475, %dma_start3A_1483] : memref<204800x64xf32, #tpu.memory_space<hbm>> -> memref<800x64xf32, #tpu.memory_space<hbm>>
    %dma_start3A_1485 = arith.constant 0 : i32
    %dma_start3A_1486 = arith.constant 0 : i32
    %dma_start3A_1487 = tpu.memref_slice %arg7[%dma_start3A_1476, %dma_start3A_1485, %dma_start3A_1486] : memref<2x800x64xf32, #tpu.memory_space<vmem>> -> memref<1x800x64xf32, #tpu.memory_space<vmem>>
    %dma_start3A_1488 = tpu.memref_squeeze %dma_start3A_1487 : memref<1x800x64xf32, #tpu.memory_space<vmem>> -> memref<800x64xf32, #tpu.memory_space<vmem>>
    tpu.enqueue_dma source(%dma_start3A_1488 : memref<800x64xf32, #tpu.memory_space<vmem>>) target(%dma_start3A_1484 : memref<800x64xf32, #tpu.memory_space<hbm>>) target_semaphore(%arg11 : memref<!tpu.dma_semaphore, #tpu.memory_space<semaphore_mem>>)
    %dma_wait3A_1489 = arith.constant 0 : i32
    %dma_wait3A_1490 = arith.constant 0 : i32
    %dma_wait3A_1491 = arith.constant 0 : i32
    %dma_wait3A_1492 = tpu.memref_slice %arg7[%dma_wait3A_1489, %dma_wait3A_1490, %dma_wait3A_1491] : memref<2x800x64xf32, #tpu.memory_space<vmem>> -> memref<1x800x64xf32, #tpu.memory_space<vmem>>
    %dma_wait3A_1493 = tpu.memref_squeeze %dma_wait3A_1492 : memref<1x800x64xf32, #tpu.memory_space<vmem>> -> memref<800x64xf32, #tpu.memory_space<vmem>>
    %dma_wait3A_1494 = arith.constant 0 : i32
    %dma_wait3A_1495 = tpu.memref_slice %arg5[%add3A_1475, %dma_wait3A_1494] : memref<204800x64xf32, #tpu.memory_space<hbm>> -> memref<800x64xf32, #tpu.memory_space<hbm>>
    %dma_wait3A_1496 = arith.constant 0 : i32
    %dma_wait3A_1497 = tpu.memref_slice %arg5[%add3A_1475, %dma_wait3A_1496] : memref<204800x64xf32, #tpu.memory_space<hbm>> -> memref<800x64xf32, #tpu.memory_space<hbm>>
    %dma_wait3A_1498 = arith.constant 0 : i32
    %dma_wait3A_1499 = arith.constant 0 : i32
    %dma_wait3A_1500 = tpu.memref_slice %arg7[%dma_wait3A_1489, %dma_wait3A_1498, %dma_wait3A_1499] : memref<2x800x64xf32, #tpu.memory_space<vmem>> -> memref<1x800x64xf32, #tpu.memory_space<vmem>>
    %dma_wait3A_1501 = tpu.memref_squeeze %dma_wait3A_1500 : memref<1x800x64xf32, #tpu.memory_space<vmem>> -> memref<800x64xf32, #tpu.memory_space<vmem>>
    tpu.wait_dma2 semaphore(%arg11 : memref<!tpu.dma_semaphore, #tpu.memory_space<semaphore_mem>>) src(%dma_wait3A_1501 : memref<800x64xf32, #tpu.memory_space<vmem>>) dst(%dma_wait3A_1497 : memref<800x64xf32, #tpu.memory_space<hbm>>)
    %add3A_1502 = arith.constant 4800 : i32
    %add3A_1503 = arith.addi %mul3A_2, %add3A_1502 : i32
    %run_scoped3A_1504 = arith.constant 0 : i32
    "tpu.region"() ({
      %run_scoped3A_2207 = tpu.sem_alloc : memref<!tpu.dma_semaphore, #tpu.memory_space<semaphore_mem>>
      %dma_start3A_2208 = arith.constant 0 : i32
      %dma_start3A_2209 = tpu.memref_slice %arg8[%run_scoped3A_1504, %dma_start3A_2208] : memref<2x800xi32, #tpu.memory_space<vmem>> -> memref<1x800xi32, #tpu.memory_space<vmem>>
      %dma_start3A_2210 = tpu.memref_squeeze %dma_start3A_2209 : memref<1x800xi32, #tpu.memory_space<vmem>> -> memref<800xi32, #tpu.memory_space<vmem>>
      %dma_start3A_2211 = tpu.memref_slice %arg3[%add3A_1503] : memref<204800xi32, #tpu.memory_space<hbm>> -> memref<800xi32, #tpu.memory_space<hbm>>
      %dma_start3A_2212 = arith.constant 0 : i32
      %dma_start3A_2213 = tpu.memref_slice %arg8[%run_scoped3A_1504, %dma_start3A_2212] : memref<2x800xi32, #tpu.memory_space<vmem>> -> memref<1x800xi32, #tpu.memory_space<vmem>>
      %dma_start3A_2214 = tpu.memref_squeeze %dma_start3A_2213 : memref<1x800xi32, #tpu.memory_space<vmem>> -> memref<800xi32, #tpu.memory_space<vmem>>
      %dma_start3A_2215 = tpu.memref_slice %arg3[%add3A_1503] : memref<204800xi32, #tpu.memory_space<hbm>> -> memref<800xi32, #tpu.memory_space<hbm>>
      tpu.enqueue_dma source(%dma_start3A_2215 : memref<800xi32, #tpu.memory_space<hbm>>) target(%dma_start3A_2214 : memref<800xi32, #tpu.memory_space<vmem>>) target_semaphore(%run_scoped3A_2207 : memref<!tpu.dma_semaphore, #tpu.memory_space<semaphore_mem>>)
      %dma_wait3A_2216 = arith.constant 0 : i32
      %dma_wait3A_2217 = tpu.memref_slice %arg8[%run_scoped3A_1504, %dma_wait3A_2216] : memref<2x800xi32, #tpu.memory_space<vmem>> -> memref<1x800xi32, #tpu.memory_space<vmem>>
      %dma_wait3A_2218 = tpu.memref_squeeze %dma_wait3A_2217 : memref<1x800xi32, #tpu.memory_space<vmem>> -> memref<800xi32, #tpu.memory_space<vmem>>
      %dma_wait3A_2219 = tpu.memref_slice %arg3[%add3A_1503] : memref<204800xi32, #tpu.memory_space<hbm>> -> memref<800xi32, #tpu.memory_space<hbm>>
      %dma_wait3A_2220 = arith.constant 0 : i32
      %dma_wait3A_2221 = tpu.memref_slice %arg8[%run_scoped3A_1504, %dma_wait3A_2220] : memref<2x800xi32, #tpu.memory_space<vmem>> -> memref<1x800xi32, #tpu.memory_space<vmem>>
      %dma_wait3A_2222 = tpu.memref_squeeze %dma_wait3A_2221 : memref<1x800xi32, #tpu.memory_space<vmem>> -> memref<800xi32, #tpu.memory_space<vmem>>
      %dma_wait3A_2223 = tpu.memref_slice %arg3[%add3A_1503] : memref<204800xi32, #tpu.memory_space<hbm>> -> memref<800xi32, #tpu.memory_space<hbm>>
      tpu.wait_dma2 semaphore(%run_scoped3A_2207 : memref<!tpu.dma_semaphore, #tpu.memory_space<semaphore_mem>>) src(%dma_wait3A_2223 : memref<800xi32, #tpu.memory_space<hbm>>) dst(%dma_wait3A_2222 : memref<800xi32, #tpu.memory_space<vmem>>)
      tpu.yield
    }) : () -> ()
    %dma_start3A_1505 = arith.constant 0 : i32
    %dma_start3A_1506 = arith.constant 0 : i32
    %dma_start3A_1507 = arith.constant 0 : i32
    %dma_start3A_1508 = arith.constant 0 : i32
    %dma_start3A_1509 = tpu.memref_slice %arg7[%dma_start3A_1506, %dma_start3A_1507, %dma_start3A_1508] : memref<2x800x64xf32, #tpu.memory_space<vmem>> -> memref<1x80x64xf32, #tpu.memory_space<vmem>>
    %dma_start3A_1510 = tpu.memref_squeeze %dma_start3A_1509 : memref<1x80x64xf32, #tpu.memory_space<vmem>> -> memref<80x64xf32, #tpu.memory_space<vmem>>
    %dma_start3A_1511 = arith.constant 0 : i32
    %dma_start3A_1512 = tpu.memref_slice %arg8[%dma_start3A_1505, %dma_start3A_1511] : memref<2x800xi32, #tpu.memory_space<vmem>> -> memref<1x80xi32, #tpu.memory_space<vmem>>
    %dma_start3A_1513 = tpu.memref_squeeze %dma_start3A_1512 : memref<1x80xi32, #tpu.memory_space<vmem>> -> memref<80xi32, #tpu.memory_space<vmem>>
    %dma_start3A_1514 = arith.constant 0 : i32
    %dma_start3A_1515 = arith.constant 0 : i32
    %dma_start3A_1516 = tpu.memref_slice %arg2[%dma_start3A_1514, %dma_start3A_1515] : memref<100000x64xf32, #tpu.memory_space<hbm>> -> memref<100000x64xf32, #tpu.memory_space<hbm>>
    tpu.enqueue_indirect_dma source(%dma_start3A_1516 : memref<100000x64xf32, #tpu.memory_space<hbm>>) target(%dma_start3A_1510 : memref<80x64xf32, #tpu.memory_space<vmem>>) offsets(%dma_start3A_1513 : memref<80xi32, #tpu.memory_space<vmem>>) semaphore(%arg9 : memref<!tpu.dma_semaphore, #tpu.memory_space<semaphore_mem>>)
    %dma_start3A_1517 = arith.constant 0 : i32
    %dma_start3A_1518 = arith.constant 0 : i32
    %dma_start3A_1519 = arith.constant 80 : i32
    %dma_start3A_1520 = arith.constant 0 : i32
    %dma_start3A_1521 = tpu.memref_slice %arg7[%dma_start3A_1518, %dma_start3A_1519, %dma_start3A_1520] : memref<2x800x64xf32, #tpu.memory_space<vmem>> -> memref<1x80x64xf32, #tpu.memory_space<vmem>>
    %dma_start3A_1522 = tpu.memref_squeeze %dma_start3A_1521 : memref<1x80x64xf32, #tpu.memory_space<vmem>> -> memref<80x64xf32, #tpu.memory_space<vmem>>
    %dma_start3A_1523 = arith.constant 80 : i32
    %dma_start3A_1524 = tpu.memref_slice %arg8[%dma_start3A_1517, %dma_start3A_1523] : memref<2x800xi32, #tpu.memory_space<vmem>> -> memref<1x80xi32, #tpu.memory_space<vmem>>
    %dma_start3A_1525 = tpu.memref_squeeze %dma_start3A_1524 : memref<1x80xi32, #tpu.memory_space<vmem>> -> memref<80xi32, #tpu.memory_space<vmem>>
    %dma_start3A_1526 = arith.constant 0 : i32
    %dma_start3A_1527 = arith.constant 0 : i32
    %dma_start3A_1528 = tpu.memref_slice %arg2[%dma_start3A_1526, %dma_start3A_1527] : memref<100000x64xf32, #tpu.memory_space<hbm>> -> memref<100000x64xf32, #tpu.memory_space<hbm>>
    tpu.enqueue_indirect_dma source(%dma_start3A_1528 : memref<100000x64xf32, #tpu.memory_space<hbm>>) target(%dma_start3A_1522 : memref<80x64xf32, #tpu.memory_space<vmem>>) offsets(%dma_start3A_1525 : memref<80xi32, #tpu.memory_space<vmem>>) semaphore(%arg9 : memref<!tpu.dma_semaphore, #tpu.memory_space<semaphore_mem>>)
    %dma_start3A_1529 = arith.constant 0 : i32
    %dma_start3A_1530 = arith.constant 0 : i32
    %dma_start3A_1531 = arith.constant 160 : i32
    %dma_start3A_1532 = arith.constant 0 : i32
    %dma_start3A_1533 = tpu.memref_slice %arg7[%dma_start3A_1530, %dma_start3A_1531, %dma_start3A_1532] : memref<2x800x64xf32, #tpu.memory_space<vmem>> -> memref<1x80x64xf32, #tpu.memory_space<vmem>>
    %dma_start3A_1534 = tpu.memref_squeeze %dma_start3A_1533 : memref<1x80x64xf32, #tpu.memory_space<vmem>> -> memref<80x64xf32, #tpu.memory_space<vmem>>
    %dma_start3A_1535 = arith.constant 160 : i32
    %dma_start3A_1536 = tpu.memref_slice %arg8[%dma_start3A_1529, %dma_start3A_1535] : memref<2x800xi32, #tpu.memory_space<vmem>> -> memref<1x80xi32, #tpu.memory_space<vmem>>
    %dma_start3A_1537 = tpu.memref_squeeze %dma_start3A_1536 : memref<1x80xi32, #tpu.memory_space<vmem>> -> memref<80xi32, #tpu.memory_space<vmem>>
    %dma_start3A_1538 = arith.constant 0 : i32
    %dma_start3A_1539 = arith.constant 0 : i32
    %dma_start3A_1540 = tpu.memref_slice %arg2[%dma_start3A_1538, %dma_start3A_1539] : memref<100000x64xf32, #tpu.memory_space<hbm>> -> memref<100000x64xf32, #tpu.memory_space<hbm>>
    tpu.enqueue_indirect_dma source(%dma_start3A_1540 : memref<100000x64xf32, #tpu.memory_space<hbm>>) target(%dma_start3A_1534 : memref<80x64xf32, #tpu.memory_space<vmem>>) offsets(%dma_start3A_1537 : memref<80xi32, #tpu.memory_space<vmem>>) semaphore(%arg9 : memref<!tpu.dma_semaphore, #tpu.memory_space<semaphore_mem>>)
    %dma_start3A_1541 = arith.constant 0 : i32
    %dma_start3A_1542 = arith.constant 0 : i32
    %dma_start3A_1543 = arith.constant 240 : i32
    %dma_start3A_1544 = arith.constant 0 : i32
    %dma_start3A_1545 = tpu.memref_slice %arg7[%dma_start3A_1542, %dma_start3A_1543, %dma_start3A_1544] : memref<2x800x64xf32, #tpu.memory_space<vmem>> -> memref<1x80x64xf32, #tpu.memory_space<vmem>>
    %dma_start3A_1546 = tpu.memref_squeeze %dma_start3A_1545 : memref<1x80x64xf32, #tpu.memory_space<vmem>> -> memref<80x64xf32, #tpu.memory_space<vmem>>
    %dma_start3A_1547 = arith.constant 240 : i32
    %dma_start3A_1548 = tpu.memref_slice %arg8[%dma_start3A_1541, %dma_start3A_1547] : memref<2x800xi32, #tpu.memory_space<vmem>> -> memref<1x80xi32, #tpu.memory_space<vmem>>
    %dma_start3A_1549 = tpu.memref_squeeze %dma_start3A_1548 : memref<1x80xi32, #tpu.memory_space<vmem>> -> memref<80xi32, #tpu.memory_space<vmem>>
    %dma_start3A_1550 = arith.constant 0 : i32
    %dma_start3A_1551 = arith.constant 0 : i32
    %dma_start3A_1552 = tpu.memref_slice %arg2[%dma_start3A_1550, %dma_start3A_1551] : memref<100000x64xf32, #tpu.memory_space<hbm>> -> memref<100000x64xf32, #tpu.memory_space<hbm>>
    tpu.enqueue_indirect_dma source(%dma_start3A_1552 : memref<100000x64xf32, #tpu.memory_space<hbm>>) target(%dma_start3A_1546 : memref<80x64xf32, #tpu.memory_space<vmem>>) offsets(%dma_start3A_1549 : memref<80xi32, #tpu.memory_space<vmem>>) semaphore(%arg9 : memref<!tpu.dma_semaphore, #tpu.memory_space<semaphore_mem>>)
    %dma_start3A_1553 = arith.constant 0 : i32
    %dma_start3A_1554 = arith.constant 0 : i32
    %dma_start3A_1555 = arith.constant 320 : i32
    %dma_start3A_1556 = arith.constant 0 : i32
    %dma_start3A_1557 = tpu.memref_slice %arg7[%dma_start3A_1554, %dma_start3A_1555, %dma_start3A_1556] : memref<2x800x64xf32, #tpu.memory_space<vmem>> -> memref<1x80x64xf32, #tpu.memory_space<vmem>>
    %dma_start3A_1558 = tpu.memref_squeeze %dma_start3A_1557 : memref<1x80x64xf32, #tpu.memory_space<vmem>> -> memref<80x64xf32, #tpu.memory_space<vmem>>
    %dma_start3A_1559 = arith.constant 320 : i32
    %dma_start3A_1560 = tpu.memref_slice %arg8[%dma_start3A_1553, %dma_start3A_1559] : memref<2x800xi32, #tpu.memory_space<vmem>> -> memref<1x80xi32, #tpu.memory_space<vmem>>
    %dma_start3A_1561 = tpu.memref_squeeze %dma_start3A_1560 : memref<1x80xi32, #tpu.memory_space<vmem>> -> memref<80xi32, #tpu.memory_space<vmem>>
    %dma_start3A_1562 = arith.constant 0 : i32
    %dma_start3A_1563 = arith.constant 0 : i32
    %dma_start3A_1564 = tpu.memref_slice %arg2[%dma_start3A_1562, %dma_start3A_1563] : memref<100000x64xf32, #tpu.memory_space<hbm>> -> memref<100000x64xf32, #tpu.memory_space<hbm>>
    tpu.enqueue_indirect_dma source(%dma_start3A_1564 : memref<100000x64xf32, #tpu.memory_space<hbm>>) target(%dma_start3A_1558 : memref<80x64xf32, #tpu.memory_space<vmem>>) offsets(%dma_start3A_1561 : memref<80xi32, #tpu.memory_space<vmem>>) semaphore(%arg9 : memref<!tpu.dma_semaphore, #tpu.memory_space<semaphore_mem>>)
    %dma_start3A_1565 = arith.constant 0 : i32
    %dma_start3A_1566 = arith.constant 0 : i32
    %dma_start3A_1567 = arith.constant 400 : i32
    %dma_start3A_1568 = arith.constant 0 : i32
    %dma_start3A_1569 = tpu.memref_slice %arg7[%dma_start3A_1566, %dma_start3A_1567, %dma_start3A_1568] : memref<2x800x64xf32, #tpu.memory_space<vmem>> -> memref<1x80x64xf32, #tpu.memory_space<vmem>>
    %dma_start3A_1570 = tpu.memref_squeeze %dma_start3A_1569 : memref<1x80x64xf32, #tpu.memory_space<vmem>> -> memref<80x64xf32, #tpu.memory_space<vmem>>
    %dma_start3A_1571 = arith.constant 400 : i32
    %dma_start3A_1572 = tpu.memref_slice %arg8[%dma_start3A_1565, %dma_start3A_1571] : memref<2x800xi32, #tpu.memory_space<vmem>> -> memref<1x80xi32, #tpu.memory_space<vmem>>
    %dma_start3A_1573 = tpu.memref_squeeze %dma_start3A_1572 : memref<1x80xi32, #tpu.memory_space<vmem>> -> memref<80xi32, #tpu.memory_space<vmem>>
    %dma_start3A_1574 = arith.constant 0 : i32
    %dma_start3A_1575 = arith.constant 0 : i32
    %dma_start3A_1576 = tpu.memref_slice %arg2[%dma_start3A_1574, %dma_start3A_1575] : memref<100000x64xf32, #tpu.memory_space<hbm>> -> memref<100000x64xf32, #tpu.memory_space<hbm>>
    tpu.enqueue_indirect_dma source(%dma_start3A_1576 : memref<100000x64xf32, #tpu.memory_space<hbm>>) target(%dma_start3A_1570 : memref<80x64xf32, #tpu.memory_space<vmem>>) offsets(%dma_start3A_1573 : memref<80xi32, #tpu.memory_space<vmem>>) semaphore(%arg9 : memref<!tpu.dma_semaphore, #tpu.memory_space<semaphore_mem>>)
    %dma_start3A_1577 = arith.constant 0 : i32
    %dma_start3A_1578 = arith.constant 0 : i32
    %dma_start3A_1579 = arith.constant 480 : i32
    %dma_start3A_1580 = arith.constant 0 : i32
    %dma_start3A_1581 = tpu.memref_slice %arg7[%dma_start3A_1578, %dma_start3A_1579, %dma_start3A_1580] : memref<2x800x64xf32, #tpu.memory_space<vmem>> -> memref<1x80x64xf32, #tpu.memory_space<vmem>>
    %dma_start3A_1582 = tpu.memref_squeeze %dma_start3A_1581 : memref<1x80x64xf32, #tpu.memory_space<vmem>> -> memref<80x64xf32, #tpu.memory_space<vmem>>
    %dma_start3A_1583 = arith.constant 480 : i32
    %dma_start3A_1584 = tpu.memref_slice %arg8[%dma_start3A_1577, %dma_start3A_1583] : memref<2x800xi32, #tpu.memory_space<vmem>> -> memref<1x80xi32, #tpu.memory_space<vmem>>
    %dma_start3A_1585 = tpu.memref_squeeze %dma_start3A_1584 : memref<1x80xi32, #tpu.memory_space<vmem>> -> memref<80xi32, #tpu.memory_space<vmem>>
    %dma_start3A_1586 = arith.constant 0 : i32
    %dma_start3A_1587 = arith.constant 0 : i32
    %dma_start3A_1588 = tpu.memref_slice %arg2[%dma_start3A_1586, %dma_start3A_1587] : memref<100000x64xf32, #tpu.memory_space<hbm>> -> memref<100000x64xf32, #tpu.memory_space<hbm>>
    tpu.enqueue_indirect_dma source(%dma_start3A_1588 : memref<100000x64xf32, #tpu.memory_space<hbm>>) target(%dma_start3A_1582 : memref<80x64xf32, #tpu.memory_space<vmem>>) offsets(%dma_start3A_1585 : memref<80xi32, #tpu.memory_space<vmem>>) semaphore(%arg9 : memref<!tpu.dma_semaphore, #tpu.memory_space<semaphore_mem>>)
    %dma_start3A_1589 = arith.constant 0 : i32
    %dma_start3A_1590 = arith.constant 0 : i32
    %dma_start3A_1591 = arith.constant 560 : i32
    %dma_start3A_1592 = arith.constant 0 : i32
    %dma_start3A_1593 = tpu.memref_slice %arg7[%dma_start3A_1590, %dma_start3A_1591, %dma_start3A_1592] : memref<2x800x64xf32, #tpu.memory_space<vmem>> -> memref<1x80x64xf32, #tpu.memory_space<vmem>>
    %dma_start3A_1594 = tpu.memref_squeeze %dma_start3A_1593 : memref<1x80x64xf32, #tpu.memory_space<vmem>> -> memref<80x64xf32, #tpu.memory_space<vmem>>
    %dma_start3A_1595 = arith.constant 560 : i32
    %dma_start3A_1596 = tpu.memref_slice %arg8[%dma_start3A_1589, %dma_start3A_1595] : memref<2x800xi32, #tpu.memory_space<vmem>> -> memref<1x80xi32, #tpu.memory_space<vmem>>
    %dma_start3A_1597 = tpu.memref_squeeze %dma_start3A_1596 : memref<1x80xi32, #tpu.memory_space<vmem>> -> memref<80xi32, #tpu.memory_space<vmem>>
    %dma_start3A_1598 = arith.constant 0 : i32
    %dma_start3A_1599 = arith.constant 0 : i32
    %dma_start3A_1600 = tpu.memref_slice %arg2[%dma_start3A_1598, %dma_start3A_1599] : memref<100000x64xf32, #tpu.memory_space<hbm>> -> memref<100000x64xf32, #tpu.memory_space<hbm>>
    tpu.enqueue_indirect_dma source(%dma_start3A_1600 : memref<100000x64xf32, #tpu.memory_space<hbm>>) target(%dma_start3A_1594 : memref<80x64xf32, #tpu.memory_space<vmem>>) offsets(%dma_start3A_1597 : memref<80xi32, #tpu.memory_space<vmem>>) semaphore(%arg9 : memref<!tpu.dma_semaphore, #tpu.memory_space<semaphore_mem>>)
    %dma_start3A_1601 = arith.constant 0 : i32
    %dma_start3A_1602 = arith.constant 0 : i32
    %dma_start3A_1603 = arith.constant 640 : i32
    %dma_start3A_1604 = arith.constant 0 : i32
    %dma_start3A_1605 = tpu.memref_slice %arg7[%dma_start3A_1602, %dma_start3A_1603, %dma_start3A_1604] : memref<2x800x64xf32, #tpu.memory_space<vmem>> -> memref<1x80x64xf32, #tpu.memory_space<vmem>>
    %dma_start3A_1606 = tpu.memref_squeeze %dma_start3A_1605 : memref<1x80x64xf32, #tpu.memory_space<vmem>> -> memref<80x64xf32, #tpu.memory_space<vmem>>
    %dma_start3A_1607 = arith.constant 640 : i32
    %dma_start3A_1608 = tpu.memref_slice %arg8[%dma_start3A_1601, %dma_start3A_1607] : memref<2x800xi32, #tpu.memory_space<vmem>> -> memref<1x80xi32, #tpu.memory_space<vmem>>
    %dma_start3A_1609 = tpu.memref_squeeze %dma_start3A_1608 : memref<1x80xi32, #tpu.memory_space<vmem>> -> memref<80xi32, #tpu.memory_space<vmem>>
    %dma_start3A_1610 = arith.constant 0 : i32
    %dma_start3A_1611 = arith.constant 0 : i32
    %dma_start3A_1612 = tpu.memref_slice %arg2[%dma_start3A_1610, %dma_start3A_1611] : memref<100000x64xf32, #tpu.memory_space<hbm>> -> memref<100000x64xf32, #tpu.memory_space<hbm>>
    tpu.enqueue_indirect_dma source(%dma_start3A_1612 : memref<100000x64xf32, #tpu.memory_space<hbm>>) target(%dma_start3A_1606 : memref<80x64xf32, #tpu.memory_space<vmem>>) offsets(%dma_start3A_1609 : memref<80xi32, #tpu.memory_space<vmem>>) semaphore(%arg9 : memref<!tpu.dma_semaphore, #tpu.memory_space<semaphore_mem>>)
    %dma_start3A_1613 = arith.constant 0 : i32
    %dma_start3A_1614 = arith.constant 0 : i32
    %dma_start3A_1615 = arith.constant 720 : i32
    %dma_start3A_1616 = arith.constant 0 : i32
    %dma_start3A_1617 = tpu.memref_slice %arg7[%dma_start3A_1614, %dma_start3A_1615, %dma_start3A_1616] : memref<2x800x64xf32, #tpu.memory_space<vmem>> -> memref<1x80x64xf32, #tpu.memory_space<vmem>>
    %dma_start3A_1618 = tpu.memref_squeeze %dma_start3A_1617 : memref<1x80x64xf32, #tpu.memory_space<vmem>> -> memref<80x64xf32, #tpu.memory_space<vmem>>
    %dma_start3A_1619 = arith.constant 720 : i32
    %dma_start3A_1620 = tpu.memref_slice %arg8[%dma_start3A_1613, %dma_start3A_1619] : memref<2x800xi32, #tpu.memory_space<vmem>> -> memref<1x80xi32, #tpu.memory_space<vmem>>
    %dma_start3A_1621 = tpu.memref_squeeze %dma_start3A_1620 : memref<1x80xi32, #tpu.memory_space<vmem>> -> memref<80xi32, #tpu.memory_space<vmem>>
    %dma_start3A_1622 = arith.constant 0 : i32
    %dma_start3A_1623 = arith.constant 0 : i32
    %dma_start3A_1624 = tpu.memref_slice %arg2[%dma_start3A_1622, %dma_start3A_1623] : memref<100000x64xf32, #tpu.memory_space<hbm>> -> memref<100000x64xf32, #tpu.memory_space<hbm>>
    tpu.enqueue_indirect_dma source(%dma_start3A_1624 : memref<100000x64xf32, #tpu.memory_space<hbm>>) target(%dma_start3A_1618 : memref<80x64xf32, #tpu.memory_space<vmem>>) offsets(%dma_start3A_1621 : memref<80xi32, #tpu.memory_space<vmem>>) semaphore(%arg9 : memref<!tpu.dma_semaphore, #tpu.memory_space<semaphore_mem>>)
    %dma_wait3A_1625 = arith.constant 1 : i32
    %dma_wait3A_1626 = arith.constant 1 : i32
    %dma_wait3A_1627 = arith.constant 0 : i32
    %dma_wait3A_1628 = arith.constant 0 : i32
    %dma_wait3A_1629 = tpu.memref_slice %arg7[%dma_wait3A_1626, %dma_wait3A_1627, %dma_wait3A_1628] : memref<2x800x64xf32, #tpu.memory_space<vmem>> -> memref<1x80x64xf32, #tpu.memory_space<vmem>>
    %dma_wait3A_1630 = tpu.memref_squeeze %dma_wait3A_1629 : memref<1x80x64xf32, #tpu.memory_space<vmem>> -> memref<80x64xf32, #tpu.memory_space<vmem>>
    %dma_wait3A_1631 = arith.constant 0 : i32
    %dma_wait3A_1632 = tpu.memref_slice %arg8[%dma_wait3A_1625, %dma_wait3A_1631] : memref<2x800xi32, #tpu.memory_space<vmem>> -> memref<1x80xi32, #tpu.memory_space<vmem>>
    %dma_wait3A_1633 = tpu.memref_squeeze %dma_wait3A_1632 : memref<1x80xi32, #tpu.memory_space<vmem>> -> memref<80xi32, #tpu.memory_space<vmem>>
    %dma_wait3A_1634 = arith.constant 0 : i32
    %dma_wait3A_1635 = arith.constant 0 : i32
    %dma_wait3A_1636 = tpu.memref_slice %arg2[%dma_wait3A_1634, %dma_wait3A_1635] : memref<100000x64xf32, #tpu.memory_space<hbm>> -> memref<100000x64xf32, #tpu.memory_space<hbm>>
    tpu.wait_indirect_dma semaphore(%arg10 : memref<!tpu.dma_semaphore, #tpu.memory_space<semaphore_mem>>) src(%dma_wait3A_1636 : memref<100000x64xf32, #tpu.memory_space<hbm>>) dst(%dma_wait3A_1630 : memref<80x64xf32, #tpu.memory_space<vmem>>)
    %dma_wait3A_1637 = arith.constant 1 : i32
    %dma_wait3A_1638 = arith.constant 1 : i32
    %dma_wait3A_1639 = arith.constant 80 : i32
    %dma_wait3A_1640 = arith.constant 0 : i32
    %dma_wait3A_1641 = tpu.memref_slice %arg7[%dma_wait3A_1638, %dma_wait3A_1639, %dma_wait3A_1640] : memref<2x800x64xf32, #tpu.memory_space<vmem>> -> memref<1x80x64xf32, #tpu.memory_space<vmem>>
    %dma_wait3A_1642 = tpu.memref_squeeze %dma_wait3A_1641 : memref<1x80x64xf32, #tpu.memory_space<vmem>> -> memref<80x64xf32, #tpu.memory_space<vmem>>
    %dma_wait3A_1643 = arith.constant 80 : i32
    %dma_wait3A_1644 = tpu.memref_slice %arg8[%dma_wait3A_1637, %dma_wait3A_1643] : memref<2x800xi32, #tpu.memory_space<vmem>> -> memref<1x80xi32, #tpu.memory_space<vmem>>
    %dma_wait3A_1645 = tpu.memref_squeeze %dma_wait3A_1644 : memref<1x80xi32, #tpu.memory_space<vmem>> -> memref<80xi32, #tpu.memory_space<vmem>>
    %dma_wait3A_1646 = arith.constant 0 : i32
    %dma_wait3A_1647 = arith.constant 0 : i32
    %dma_wait3A_1648 = tpu.memref_slice %arg2[%dma_wait3A_1646, %dma_wait3A_1647] : memref<100000x64xf32, #tpu.memory_space<hbm>> -> memref<100000x64xf32, #tpu.memory_space<hbm>>
    tpu.wait_indirect_dma semaphore(%arg10 : memref<!tpu.dma_semaphore, #tpu.memory_space<semaphore_mem>>) src(%dma_wait3A_1648 : memref<100000x64xf32, #tpu.memory_space<hbm>>) dst(%dma_wait3A_1642 : memref<80x64xf32, #tpu.memory_space<vmem>>)
    %dma_wait3A_1649 = arith.constant 1 : i32
    %dma_wait3A_1650 = arith.constant 1 : i32
    %dma_wait3A_1651 = arith.constant 160 : i32
    %dma_wait3A_1652 = arith.constant 0 : i32
    %dma_wait3A_1653 = tpu.memref_slice %arg7[%dma_wait3A_1650, %dma_wait3A_1651, %dma_wait3A_1652] : memref<2x800x64xf32, #tpu.memory_space<vmem>> -> memref<1x80x64xf32, #tpu.memory_space<vmem>>
    %dma_wait3A_1654 = tpu.memref_squeeze %dma_wait3A_1653 : memref<1x80x64xf32, #tpu.memory_space<vmem>> -> memref<80x64xf32, #tpu.memory_space<vmem>>
    %dma_wait3A_1655 = arith.constant 160 : i32
    %dma_wait3A_1656 = tpu.memref_slice %arg8[%dma_wait3A_1649, %dma_wait3A_1655] : memref<2x800xi32, #tpu.memory_space<vmem>> -> memref<1x80xi32, #tpu.memory_space<vmem>>
    %dma_wait3A_1657 = tpu.memref_squeeze %dma_wait3A_1656 : memref<1x80xi32, #tpu.memory_space<vmem>> -> memref<80xi32, #tpu.memory_space<vmem>>
    %dma_wait3A_1658 = arith.constant 0 : i32
    %dma_wait3A_1659 = arith.constant 0 : i32
    %dma_wait3A_1660 = tpu.memref_slice %arg2[%dma_wait3A_1658, %dma_wait3A_1659] : memref<100000x64xf32, #tpu.memory_space<hbm>> -> memref<100000x64xf32, #tpu.memory_space<hbm>>
    tpu.wait_indirect_dma semaphore(%arg10 : memref<!tpu.dma_semaphore, #tpu.memory_space<semaphore_mem>>) src(%dma_wait3A_1660 : memref<100000x64xf32, #tpu.memory_space<hbm>>) dst(%dma_wait3A_1654 : memref<80x64xf32, #tpu.memory_space<vmem>>)
    %dma_wait3A_1661 = arith.constant 1 : i32
    %dma_wait3A_1662 = arith.constant 1 : i32
    %dma_wait3A_1663 = arith.constant 240 : i32
    %dma_wait3A_1664 = arith.constant 0 : i32
    %dma_wait3A_1665 = tpu.memref_slice %arg7[%dma_wait3A_1662, %dma_wait3A_1663, %dma_wait3A_1664] : memref<2x800x64xf32, #tpu.memory_space<vmem>> -> memref<1x80x64xf32, #tpu.memory_space<vmem>>
    %dma_wait3A_1666 = tpu.memref_squeeze %dma_wait3A_1665 : memref<1x80x64xf32, #tpu.memory_space<vmem>> -> memref<80x64xf32, #tpu.memory_space<vmem>>
    %dma_wait3A_1667 = arith.constant 240 : i32
    %dma_wait3A_1668 = tpu.memref_slice %arg8[%dma_wait3A_1661, %dma_wait3A_1667] : memref<2x800xi32, #tpu.memory_space<vmem>> -> memref<1x80xi32, #tpu.memory_space<vmem>>
    %dma_wait3A_1669 = tpu.memref_squeeze %dma_wait3A_1668 : memref<1x80xi32, #tpu.memory_space<vmem>> -> memref<80xi32, #tpu.memory_space<vmem>>
    %dma_wait3A_1670 = arith.constant 0 : i32
    %dma_wait3A_1671 = arith.constant 0 : i32
    %dma_wait3A_1672 = tpu.memref_slice %arg2[%dma_wait3A_1670, %dma_wait3A_1671] : memref<100000x64xf32, #tpu.memory_space<hbm>> -> memref<100000x64xf32, #tpu.memory_space<hbm>>
    tpu.wait_indirect_dma semaphore(%arg10 : memref<!tpu.dma_semaphore, #tpu.memory_space<semaphore_mem>>) src(%dma_wait3A_1672 : memref<100000x64xf32, #tpu.memory_space<hbm>>) dst(%dma_wait3A_1666 : memref<80x64xf32, #tpu.memory_space<vmem>>)
    %dma_wait3A_1673 = arith.constant 1 : i32
    %dma_wait3A_1674 = arith.constant 1 : i32
    %dma_wait3A_1675 = arith.constant 320 : i32
    %dma_wait3A_1676 = arith.constant 0 : i32
    %dma_wait3A_1677 = tpu.memref_slice %arg7[%dma_wait3A_1674, %dma_wait3A_1675, %dma_wait3A_1676] : memref<2x800x64xf32, #tpu.memory_space<vmem>> -> memref<1x80x64xf32, #tpu.memory_space<vmem>>
    %dma_wait3A_1678 = tpu.memref_squeeze %dma_wait3A_1677 : memref<1x80x64xf32, #tpu.memory_space<vmem>> -> memref<80x64xf32, #tpu.memory_space<vmem>>
    %dma_wait3A_1679 = arith.constant 320 : i32
    %dma_wait3A_1680 = tpu.memref_slice %arg8[%dma_wait3A_1673, %dma_wait3A_1679] : memref<2x800xi32, #tpu.memory_space<vmem>> -> memref<1x80xi32, #tpu.memory_space<vmem>>
    %dma_wait3A_1681 = tpu.memref_squeeze %dma_wait3A_1680 : memref<1x80xi32, #tpu.memory_space<vmem>> -> memref<80xi32, #tpu.memory_space<vmem>>
    %dma_wait3A_1682 = arith.constant 0 : i32
    %dma_wait3A_1683 = arith.constant 0 : i32
    %dma_wait3A_1684 = tpu.memref_slice %arg2[%dma_wait3A_1682, %dma_wait3A_1683] : memref<100000x64xf32, #tpu.memory_space<hbm>> -> memref<100000x64xf32, #tpu.memory_space<hbm>>
    tpu.wait_indirect_dma semaphore(%arg10 : memref<!tpu.dma_semaphore, #tpu.memory_space<semaphore_mem>>) src(%dma_wait3A_1684 : memref<100000x64xf32, #tpu.memory_space<hbm>>) dst(%dma_wait3A_1678 : memref<80x64xf32, #tpu.memory_space<vmem>>)
    %dma_wait3A_1685 = arith.constant 1 : i32
    %dma_wait3A_1686 = arith.constant 1 : i32
    %dma_wait3A_1687 = arith.constant 400 : i32
    %dma_wait3A_1688 = arith.constant 0 : i32
    %dma_wait3A_1689 = tpu.memref_slice %arg7[%dma_wait3A_1686, %dma_wait3A_1687, %dma_wait3A_1688] : memref<2x800x64xf32, #tpu.memory_space<vmem>> -> memref<1x80x64xf32, #tpu.memory_space<vmem>>
    %dma_wait3A_1690 = tpu.memref_squeeze %dma_wait3A_1689 : memref<1x80x64xf32, #tpu.memory_space<vmem>> -> memref<80x64xf32, #tpu.memory_space<vmem>>
    %dma_wait3A_1691 = arith.constant 400 : i32
    %dma_wait3A_1692 = tpu.memref_slice %arg8[%dma_wait3A_1685, %dma_wait3A_1691] : memref<2x800xi32, #tpu.memory_space<vmem>> -> memref<1x80xi32, #tpu.memory_space<vmem>>
    %dma_wait3A_1693 = tpu.memref_squeeze %dma_wait3A_1692 : memref<1x80xi32, #tpu.memory_space<vmem>> -> memref<80xi32, #tpu.memory_space<vmem>>
    %dma_wait3A_1694 = arith.constant 0 : i32
    %dma_wait3A_1695 = arith.constant 0 : i32
    %dma_wait3A_1696 = tpu.memref_slice %arg2[%dma_wait3A_1694, %dma_wait3A_1695] : memref<100000x64xf32, #tpu.memory_space<hbm>> -> memref<100000x64xf32, #tpu.memory_space<hbm>>
    tpu.wait_indirect_dma semaphore(%arg10 : memref<!tpu.dma_semaphore, #tpu.memory_space<semaphore_mem>>) src(%dma_wait3A_1696 : memref<100000x64xf32, #tpu.memory_space<hbm>>) dst(%dma_wait3A_1690 : memref<80x64xf32, #tpu.memory_space<vmem>>)
    %dma_wait3A_1697 = arith.constant 1 : i32
    %dma_wait3A_1698 = arith.constant 1 : i32
    %dma_wait3A_1699 = arith.constant 480 : i32
    %dma_wait3A_1700 = arith.constant 0 : i32
    %dma_wait3A_1701 = tpu.memref_slice %arg7[%dma_wait3A_1698, %dma_wait3A_1699, %dma_wait3A_1700] : memref<2x800x64xf32, #tpu.memory_space<vmem>> -> memref<1x80x64xf32, #tpu.memory_space<vmem>>
    %dma_wait3A_1702 = tpu.memref_squeeze %dma_wait3A_1701 : memref<1x80x64xf32, #tpu.memory_space<vmem>> -> memref<80x64xf32, #tpu.memory_space<vmem>>
    %dma_wait3A_1703 = arith.constant 480 : i32
    %dma_wait3A_1704 = tpu.memref_slice %arg8[%dma_wait3A_1697, %dma_wait3A_1703] : memref<2x800xi32, #tpu.memory_space<vmem>> -> memref<1x80xi32, #tpu.memory_space<vmem>>
    %dma_wait3A_1705 = tpu.memref_squeeze %dma_wait3A_1704 : memref<1x80xi32, #tpu.memory_space<vmem>> -> memref<80xi32, #tpu.memory_space<vmem>>
    %dma_wait3A_1706 = arith.constant 0 : i32
    %dma_wait3A_1707 = arith.constant 0 : i32
    %dma_wait3A_1708 = tpu.memref_slice %arg2[%dma_wait3A_1706, %dma_wait3A_1707] : memref<100000x64xf32, #tpu.memory_space<hbm>> -> memref<100000x64xf32, #tpu.memory_space<hbm>>
    tpu.wait_indirect_dma semaphore(%arg10 : memref<!tpu.dma_semaphore, #tpu.memory_space<semaphore_mem>>) src(%dma_wait3A_1708 : memref<100000x64xf32, #tpu.memory_space<hbm>>) dst(%dma_wait3A_1702 : memref<80x64xf32, #tpu.memory_space<vmem>>)
    %dma_wait3A_1709 = arith.constant 1 : i32
    %dma_wait3A_1710 = arith.constant 1 : i32
    %dma_wait3A_1711 = arith.constant 560 : i32
    %dma_wait3A_1712 = arith.constant 0 : i32
    %dma_wait3A_1713 = tpu.memref_slice %arg7[%dma_wait3A_1710, %dma_wait3A_1711, %dma_wait3A_1712] : memref<2x800x64xf32, #tpu.memory_space<vmem>> -> memref<1x80x64xf32, #tpu.memory_space<vmem>>
    %dma_wait3A_1714 = tpu.memref_squeeze %dma_wait3A_1713 : memref<1x80x64xf32, #tpu.memory_space<vmem>> -> memref<80x64xf32, #tpu.memory_space<vmem>>
    %dma_wait3A_1715 = arith.constant 560 : i32
    %dma_wait3A_1716 = tpu.memref_slice %arg8[%dma_wait3A_1709, %dma_wait3A_1715] : memref<2x800xi32, #tpu.memory_space<vmem>> -> memref<1x80xi32, #tpu.memory_space<vmem>>
    %dma_wait3A_1717 = tpu.memref_squeeze %dma_wait3A_1716 : memref<1x80xi32, #tpu.memory_space<vmem>> -> memref<80xi32, #tpu.memory_space<vmem>>
    %dma_wait3A_1718 = arith.constant 0 : i32
    %dma_wait3A_1719 = arith.constant 0 : i32
    %dma_wait3A_1720 = tpu.memref_slice %arg2[%dma_wait3A_1718, %dma_wait3A_1719] : memref<100000x64xf32, #tpu.memory_space<hbm>> -> memref<100000x64xf32, #tpu.memory_space<hbm>>
    tpu.wait_indirect_dma semaphore(%arg10 : memref<!tpu.dma_semaphore, #tpu.memory_space<semaphore_mem>>) src(%dma_wait3A_1720 : memref<100000x64xf32, #tpu.memory_space<hbm>>) dst(%dma_wait3A_1714 : memref<80x64xf32, #tpu.memory_space<vmem>>)
    %dma_wait3A_1721 = arith.constant 1 : i32
    %dma_wait3A_1722 = arith.constant 1 : i32
    %dma_wait3A_1723 = arith.constant 640 : i32
    %dma_wait3A_1724 = arith.constant 0 : i32
    %dma_wait3A_1725 = tpu.memref_slice %arg7[%dma_wait3A_1722, %dma_wait3A_1723, %dma_wait3A_1724] : memref<2x800x64xf32, #tpu.memory_space<vmem>> -> memref<1x80x64xf32, #tpu.memory_space<vmem>>
    %dma_wait3A_1726 = tpu.memref_squeeze %dma_wait3A_1725 : memref<1x80x64xf32, #tpu.memory_space<vmem>> -> memref<80x64xf32, #tpu.memory_space<vmem>>
    %dma_wait3A_1727 = arith.constant 640 : i32
    %dma_wait3A_1728 = tpu.memref_slice %arg8[%dma_wait3A_1721, %dma_wait3A_1727] : memref<2x800xi32, #tpu.memory_space<vmem>> -> memref<1x80xi32, #tpu.memory_space<vmem>>
    %dma_wait3A_1729 = tpu.memref_squeeze %dma_wait3A_1728 : memref<1x80xi32, #tpu.memory_space<vmem>> -> memref<80xi32, #tpu.memory_space<vmem>>
    %dma_wait3A_1730 = arith.constant 0 : i32
    %dma_wait3A_1731 = arith.constant 0 : i32
    %dma_wait3A_1732 = tpu.memref_slice %arg2[%dma_wait3A_1730, %dma_wait3A_1731] : memref<100000x64xf32, #tpu.memory_space<hbm>> -> memref<100000x64xf32, #tpu.memory_space<hbm>>
    tpu.wait_indirect_dma semaphore(%arg10 : memref<!tpu.dma_semaphore, #tpu.memory_space<semaphore_mem>>) src(%dma_wait3A_1732 : memref<100000x64xf32, #tpu.memory_space<hbm>>) dst(%dma_wait3A_1726 : memref<80x64xf32, #tpu.memory_space<vmem>>)
    %dma_wait3A_1733 = arith.constant 1 : i32
    %dma_wait3A_1734 = arith.constant 1 : i32
    %dma_wait3A_1735 = arith.constant 720 : i32
    %dma_wait3A_1736 = arith.constant 0 : i32
    %dma_wait3A_1737 = tpu.memref_slice %arg7[%dma_wait3A_1734, %dma_wait3A_1735, %dma_wait3A_1736] : memref<2x800x64xf32, #tpu.memory_space<vmem>> -> memref<1x80x64xf32, #tpu.memory_space<vmem>>
    %dma_wait3A_1738 = tpu.memref_squeeze %dma_wait3A_1737 : memref<1x80x64xf32, #tpu.memory_space<vmem>> -> memref<80x64xf32, #tpu.memory_space<vmem>>
    %dma_wait3A_1739 = arith.constant 720 : i32
    %dma_wait3A_1740 = tpu.memref_slice %arg8[%dma_wait3A_1733, %dma_wait3A_1739] : memref<2x800xi32, #tpu.memory_space<vmem>> -> memref<1x80xi32, #tpu.memory_space<vmem>>
    %dma_wait3A_1741 = tpu.memref_squeeze %dma_wait3A_1740 : memref<1x80xi32, #tpu.memory_space<vmem>> -> memref<80xi32, #tpu.memory_space<vmem>>
    %dma_wait3A_1742 = arith.constant 0 : i32
    %dma_wait3A_1743 = arith.constant 0 : i32
    %dma_wait3A_1744 = tpu.memref_slice %arg2[%dma_wait3A_1742, %dma_wait3A_1743] : memref<100000x64xf32, #tpu.memory_space<hbm>> -> memref<100000x64xf32, #tpu.memory_space<hbm>>
    tpu.wait_indirect_dma semaphore(%arg10 : memref<!tpu.dma_semaphore, #tpu.memory_space<semaphore_mem>>) src(%dma_wait3A_1744 : memref<100000x64xf32, #tpu.memory_space<hbm>>) dst(%dma_wait3A_1738 : memref<80x64xf32, #tpu.memory_space<vmem>>)
    %scan3A_1745 = arith.constant 0 : i32
    %scan3A_1746 = arith.constant 200 : i32
    %scan3A_1747 = arith.addi %scan3A_1745, %scan3A_1746 : i32
    %scan3A_1748 = arith.constant 1 : i32
    scf.for %scan3A_2207 = %scan3A_1745 to %scan3A_1747 step %scan3A_1748  : i32 {
      %mul3A_2208 = arith.constant 1 : i32
      %mul3A_2209 = arith.muli %scan3A_2207, %mul3A_2208 : i32
      %add3A_2210 = arith.constant 0 : i32
      %add3A_2211 = arith.addi %add3A_2210, %mul3A_2209 : i32
      %add3A_2212 = arith.constant 1 : i32
      %add3A_2213 = arith.addi %add3A_2211, %add3A_2212 : i32
      %get3A = arith.index_cast %add3A_2213 : i32 to index
      %get3A_2214 = arith.constant 0 : index
      %get3A_2215 = tpu.vector_load %arg6[%get3A, %get3A_2214] {strides = array<i32>} : memref<256x64xf32, #tpu.memory_space<vmem>>, vector<16xf32>,
      %add3A_2216 = arith.constant 1 : i32
      %add3A_2217 = arith.addi %add3A_2211, %add3A_2216 : i32
      %get3A_2218 = arith.index_cast %add3A_2217 : i32 to index
      %get3A_2219 = arith.constant 16 : index
      %get3A_2220 = tpu.vector_load %arg6[%get3A_2218, %get3A_2219] {strides = array<i32>} : memref<256x64xf32, #tpu.memory_space<vmem>>, vector<16xf32>,
      %add3A_2221 = arith.constant 1 : i32
      %add3A_2222 = arith.addi %add3A_2211, %add3A_2221 : i32
      %get3A_2223 = arith.index_cast %add3A_2222 : i32 to index
      %get3A_2224 = arith.constant 32 : index
      %get3A_2225 = tpu.vector_load %arg6[%get3A_2223, %get3A_2224] {strides = array<i32>} : memref<256x64xf32, #tpu.memory_space<vmem>>, vector<16xf32>,
      %add3A_2226 = arith.constant 1 : i32
      %add3A_2227 = arith.addi %add3A_2211, %add3A_2226 : i32
      %get3A_2228 = arith.index_cast %add3A_2227 : i32 to index
      %get3A_2229 = arith.constant 48 : index
      %get3A_2230 = tpu.vector_load %arg6[%get3A_2228, %get3A_2229] {strides = array<i32>} : memref<256x64xf32, #tpu.memory_space<vmem>>, vector<16xf32>,
      %add3A_2231 = arith.constant 0 : i32
      %add3A_2232 = arith.addi %add3A_2231, %add3A_2211 : i32
      %swap3A = arith.constant 1 : i32
      %swap3A_2233 = arith.index_cast %swap3A : i32 to index
      %swap3A_2234 = arith.index_cast %add3A_2232 : i32 to index
      %swap3A_2235 = arith.constant 0 : index
      %swap3A_2236 = tpu.vector_load %arg7[%swap3A_2233, %swap3A_2234, %swap3A_2235] {strides = array<i32>} : memref<2x800x64xf32, #tpu.memory_space<vmem>>, vector<16xf32>,
      tpu.vector_store %arg7[%swap3A_2233, %swap3A_2234, %swap3A_2235], %get3A_2215 {add = true, strides = array<i32>} : memref<2x800x64xf32, #tpu.memory_space<vmem>>, vector<16xf32>,
      %add3A_2237 = arith.constant 0 : i32
      %add3A_2238 = arith.addi %add3A_2237, %add3A_2211 : i32
      %swap3A_2239 = arith.constant 1 : i32
      %swap3A_2240 = arith.index_cast %swap3A_2239 : i32 to index
      %swap3A_2241 = arith.index_cast %add3A_2238 : i32 to index
      %swap3A_2242 = arith.constant 16 : index
      %swap3A_2243 = tpu.vector_load %arg7[%swap3A_2240, %swap3A_2241, %swap3A_2242] {strides = array<i32>} : memref<2x800x64xf32, #tpu.memory_space<vmem>>, vector<16xf32>,
      tpu.vector_store %arg7[%swap3A_2240, %swap3A_2241, %swap3A_2242], %get3A_2220 {add = true, strides = array<i32>} : memref<2x800x64xf32, #tpu.memory_space<vmem>>, vector<16xf32>,
      %add3A_2244 = arith.constant 0 : i32
      %add3A_2245 = arith.addi %add3A_2244, %add3A_2211 : i32
      %swap3A_2246 = arith.constant 1 : i32
      %swap3A_2247 = arith.index_cast %swap3A_2246 : i32 to index
      %swap3A_2248 = arith.index_cast %add3A_2245 : i32 to index
      %swap3A_2249 = arith.constant 32 : index
      %swap3A_2250 = tpu.vector_load %arg7[%swap3A_2247, %swap3A_2248, %swap3A_2249] {strides = array<i32>} : memref<2x800x64xf32, #tpu.memory_space<vmem>>, vector<16xf32>,
      tpu.vector_store %arg7[%swap3A_2247, %swap3A_2248, %swap3A_2249], %get3A_2225 {add = true, strides = array<i32>} : memref<2x800x64xf32, #tpu.memory_space<vmem>>, vector<16xf32>,
      %add3A_2251 = arith.constant 0 : i32
      %add3A_2252 = arith.addi %add3A_2251, %add3A_2211 : i32
      %swap3A_2253 = arith.constant 1 : i32
      %swap3A_2254 = arith.index_cast %swap3A_2253 : i32 to index
      %swap3A_2255 = arith.index_cast %add3A_2252 : i32 to index
      %swap3A_2256 = arith.constant 48 : index
      %swap3A_2257 = tpu.vector_load %arg7[%swap3A_2254, %swap3A_2255, %swap3A_2256] {strides = array<i32>} : memref<2x800x64xf32, #tpu.memory_space<vmem>>, vector<16xf32>,
      tpu.vector_store %arg7[%swap3A_2254, %swap3A_2255, %swap3A_2256], %get3A_2230 {add = true, strides = array<i32>} : memref<2x800x64xf32, #tpu.memory_space<vmem>>, vector<16xf32>,
      %add3A_2258 = arith.constant 200 : i32
      %add3A_2259 = arith.addi %add3A_2258, %add3A_2211 : i32
      %swap3A_2260 = arith.constant 1 : i32
      %swap3A_2261 = arith.index_cast %swap3A_2260 : i32 to index
      %swap3A_2262 = arith.index_cast %add3A_2259 : i32 to index
      %swap3A_2263 = arith.constant 0 : index
      %swap3A_2264 = tpu.vector_load %arg7[%swap3A_2261, %swap3A_2262, %swap3A_2263] {strides = array<i32>} : memref<2x800x64xf32, #tpu.memory_space<vmem>>, vector<16xf32>,
      tpu.vector_store %arg7[%swap3A_2261, %swap3A_2262, %swap3A_2263], %get3A_2215 {add = true, strides = array<i32>} : memref<2x800x64xf32, #tpu.memory_space<vmem>>, vector<16xf32>,
      %add3A_2265 = arith.constant 200 : i32
      %add3A_2266 = arith.addi %add3A_2265, %add3A_2211 : i32
      %swap3A_2267 = arith.constant 1 : i32
      %swap3A_2268 = arith.index_cast %swap3A_2267 : i32 to index
      %swap3A_2269 = arith.index_cast %add3A_2266 : i32 to index
      %swap3A_2270 = arith.constant 16 : index
      %swap3A_2271 = tpu.vector_load %arg7[%swap3A_2268, %swap3A_2269, %swap3A_2270] {strides = array<i32>} : memref<2x800x64xf32, #tpu.memory_space<vmem>>, vector<16xf32>,
      tpu.vector_store %arg7[%swap3A_2268, %swap3A_2269, %swap3A_2270], %get3A_2220 {add = true, strides = array<i32>} : memref<2x800x64xf32, #tpu.memory_space<vmem>>, vector<16xf32>,
      %add3A_2272 = arith.constant 200 : i32
      %add3A_2273 = arith.addi %add3A_2272, %add3A_2211 : i32
      %swap3A_2274 = arith.constant 1 : i32
      %swap3A_2275 = arith.index_cast %swap3A_2274 : i32 to index
      %swap3A_2276 = arith.index_cast %add3A_2273 : i32 to index
      %swap3A_2277 = arith.constant 32 : index
      %swap3A_2278 = tpu.vector_load %arg7[%swap3A_2275, %swap3A_2276, %swap3A_2277] {strides = array<i32>} : memref<2x800x64xf32, #tpu.memory_space<vmem>>, vector<16xf32>,
      tpu.vector_store %arg7[%swap3A_2275, %swap3A_2276, %swap3A_2277], %get3A_2225 {add = true, strides = array<i32>} : memref<2x800x64xf32, #tpu.memory_space<vmem>>, vector<16xf32>,
      %add3A_2279 = arith.constant 200 : i32
      %add3A_2280 = arith.addi %add3A_2279, %add3A_2211 : i32
      %swap3A_2281 = arith.constant 1 : i32
      %swap3A_2282 = arith.index_cast %swap3A_2281 : i32 to index
      %swap3A_2283 = arith.index_cast %add3A_2280 : i32 to index
      %swap3A_2284 = arith.constant 48 : index
      %swap3A_2285 = tpu.vector_load %arg7[%swap3A_2282, %swap3A_2283, %swap3A_2284] {strides = array<i32>} : memref<2x800x64xf32, #tpu.memory_space<vmem>>, vector<16xf32>,
      tpu.vector_store %arg7[%swap3A_2282, %swap3A_2283, %swap3A_2284], %get3A_2230 {add = true, strides = array<i32>} : memref<2x800x64xf32, #tpu.memory_space<vmem>>, vector<16xf32>,
      %add3A_2286 = arith.constant 400 : i32
      %add3A_2287 = arith.addi %add3A_2286, %add3A_2211 : i32
      %swap3A_2288 = arith.constant 1 : i32
      %swap3A_2289 = arith.index_cast %swap3A_2288 : i32 to index
      %swap3A_2290 = arith.index_cast %add3A_2287 : i32 to index
      %swap3A_2291 = arith.constant 0 : index
      %swap3A_2292 = tpu.vector_load %arg7[%swap3A_2289, %swap3A_2290, %swap3A_2291] {strides = array<i32>} : memref<2x800x64xf32, #tpu.memory_space<vmem>>, vector<16xf32>,
      tpu.vector_store %arg7[%swap3A_2289, %swap3A_2290, %swap3A_2291], %get3A_2215 {add = true, strides = array<i32>} : memref<2x800x64xf32, #tpu.memory_space<vmem>>, vector<16xf32>,
      %add3A_2293 = arith.constant 400 : i32
      %add3A_2294 = arith.addi %add3A_2293, %add3A_2211 : i32
      %swap3A_2295 = arith.constant 1 : i32
      %swap3A_2296 = arith.index_cast %swap3A_2295 : i32 to index
      %swap3A_2297 = arith.index_cast %add3A_2294 : i32 to index
      %swap3A_2298 = arith.constant 16 : index
      %swap3A_2299 = tpu.vector_load %arg7[%swap3A_2296, %swap3A_2297, %swap3A_2298] {strides = array<i32>} : memref<2x800x64xf32, #tpu.memory_space<vmem>>, vector<16xf32>,
      tpu.vector_store %arg7[%swap3A_2296, %swap3A_2297, %swap3A_2298], %get3A_2220 {add = true, strides = array<i32>} : memref<2x800x64xf32, #tpu.memory_space<vmem>>, vector<16xf32>,
      %add3A_2300 = arith.constant 400 : i32
      %add3A_2301 = arith.addi %add3A_2300, %add3A_2211 : i32
      %swap3A_2302 = arith.constant 1 : i32
      %swap3A_2303 = arith.index_cast %swap3A_2302 : i32 to index
      %swap3A_2304 = arith.index_cast %add3A_2301 : i32 to index
      %swap3A_2305 = arith.constant 32 : index
      %swap3A_2306 = tpu.vector_load %arg7[%swap3A_2303, %swap3A_2304, %swap3A_2305] {strides = array<i32>} : memref<2x800x64xf32, #tpu.memory_space<vmem>>, vector<16xf32>,
      tpu.vector_store %arg7[%swap3A_2303, %swap3A_2304, %swap3A_2305], %get3A_2225 {add = true, strides = array<i32>} : memref<2x800x64xf32, #tpu.memory_space<vmem>>, vector<16xf32>,
      %add3A_2307 = arith.constant 400 : i32
      %add3A_2308 = arith.addi %add3A_2307, %add3A_2211 : i32
      %swap3A_2309 = arith.constant 1 : i32
      %swap3A_2310 = arith.index_cast %swap3A_2309 : i32 to index
      %swap3A_2311 = arith.index_cast %add3A_2308 : i32 to index
      %swap3A_2312 = arith.constant 48 : index
      %swap3A_2313 = tpu.vector_load %arg7[%swap3A_2310, %swap3A_2311, %swap3A_2312] {strides = array<i32>} : memref<2x800x64xf32, #tpu.memory_space<vmem>>, vector<16xf32>,
      tpu.vector_store %arg7[%swap3A_2310, %swap3A_2311, %swap3A_2312], %get3A_2230 {add = true, strides = array<i32>} : memref<2x800x64xf32, #tpu.memory_space<vmem>>, vector<16xf32>,
      %add3A_2314 = arith.constant 600 : i32
      %add3A_2315 = arith.addi %add3A_2314, %add3A_2211 : i32
      %swap3A_2316 = arith.constant 1 : i32
      %swap3A_2317 = arith.index_cast %swap3A_2316 : i32 to index
      %swap3A_2318 = arith.index_cast %add3A_2315 : i32 to index
      %swap3A_2319 = arith.constant 0 : index
      %swap3A_2320 = tpu.vector_load %arg7[%swap3A_2317, %swap3A_2318, %swap3A_2319] {strides = array<i32>} : memref<2x800x64xf32, #tpu.memory_space<vmem>>, vector<16xf32>,
      tpu.vector_store %arg7[%swap3A_2317, %swap3A_2318, %swap3A_2319], %get3A_2215 {add = true, strides = array<i32>} : memref<2x800x64xf32, #tpu.memory_space<vmem>>, vector<16xf32>,
      %add3A_2321 = arith.constant 600 : i32
      %add3A_2322 = arith.addi %add3A_2321, %add3A_2211 : i32
      %swap3A_2323 = arith.constant 1 : i32
      %swap3A_2324 = arith.index_cast %swap3A_2323 : i32 to index
      %swap3A_2325 = arith.index_cast %add3A_2322 : i32 to index
      %swap3A_2326 = arith.constant 16 : index
      %swap3A_2327 = tpu.vector_load %arg7[%swap3A_2324, %swap3A_2325, %swap3A_2326] {strides = array<i32>} : memref<2x800x64xf32, #tpu.memory_space<vmem>>, vector<16xf32>,
      tpu.vector_store %arg7[%swap3A_2324, %swap3A_2325, %swap3A_2326], %get3A_2220 {add = true, strides = array<i32>} : memref<2x800x64xf32, #tpu.memory_space<vmem>>, vector<16xf32>,
      %add3A_2328 = arith.constant 600 : i32
      %add3A_2329 = arith.addi %add3A_2328, %add3A_2211 : i32
      %swap3A_2330 = arith.constant 1 : i32
      %swap3A_2331 = arith.index_cast %swap3A_2330 : i32 to index
      %swap3A_2332 = arith.index_cast %add3A_2329 : i32 to index
      %swap3A_2333 = arith.constant 32 : index
      %swap3A_2334 = tpu.vector_load %arg7[%swap3A_2331, %swap3A_2332, %swap3A_2333] {strides = array<i32>} : memref<2x800x64xf32, #tpu.memory_space<vmem>>, vector<16xf32>,
      tpu.vector_store %arg7[%swap3A_2331, %swap3A_2332, %swap3A_2333], %get3A_2225 {add = true, strides = array<i32>} : memref<2x800x64xf32, #tpu.memory_space<vmem>>, vector<16xf32>,
      %add3A_2335 = arith.constant 600 : i32
      %add3A_2336 = arith.addi %add3A_2335, %add3A_2211 : i32
      %swap3A_2337 = arith.constant 1 : i32
      %swap3A_2338 = arith.index_cast %swap3A_2337 : i32 to index
      %swap3A_2339 = arith.index_cast %add3A_2336 : i32 to index
      %swap3A_2340 = arith.constant 48 : index
      %swap3A_2341 = tpu.vector_load %arg7[%swap3A_2338, %swap3A_2339, %swap3A_2340] {strides = array<i32>} : memref<2x800x64xf32, #tpu.memory_space<vmem>>, vector<16xf32>,
      tpu.vector_store %arg7[%swap3A_2338, %swap3A_2339, %swap3A_2340], %get3A_2230 {add = true, strides = array<i32>} : memref<2x800x64xf32, #tpu.memory_space<vmem>>, vector<16xf32>,
    }
    %scan3A_1749 = arith.constant 200 : i32
    %add3A_1750 = arith.constant 4000 : i32
    %add3A_1751 = arith.addi %mul3A_2, %add3A_1750 : i32
    %dma_start3A_1752 = arith.constant 1 : i32
    %dma_start3A_1753 = arith.constant 0 : i32
    %dma_start3A_1754 = arith.constant 0 : i32
    %dma_start3A_1755 = tpu.memref_slice %arg7[%dma_start3A_1752, %dma_start3A_1753, %dma_start3A_1754] : memref<2x800x64xf32, #tpu.memory_space<vmem>> -> memref<1x800x64xf32, #tpu.memory_space<vmem>>
    %dma_start3A_1756 = tpu.memref_squeeze %dma_start3A_1755 : memref<1x800x64xf32, #tpu.memory_space<vmem>> -> memref<800x64xf32, #tpu.memory_space<vmem>>
    %dma_start3A_1757 = arith.constant 0 : i32
    %dma_start3A_1758 = tpu.memref_slice %arg5[%add3A_1751, %dma_start3A_1757] : memref<204800x64xf32, #tpu.memory_space<hbm>> -> memref<800x64xf32, #tpu.memory_space<hbm>>
    %dma_start3A_1759 = arith.constant 0 : i32
    %dma_start3A_1760 = tpu.memref_slice %arg5[%add3A_1751, %dma_start3A_1759] : memref<204800x64xf32, #tpu.memory_space<hbm>> -> memref<800x64xf32, #tpu.memory_space<hbm>>
    %dma_start3A_1761 = arith.constant 0 : i32
    %dma_start3A_1762 = arith.constant 0 : i32
    %dma_start3A_1763 = tpu.memref_slice %arg7[%dma_start3A_1752, %dma_start3A_1761, %dma_start3A_1762] : memref<2x800x64xf32, #tpu.memory_space<vmem>> -> memref<1x800x64xf32, #tpu.memory_space<vmem>>
    %dma_start3A_1764 = tpu.memref_squeeze %dma_start3A_1763 : memref<1x800x64xf32, #tpu.memory_space<vmem>> -> memref<800x64xf32, #tpu.memory_space<vmem>>
    tpu.enqueue_dma source(%dma_start3A_1764 : memref<800x64xf32, #tpu.memory_space<vmem>>) target(%dma_start3A_1760 : memref<800x64xf32, #tpu.memory_space<hbm>>) target_semaphore(%arg11 : memref<!tpu.dma_semaphore, #tpu.memory_space<semaphore_mem>>)
    %dma_wait3A_1765 = arith.constant 1 : i32
    %dma_wait3A_1766 = arith.constant 0 : i32
    %dma_wait3A_1767 = arith.constant 0 : i32
    %dma_wait3A_1768 = tpu.memref_slice %arg7[%dma_wait3A_1765, %dma_wait3A_1766, %dma_wait3A_1767] : memref<2x800x64xf32, #tpu.memory_space<vmem>> -> memref<1x800x64xf32, #tpu.memory_space<vmem>>
    %dma_wait3A_1769 = tpu.memref_squeeze %dma_wait3A_1768 : memref<1x800x64xf32, #tpu.memory_space<vmem>> -> memref<800x64xf32, #tpu.memory_space<vmem>>
    %dma_wait3A_1770 = arith.constant 0 : i32
    %dma_wait3A_1771 = tpu.memref_slice %arg5[%add3A_1751, %dma_wait3A_1770] : memref<204800x64xf32, #tpu.memory_space<hbm>> -> memref<800x64xf32, #tpu.memory_space<hbm>>
    %dma_wait3A_1772 = arith.constant 0 : i32
    %dma_wait3A_1773 = tpu.memref_slice %arg5[%add3A_1751, %dma_wait3A_1772] : memref<204800x64xf32, #tpu.memory_space<hbm>> -> memref<800x64xf32, #tpu.memory_space<hbm>>
    %dma_wait3A_1774 = arith.constant 0 : i32
    %dma_wait3A_1775 = arith.constant 0 : i32
    %dma_wait3A_1776 = tpu.memref_slice %arg7[%dma_wait3A_1765, %dma_wait3A_1774, %dma_wait3A_1775] : memref<2x800x64xf32, #tpu.memory_space<vmem>> -> memref<1x800x64xf32, #tpu.memory_space<vmem>>
    %dma_wait3A_1777 = tpu.memref_squeeze %dma_wait3A_1776 : memref<1x800x64xf32, #tpu.memory_space<vmem>> -> memref<800x64xf32, #tpu.memory_space<vmem>>
    tpu.wait_dma2 semaphore(%arg11 : memref<!tpu.dma_semaphore, #tpu.memory_space<semaphore_mem>>) src(%dma_wait3A_1777 : memref<800x64xf32, #tpu.memory_space<vmem>>) dst(%dma_wait3A_1773 : memref<800x64xf32, #tpu.memory_space<hbm>>)
    %add3A_1778 = arith.constant 5600 : i32
    %add3A_1779 = arith.addi %mul3A_2, %add3A_1778 : i32
    %run_scoped3A_1780 = arith.constant 1 : i32
    "tpu.region"() ({
      %run_scoped3A_2207 = tpu.sem_alloc : memref<!tpu.dma_semaphore, #tpu.memory_space<semaphore_mem>>
      %dma_start3A_2208 = arith.constant 0 : i32
      %dma_start3A_2209 = tpu.memref_slice %arg8[%run_scoped3A_1780, %dma_start3A_2208] : memref<2x800xi32, #tpu.memory_space<vmem>> -> memref<1x800xi32, #tpu.memory_space<vmem>>
      %dma_start3A_2210 = tpu.memref_squeeze %dma_start3A_2209 : memref<1x800xi32, #tpu.memory_space<vmem>> -> memref<800xi32, #tpu.memory_space<vmem>>
      %dma_start3A_2211 = tpu.memref_slice %arg3[%add3A_1779] : memref<204800xi32, #tpu.memory_space<hbm>> -> memref<800xi32, #tpu.memory_space<hbm>>
      %dma_start3A_2212 = arith.constant 0 : i32
      %dma_start3A_2213 = tpu.memref_slice %arg8[%run_scoped3A_1780, %dma_start3A_2212] : memref<2x800xi32, #tpu.memory_space<vmem>> -> memref<1x800xi32, #tpu.memory_space<vmem>>
      %dma_start3A_2214 = tpu.memref_squeeze %dma_start3A_2213 : memref<1x800xi32, #tpu.memory_space<vmem>> -> memref<800xi32, #tpu.memory_space<vmem>>
      %dma_start3A_2215 = tpu.memref_slice %arg3[%add3A_1779] : memref<204800xi32, #tpu.memory_space<hbm>> -> memref<800xi32, #tpu.memory_space<hbm>>
      tpu.enqueue_dma source(%dma_start3A_2215 : memref<800xi32, #tpu.memory_space<hbm>>) target(%dma_start3A_2214 : memref<800xi32, #tpu.memory_space<vmem>>) target_semaphore(%run_scoped3A_2207 : memref<!tpu.dma_semaphore, #tpu.memory_space<semaphore_mem>>)
      %dma_wait3A_2216 = arith.constant 0 : i32
      %dma_wait3A_2217 = tpu.memref_slice %arg8[%run_scoped3A_1780, %dma_wait3A_2216] : memref<2x800xi32, #tpu.memory_space<vmem>> -> memref<1x800xi32, #tpu.memory_space<vmem>>
      %dma_wait3A_2218 = tpu.memref_squeeze %dma_wait3A_2217 : memref<1x800xi32, #tpu.memory_space<vmem>> -> memref<800xi32, #tpu.memory_space<vmem>>
      %dma_wait3A_2219 = tpu.memref_slice %arg3[%add3A_1779] : memref<204800xi32, #tpu.memory_space<hbm>> -> memref<800xi32, #tpu.memory_space<hbm>>
      %dma_wait3A_2220 = arith.constant 0 : i32
      %dma_wait3A_2221 = tpu.memref_slice %arg8[%run_scoped3A_1780, %dma_wait3A_2220] : memref<2x800xi32, #tpu.memory_space<vmem>> -> memref<1x800xi32, #tpu.memory_space<vmem>>
      %dma_wait3A_2222 = tpu.memref_squeeze %dma_wait3A_2221 : memref<1x800xi32, #tpu.memory_space<vmem>> -> memref<800xi32, #tpu.memory_space<vmem>>
      %dma_wait3A_2223 = tpu.memref_slice %arg3[%add3A_1779] : memref<204800xi32, #tpu.memory_space<hbm>> -> memref<800xi32, #tpu.memory_space<hbm>>
      tpu.wait_dma2 semaphore(%run_scoped3A_2207 : memref<!tpu.dma_semaphore, #tpu.memory_space<semaphore_mem>>) src(%dma_wait3A_2223 : memref<800xi32, #tpu.memory_space<hbm>>) dst(%dma_wait3A_2222 : memref<800xi32, #tpu.memory_space<vmem>>)
      tpu.yield
    }) : () -> ()
    %dma_start3A_1781 = arith.constant 1 : i32
    %dma_start3A_1782 = arith.constant 1 : i32
    %dma_start3A_1783 = arith.constant 0 : i32
    %dma_start3A_1784 = arith.constant 0 : i32
    %dma_start3A_1785 = tpu.memref_slice %arg7[%dma_start3A_1782, %dma_start3A_1783, %dma_start3A_1784] : memref<2x800x64xf32, #tpu.memory_space<vmem>> -> memref<1x80x64xf32, #tpu.memory_space<vmem>>
    %dma_start3A_1786 = tpu.memref_squeeze %dma_start3A_1785 : memref<1x80x64xf32, #tpu.memory_space<vmem>> -> memref<80x64xf32, #tpu.memory_space<vmem>>
    %dma_start3A_1787 = arith.constant 0 : i32
    %dma_start3A_1788 = tpu.memref_slice %arg8[%dma_start3A_1781, %dma_start3A_1787] : memref<2x800xi32, #tpu.memory_space<vmem>> -> memref<1x80xi32, #tpu.memory_space<vmem>>
    %dma_start3A_1789 = tpu.memref_squeeze %dma_start3A_1788 : memref<1x80xi32, #tpu.memory_space<vmem>> -> memref<80xi32, #tpu.memory_space<vmem>>
    %dma_start3A_1790 = arith.constant 0 : i32
    %dma_start3A_1791 = arith.constant 0 : i32
    %dma_start3A_1792 = tpu.memref_slice %arg2[%dma_start3A_1790, %dma_start3A_1791] : memref<100000x64xf32, #tpu.memory_space<hbm>> -> memref<100000x64xf32, #tpu.memory_space<hbm>>
    tpu.enqueue_indirect_dma source(%dma_start3A_1792 : memref<100000x64xf32, #tpu.memory_space<hbm>>) target(%dma_start3A_1786 : memref<80x64xf32, #tpu.memory_space<vmem>>) offsets(%dma_start3A_1789 : memref<80xi32, #tpu.memory_space<vmem>>) semaphore(%arg10 : memref<!tpu.dma_semaphore, #tpu.memory_space<semaphore_mem>>)
    %dma_start3A_1793 = arith.constant 1 : i32
    %dma_start3A_1794 = arith.constant 1 : i32
    %dma_start3A_1795 = arith.constant 80 : i32
    %dma_start3A_1796 = arith.constant 0 : i32
    %dma_start3A_1797 = tpu.memref_slice %arg7[%dma_start3A_1794, %dma_start3A_1795, %dma_start3A_1796] : memref<2x800x64xf32, #tpu.memory_space<vmem>> -> memref<1x80x64xf32, #tpu.memory_space<vmem>>
    %dma_start3A_1798 = tpu.memref_squeeze %dma_start3A_1797 : memref<1x80x64xf32, #tpu.memory_space<vmem>> -> memref<80x64xf32, #tpu.memory_space<vmem>>
    %dma_start3A_1799 = arith.constant 80 : i32
    %dma_start3A_1800 = tpu.memref_slice %arg8[%dma_start3A_1793, %dma_start3A_1799] : memref<2x800xi32, #tpu.memory_space<vmem>> -> memref<1x80xi32, #tpu.memory_space<vmem>>
    %dma_start3A_1801 = tpu.memref_squeeze %dma_start3A_1800 : memref<1x80xi32, #tpu.memory_space<vmem>> -> memref<80xi32, #tpu.memory_space<vmem>>
    %dma_start3A_1802 = arith.constant 0 : i32
    %dma_start3A_1803 = arith.constant 0 : i32
    %dma_start3A_1804 = tpu.memref_slice %arg2[%dma_start3A_1802, %dma_start3A_1803] : memref<100000x64xf32, #tpu.memory_space<hbm>> -> memref<100000x64xf32, #tpu.memory_space<hbm>>
    tpu.enqueue_indirect_dma source(%dma_start3A_1804 : memref<100000x64xf32, #tpu.memory_space<hbm>>) target(%dma_start3A_1798 : memref<80x64xf32, #tpu.memory_space<vmem>>) offsets(%dma_start3A_1801 : memref<80xi32, #tpu.memory_space<vmem>>) semaphore(%arg10 : memref<!tpu.dma_semaphore, #tpu.memory_space<semaphore_mem>>)
    %dma_start3A_1805 = arith.constant 1 : i32
    %dma_start3A_1806 = arith.constant 1 : i32
    %dma_start3A_1807 = arith.constant 160 : i32
    %dma_start3A_1808 = arith.constant 0 : i32
    %dma_start3A_1809 = tpu.memref_slice %arg7[%dma_start3A_1806, %dma_start3A_1807, %dma_start3A_1808] : memref<2x800x64xf32, #tpu.memory_space<vmem>> -> memref<1x80x64xf32, #tpu.memory_space<vmem>>
    %dma_start3A_1810 = tpu.memref_squeeze %dma_start3A_1809 : memref<1x80x64xf32, #tpu.memory_space<vmem>> -> memref<80x64xf32, #tpu.memory_space<vmem>>
    %dma_start3A_1811 = arith.constant 160 : i32
    %dma_start3A_1812 = tpu.memref_slice %arg8[%dma_start3A_1805, %dma_start3A_1811] : memref<2x800xi32, #tpu.memory_space<vmem>> -> memref<1x80xi32, #tpu.memory_space<vmem>>
    %dma_start3A_1813 = tpu.memref_squeeze %dma_start3A_1812 : memref<1x80xi32, #tpu.memory_space<vmem>> -> memref<80xi32, #tpu.memory_space<vmem>>
    %dma_start3A_1814 = arith.constant 0 : i32
    %dma_start3A_1815 = arith.constant 0 : i32
    %dma_start3A_1816 = tpu.memref_slice %arg2[%dma_start3A_1814, %dma_start3A_1815] : memref<100000x64xf32, #tpu.memory_space<hbm>> -> memref<100000x64xf32, #tpu.memory_space<hbm>>
    tpu.enqueue_indirect_dma source(%dma_start3A_1816 : memref<100000x64xf32, #tpu.memory_space<hbm>>) target(%dma_start3A_1810 : memref<80x64xf32, #tpu.memory_space<vmem>>) offsets(%dma_start3A_1813 : memref<80xi32, #tpu.memory_space<vmem>>) semaphore(%arg10 : memref<!tpu.dma_semaphore, #tpu.memory_space<semaphore_mem>>)
    %dma_start3A_1817 = arith.constant 1 : i32
    %dma_start3A_1818 = arith.constant 1 : i32
    %dma_start3A_1819 = arith.constant 240 : i32
    %dma_start3A_1820 = arith.constant 0 : i32
    %dma_start3A_1821 = tpu.memref_slice %arg7[%dma_start3A_1818, %dma_start3A_1819, %dma_start3A_1820] : memref<2x800x64xf32, #tpu.memory_space<vmem>> -> memref<1x80x64xf32, #tpu.memory_space<vmem>>
    %dma_start3A_1822 = tpu.memref_squeeze %dma_start3A_1821 : memref<1x80x64xf32, #tpu.memory_space<vmem>> -> memref<80x64xf32, #tpu.memory_space<vmem>>
    %dma_start3A_1823 = arith.constant 240 : i32
    %dma_start3A_1824 = tpu.memref_slice %arg8[%dma_start3A_1817, %dma_start3A_1823] : memref<2x800xi32, #tpu.memory_space<vmem>> -> memref<1x80xi32, #tpu.memory_space<vmem>>
    %dma_start3A_1825 = tpu.memref_squeeze %dma_start3A_1824 : memref<1x80xi32, #tpu.memory_space<vmem>> -> memref<80xi32, #tpu.memory_space<vmem>>
    %dma_start3A_1826 = arith.constant 0 : i32
    %dma_start3A_1827 = arith.constant 0 : i32
    %dma_start3A_1828 = tpu.memref_slice %arg2[%dma_start3A_1826, %dma_start3A_1827] : memref<100000x64xf32, #tpu.memory_space<hbm>> -> memref<100000x64xf32, #tpu.memory_space<hbm>>
    tpu.enqueue_indirect_dma source(%dma_start3A_1828 : memref<100000x64xf32, #tpu.memory_space<hbm>>) target(%dma_start3A_1822 : memref<80x64xf32, #tpu.memory_space<vmem>>) offsets(%dma_start3A_1825 : memref<80xi32, #tpu.memory_space<vmem>>) semaphore(%arg10 : memref<!tpu.dma_semaphore, #tpu.memory_space<semaphore_mem>>)
    %dma_start3A_1829 = arith.constant 1 : i32
    %dma_start3A_1830 = arith.constant 1 : i32
    %dma_start3A_1831 = arith.constant 320 : i32
    %dma_start3A_1832 = arith.constant 0 : i32
    %dma_start3A_1833 = tpu.memref_slice %arg7[%dma_start3A_1830, %dma_start3A_1831, %dma_start3A_1832] : memref<2x800x64xf32, #tpu.memory_space<vmem>> -> memref<1x80x64xf32, #tpu.memory_space<vmem>>
    %dma_start3A_1834 = tpu.memref_squeeze %dma_start3A_1833 : memref<1x80x64xf32, #tpu.memory_space<vmem>> -> memref<80x64xf32, #tpu.memory_space<vmem>>
    %dma_start3A_1835 = arith.constant 320 : i32
    %dma_start3A_1836 = tpu.memref_slice %arg8[%dma_start3A_1829, %dma_start3A_1835] : memref<2x800xi32, #tpu.memory_space<vmem>> -> memref<1x80xi32, #tpu.memory_space<vmem>>
    %dma_start3A_1837 = tpu.memref_squeeze %dma_start3A_1836 : memref<1x80xi32, #tpu.memory_space<vmem>> -> memref<80xi32, #tpu.memory_space<vmem>>
    %dma_start3A_1838 = arith.constant 0 : i32
    %dma_start3A_1839 = arith.constant 0 : i32
    %dma_start3A_1840 = tpu.memref_slice %arg2[%dma_start3A_1838, %dma_start3A_1839] : memref<100000x64xf32, #tpu.memory_space<hbm>> -> memref<100000x64xf32, #tpu.memory_space<hbm>>
    tpu.enqueue_indirect_dma source(%dma_start3A_1840 : memref<100000x64xf32, #tpu.memory_space<hbm>>) target(%dma_start3A_1834 : memref<80x64xf32, #tpu.memory_space<vmem>>) offsets(%dma_start3A_1837 : memref<80xi32, #tpu.memory_space<vmem>>) semaphore(%arg10 : memref<!tpu.dma_semaphore, #tpu.memory_space<semaphore_mem>>)
    %dma_start3A_1841 = arith.constant 1 : i32
    %dma_start3A_1842 = arith.constant 1 : i32
    %dma_start3A_1843 = arith.constant 400 : i32
    %dma_start3A_1844 = arith.constant 0 : i32
    %dma_start3A_1845 = tpu.memref_slice %arg7[%dma_start3A_1842, %dma_start3A_1843, %dma_start3A_1844] : memref<2x800x64xf32, #tpu.memory_space<vmem>> -> memref<1x80x64xf32, #tpu.memory_space<vmem>>
    %dma_start3A_1846 = tpu.memref_squeeze %dma_start3A_1845 : memref<1x80x64xf32, #tpu.memory_space<vmem>> -> memref<80x64xf32, #tpu.memory_space<vmem>>
    %dma_start3A_1847 = arith.constant 400 : i32
    %dma_start3A_1848 = tpu.memref_slice %arg8[%dma_start3A_1841, %dma_start3A_1847] : memref<2x800xi32, #tpu.memory_space<vmem>> -> memref<1x80xi32, #tpu.memory_space<vmem>>
    %dma_start3A_1849 = tpu.memref_squeeze %dma_start3A_1848 : memref<1x80xi32, #tpu.memory_space<vmem>> -> memref<80xi32, #tpu.memory_space<vmem>>
    %dma_start3A_1850 = arith.constant 0 : i32
    %dma_start3A_1851 = arith.constant 0 : i32
    %dma_start3A_1852 = tpu.memref_slice %arg2[%dma_start3A_1850, %dma_start3A_1851] : memref<100000x64xf32, #tpu.memory_space<hbm>> -> memref<100000x64xf32, #tpu.memory_space<hbm>>
    tpu.enqueue_indirect_dma source(%dma_start3A_1852 : memref<100000x64xf32, #tpu.memory_space<hbm>>) target(%dma_start3A_1846 : memref<80x64xf32, #tpu.memory_space<vmem>>) offsets(%dma_start3A_1849 : memref<80xi32, #tpu.memory_space<vmem>>) semaphore(%arg10 : memref<!tpu.dma_semaphore, #tpu.memory_space<semaphore_mem>>)
    %dma_start3A_1853 = arith.constant 1 : i32
    %dma_start3A_1854 = arith.constant 1 : i32
    %dma_start3A_1855 = arith.constant 480 : i32
    %dma_start3A_1856 = arith.constant 0 : i32
    %dma_start3A_1857 = tpu.memref_slice %arg7[%dma_start3A_1854, %dma_start3A_1855, %dma_start3A_1856] : memref<2x800x64xf32, #tpu.memory_space<vmem>> -> memref<1x80x64xf32, #tpu.memory_space<vmem>>
    %dma_start3A_1858 = tpu.memref_squeeze %dma_start3A_1857 : memref<1x80x64xf32, #tpu.memory_space<vmem>> -> memref<80x64xf32, #tpu.memory_space<vmem>>
    %dma_start3A_1859 = arith.constant 480 : i32
    %dma_start3A_1860 = tpu.memref_slice %arg8[%dma_start3A_1853, %dma_start3A_1859] : memref<2x800xi32, #tpu.memory_space<vmem>> -> memref<1x80xi32, #tpu.memory_space<vmem>>
    %dma_start3A_1861 = tpu.memref_squeeze %dma_start3A_1860 : memref<1x80xi32, #tpu.memory_space<vmem>> -> memref<80xi32, #tpu.memory_space<vmem>>
    %dma_start3A_1862 = arith.constant 0 : i32
    %dma_start3A_1863 = arith.constant 0 : i32
    %dma_start3A_1864 = tpu.memref_slice %arg2[%dma_start3A_1862, %dma_start3A_1863] : memref<100000x64xf32, #tpu.memory_space<hbm>> -> memref<100000x64xf32, #tpu.memory_space<hbm>>
    tpu.enqueue_indirect_dma source(%dma_start3A_1864 : memref<100000x64xf32, #tpu.memory_space<hbm>>) target(%dma_start3A_1858 : memref<80x64xf32, #tpu.memory_space<vmem>>) offsets(%dma_start3A_1861 : memref<80xi32, #tpu.memory_space<vmem>>) semaphore(%arg10 : memref<!tpu.dma_semaphore, #tpu.memory_space<semaphore_mem>>)
    %dma_start3A_1865 = arith.constant 1 : i32
    %dma_start3A_1866 = arith.constant 1 : i32
    %dma_start3A_1867 = arith.constant 560 : i32
    %dma_start3A_1868 = arith.constant 0 : i32
    %dma_start3A_1869 = tpu.memref_slice %arg7[%dma_start3A_1866, %dma_start3A_1867, %dma_start3A_1868] : memref<2x800x64xf32, #tpu.memory_space<vmem>> -> memref<1x80x64xf32, #tpu.memory_space<vmem>>
    %dma_start3A_1870 = tpu.memref_squeeze %dma_start3A_1869 : memref<1x80x64xf32, #tpu.memory_space<vmem>> -> memref<80x64xf32, #tpu.memory_space<vmem>>
    %dma_start3A_1871 = arith.constant 560 : i32
    %dma_start3A_1872 = tpu.memref_slice %arg8[%dma_start3A_1865, %dma_start3A_1871] : memref<2x800xi32, #tpu.memory_space<vmem>> -> memref<1x80xi32, #tpu.memory_space<vmem>>
    %dma_start3A_1873 = tpu.memref_squeeze %dma_start3A_1872 : memref<1x80xi32, #tpu.memory_space<vmem>> -> memref<80xi32, #tpu.memory_space<vmem>>
    %dma_start3A_1874 = arith.constant 0 : i32
    %dma_start3A_1875 = arith.constant 0 : i32
    %dma_start3A_1876 = tpu.memref_slice %arg2[%dma_start3A_1874, %dma_start3A_1875] : memref<100000x64xf32, #tpu.memory_space<hbm>> -> memref<100000x64xf32, #tpu.memory_space<hbm>>
    tpu.enqueue_indirect_dma source(%dma_start3A_1876 : memref<100000x64xf32, #tpu.memory_space<hbm>>) target(%dma_start3A_1870 : memref<80x64xf32, #tpu.memory_space<vmem>>) offsets(%dma_start3A_1873 : memref<80xi32, #tpu.memory_space<vmem>>) semaphore(%arg10 : memref<!tpu.dma_semaphore, #tpu.memory_space<semaphore_mem>>)
    %dma_start3A_1877 = arith.constant 1 : i32
    %dma_start3A_1878 = arith.constant 1 : i32
    %dma_start3A_1879 = arith.constant 640 : i32
    %dma_start3A_1880 = arith.constant 0 : i32
    %dma_start3A_1881 = tpu.memref_slice %arg7[%dma_start3A_1878, %dma_start3A_1879, %dma_start3A_1880] : memref<2x800x64xf32, #tpu.memory_space<vmem>> -> memref<1x80x64xf32, #tpu.memory_space<vmem>>
    %dma_start3A_1882 = tpu.memref_squeeze %dma_start3A_1881 : memref<1x80x64xf32, #tpu.memory_space<vmem>> -> memref<80x64xf32, #tpu.memory_space<vmem>>
    %dma_start3A_1883 = arith.constant 640 : i32
    %dma_start3A_1884 = tpu.memref_slice %arg8[%dma_start3A_1877, %dma_start3A_1883] : memref<2x800xi32, #tpu.memory_space<vmem>> -> memref<1x80xi32, #tpu.memory_space<vmem>>
    %dma_start3A_1885 = tpu.memref_squeeze %dma_start3A_1884 : memref<1x80xi32, #tpu.memory_space<vmem>> -> memref<80xi32, #tpu.memory_space<vmem>>
    %dma_start3A_1886 = arith.constant 0 : i32
    %dma_start3A_1887 = arith.constant 0 : i32
    %dma_start3A_1888 = tpu.memref_slice %arg2[%dma_start3A_1886, %dma_start3A_1887] : memref<100000x64xf32, #tpu.memory_space<hbm>> -> memref<100000x64xf32, #tpu.memory_space<hbm>>
    tpu.enqueue_indirect_dma source(%dma_start3A_1888 : memref<100000x64xf32, #tpu.memory_space<hbm>>) target(%dma_start3A_1882 : memref<80x64xf32, #tpu.memory_space<vmem>>) offsets(%dma_start3A_1885 : memref<80xi32, #tpu.memory_space<vmem>>) semaphore(%arg10 : memref<!tpu.dma_semaphore, #tpu.memory_space<semaphore_mem>>)
    %dma_start3A_1889 = arith.constant 1 : i32
    %dma_start3A_1890 = arith.constant 1 : i32
    %dma_start3A_1891 = arith.constant 720 : i32
    %dma_start3A_1892 = arith.constant 0 : i32
    %dma_start3A_1893 = tpu.memref_slice %arg7[%dma_start3A_1890, %dma_start3A_1891, %dma_start3A_1892] : memref<2x800x64xf32, #tpu.memory_space<vmem>> -> memref<1x80x64xf32, #tpu.memory_space<vmem>>
    %dma_start3A_1894 = tpu.memref_squeeze %dma_start3A_1893 : memref<1x80x64xf32, #tpu.memory_space<vmem>> -> memref<80x64xf32, #tpu.memory_space<vmem>>
    %dma_start3A_1895 = arith.constant 720 : i32
    %dma_start3A_1896 = tpu.memref_slice %arg8[%dma_start3A_1889, %dma_start3A_1895] : memref<2x800xi32, #tpu.memory_space<vmem>> -> memref<1x80xi32, #tpu.memory_space<vmem>>
    %dma_start3A_1897 = tpu.memref_squeeze %dma_start3A_1896 : memref<1x80xi32, #tpu.memory_space<vmem>> -> memref<80xi32, #tpu.memory_space<vmem>>
    %dma_start3A_1898 = arith.constant 0 : i32
    %dma_start3A_1899 = arith.constant 0 : i32
    %dma_start3A_1900 = tpu.memref_slice %arg2[%dma_start3A_1898, %dma_start3A_1899] : memref<100000x64xf32, #tpu.memory_space<hbm>> -> memref<100000x64xf32, #tpu.memory_space<hbm>>
    tpu.enqueue_indirect_dma source(%dma_start3A_1900 : memref<100000x64xf32, #tpu.memory_space<hbm>>) target(%dma_start3A_1894 : memref<80x64xf32, #tpu.memory_space<vmem>>) offsets(%dma_start3A_1897 : memref<80xi32, #tpu.memory_space<vmem>>) semaphore(%arg10 : memref<!tpu.dma_semaphore, #tpu.memory_space<semaphore_mem>>)
    %dma_wait3A_1901 = arith.constant 0 : i32
    %dma_wait3A_1902 = arith.constant 0 : i32
    %dma_wait3A_1903 = arith.constant 0 : i32
    %dma_wait3A_1904 = arith.constant 0 : i32
    %dma_wait3A_1905 = tpu.memref_slice %arg7[%dma_wait3A_1902, %dma_wait3A_1903, %dma_wait3A_1904] : memref<2x800x64xf32, #tpu.memory_space<vmem>> -> memref<1x80x64xf32, #tpu.memory_space<vmem>>
    %dma_wait3A_1906 = tpu.memref_squeeze %dma_wait3A_1905 : memref<1x80x64xf32, #tpu.memory_space<vmem>> -> memref<80x64xf32, #tpu.memory_space<vmem>>
    %dma_wait3A_1907 = arith.constant 0 : i32
    %dma_wait3A_1908 = tpu.memref_slice %arg8[%dma_wait3A_1901, %dma_wait3A_1907] : memref<2x800xi32, #tpu.memory_space<vmem>> -> memref<1x80xi32, #tpu.memory_space<vmem>>
    %dma_wait3A_1909 = tpu.memref_squeeze %dma_wait3A_1908 : memref<1x80xi32, #tpu.memory_space<vmem>> -> memref<80xi32, #tpu.memory_space<vmem>>
    %dma_wait3A_1910 = arith.constant 0 : i32
    %dma_wait3A_1911 = arith.constant 0 : i32
    %dma_wait3A_1912 = tpu.memref_slice %arg2[%dma_wait3A_1910, %dma_wait3A_1911] : memref<100000x64xf32, #tpu.memory_space<hbm>> -> memref<100000x64xf32, #tpu.memory_space<hbm>>
    tpu.wait_indirect_dma semaphore(%arg9 : memref<!tpu.dma_semaphore, #tpu.memory_space<semaphore_mem>>) src(%dma_wait3A_1912 : memref<100000x64xf32, #tpu.memory_space<hbm>>) dst(%dma_wait3A_1906 : memref<80x64xf32, #tpu.memory_space<vmem>>)
    %dma_wait3A_1913 = arith.constant 0 : i32
    %dma_wait3A_1914 = arith.constant 0 : i32
    %dma_wait3A_1915 = arith.constant 80 : i32
    %dma_wait3A_1916 = arith.constant 0 : i32
    %dma_wait3A_1917 = tpu.memref_slice %arg7[%dma_wait3A_1914, %dma_wait3A_1915, %dma_wait3A_1916] : memref<2x800x64xf32, #tpu.memory_space<vmem>> -> memref<1x80x64xf32, #tpu.memory_space<vmem>>
    %dma_wait3A_1918 = tpu.memref_squeeze %dma_wait3A_1917 : memref<1x80x64xf32, #tpu.memory_space<vmem>> -> memref<80x64xf32, #tpu.memory_space<vmem>>
    %dma_wait3A_1919 = arith.constant 80 : i32
    %dma_wait3A_1920 = tpu.memref_slice %arg8[%dma_wait3A_1913, %dma_wait3A_1919] : memref<2x800xi32, #tpu.memory_space<vmem>> -> memref<1x80xi32, #tpu.memory_space<vmem>>
    %dma_wait3A_1921 = tpu.memref_squeeze %dma_wait3A_1920 : memref<1x80xi32, #tpu.memory_space<vmem>> -> memref<80xi32, #tpu.memory_space<vmem>>
    %dma_wait3A_1922 = arith.constant 0 : i32
    %dma_wait3A_1923 = arith.constant 0 : i32
    %dma_wait3A_1924 = tpu.memref_slice %arg2[%dma_wait3A_1922, %dma_wait3A_1923] : memref<100000x64xf32, #tpu.memory_space<hbm>> -> memref<100000x64xf32, #tpu.memory_space<hbm>>
    tpu.wait_indirect_dma semaphore(%arg9 : memref<!tpu.dma_semaphore, #tpu.memory_space<semaphore_mem>>) src(%dma_wait3A_1924 : memref<100000x64xf32, #tpu.memory_space<hbm>>) dst(%dma_wait3A_1918 : memref<80x64xf32, #tpu.memory_space<vmem>>)
    %dma_wait3A_1925 = arith.constant 0 : i32
    %dma_wait3A_1926 = arith.constant 0 : i32
    %dma_wait3A_1927 = arith.constant 160 : i32
    %dma_wait3A_1928 = arith.constant 0 : i32
    %dma_wait3A_1929 = tpu.memref_slice %arg7[%dma_wait3A_1926, %dma_wait3A_1927, %dma_wait3A_1928] : memref<2x800x64xf32, #tpu.memory_space<vmem>> -> memref<1x80x64xf32, #tpu.memory_space<vmem>>
    %dma_wait3A_1930 = tpu.memref_squeeze %dma_wait3A_1929 : memref<1x80x64xf32, #tpu.memory_space<vmem>> -> memref<80x64xf32, #tpu.memory_space<vmem>>
    %dma_wait3A_1931 = arith.constant 160 : i32
    %dma_wait3A_1932 = tpu.memref_slice %arg8[%dma_wait3A_1925, %dma_wait3A_1931] : memref<2x800xi32, #tpu.memory_space<vmem>> -> memref<1x80xi32, #tpu.memory_space<vmem>>
    %dma_wait3A_1933 = tpu.memref_squeeze %dma_wait3A_1932 : memref<1x80xi32, #tpu.memory_space<vmem>> -> memref<80xi32, #tpu.memory_space<vmem>>
    %dma_wait3A_1934 = arith.constant 0 : i32
    %dma_wait3A_1935 = arith.constant 0 : i32
    %dma_wait3A_1936 = tpu.memref_slice %arg2[%dma_wait3A_1934, %dma_wait3A_1935] : memref<100000x64xf32, #tpu.memory_space<hbm>> -> memref<100000x64xf32, #tpu.memory_space<hbm>>
    tpu.wait_indirect_dma semaphore(%arg9 : memref<!tpu.dma_semaphore, #tpu.memory_space<semaphore_mem>>) src(%dma_wait3A_1936 : memref<100000x64xf32, #tpu.memory_space<hbm>>) dst(%dma_wait3A_1930 : memref<80x64xf32, #tpu.memory_space<vmem>>)
    %dma_wait3A_1937 = arith.constant 0 : i32
    %dma_wait3A_1938 = arith.constant 0 : i32
    %dma_wait3A_1939 = arith.constant 240 : i32
    %dma_wait3A_1940 = arith.constant 0 : i32
    %dma_wait3A_1941 = tpu.memref_slice %arg7[%dma_wait3A_1938, %dma_wait3A_1939, %dma_wait3A_1940] : memref<2x800x64xf32, #tpu.memory_space<vmem>> -> memref<1x80x64xf32, #tpu.memory_space<vmem>>
    %dma_wait3A_1942 = tpu.memref_squeeze %dma_wait3A_1941 : memref<1x80x64xf32, #tpu.memory_space<vmem>> -> memref<80x64xf32, #tpu.memory_space<vmem>>
    %dma_wait3A_1943 = arith.constant 240 : i32
    %dma_wait3A_1944 = tpu.memref_slice %arg8[%dma_wait3A_1937, %dma_wait3A_1943] : memref<2x800xi32, #tpu.memory_space<vmem>> -> memref<1x80xi32, #tpu.memory_space<vmem>>
    %dma_wait3A_1945 = tpu.memref_squeeze %dma_wait3A_1944 : memref<1x80xi32, #tpu.memory_space<vmem>> -> memref<80xi32, #tpu.memory_space<vmem>>
    %dma_wait3A_1946 = arith.constant 0 : i32
    %dma_wait3A_1947 = arith.constant 0 : i32
    %dma_wait3A_1948 = tpu.memref_slice %arg2[%dma_wait3A_1946, %dma_wait3A_1947] : memref<100000x64xf32, #tpu.memory_space<hbm>> -> memref<100000x64xf32, #tpu.memory_space<hbm>>
    tpu.wait_indirect_dma semaphore(%arg9 : memref<!tpu.dma_semaphore, #tpu.memory_space<semaphore_mem>>) src(%dma_wait3A_1948 : memref<100000x64xf32, #tpu.memory_space<hbm>>) dst(%dma_wait3A_1942 : memref<80x64xf32, #tpu.memory_space<vmem>>)
    %dma_wait3A_1949 = arith.constant 0 : i32
    %dma_wait3A_1950 = arith.constant 0 : i32
    %dma_wait3A_1951 = arith.constant 320 : i32
    %dma_wait3A_1952 = arith.constant 0 : i32
    %dma_wait3A_1953 = tpu.memref_slice %arg7[%dma_wait3A_1950, %dma_wait3A_1951, %dma_wait3A_1952] : memref<2x800x64xf32, #tpu.memory_space<vmem>> -> memref<1x80x64xf32, #tpu.memory_space<vmem>>
    %dma_wait3A_1954 = tpu.memref_squeeze %dma_wait3A_1953 : memref<1x80x64xf32, #tpu.memory_space<vmem>> -> memref<80x64xf32, #tpu.memory_space<vmem>>
    %dma_wait3A_1955 = arith.constant 320 : i32
    %dma_wait3A_1956 = tpu.memref_slice %arg8[%dma_wait3A_1949, %dma_wait3A_1955] : memref<2x800xi32, #tpu.memory_space<vmem>> -> memref<1x80xi32, #tpu.memory_space<vmem>>
    %dma_wait3A_1957 = tpu.memref_squeeze %dma_wait3A_1956 : memref<1x80xi32, #tpu.memory_space<vmem>> -> memref<80xi32, #tpu.memory_space<vmem>>
    %dma_wait3A_1958 = arith.constant 0 : i32
    %dma_wait3A_1959 = arith.constant 0 : i32
    %dma_wait3A_1960 = tpu.memref_slice %arg2[%dma_wait3A_1958, %dma_wait3A_1959] : memref<100000x64xf32, #tpu.memory_space<hbm>> -> memref<100000x64xf32, #tpu.memory_space<hbm>>
    tpu.wait_indirect_dma semaphore(%arg9 : memref<!tpu.dma_semaphore, #tpu.memory_space<semaphore_mem>>) src(%dma_wait3A_1960 : memref<100000x64xf32, #tpu.memory_space<hbm>>) dst(%dma_wait3A_1954 : memref<80x64xf32, #tpu.memory_space<vmem>>)
    %dma_wait3A_1961 = arith.constant 0 : i32
    %dma_wait3A_1962 = arith.constant 0 : i32
    %dma_wait3A_1963 = arith.constant 400 : i32
    %dma_wait3A_1964 = arith.constant 0 : i32
    %dma_wait3A_1965 = tpu.memref_slice %arg7[%dma_wait3A_1962, %dma_wait3A_1963, %dma_wait3A_1964] : memref<2x800x64xf32, #tpu.memory_space<vmem>> -> memref<1x80x64xf32, #tpu.memory_space<vmem>>
    %dma_wait3A_1966 = tpu.memref_squeeze %dma_wait3A_1965 : memref<1x80x64xf32, #tpu.memory_space<vmem>> -> memref<80x64xf32, #tpu.memory_space<vmem>>
    %dma_wait3A_1967 = arith.constant 400 : i32
    %dma_wait3A_1968 = tpu.memref_slice %arg8[%dma_wait3A_1961, %dma_wait3A_1967] : memref<2x800xi32, #tpu.memory_space<vmem>> -> memref<1x80xi32, #tpu.memory_space<vmem>>
    %dma_wait3A_1969 = tpu.memref_squeeze %dma_wait3A_1968 : memref<1x80xi32, #tpu.memory_space<vmem>> -> memref<80xi32, #tpu.memory_space<vmem>>
    %dma_wait3A_1970 = arith.constant 0 : i32
    %dma_wait3A_1971 = arith.constant 0 : i32
    %dma_wait3A_1972 = tpu.memref_slice %arg2[%dma_wait3A_1970, %dma_wait3A_1971] : memref<100000x64xf32, #tpu.memory_space<hbm>> -> memref<100000x64xf32, #tpu.memory_space<hbm>>
    tpu.wait_indirect_dma semaphore(%arg9 : memref<!tpu.dma_semaphore, #tpu.memory_space<semaphore_mem>>) src(%dma_wait3A_1972 : memref<100000x64xf32, #tpu.memory_space<hbm>>) dst(%dma_wait3A_1966 : memref<80x64xf32, #tpu.memory_space<vmem>>)
    %dma_wait3A_1973 = arith.constant 0 : i32
    %dma_wait3A_1974 = arith.constant 0 : i32
    %dma_wait3A_1975 = arith.constant 480 : i32
    %dma_wait3A_1976 = arith.constant 0 : i32
    %dma_wait3A_1977 = tpu.memref_slice %arg7[%dma_wait3A_1974, %dma_wait3A_1975, %dma_wait3A_1976] : memref<2x800x64xf32, #tpu.memory_space<vmem>> -> memref<1x80x64xf32, #tpu.memory_space<vmem>>
    %dma_wait3A_1978 = tpu.memref_squeeze %dma_wait3A_1977 : memref<1x80x64xf32, #tpu.memory_space<vmem>> -> memref<80x64xf32, #tpu.memory_space<vmem>>
    %dma_wait3A_1979 = arith.constant 480 : i32
    %dma_wait3A_1980 = tpu.memref_slice %arg8[%dma_wait3A_1973, %dma_wait3A_1979] : memref<2x800xi32, #tpu.memory_space<vmem>> -> memref<1x80xi32, #tpu.memory_space<vmem>>
    %dma_wait3A_1981 = tpu.memref_squeeze %dma_wait3A_1980 : memref<1x80xi32, #tpu.memory_space<vmem>> -> memref<80xi32, #tpu.memory_space<vmem>>
    %dma_wait3A_1982 = arith.constant 0 : i32
    %dma_wait3A_1983 = arith.constant 0 : i32
    %dma_wait3A_1984 = tpu.memref_slice %arg2[%dma_wait3A_1982, %dma_wait3A_1983] : memref<100000x64xf32, #tpu.memory_space<hbm>> -> memref<100000x64xf32, #tpu.memory_space<hbm>>
    tpu.wait_indirect_dma semaphore(%arg9 : memref<!tpu.dma_semaphore, #tpu.memory_space<semaphore_mem>>) src(%dma_wait3A_1984 : memref<100000x64xf32, #tpu.memory_space<hbm>>) dst(%dma_wait3A_1978 : memref<80x64xf32, #tpu.memory_space<vmem>>)
    %dma_wait3A_1985 = arith.constant 0 : i32
    %dma_wait3A_1986 = arith.constant 0 : i32
    %dma_wait3A_1987 = arith.constant 560 : i32
    %dma_wait3A_1988 = arith.constant 0 : i32
    %dma_wait3A_1989 = tpu.memref_slice %arg7[%dma_wait3A_1986, %dma_wait3A_1987, %dma_wait3A_1988] : memref<2x800x64xf32, #tpu.memory_space<vmem>> -> memref<1x80x64xf32, #tpu.memory_space<vmem>>
    %dma_wait3A_1990 = tpu.memref_squeeze %dma_wait3A_1989 : memref<1x80x64xf32, #tpu.memory_space<vmem>> -> memref<80x64xf32, #tpu.memory_space<vmem>>
    %dma_wait3A_1991 = arith.constant 560 : i32
    %dma_wait3A_1992 = tpu.memref_slice %arg8[%dma_wait3A_1985, %dma_wait3A_1991] : memref<2x800xi32, #tpu.memory_space<vmem>> -> memref<1x80xi32, #tpu.memory_space<vmem>>
    %dma_wait3A_1993 = tpu.memref_squeeze %dma_wait3A_1992 : memref<1x80xi32, #tpu.memory_space<vmem>> -> memref<80xi32, #tpu.memory_space<vmem>>
    %dma_wait3A_1994 = arith.constant 0 : i32
    %dma_wait3A_1995 = arith.constant 0 : i32
    %dma_wait3A_1996 = tpu.memref_slice %arg2[%dma_wait3A_1994, %dma_wait3A_1995] : memref<100000x64xf32, #tpu.memory_space<hbm>> -> memref<100000x64xf32, #tpu.memory_space<hbm>>
    tpu.wait_indirect_dma semaphore(%arg9 : memref<!tpu.dma_semaphore, #tpu.memory_space<semaphore_mem>>) src(%dma_wait3A_1996 : memref<100000x64xf32, #tpu.memory_space<hbm>>) dst(%dma_wait3A_1990 : memref<80x64xf32, #tpu.memory_space<vmem>>)
    %dma_wait3A_1997 = arith.constant 0 : i32
    %dma_wait3A_1998 = arith.constant 0 : i32
    %dma_wait3A_1999 = arith.constant 640 : i32
    %dma_wait3A_2000 = arith.constant 0 : i32
    %dma_wait3A_2001 = tpu.memref_slice %arg7[%dma_wait3A_1998, %dma_wait3A_1999, %dma_wait3A_2000] : memref<2x800x64xf32, #tpu.memory_space<vmem>> -> memref<1x80x64xf32, #tpu.memory_space<vmem>>
    %dma_wait3A_2002 = tpu.memref_squeeze %dma_wait3A_2001 : memref<1x80x64xf32, #tpu.memory_space<vmem>> -> memref<80x64xf32, #tpu.memory_space<vmem>>
    %dma_wait3A_2003 = arith.constant 640 : i32
    %dma_wait3A_2004 = tpu.memref_slice %arg8[%dma_wait3A_1997, %dma_wait3A_2003] : memref<2x800xi32, #tpu.memory_space<vmem>> -> memref<1x80xi32, #tpu.memory_space<vmem>>
    %dma_wait3A_2005 = tpu.memref_squeeze %dma_wait3A_2004 : memref<1x80xi32, #tpu.memory_space<vmem>> -> memref<80xi32, #tpu.memory_space<vmem>>
    %dma_wait3A_2006 = arith.constant 0 : i32
    %dma_wait3A_2007 = arith.constant 0 : i32
    %dma_wait3A_2008 = tpu.memref_slice %arg2[%dma_wait3A_2006, %dma_wait3A_2007] : memref<100000x64xf32, #tpu.memory_space<hbm>> -> memref<100000x64xf32, #tpu.memory_space<hbm>>
    tpu.wait_indirect_dma semaphore(%arg9 : memref<!tpu.dma_semaphore, #tpu.memory_space<semaphore_mem>>) src(%dma_wait3A_2008 : memref<100000x64xf32, #tpu.memory_space<hbm>>) dst(%dma_wait3A_2002 : memref<80x64xf32, #tpu.memory_space<vmem>>)
    %dma_wait3A_2009 = arith.constant 0 : i32
    %dma_wait3A_2010 = arith.constant 0 : i32
    %dma_wait3A_2011 = arith.constant 720 : i32
    %dma_wait3A_2012 = arith.constant 0 : i32
    %dma_wait3A_2013 = tpu.memref_slice %arg7[%dma_wait3A_2010, %dma_wait3A_2011, %dma_wait3A_2012] : memref<2x800x64xf32, #tpu.memory_space<vmem>> -> memref<1x80x64xf32, #tpu.memory_space<vmem>>
    %dma_wait3A_2014 = tpu.memref_squeeze %dma_wait3A_2013 : memref<1x80x64xf32, #tpu.memory_space<vmem>> -> memref<80x64xf32, #tpu.memory_space<vmem>>
    %dma_wait3A_2015 = arith.constant 720 : i32
    %dma_wait3A_2016 = tpu.memref_slice %arg8[%dma_wait3A_2009, %dma_wait3A_2015] : memref<2x800xi32, #tpu.memory_space<vmem>> -> memref<1x80xi32, #tpu.memory_space<vmem>>
    %dma_wait3A_2017 = tpu.memref_squeeze %dma_wait3A_2016 : memref<1x80xi32, #tpu.memory_space<vmem>> -> memref<80xi32, #tpu.memory_space<vmem>>
    %dma_wait3A_2018 = arith.constant 0 : i32
    %dma_wait3A_2019 = arith.constant 0 : i32
    %dma_wait3A_2020 = tpu.memref_slice %arg2[%dma_wait3A_2018, %dma_wait3A_2019] : memref<100000x64xf32, #tpu.memory_space<hbm>> -> memref<100000x64xf32, #tpu.memory_space<hbm>>
    tpu.wait_indirect_dma semaphore(%arg9 : memref<!tpu.dma_semaphore, #tpu.memory_space<semaphore_mem>>) src(%dma_wait3A_2020 : memref<100000x64xf32, #tpu.memory_space<hbm>>) dst(%dma_wait3A_2014 : memref<80x64xf32, #tpu.memory_space<vmem>>)
    %scan3A_2021 = arith.constant 0 : i32
    %scan3A_2022 = arith.constant 200 : i32
    %scan3A_2023 = arith.addi %scan3A_2021, %scan3A_2022 : i32
    %scan3A_2024 = arith.constant 1 : i32
    scf.for %scan3A_2207 = %scan3A_2021 to %scan3A_2023 step %scan3A_2024  : i32 {
      %mul3A_2208 = arith.constant 1 : i32
      %mul3A_2209 = arith.muli %scan3A_2207, %mul3A_2208 : i32
      %add3A_2210 = arith.constant 0 : i32
      %add3A_2211 = arith.addi %add3A_2210, %mul3A_2209 : i32
      %add3A_2212 = arith.constant 1 : i32
      %add3A_2213 = arith.addi %add3A_2211, %add3A_2212 : i32
      %get3A = arith.index_cast %add3A_2213 : i32 to index
      %get3A_2214 = arith.constant 0 : index
      %get3A_2215 = tpu.vector_load %arg6[%get3A, %get3A_2214] {strides = array<i32>} : memref<256x64xf32, #tpu.memory_space<vmem>>, vector<16xf32>,
      %add3A_2216 = arith.constant 1 : i32
      %add3A_2217 = arith.addi %add3A_2211, %add3A_2216 : i32
      %get3A_2218 = arith.index_cast %add3A_2217 : i32 to index
      %get3A_2219 = arith.constant 16 : index
      %get3A_2220 = tpu.vector_load %arg6[%get3A_2218, %get3A_2219] {strides = array<i32>} : memref<256x64xf32, #tpu.memory_space<vmem>>, vector<16xf32>,
      %add3A_2221 = arith.constant 1 : i32
      %add3A_2222 = arith.addi %add3A_2211, %add3A_2221 : i32
      %get3A_2223 = arith.index_cast %add3A_2222 : i32 to index
      %get3A_2224 = arith.constant 32 : index
      %get3A_2225 = tpu.vector_load %arg6[%get3A_2223, %get3A_2224] {strides = array<i32>} : memref<256x64xf32, #tpu.memory_space<vmem>>, vector<16xf32>,
      %add3A_2226 = arith.constant 1 : i32
      %add3A_2227 = arith.addi %add3A_2211, %add3A_2226 : i32
      %get3A_2228 = arith.index_cast %add3A_2227 : i32 to index
      %get3A_2229 = arith.constant 48 : index
      %get3A_2230 = tpu.vector_load %arg6[%get3A_2228, %get3A_2229] {strides = array<i32>} : memref<256x64xf32, #tpu.memory_space<vmem>>, vector<16xf32>,
      %add3A_2231 = arith.constant 0 : i32
      %add3A_2232 = arith.addi %add3A_2231, %add3A_2211 : i32
      %swap3A = arith.constant 0 : i32
      %swap3A_2233 = arith.index_cast %swap3A : i32 to index
      %swap3A_2234 = arith.index_cast %add3A_2232 : i32 to index
      %swap3A_2235 = arith.constant 0 : index
      %swap3A_2236 = tpu.vector_load %arg7[%swap3A_2233, %swap3A_2234, %swap3A_2235] {strides = array<i32>} : memref<2x800x64xf32, #tpu.memory_space<vmem>>, vector<16xf32>,
      tpu.vector_store %arg7[%swap3A_2233, %swap3A_2234, %swap3A_2235], %get3A_2215 {add = true, strides = array<i32>} : memref<2x800x64xf32, #tpu.memory_space<vmem>>, vector<16xf32>,
      %add3A_2237 = arith.constant 0 : i32
      %add3A_2238 = arith.addi %add3A_2237, %add3A_2211 : i32
      %swap3A_2239 = arith.constant 0 : i32
      %swap3A_2240 = arith.index_cast %swap3A_2239 : i32 to index
      %swap3A_2241 = arith.index_cast %add3A_2238 : i32 to index
      %swap3A_2242 = arith.constant 16 : index
      %swap3A_2243 = tpu.vector_load %arg7[%swap3A_2240, %swap3A_2241, %swap3A_2242] {strides = array<i32>} : memref<2x800x64xf32, #tpu.memory_space<vmem>>, vector<16xf32>,
      tpu.vector_store %arg7[%swap3A_2240, %swap3A_2241, %swap3A_2242], %get3A_2220 {add = true, strides = array<i32>} : memref<2x800x64xf32, #tpu.memory_space<vmem>>, vector<16xf32>,
      %add3A_2244 = arith.constant 0 : i32
      %add3A_2245 = arith.addi %add3A_2244, %add3A_2211 : i32
      %swap3A_2246 = arith.constant 0 : i32
      %swap3A_2247 = arith.index_cast %swap3A_2246 : i32 to index
      %swap3A_2248 = arith.index_cast %add3A_2245 : i32 to index
      %swap3A_2249 = arith.constant 32 : index
      %swap3A_2250 = tpu.vector_load %arg7[%swap3A_2247, %swap3A_2248, %swap3A_2249] {strides = array<i32>} : memref<2x800x64xf32, #tpu.memory_space<vmem>>, vector<16xf32>,
      tpu.vector_store %arg7[%swap3A_2247, %swap3A_2248, %swap3A_2249], %get3A_2225 {add = true, strides = array<i32>} : memref<2x800x64xf32, #tpu.memory_space<vmem>>, vector<16xf32>,
      %add3A_2251 = arith.constant 0 : i32
      %add3A_2252 = arith.addi %add3A_2251, %add3A_2211 : i32
      %swap3A_2253 = arith.constant 0 : i32
      %swap3A_2254 = arith.index_cast %swap3A_2253 : i32 to index
      %swap3A_2255 = arith.index_cast %add3A_2252 : i32 to index
      %swap3A_2256 = arith.constant 48 : index
      %swap3A_2257 = tpu.vector_load %arg7[%swap3A_2254, %swap3A_2255, %swap3A_2256] {strides = array<i32>} : memref<2x800x64xf32, #tpu.memory_space<vmem>>, vector<16xf32>,
      tpu.vector_store %arg7[%swap3A_2254, %swap3A_2255, %swap3A_2256], %get3A_2230 {add = true, strides = array<i32>} : memref<2x800x64xf32, #tpu.memory_space<vmem>>, vector<16xf32>,
      %add3A_2258 = arith.constant 200 : i32
      %add3A_2259 = arith.addi %add3A_2258, %add3A_2211 : i32
      %swap3A_2260 = arith.constant 0 : i32
      %swap3A_2261 = arith.index_cast %swap3A_2260 : i32 to index
      %swap3A_2262 = arith.index_cast %add3A_2259 : i32 to index
      %swap3A_2263 = arith.constant 0 : index
      %swap3A_2264 = tpu.vector_load %arg7[%swap3A_2261, %swap3A_2262, %swap3A_2263] {strides = array<i32>} : memref<2x800x64xf32, #tpu.memory_space<vmem>>, vector<16xf32>,
      tpu.vector_store %arg7[%swap3A_2261, %swap3A_2262, %swap3A_2263], %get3A_2215 {add = true, strides = array<i32>} : memref<2x800x64xf32, #tpu.memory_space<vmem>>, vector<16xf32>,
      %add3A_2265 = arith.constant 200 : i32
      %add3A_2266 = arith.addi %add3A_2265, %add3A_2211 : i32
      %swap3A_2267 = arith.constant 0 : i32
      %swap3A_2268 = arith.index_cast %swap3A_2267 : i32 to index
      %swap3A_2269 = arith.index_cast %add3A_2266 : i32 to index
      %swap3A_2270 = arith.constant 16 : index
      %swap3A_2271 = tpu.vector_load %arg7[%swap3A_2268, %swap3A_2269, %swap3A_2270] {strides = array<i32>} : memref<2x800x64xf32, #tpu.memory_space<vmem>>, vector<16xf32>,
      tpu.vector_store %arg7[%swap3A_2268, %swap3A_2269, %swap3A_2270], %get3A_2220 {add = true, strides = array<i32>} : memref<2x800x64xf32, #tpu.memory_space<vmem>>, vector<16xf32>,
      %add3A_2272 = arith.constant 200 : i32
      %add3A_2273 = arith.addi %add3A_2272, %add3A_2211 : i32
      %swap3A_2274 = arith.constant 0 : i32
      %swap3A_2275 = arith.index_cast %swap3A_2274 : i32 to index
      %swap3A_2276 = arith.index_cast %add3A_2273 : i32 to index
      %swap3A_2277 = arith.constant 32 : index
      %swap3A_2278 = tpu.vector_load %arg7[%swap3A_2275, %swap3A_2276, %swap3A_2277] {strides = array<i32>} : memref<2x800x64xf32, #tpu.memory_space<vmem>>, vector<16xf32>,
      tpu.vector_store %arg7[%swap3A_2275, %swap3A_2276, %swap3A_2277], %get3A_2225 {add = true, strides = array<i32>} : memref<2x800x64xf32, #tpu.memory_space<vmem>>, vector<16xf32>,
      %add3A_2279 = arith.constant 200 : i32
      %add3A_2280 = arith.addi %add3A_2279, %add3A_2211 : i32
      %swap3A_2281 = arith.constant 0 : i32
      %swap3A_2282 = arith.index_cast %swap3A_2281 : i32 to index
      %swap3A_2283 = arith.index_cast %add3A_2280 : i32 to index
      %swap3A_2284 = arith.constant 48 : index
      %swap3A_2285 = tpu.vector_load %arg7[%swap3A_2282, %swap3A_2283, %swap3A_2284] {strides = array<i32>} : memref<2x800x64xf32, #tpu.memory_space<vmem>>, vector<16xf32>,
      tpu.vector_store %arg7[%swap3A_2282, %swap3A_2283, %swap3A_2284], %get3A_2230 {add = true, strides = array<i32>} : memref<2x800x64xf32, #tpu.memory_space<vmem>>, vector<16xf32>,
      %add3A_2286 = arith.constant 400 : i32
      %add3A_2287 = arith.addi %add3A_2286, %add3A_2211 : i32
      %swap3A_2288 = arith.constant 0 : i32
      %swap3A_2289 = arith.index_cast %swap3A_2288 : i32 to index
      %swap3A_2290 = arith.index_cast %add3A_2287 : i32 to index
      %swap3A_2291 = arith.constant 0 : index
      %swap3A_2292 = tpu.vector_load %arg7[%swap3A_2289, %swap3A_2290, %swap3A_2291] {strides = array<i32>} : memref<2x800x64xf32, #tpu.memory_space<vmem>>, vector<16xf32>,
      tpu.vector_store %arg7[%swap3A_2289, %swap3A_2290, %swap3A_2291], %get3A_2215 {add = true, strides = array<i32>} : memref<2x800x64xf32, #tpu.memory_space<vmem>>, vector<16xf32>,
      %add3A_2293 = arith.constant 400 : i32
      %add3A_2294 = arith.addi %add3A_2293, %add3A_2211 : i32
      %swap3A_2295 = arith.constant 0 : i32
      %swap3A_2296 = arith.index_cast %swap3A_2295 : i32 to index
      %swap3A_2297 = arith.index_cast %add3A_2294 : i32 to index
      %swap3A_2298 = arith.constant 16 : index
      %swap3A_2299 = tpu.vector_load %arg7[%swap3A_2296, %swap3A_2297, %swap3A_2298] {strides = array<i32>} : memref<2x800x64xf32, #tpu.memory_space<vmem>>, vector<16xf32>,
      tpu.vector_store %arg7[%swap3A_2296, %swap3A_2297, %swap3A_2298], %get3A_2220 {add = true, strides = array<i32>} : memref<2x800x64xf32, #tpu.memory_space<vmem>>, vector<16xf32>,
      %add3A_2300 = arith.constant 400 : i32
      %add3A_2301 = arith.addi %add3A_2300, %add3A_2211 : i32
      %swap3A_2302 = arith.constant 0 : i32
      %swap3A_2303 = arith.index_cast %swap3A_2302 : i32 to index
      %swap3A_2304 = arith.index_cast %add3A_2301 : i32 to index
      %swap3A_2305 = arith.constant 32 : index
      %swap3A_2306 = tpu.vector_load %arg7[%swap3A_2303, %swap3A_2304, %swap3A_2305] {strides = array<i32>} : memref<2x800x64xf32, #tpu.memory_space<vmem>>, vector<16xf32>,
      tpu.vector_store %arg7[%swap3A_2303, %swap3A_2304, %swap3A_2305], %get3A_2225 {add = true, strides = array<i32>} : memref<2x800x64xf32, #tpu.memory_space<vmem>>, vector<16xf32>,
      %add3A_2307 = arith.constant 400 : i32
      %add3A_2308 = arith.addi %add3A_2307, %add3A_2211 : i32
      %swap3A_2309 = arith.constant 0 : i32
      %swap3A_2310 = arith.index_cast %swap3A_2309 : i32 to index
      %swap3A_2311 = arith.index_cast %add3A_2308 : i32 to index
      %swap3A_2312 = arith.constant 48 : index
      %swap3A_2313 = tpu.vector_load %arg7[%swap3A_2310, %swap3A_2311, %swap3A_2312] {strides = array<i32>} : memref<2x800x64xf32, #tpu.memory_space<vmem>>, vector<16xf32>,
      tpu.vector_store %arg7[%swap3A_2310, %swap3A_2311, %swap3A_2312], %get3A_2230 {add = true, strides = array<i32>} : memref<2x800x64xf32, #tpu.memory_space<vmem>>, vector<16xf32>,
      %add3A_2314 = arith.constant 600 : i32
      %add3A_2315 = arith.addi %add3A_2314, %add3A_2211 : i32
      %swap3A_2316 = arith.constant 0 : i32
      %swap3A_2317 = arith.index_cast %swap3A_2316 : i32 to index
      %swap3A_2318 = arith.index_cast %add3A_2315 : i32 to index
      %swap3A_2319 = arith.constant 0 : index
      %swap3A_2320 = tpu.vector_load %arg7[%swap3A_2317, %swap3A_2318, %swap3A_2319] {strides = array<i32>} : memref<2x800x64xf32, #tpu.memory_space<vmem>>, vector<16xf32>,
      tpu.vector_store %arg7[%swap3A_2317, %swap3A_2318, %swap3A_2319], %get3A_2215 {add = true, strides = array<i32>} : memref<2x800x64xf32, #tpu.memory_space<vmem>>, vector<16xf32>,
      %add3A_2321 = arith.constant 600 : i32
      %add3A_2322 = arith.addi %add3A_2321, %add3A_2211 : i32
      %swap3A_2323 = arith.constant 0 : i32
      %swap3A_2324 = arith.index_cast %swap3A_2323 : i32 to index
      %swap3A_2325 = arith.index_cast %add3A_2322 : i32 to index
      %swap3A_2326 = arith.constant 16 : index
      %swap3A_2327 = tpu.vector_load %arg7[%swap3A_2324, %swap3A_2325, %swap3A_2326] {strides = array<i32>} : memref<2x800x64xf32, #tpu.memory_space<vmem>>, vector<16xf32>,
      tpu.vector_store %arg7[%swap3A_2324, %swap3A_2325, %swap3A_2326], %get3A_2220 {add = true, strides = array<i32>} : memref<2x800x64xf32, #tpu.memory_space<vmem>>, vector<16xf32>,
      %add3A_2328 = arith.constant 600 : i32
      %add3A_2329 = arith.addi %add3A_2328, %add3A_2211 : i32
      %swap3A_2330 = arith.constant 0 : i32
      %swap3A_2331 = arith.index_cast %swap3A_2330 : i32 to index
      %swap3A_2332 = arith.index_cast %add3A_2329 : i32 to index
      %swap3A_2333 = arith.constant 32 : index
      %swap3A_2334 = tpu.vector_load %arg7[%swap3A_2331, %swap3A_2332, %swap3A_2333] {strides = array<i32>} : memref<2x800x64xf32, #tpu.memory_space<vmem>>, vector<16xf32>,
      tpu.vector_store %arg7[%swap3A_2331, %swap3A_2332, %swap3A_2333], %get3A_2225 {add = true, strides = array<i32>} : memref<2x800x64xf32, #tpu.memory_space<vmem>>, vector<16xf32>,
      %add3A_2335 = arith.constant 600 : i32
      %add3A_2336 = arith.addi %add3A_2335, %add3A_2211 : i32
      %swap3A_2337 = arith.constant 0 : i32
      %swap3A_2338 = arith.index_cast %swap3A_2337 : i32 to index
      %swap3A_2339 = arith.index_cast %add3A_2336 : i32 to index
      %swap3A_2340 = arith.constant 48 : index
      %swap3A_2341 = tpu.vector_load %arg7[%swap3A_2338, %swap3A_2339, %swap3A_2340] {strides = array<i32>} : memref<2x800x64xf32, #tpu.memory_space<vmem>>, vector<16xf32>,
      tpu.vector_store %arg7[%swap3A_2338, %swap3A_2339, %swap3A_2340], %get3A_2230 {add = true, strides = array<i32>} : memref<2x800x64xf32, #tpu.memory_space<vmem>>, vector<16xf32>,
    }
    %scan3A_2025 = arith.constant 200 : i32
    %add3A_2026 = arith.constant 4800 : i32
    %add3A_2027 = arith.addi %mul3A_2, %add3A_2026 : i32
    %dma_start3A_2028 = arith.constant 0 : i32
    %dma_start3A_2029 = arith.constant 0 : i32
    %dma_start3A_2030 = arith.constant 0 : i32
    %dma_start3A_2031 = tpu.memref_slice %arg7[%dma_start3A_2028, %dma_start3A_2029, %dma_start3A_2030] : memref<2x800x64xf32, #tpu.memory_space<vmem>> -> memref<1x800x64xf32, #tpu.memory_space<vmem>>
    %dma_start3A_2032 = tpu.memref_squeeze %dma_start3A_2031 : memref<1x800x64xf32, #tpu.memory_space<vmem>> -> memref<800x64xf32, #tpu.memory_space<vmem>>
    %dma_start3A_2033 = arith.constant 0 : i32
    %dma_start3A_2034 = tpu.memref_slice %arg5[%add3A_2027, %dma_start3A_2033] : memref<204800x64xf32, #tpu.memory_space<hbm>> -> memref<800x64xf32, #tpu.memory_space<hbm>>
    %dma_start3A_2035 = arith.constant 0 : i32
    %dma_start3A_2036 = tpu.memref_slice %arg5[%add3A_2027, %dma_start3A_2035] : memref<204800x64xf32, #tpu.memory_space<hbm>> -> memref<800x64xf32, #tpu.memory_space<hbm>>
    %dma_start3A_2037 = arith.constant 0 : i32
    %dma_start3A_2038 = arith.constant 0 : i32
    %dma_start3A_2039 = tpu.memref_slice %arg7[%dma_start3A_2028, %dma_start3A_2037, %dma_start3A_2038] : memref<2x800x64xf32, #tpu.memory_space<vmem>> -> memref<1x800x64xf32, #tpu.memory_space<vmem>>
    %dma_start3A_2040 = tpu.memref_squeeze %dma_start3A_2039 : memref<1x800x64xf32, #tpu.memory_space<vmem>> -> memref<800x64xf32, #tpu.memory_space<vmem>>
    tpu.enqueue_dma source(%dma_start3A_2040 : memref<800x64xf32, #tpu.memory_space<vmem>>) target(%dma_start3A_2036 : memref<800x64xf32, #tpu.memory_space<hbm>>) target_semaphore(%arg11 : memref<!tpu.dma_semaphore, #tpu.memory_space<semaphore_mem>>)
    %dma_wait3A_2041 = arith.constant 1 : i32
    %dma_wait3A_2042 = arith.constant 1 : i32
    %dma_wait3A_2043 = arith.constant 0 : i32
    %dma_wait3A_2044 = arith.constant 0 : i32
    %dma_wait3A_2045 = tpu.memref_slice %arg7[%dma_wait3A_2042, %dma_wait3A_2043, %dma_wait3A_2044] : memref<2x800x64xf32, #tpu.memory_space<vmem>> -> memref<1x80x64xf32, #tpu.memory_space<vmem>>
    %dma_wait3A_2046 = tpu.memref_squeeze %dma_wait3A_2045 : memref<1x80x64xf32, #tpu.memory_space<vmem>> -> memref<80x64xf32, #tpu.memory_space<vmem>>
    %dma_wait3A_2047 = arith.constant 0 : i32
    %dma_wait3A_2048 = tpu.memref_slice %arg8[%dma_wait3A_2041, %dma_wait3A_2047] : memref<2x800xi32, #tpu.memory_space<vmem>> -> memref<1x80xi32, #tpu.memory_space<vmem>>
    %dma_wait3A_2049 = tpu.memref_squeeze %dma_wait3A_2048 : memref<1x80xi32, #tpu.memory_space<vmem>> -> memref<80xi32, #tpu.memory_space<vmem>>
    %dma_wait3A_2050 = arith.constant 0 : i32
    %dma_wait3A_2051 = arith.constant 0 : i32
    %dma_wait3A_2052 = tpu.memref_slice %arg2[%dma_wait3A_2050, %dma_wait3A_2051] : memref<100000x64xf32, #tpu.memory_space<hbm>> -> memref<100000x64xf32, #tpu.memory_space<hbm>>
    tpu.wait_indirect_dma semaphore(%arg10 : memref<!tpu.dma_semaphore, #tpu.memory_space<semaphore_mem>>) src(%dma_wait3A_2052 : memref<100000x64xf32, #tpu.memory_space<hbm>>) dst(%dma_wait3A_2046 : memref<80x64xf32, #tpu.memory_space<vmem>>)
    %dma_wait3A_2053 = arith.constant 1 : i32
    %dma_wait3A_2054 = arith.constant 1 : i32
    %dma_wait3A_2055 = arith.constant 80 : i32
    %dma_wait3A_2056 = arith.constant 0 : i32
    %dma_wait3A_2057 = tpu.memref_slice %arg7[%dma_wait3A_2054, %dma_wait3A_2055, %dma_wait3A_2056] : memref<2x800x64xf32, #tpu.memory_space<vmem>> -> memref<1x80x64xf32, #tpu.memory_space<vmem>>
    %dma_wait3A_2058 = tpu.memref_squeeze %dma_wait3A_2057 : memref<1x80x64xf32, #tpu.memory_space<vmem>> -> memref<80x64xf32, #tpu.memory_space<vmem>>
    %dma_wait3A_2059 = arith.constant 80 : i32
    %dma_wait3A_2060 = tpu.memref_slice %arg8[%dma_wait3A_2053, %dma_wait3A_2059] : memref<2x800xi32, #tpu.memory_space<vmem>> -> memref<1x80xi32, #tpu.memory_space<vmem>>
    %dma_wait3A_2061 = tpu.memref_squeeze %dma_wait3A_2060 : memref<1x80xi32, #tpu.memory_space<vmem>> -> memref<80xi32, #tpu.memory_space<vmem>>
    %dma_wait3A_2062 = arith.constant 0 : i32
    %dma_wait3A_2063 = arith.constant 0 : i32
    %dma_wait3A_2064 = tpu.memref_slice %arg2[%dma_wait3A_2062, %dma_wait3A_2063] : memref<100000x64xf32, #tpu.memory_space<hbm>> -> memref<100000x64xf32, #tpu.memory_space<hbm>>
    tpu.wait_indirect_dma semaphore(%arg10 : memref<!tpu.dma_semaphore, #tpu.memory_space<semaphore_mem>>) src(%dma_wait3A_2064 : memref<100000x64xf32, #tpu.memory_space<hbm>>) dst(%dma_wait3A_2058 : memref<80x64xf32, #tpu.memory_space<vmem>>)
    %dma_wait3A_2065 = arith.constant 1 : i32
    %dma_wait3A_2066 = arith.constant 1 : i32
    %dma_wait3A_2067 = arith.constant 160 : i32
    %dma_wait3A_2068 = arith.constant 0 : i32
    %dma_wait3A_2069 = tpu.memref_slice %arg7[%dma_wait3A_2066, %dma_wait3A_2067, %dma_wait3A_2068] : memref<2x800x64xf32, #tpu.memory_space<vmem>> -> memref<1x80x64xf32, #tpu.memory_space<vmem>>
    %dma_wait3A_2070 = tpu.memref_squeeze %dma_wait3A_2069 : memref<1x80x64xf32, #tpu.memory_space<vmem>> -> memref<80x64xf32, #tpu.memory_space<vmem>>
    %dma_wait3A_2071 = arith.constant 160 : i32
    %dma_wait3A_2072 = tpu.memref_slice %arg8[%dma_wait3A_2065, %dma_wait3A_2071] : memref<2x800xi32, #tpu.memory_space<vmem>> -> memref<1x80xi32, #tpu.memory_space<vmem>>
    %dma_wait3A_2073 = tpu.memref_squeeze %dma_wait3A_2072 : memref<1x80xi32, #tpu.memory_space<vmem>> -> memref<80xi32, #tpu.memory_space<vmem>>
    %dma_wait3A_2074 = arith.constant 0 : i32
    %dma_wait3A_2075 = arith.constant 0 : i32
    %dma_wait3A_2076 = tpu.memref_slice %arg2[%dma_wait3A_2074, %dma_wait3A_2075] : memref<100000x64xf32, #tpu.memory_space<hbm>> -> memref<100000x64xf32, #tpu.memory_space<hbm>>
    tpu.wait_indirect_dma semaphore(%arg10 : memref<!tpu.dma_semaphore, #tpu.memory_space<semaphore_mem>>) src(%dma_wait3A_2076 : memref<100000x64xf32, #tpu.memory_space<hbm>>) dst(%dma_wait3A_2070 : memref<80x64xf32, #tpu.memory_space<vmem>>)
    %dma_wait3A_2077 = arith.constant 1 : i32
    %dma_wait3A_2078 = arith.constant 1 : i32
    %dma_wait3A_2079 = arith.constant 240 : i32
    %dma_wait3A_2080 = arith.constant 0 : i32
    %dma_wait3A_2081 = tpu.memref_slice %arg7[%dma_wait3A_2078, %dma_wait3A_2079, %dma_wait3A_2080] : memref<2x800x64xf32, #tpu.memory_space<vmem>> -> memref<1x80x64xf32, #tpu.memory_space<vmem>>
    %dma_wait3A_2082 = tpu.memref_squeeze %dma_wait3A_2081 : memref<1x80x64xf32, #tpu.memory_space<vmem>> -> memref<80x64xf32, #tpu.memory_space<vmem>>
    %dma_wait3A_2083 = arith.constant 240 : i32
    %dma_wait3A_2084 = tpu.memref_slice %arg8[%dma_wait3A_2077, %dma_wait3A_2083] : memref<2x800xi32, #tpu.memory_space<vmem>> -> memref<1x80xi32, #tpu.memory_space<vmem>>
    %dma_wait3A_2085 = tpu.memref_squeeze %dma_wait3A_2084 : memref<1x80xi32, #tpu.memory_space<vmem>> -> memref<80xi32, #tpu.memory_space<vmem>>
    %dma_wait3A_2086 = arith.constant 0 : i32
    %dma_wait3A_2087 = arith.constant 0 : i32
    %dma_wait3A_2088 = tpu.memref_slice %arg2[%dma_wait3A_2086, %dma_wait3A_2087] : memref<100000x64xf32, #tpu.memory_space<hbm>> -> memref<100000x64xf32, #tpu.memory_space<hbm>>
    tpu.wait_indirect_dma semaphore(%arg10 : memref<!tpu.dma_semaphore, #tpu.memory_space<semaphore_mem>>) src(%dma_wait3A_2088 : memref<100000x64xf32, #tpu.memory_space<hbm>>) dst(%dma_wait3A_2082 : memref<80x64xf32, #tpu.memory_space<vmem>>)
    %dma_wait3A_2089 = arith.constant 1 : i32
    %dma_wait3A_2090 = arith.constant 1 : i32
    %dma_wait3A_2091 = arith.constant 320 : i32
    %dma_wait3A_2092 = arith.constant 0 : i32
    %dma_wait3A_2093 = tpu.memref_slice %arg7[%dma_wait3A_2090, %dma_wait3A_2091, %dma_wait3A_2092] : memref<2x800x64xf32, #tpu.memory_space<vmem>> -> memref<1x80x64xf32, #tpu.memory_space<vmem>>
    %dma_wait3A_2094 = tpu.memref_squeeze %dma_wait3A_2093 : memref<1x80x64xf32, #tpu.memory_space<vmem>> -> memref<80x64xf32, #tpu.memory_space<vmem>>
    %dma_wait3A_2095 = arith.constant 320 : i32
    %dma_wait3A_2096 = tpu.memref_slice %arg8[%dma_wait3A_2089, %dma_wait3A_2095] : memref<2x800xi32, #tpu.memory_space<vmem>> -> memref<1x80xi32, #tpu.memory_space<vmem>>
    %dma_wait3A_2097 = tpu.memref_squeeze %dma_wait3A_2096 : memref<1x80xi32, #tpu.memory_space<vmem>> -> memref<80xi32, #tpu.memory_space<vmem>>
    %dma_wait3A_2098 = arith.constant 0 : i32
    %dma_wait3A_2099 = arith.constant 0 : i32
    %dma_wait3A_2100 = tpu.memref_slice %arg2[%dma_wait3A_2098, %dma_wait3A_2099] : memref<100000x64xf32, #tpu.memory_space<hbm>> -> memref<100000x64xf32, #tpu.memory_space<hbm>>
    tpu.wait_indirect_dma semaphore(%arg10 : memref<!tpu.dma_semaphore, #tpu.memory_space<semaphore_mem>>) src(%dma_wait3A_2100 : memref<100000x64xf32, #tpu.memory_space<hbm>>) dst(%dma_wait3A_2094 : memref<80x64xf32, #tpu.memory_space<vmem>>)
    %dma_wait3A_2101 = arith.constant 1 : i32
    %dma_wait3A_2102 = arith.constant 1 : i32
    %dma_wait3A_2103 = arith.constant 400 : i32
    %dma_wait3A_2104 = arith.constant 0 : i32
    %dma_wait3A_2105 = tpu.memref_slice %arg7[%dma_wait3A_2102, %dma_wait3A_2103, %dma_wait3A_2104] : memref<2x800x64xf32, #tpu.memory_space<vmem>> -> memref<1x80x64xf32, #tpu.memory_space<vmem>>
    %dma_wait3A_2106 = tpu.memref_squeeze %dma_wait3A_2105 : memref<1x80x64xf32, #tpu.memory_space<vmem>> -> memref<80x64xf32, #tpu.memory_space<vmem>>
    %dma_wait3A_2107 = arith.constant 400 : i32
    %dma_wait3A_2108 = tpu.memref_slice %arg8[%dma_wait3A_2101, %dma_wait3A_2107] : memref<2x800xi32, #tpu.memory_space<vmem>> -> memref<1x80xi32, #tpu.memory_space<vmem>>
    %dma_wait3A_2109 = tpu.memref_squeeze %dma_wait3A_2108 : memref<1x80xi32, #tpu.memory_space<vmem>> -> memref<80xi32, #tpu.memory_space<vmem>>
    %dma_wait3A_2110 = arith.constant 0 : i32
    %dma_wait3A_2111 = arith.constant 0 : i32
    %dma_wait3A_2112 = tpu.memref_slice %arg2[%dma_wait3A_2110, %dma_wait3A_2111] : memref<100000x64xf32, #tpu.memory_space<hbm>> -> memref<100000x64xf32, #tpu.memory_space<hbm>>
    tpu.wait_indirect_dma semaphore(%arg10 : memref<!tpu.dma_semaphore, #tpu.memory_space<semaphore_mem>>) src(%dma_wait3A_2112 : memref<100000x64xf32, #tpu.memory_space<hbm>>) dst(%dma_wait3A_2106 : memref<80x64xf32, #tpu.memory_space<vmem>>)
    %dma_wait3A_2113 = arith.constant 1 : i32
    %dma_wait3A_2114 = arith.constant 1 : i32
    %dma_wait3A_2115 = arith.constant 480 : i32
    %dma_wait3A_2116 = arith.constant 0 : i32
    %dma_wait3A_2117 = tpu.memref_slice %arg7[%dma_wait3A_2114, %dma_wait3A_2115, %dma_wait3A_2116] : memref<2x800x64xf32, #tpu.memory_space<vmem>> -> memref<1x80x64xf32, #tpu.memory_space<vmem>>
    %dma_wait3A_2118 = tpu.memref_squeeze %dma_wait3A_2117 : memref<1x80x64xf32, #tpu.memory_space<vmem>> -> memref<80x64xf32, #tpu.memory_space<vmem>>
    %dma_wait3A_2119 = arith.constant 480 : i32
    %dma_wait3A_2120 = tpu.memref_slice %arg8[%dma_wait3A_2113, %dma_wait3A_2119] : memref<2x800xi32, #tpu.memory_space<vmem>> -> memref<1x80xi32, #tpu.memory_space<vmem>>
    %dma_wait3A_2121 = tpu.memref_squeeze %dma_wait3A_2120 : memref<1x80xi32, #tpu.memory_space<vmem>> -> memref<80xi32, #tpu.memory_space<vmem>>
    %dma_wait3A_2122 = arith.constant 0 : i32
    %dma_wait3A_2123 = arith.constant 0 : i32
    %dma_wait3A_2124 = tpu.memref_slice %arg2[%dma_wait3A_2122, %dma_wait3A_2123] : memref<100000x64xf32, #tpu.memory_space<hbm>> -> memref<100000x64xf32, #tpu.memory_space<hbm>>
    tpu.wait_indirect_dma semaphore(%arg10 : memref<!tpu.dma_semaphore, #tpu.memory_space<semaphore_mem>>) src(%dma_wait3A_2124 : memref<100000x64xf32, #tpu.memory_space<hbm>>) dst(%dma_wait3A_2118 : memref<80x64xf32, #tpu.memory_space<vmem>>)
    %dma_wait3A_2125 = arith.constant 1 : i32
    %dma_wait3A_2126 = arith.constant 1 : i32
    %dma_wait3A_2127 = arith.constant 560 : i32
    %dma_wait3A_2128 = arith.constant 0 : i32
    %dma_wait3A_2129 = tpu.memref_slice %arg7[%dma_wait3A_2126, %dma_wait3A_2127, %dma_wait3A_2128] : memref<2x800x64xf32, #tpu.memory_space<vmem>> -> memref<1x80x64xf32, #tpu.memory_space<vmem>>
    %dma_wait3A_2130 = tpu.memref_squeeze %dma_wait3A_2129 : memref<1x80x64xf32, #tpu.memory_space<vmem>> -> memref<80x64xf32, #tpu.memory_space<vmem>>
    %dma_wait3A_2131 = arith.constant 560 : i32
    %dma_wait3A_2132 = tpu.memref_slice %arg8[%dma_wait3A_2125, %dma_wait3A_2131] : memref<2x800xi32, #tpu.memory_space<vmem>> -> memref<1x80xi32, #tpu.memory_space<vmem>>
    %dma_wait3A_2133 = tpu.memref_squeeze %dma_wait3A_2132 : memref<1x80xi32, #tpu.memory_space<vmem>> -> memref<80xi32, #tpu.memory_space<vmem>>
    %dma_wait3A_2134 = arith.constant 0 : i32
    %dma_wait3A_2135 = arith.constant 0 : i32
    %dma_wait3A_2136 = tpu.memref_slice %arg2[%dma_wait3A_2134, %dma_wait3A_2135] : memref<100000x64xf32, #tpu.memory_space<hbm>> -> memref<100000x64xf32, #tpu.memory_space<hbm>>
    tpu.wait_indirect_dma semaphore(%arg10 : memref<!tpu.dma_semaphore, #tpu.memory_space<semaphore_mem>>) src(%dma_wait3A_2136 : memref<100000x64xf32, #tpu.memory_space<hbm>>) dst(%dma_wait3A_2130 : memref<80x64xf32, #tpu.memory_space<vmem>>)
    %dma_wait3A_2137 = arith.constant 1 : i32
    %dma_wait3A_2138 = arith.constant 1 : i32
    %dma_wait3A_2139 = arith.constant 640 : i32
    %dma_wait3A_2140 = arith.constant 0 : i32
    %dma_wait3A_2141 = tpu.memref_slice %arg7[%dma_wait3A_2138, %dma_wait3A_2139, %dma_wait3A_2140] : memref<2x800x64xf32, #tpu.memory_space<vmem>> -> memref<1x80x64xf32, #tpu.memory_space<vmem>>
    %dma_wait3A_2142 = tpu.memref_squeeze %dma_wait3A_2141 : memref<1x80x64xf32, #tpu.memory_space<vmem>> -> memref<80x64xf32, #tpu.memory_space<vmem>>
    %dma_wait3A_2143 = arith.constant 640 : i32
    %dma_wait3A_2144 = tpu.memref_slice %arg8[%dma_wait3A_2137, %dma_wait3A_2143] : memref<2x800xi32, #tpu.memory_space<vmem>> -> memref<1x80xi32, #tpu.memory_space<vmem>>
    %dma_wait3A_2145 = tpu.memref_squeeze %dma_wait3A_2144 : memref<1x80xi32, #tpu.memory_space<vmem>> -> memref<80xi32, #tpu.memory_space<vmem>>
    %dma_wait3A_2146 = arith.constant 0 : i32
    %dma_wait3A_2147 = arith.constant 0 : i32
    %dma_wait3A_2148 = tpu.memref_slice %arg2[%dma_wait3A_2146, %dma_wait3A_2147] : memref<100000x64xf32, #tpu.memory_space<hbm>> -> memref<100000x64xf32, #tpu.memory_space<hbm>>
    tpu.wait_indirect_dma semaphore(%arg10 : memref<!tpu.dma_semaphore, #tpu.memory_space<semaphore_mem>>) src(%dma_wait3A_2148 : memref<100000x64xf32, #tpu.memory_space<hbm>>) dst(%dma_wait3A_2142 : memref<80x64xf32, #tpu.memory_space<vmem>>)
    %dma_wait3A_2149 = arith.constant 1 : i32
    %dma_wait3A_2150 = arith.constant 1 : i32
    %dma_wait3A_2151 = arith.constant 720 : i32
    %dma_wait3A_2152 = arith.constant 0 : i32
    %dma_wait3A_2153 = tpu.memref_slice %arg7[%dma_wait3A_2150, %dma_wait3A_2151, %dma_wait3A_2152] : memref<2x800x64xf32, #tpu.memory_space<vmem>> -> memref<1x80x64xf32, #tpu.memory_space<vmem>>
    %dma_wait3A_2154 = tpu.memref_squeeze %dma_wait3A_2153 : memref<1x80x64xf32, #tpu.memory_space<vmem>> -> memref<80x64xf32, #tpu.memory_space<vmem>>
    %dma_wait3A_2155 = arith.constant 720 : i32
    %dma_wait3A_2156 = tpu.memref_slice %arg8[%dma_wait3A_2149, %dma_wait3A_2155] : memref<2x800xi32, #tpu.memory_space<vmem>> -> memref<1x80xi32, #tpu.memory_space<vmem>>
    %dma_wait3A_2157 = tpu.memref_squeeze %dma_wait3A_2156 : memref<1x80xi32, #tpu.memory_space<vmem>> -> memref<80xi32, #tpu.memory_space<vmem>>
    %dma_wait3A_2158 = arith.constant 0 : i32
    %dma_wait3A_2159 = arith.constant 0 : i32
    %dma_wait3A_2160 = tpu.memref_slice %arg2[%dma_wait3A_2158, %dma_wait3A_2159] : memref<100000x64xf32, #tpu.memory_space<hbm>> -> memref<100000x64xf32, #tpu.memory_space<hbm>>
    tpu.wait_indirect_dma semaphore(%arg10 : memref<!tpu.dma_semaphore, #tpu.memory_space<semaphore_mem>>) src(%dma_wait3A_2160 : memref<100000x64xf32, #tpu.memory_space<hbm>>) dst(%dma_wait3A_2154 : memref<80x64xf32, #tpu.memory_space<vmem>>)
    %scan3A_2161 = arith.constant 0 : i32
    %scan3A_2162 = arith.constant 200 : i32
    %scan3A_2163 = arith.addi %scan3A_2161, %scan3A_2162 : i32
    %scan3A_2164 = arith.constant 1 : i32
    scf.for %scan3A_2207 = %scan3A_2161 to %scan3A_2163 step %scan3A_2164  : i32 {
      %mul3A_2208 = arith.constant 1 : i32
      %mul3A_2209 = arith.muli %scan3A_2207, %mul3A_2208 : i32
      %add3A_2210 = arith.constant 0 : i32
      %add3A_2211 = arith.addi %add3A_2210, %mul3A_2209 : i32
      %add3A_2212 = arith.constant 1 : i32
      %add3A_2213 = arith.addi %add3A_2211, %add3A_2212 : i32
      %get3A = arith.index_cast %add3A_2213 : i32 to index
      %get3A_2214 = arith.constant 0 : index
      %get3A_2215 = tpu.vector_load %arg6[%get3A, %get3A_2214] {strides = array<i32>} : memref<256x64xf32, #tpu.memory_space<vmem>>, vector<16xf32>,
      %add3A_2216 = arith.constant 1 : i32
      %add3A_2217 = arith.addi %add3A_2211, %add3A_2216 : i32
      %get3A_2218 = arith.index_cast %add3A_2217 : i32 to index
      %get3A_2219 = arith.constant 16 : index
      %get3A_2220 = tpu.vector_load %arg6[%get3A_2218, %get3A_2219] {strides = array<i32>} : memref<256x64xf32, #tpu.memory_space<vmem>>, vector<16xf32>,
      %add3A_2221 = arith.constant 1 : i32
      %add3A_2222 = arith.addi %add3A_2211, %add3A_2221 : i32
      %get3A_2223 = arith.index_cast %add3A_2222 : i32 to index
      %get3A_2224 = arith.constant 32 : index
      %get3A_2225 = tpu.vector_load %arg6[%get3A_2223, %get3A_2224] {strides = array<i32>} : memref<256x64xf32, #tpu.memory_space<vmem>>, vector<16xf32>,
      %add3A_2226 = arith.constant 1 : i32
      %add3A_2227 = arith.addi %add3A_2211, %add3A_2226 : i32
      %get3A_2228 = arith.index_cast %add3A_2227 : i32 to index
      %get3A_2229 = arith.constant 48 : index
      %get3A_2230 = tpu.vector_load %arg6[%get3A_2228, %get3A_2229] {strides = array<i32>} : memref<256x64xf32, #tpu.memory_space<vmem>>, vector<16xf32>,
      %add3A_2231 = arith.constant 0 : i32
      %add3A_2232 = arith.addi %add3A_2231, %add3A_2211 : i32
      %swap3A = arith.constant 1 : i32
      %swap3A_2233 = arith.index_cast %swap3A : i32 to index
      %swap3A_2234 = arith.index_cast %add3A_2232 : i32 to index
      %swap3A_2235 = arith.constant 0 : index
      %swap3A_2236 = tpu.vector_load %arg7[%swap3A_2233, %swap3A_2234, %swap3A_2235] {strides = array<i32>} : memref<2x800x64xf32, #tpu.memory_space<vmem>>, vector<16xf32>,
      tpu.vector_store %arg7[%swap3A_2233, %swap3A_2234, %swap3A_2235], %get3A_2215 {add = true, strides = array<i32>} : memref<2x800x64xf32, #tpu.memory_space<vmem>>, vector<16xf32>,
      %add3A_2237 = arith.constant 0 : i32
      %add3A_2238 = arith.addi %add3A_2237, %add3A_2211 : i32
      %swap3A_2239 = arith.constant 1 : i32
      %swap3A_2240 = arith.index_cast %swap3A_2239 : i32 to index
      %swap3A_2241 = arith.index_cast %add3A_2238 : i32 to index
      %swap3A_2242 = arith.constant 16 : index
      %swap3A_2243 = tpu.vector_load %arg7[%swap3A_2240, %swap3A_2241, %swap3A_2242] {strides = array<i32>} : memref<2x800x64xf32, #tpu.memory_space<vmem>>, vector<16xf32>,
      tpu.vector_store %arg7[%swap3A_2240, %swap3A_2241, %swap3A_2242], %get3A_2220 {add = true, strides = array<i32>} : memref<2x800x64xf32, #tpu.memory_space<vmem>>, vector<16xf32>,
      %add3A_2244 = arith.constant 0 : i32
      %add3A_2245 = arith.addi %add3A_2244, %add3A_2211 : i32
      %swap3A_2246 = arith.constant 1 : i32
      %swap3A_2247 = arith.index_cast %swap3A_2246 : i32 to index
      %swap3A_2248 = arith.index_cast %add3A_2245 : i32 to index
      %swap3A_2249 = arith.constant 32 : index
      %swap3A_2250 = tpu.vector_load %arg7[%swap3A_2247, %swap3A_2248, %swap3A_2249] {strides = array<i32>} : memref<2x800x64xf32, #tpu.memory_space<vmem>>, vector<16xf32>,
      tpu.vector_store %arg7[%swap3A_2247, %swap3A_2248, %swap3A_2249], %get3A_2225 {add = true, strides = array<i32>} : memref<2x800x64xf32, #tpu.memory_space<vmem>>, vector<16xf32>,
      %add3A_2251 = arith.constant 0 : i32
      %add3A_2252 = arith.addi %add3A_2251, %add3A_2211 : i32
      %swap3A_2253 = arith.constant 1 : i32
      %swap3A_2254 = arith.index_cast %swap3A_2253 : i32 to index
      %swap3A_2255 = arith.index_cast %add3A_2252 : i32 to index
      %swap3A_2256 = arith.constant 48 : index
      %swap3A_2257 = tpu.vector_load %arg7[%swap3A_2254, %swap3A_2255, %swap3A_2256] {strides = array<i32>} : memref<2x800x64xf32, #tpu.memory_space<vmem>>, vector<16xf32>,
      tpu.vector_store %arg7[%swap3A_2254, %swap3A_2255, %swap3A_2256], %get3A_2230 {add = true, strides = array<i32>} : memref<2x800x64xf32, #tpu.memory_space<vmem>>, vector<16xf32>,
      %add3A_2258 = arith.constant 200 : i32
      %add3A_2259 = arith.addi %add3A_2258, %add3A_2211 : i32
      %swap3A_2260 = arith.constant 1 : i32
      %swap3A_2261 = arith.index_cast %swap3A_2260 : i32 to index
      %swap3A_2262 = arith.index_cast %add3A_2259 : i32 to index
      %swap3A_2263 = arith.constant 0 : index
      %swap3A_2264 = tpu.vector_load %arg7[%swap3A_2261, %swap3A_2262, %swap3A_2263] {strides = array<i32>} : memref<2x800x64xf32, #tpu.memory_space<vmem>>, vector<16xf32>,
      tpu.vector_store %arg7[%swap3A_2261, %swap3A_2262, %swap3A_2263], %get3A_2215 {add = true, strides = array<i32>} : memref<2x800x64xf32, #tpu.memory_space<vmem>>, vector<16xf32>,
      %add3A_2265 = arith.constant 200 : i32
      %add3A_2266 = arith.addi %add3A_2265, %add3A_2211 : i32
      %swap3A_2267 = arith.constant 1 : i32
      %swap3A_2268 = arith.index_cast %swap3A_2267 : i32 to index
      %swap3A_2269 = arith.index_cast %add3A_2266 : i32 to index
      %swap3A_2270 = arith.constant 16 : index
      %swap3A_2271 = tpu.vector_load %arg7[%swap3A_2268, %swap3A_2269, %swap3A_2270] {strides = array<i32>} : memref<2x800x64xf32, #tpu.memory_space<vmem>>, vector<16xf32>,
      tpu.vector_store %arg7[%swap3A_2268, %swap3A_2269, %swap3A_2270], %get3A_2220 {add = true, strides = array<i32>} : memref<2x800x64xf32, #tpu.memory_space<vmem>>, vector<16xf32>,
      %add3A_2272 = arith.constant 200 : i32
      %add3A_2273 = arith.addi %add3A_2272, %add3A_2211 : i32
      %swap3A_2274 = arith.constant 1 : i32
      %swap3A_2275 = arith.index_cast %swap3A_2274 : i32 to index
      %swap3A_2276 = arith.index_cast %add3A_2273 : i32 to index
      %swap3A_2277 = arith.constant 32 : index
      %swap3A_2278 = tpu.vector_load %arg7[%swap3A_2275, %swap3A_2276, %swap3A_2277] {strides = array<i32>} : memref<2x800x64xf32, #tpu.memory_space<vmem>>, vector<16xf32>,
      tpu.vector_store %arg7[%swap3A_2275, %swap3A_2276, %swap3A_2277], %get3A_2225 {add = true, strides = array<i32>} : memref<2x800x64xf32, #tpu.memory_space<vmem>>, vector<16xf32>,
      %add3A_2279 = arith.constant 200 : i32
      %add3A_2280 = arith.addi %add3A_2279, %add3A_2211 : i32
      %swap3A_2281 = arith.constant 1 : i32
      %swap3A_2282 = arith.index_cast %swap3A_2281 : i32 to index
      %swap3A_2283 = arith.index_cast %add3A_2280 : i32 to index
      %swap3A_2284 = arith.constant 48 : index
      %swap3A_2285 = tpu.vector_load %arg7[%swap3A_2282, %swap3A_2283, %swap3A_2284] {strides = array<i32>} : memref<2x800x64xf32, #tpu.memory_space<vmem>>, vector<16xf32>,
      tpu.vector_store %arg7[%swap3A_2282, %swap3A_2283, %swap3A_2284], %get3A_2230 {add = true, strides = array<i32>} : memref<2x800x64xf32, #tpu.memory_space<vmem>>, vector<16xf32>,
      %add3A_2286 = arith.constant 400 : i32
      %add3A_2287 = arith.addi %add3A_2286, %add3A_2211 : i32
      %swap3A_2288 = arith.constant 1 : i32
      %swap3A_2289 = arith.index_cast %swap3A_2288 : i32 to index
      %swap3A_2290 = arith.index_cast %add3A_2287 : i32 to index
      %swap3A_2291 = arith.constant 0 : index
      %swap3A_2292 = tpu.vector_load %arg7[%swap3A_2289, %swap3A_2290, %swap3A_2291] {strides = array<i32>} : memref<2x800x64xf32, #tpu.memory_space<vmem>>, vector<16xf32>,
      tpu.vector_store %arg7[%swap3A_2289, %swap3A_2290, %swap3A_2291], %get3A_2215 {add = true, strides = array<i32>} : memref<2x800x64xf32, #tpu.memory_space<vmem>>, vector<16xf32>,
      %add3A_2293 = arith.constant 400 : i32
      %add3A_2294 = arith.addi %add3A_2293, %add3A_2211 : i32
      %swap3A_2295 = arith.constant 1 : i32
      %swap3A_2296 = arith.index_cast %swap3A_2295 : i32 to index
      %swap3A_2297 = arith.index_cast %add3A_2294 : i32 to index
      %swap3A_2298 = arith.constant 16 : index
      %swap3A_2299 = tpu.vector_load %arg7[%swap3A_2296, %swap3A_2297, %swap3A_2298] {strides = array<i32>} : memref<2x800x64xf32, #tpu.memory_space<vmem>>, vector<16xf32>,
      tpu.vector_store %arg7[%swap3A_2296, %swap3A_2297, %swap3A_2298], %get3A_2220 {add = true, strides = array<i32>} : memref<2x800x64xf32, #tpu.memory_space<vmem>>, vector<16xf32>,
      %add3A_2300 = arith.constant 400 : i32
      %add3A_2301 = arith.addi %add3A_2300, %add3A_2211 : i32
      %swap3A_2302 = arith.constant 1 : i32
      %swap3A_2303 = arith.index_cast %swap3A_2302 : i32 to index
      %swap3A_2304 = arith.index_cast %add3A_2301 : i32 to index
      %swap3A_2305 = arith.constant 32 : index
      %swap3A_2306 = tpu.vector_load %arg7[%swap3A_2303, %swap3A_2304, %swap3A_2305] {strides = array<i32>} : memref<2x800x64xf32, #tpu.memory_space<vmem>>, vector<16xf32>,
      tpu.vector_store %arg7[%swap3A_2303, %swap3A_2304, %swap3A_2305], %get3A_2225 {add = true, strides = array<i32>} : memref<2x800x64xf32, #tpu.memory_space<vmem>>, vector<16xf32>,
      %add3A_2307 = arith.constant 400 : i32
      %add3A_2308 = arith.addi %add3A_2307, %add3A_2211 : i32
      %swap3A_2309 = arith.constant 1 : i32
      %swap3A_2310 = arith.index_cast %swap3A_2309 : i32 to index
      %swap3A_2311 = arith.index_cast %add3A_2308 : i32 to index
      %swap3A_2312 = arith.constant 48 : index
      %swap3A_2313 = tpu.vector_load %arg7[%swap3A_2310, %swap3A_2311, %swap3A_2312] {strides = array<i32>} : memref<2x800x64xf32, #tpu.memory_space<vmem>>, vector<16xf32>,
      tpu.vector_store %arg7[%swap3A_2310, %swap3A_2311, %swap3A_2312], %get3A_2230 {add = true, strides = array<i32>} : memref<2x800x64xf32, #tpu.memory_space<vmem>>, vector<16xf32>,
      %add3A_2314 = arith.constant 600 : i32
      %add3A_2315 = arith.addi %add3A_2314, %add3A_2211 : i32
      %swap3A_2316 = arith.constant 1 : i32
      %swap3A_2317 = arith.index_cast %swap3A_2316 : i32 to index
      %swap3A_2318 = arith.index_cast %add3A_2315 : i32 to index
      %swap3A_2319 = arith.constant 0 : index
      %swap3A_2320 = tpu.vector_load %arg7[%swap3A_2317, %swap3A_2318, %swap3A_2319] {strides = array<i32>} : memref<2x800x64xf32, #tpu.memory_space<vmem>>, vector<16xf32>,
      tpu.vector_store %arg7[%swap3A_2317, %swap3A_2318, %swap3A_2319], %get3A_2215 {add = true, strides = array<i32>} : memref<2x800x64xf32, #tpu.memory_space<vmem>>, vector<16xf32>,
      %add3A_2321 = arith.constant 600 : i32
      %add3A_2322 = arith.addi %add3A_2321, %add3A_2211 : i32
      %swap3A_2323 = arith.constant 1 : i32
      %swap3A_2324 = arith.index_cast %swap3A_2323 : i32 to index
      %swap3A_2325 = arith.index_cast %add3A_2322 : i32 to index
      %swap3A_2326 = arith.constant 16 : index
      %swap3A_2327 = tpu.vector_load %arg7[%swap3A_2324, %swap3A_2325, %swap3A_2326] {strides = array<i32>} : memref<2x800x64xf32, #tpu.memory_space<vmem>>, vector<16xf32>,
      tpu.vector_store %arg7[%swap3A_2324, %swap3A_2325, %swap3A_2326], %get3A_2220 {add = true, strides = array<i32>} : memref<2x800x64xf32, #tpu.memory_space<vmem>>, vector<16xf32>,
      %add3A_2328 = arith.constant 600 : i32
      %add3A_2329 = arith.addi %add3A_2328, %add3A_2211 : i32
      %swap3A_2330 = arith.constant 1 : i32
      %swap3A_2331 = arith.index_cast %swap3A_2330 : i32 to index
      %swap3A_2332 = arith.index_cast %add3A_2329 : i32 to index
      %swap3A_2333 = arith.constant 32 : index
      %swap3A_2334 = tpu.vector_load %arg7[%swap3A_2331, %swap3A_2332, %swap3A_2333] {strides = array<i32>} : memref<2x800x64xf32, #tpu.memory_space<vmem>>, vector<16xf32>,
      tpu.vector_store %arg7[%swap3A_2331, %swap3A_2332, %swap3A_2333], %get3A_2225 {add = true, strides = array<i32>} : memref<2x800x64xf32, #tpu.memory_space<vmem>>, vector<16xf32>,
      %add3A_2335 = arith.constant 600 : i32
      %add3A_2336 = arith.addi %add3A_2335, %add3A_2211 : i32
      %swap3A_2337 = arith.constant 1 : i32
      %swap3A_2338 = arith.index_cast %swap3A_2337 : i32 to index
      %swap3A_2339 = arith.index_cast %add3A_2336 : i32 to index
      %swap3A_2340 = arith.constant 48 : index
      %swap3A_2341 = tpu.vector_load %arg7[%swap3A_2338, %swap3A_2339, %swap3A_2340] {strides = array<i32>} : memref<2x800x64xf32, #tpu.memory_space<vmem>>, vector<16xf32>,
      tpu.vector_store %arg7[%swap3A_2338, %swap3A_2339, %swap3A_2340], %get3A_2230 {add = true, strides = array<i32>} : memref<2x800x64xf32, #tpu.memory_space<vmem>>, vector<16xf32>,
    }
    %scan3A_2165 = arith.constant 200 : i32
    %add3A_2166 = arith.constant 5600 : i32
    %add3A_2167 = arith.addi %mul3A_2, %add3A_2166 : i32
    %dma_start3A_2168 = arith.constant 1 : i32
    %dma_start3A_2169 = arith.constant 0 : i32
    %dma_start3A_2170 = arith.constant 0 : i32
    %dma_start3A_2171 = tpu.memref_slice %arg7[%dma_start3A_2168, %dma_start3A_2169, %dma_start3A_2170] : memref<2x800x64xf32, #tpu.memory_space<vmem>> -> memref<1x800x64xf32, #tpu.memory_space<vmem>>
    %dma_start3A_2172 = tpu.memref_squeeze %dma_start3A_2171 : memref<1x800x64xf32, #tpu.memory_space<vmem>> -> memref<800x64xf32, #tpu.memory_space<vmem>>
    %dma_start3A_2173 = arith.constant 0 : i32
    %dma_start3A_2174 = tpu.memref_slice %arg5[%add3A_2167, %dma_start3A_2173] : memref<204800x64xf32, #tpu.memory_space<hbm>> -> memref<800x64xf32, #tpu.memory_space<hbm>>
    %dma_start3A_2175 = arith.constant 0 : i32
    %dma_start3A_2176 = tpu.memref_slice %arg5[%add3A_2167, %dma_start3A_2175] : memref<204800x64xf32, #tpu.memory_space<hbm>> -> memref<800x64xf32, #tpu.memory_space<hbm>>
    %dma_start3A_2177 = arith.constant 0 : i32
    %dma_start3A_2178 = arith.constant 0 : i32
    %dma_start3A_2179 = tpu.memref_slice %arg7[%dma_start3A_2168, %dma_start3A_2177, %dma_start3A_2178] : memref<2x800x64xf32, #tpu.memory_space<vmem>> -> memref<1x800x64xf32, #tpu.memory_space<vmem>>
    %dma_start3A_2180 = tpu.memref_squeeze %dma_start3A_2179 : memref<1x800x64xf32, #tpu.memory_space<vmem>> -> memref<800x64xf32, #tpu.memory_space<vmem>>
    tpu.enqueue_dma source(%dma_start3A_2180 : memref<800x64xf32, #tpu.memory_space<vmem>>) target(%dma_start3A_2176 : memref<800x64xf32, #tpu.memory_space<hbm>>) target_semaphore(%arg11 : memref<!tpu.dma_semaphore, #tpu.memory_space<semaphore_mem>>)
    %dma_wait3A_2181 = arith.constant 0 : i32
    %dma_wait3A_2182 = arith.constant 0 : i32
    %dma_wait3A_2183 = arith.constant 0 : i32
    %dma_wait3A_2184 = tpu.memref_slice %arg7[%dma_wait3A_2181, %dma_wait3A_2182, %dma_wait3A_2183] : memref<2x800x64xf32, #tpu.memory_space<vmem>> -> memref<1x800x64xf32, #tpu.memory_space<vmem>>
    %dma_wait3A_2185 = tpu.memref_squeeze %dma_wait3A_2184 : memref<1x800x64xf32, #tpu.memory_space<vmem>> -> memref<800x64xf32, #tpu.memory_space<vmem>>
    %dma_wait3A_2186 = arith.constant 0 : i32
    %dma_wait3A_2187 = tpu.memref_slice %arg5[%add3A_2027, %dma_wait3A_2186] : memref<204800x64xf32, #tpu.memory_space<hbm>> -> memref<800x64xf32, #tpu.memory_space<hbm>>
    %dma_wait3A_2188 = arith.constant 0 : i32
    %dma_wait3A_2189 = tpu.memref_slice %arg5[%add3A_2027, %dma_wait3A_2188] : memref<204800x64xf32, #tpu.memory_space<hbm>> -> memref<800x64xf32, #tpu.memory_space<hbm>>
    %dma_wait3A_2190 = arith.constant 0 : i32
    %dma_wait3A_2191 = arith.constant 0 : i32
    %dma_wait3A_2192 = tpu.memref_slice %arg7[%dma_wait3A_2181, %dma_wait3A_2190, %dma_wait3A_2191] : memref<2x800x64xf32, #tpu.memory_space<vmem>> -> memref<1x800x64xf32, #tpu.memory_space<vmem>>
    %dma_wait3A_2193 = tpu.memref_squeeze %dma_wait3A_2192 : memref<1x800x64xf32, #tpu.memory_space<vmem>> -> memref<800x64xf32, #tpu.memory_space<vmem>>
    tpu.wait_dma2 semaphore(%arg11 : memref<!tpu.dma_semaphore, #tpu.memory_space<semaphore_mem>>) src(%dma_wait3A_2193 : memref<800x64xf32, #tpu.memory_space<vmem>>) dst(%dma_wait3A_2189 : memref<800x64xf32, #tpu.memory_space<hbm>>)
    %dma_wait3A_2194 = arith.constant 1 : i32
    %dma_wait3A_2195 = arith.constant 0 : i32
    %dma_wait3A_2196 = arith.constant 0 : i32
    %dma_wait3A_2197 = tpu.memref_slice %arg7[%dma_wait3A_2194, %dma_wait3A_2195, %dma_wait3A_2196] : memref<2x800x64xf32, #tpu.memory_space<vmem>> -> memref<1x800x64xf32, #tpu.memory_space<vmem>>
    %dma_wait3A_2198 = tpu.memref_squeeze %dma_wait3A_2197 : memref<1x800x64xf32, #tpu.memory_space<vmem>> -> memref<800x64xf32, #tpu.memory_space<vmem>>
    %dma_wait3A_2199 = arith.constant 0 : i32
    %dma_wait3A_2200 = tpu.memref_slice %arg5[%add3A_2167, %dma_wait3A_2199] : memref<204800x64xf32, #tpu.memory_space<hbm>> -> memref<800x64xf32, #tpu.memory_space<hbm>>
    %dma_wait3A_2201 = arith.constant 0 : i32
    %dma_wait3A_2202 = tpu.memref_slice %arg5[%add3A_2167, %dma_wait3A_2201] : memref<204800x64xf32, #tpu.memory_space<hbm>> -> memref<800x64xf32, #tpu.memory_space<hbm>>
    %dma_wait3A_2203 = arith.constant 0 : i32
    %dma_wait3A_2204 = arith.constant 0 : i32
    %dma_wait3A_2205 = tpu.memref_slice %arg7[%dma_wait3A_2194, %dma_wait3A_2203, %dma_wait3A_2204] : memref<2x800x64xf32, #tpu.memory_space<vmem>> -> memref<1x800x64xf32, #tpu.memory_space<vmem>>
    %dma_wait3A_2206 = tpu.memref_squeeze %dma_wait3A_2205 : memref<1x800x64xf32, #tpu.memory_space<vmem>> -> memref<800x64xf32, #tpu.memory_space<vmem>>
    tpu.wait_dma2 semaphore(%arg11 : memref<!tpu.dma_semaphore, #tpu.memory_space<semaphore_mem>>) src(%dma_wait3A_2206 : memref<800x64xf32, #tpu.memory_space<vmem>>) dst(%dma_wait3A_2202 : memref<800x64xf32, #tpu.memory_space<hbm>>)
    return
  }
}

</mosaic_0001>

<sc_bundles>
// kernel: kernel.3.cloned.1.call-start
scs
__scs_entry_jumppad:
0x0: {  	(pc) =	sbr.rel $0x88, $3  }
0x1: {  	(tag) =	ssettag $0x0;
	lr =	simm.s32 $0x1  }
0x2: {  	[smem:$0x3F9E] =	sst lr;
	_ =	strace $0xD0000000  }
0x3: {  	_ = 	snop  }
0x4: {  	_ = 	snop  }
0x5: {  	_ = 	snop  }
0x6: {  	_ = 	snop  }
0x7: {  	_ = 	snop  }
__scs_overlays_trampoline_lowered:
0x8: {  	[smem:$0x3FAD] =	sst s0  }
0x9: {  	[smem:$0x3FAE] =	sst s1  }
0xa: {  	[smem:$0x3FAF] =	sst s2  }
0xb: {  	[smem:$0x3FB0] =	sst s3  }
0xc: {  	[smem:$0x3FB1] =	sst s4  }
0xd: {  	[smem:$0x3FB2] =	sst s5  }
0xe: {  	[smem:$0x3FB3] =	sst s6  }
0xf: {  	[smem:$0x3FB4] =	sst s7  }
0x10: {  	[smem:$0x3FB5] =	sst s8  }
0x11: {  	[smem:$0x3FB6] =	sst s9;
	s0 =	simm.s32 @!p0 $0x0  }
0x12: {  	s1 =	sld [smem:$0x3F9C];
	s0 =	simm.s32 @p0 $0x1  }
0x13: {  	[smem:$0x3FB7] =	sst s0;
	s0 =	simm.s32 @!p1 $0x0  }
0x14: {  	s2 =	sld [smem:$0x3F9B];
	s0 =	simm.s32 @p1 $0x1  }
0x15: {  	[smem:$0x3FB8] =	sst s0;
	s0 =	simm.s32 @!p2 $0x0  }
0x16: {  	s3 =	sld [smem:$0x3FDB];
	s0 =	simm.s32 @p2 $0x1  }
0x17: {  	s4 =	simm.s32 $0x1BF5;
	[smem:$0x3FBA] =	sst s0  }
0x18: {  	s0 =	sld [smem:$0x3F9D];
	_ =	swait.ge [sflag:s4], $0x0  }
0x19: {  	s7 =	sld [smem:$0x3F9E]  }
0x1a: {  	s8 =	sadd.s32 $0xFFFFE003, lr  }
0x1b: {  	s9 =	sadd.s32 $0xFFFFFEF7, lr;
	s5 =	simm.s32 $0xFFFFFFFF;
	p2 =	slt.u32 s8, $0xFFFFF086  }
0x1c: {  	p1 =	slt.u32 s9, $0xF7A;
	s5 =	simm.s32 @!p2 $0x0  }
0x1d: {  	s5 =	simm.s32 @p1 $0x1;
	p0 =	seq.s32 s7, s2  }
0x1e: {  	s7 =	smul.u32 @!p0 $0xF7A, s2;
	p2 =	seq.s32 @!p0 s5, $0x0  }
0x1f: {  	s9 =	smul.u32 $0xF7A, s1;
	s8 =	simm.s32 @!p0 $0x1BF5;
	p2 =	por !p2, p0  }
0x20: {  	[sflag:s8] =	ssyncset.s32 @!p0 $0xFFFFF086;
	s6 =	sadd.s32 @!p0 s3, s7;
	s7 =	simm.s32 @!p0 $0x108  }
0x21: {  	s3 =	sadd.s32 s3, s9;
	s6 =	sadd.s32 @!p0 $0x88, s6;
	s7 =	simm.s32 @p2 $0x1082  }
0x22: {  	[simem:s7], [sflag:s8] =	dma.local @!p0 [hbm:s6], $0xF7A  }
0x23: {  	s9 =	sor.u32 $0xD0000000, s2;
	s6 =	simm.s32 $0x108;
	_ =	swait.ge @!p0 [sflag:s8], $0x0  }
0x24: {  	s3 =	sadd.s32 $0x88, s3;
	s6 =	simm.s32 @!p1 $0x1082;
	[sflag:s4] =	ssyncset.s32 $0xFFFFF086  }
0x25: {  	[simem:s6], [sflag:s4] =	dma.local [hbm:s3], $0xF7A  }
0x26: {  	[smem:$0x3F9E] =	sst s1;
	(tag) =	ssettag s2;
	_ =	strace s9  }
0x27: {  	s1 =	sld [smem:$0x3FAE]  }
0x28: {  	s2 =	sld [smem:$0x3FAF]  }
0x29: {  	s4 =	sld [smem:$0x3FB1]  }
0x2a: {  	p0 =	seq.s32 s5, $0x0;
	s5 =	sld [smem:$0x3FB2]  }
0x2b: {  	s6 =	sld [smem:$0x3FB3]  }
0x2c: {  	s7 =	sld [smem:$0x3FB4]  }
0x2d: {  	s3 =	simm.s32 $0x108;
	s8 =	sld [smem:$0x3FB5]  }
0x2e: {  	s3 =	simm.s32 @!p0 $0x1082;
	s9 =	sld [smem:$0x3FB6]  }
0x2f: {  	lr =	sadd.s32 s0, s3;
	s0 =	sld [smem:$0x3FAD]  }
0x30: {  	s3 =	sld [smem:$0x3FB0]  }
0x31: {  	[smem:$0x3FB9] =	sst s10  }
0x32: {  	s10 =	sld [smem:$0x3FB7];
	_ =	sdelay $0x3  }
0x33: {  	p0 =	seq.s32 s10, $0x1;
	s10 =	sld [smem:$0x3FB9];
	_ =	sdelay $0x3  }
0x34: {  	[smem:$0x3FB9] =	sst s10  }
0x35: {  	s10 =	sld [smem:$0x3FB8];
	_ =	sdelay $0x3  }
0x36: {  	p1 =	seq.s32 s10, $0x1;
	s10 =	sld [smem:$0x3FB9];
	_ =	sdelay $0x3  }
0x37: {  	[smem:$0x3FB9] =	sst s10  }
0x38: {  	s10 =	sld [smem:$0x3FBA]  }
0x39: {  	_ = 	snop;
	(pc) =	sbr.ind lr, $3  }
0x3a: {  	_ = 	snop  }
0x3b: {  	_ = 	snop  }
0x3c: {  	p2 =	seq.s32 s10, $0x1;
	s10 =	sld [smem:$0x3FB9]  }
0x3d: {  	_ =	shalt  }
0x3e: {  	_ =	shalt  }
0x3f: {  	_ =	shalt  }
0x40: {  	_ =	shalt  }
0x41: {  	_ =	shalt  }
0x42: {  	_ =	shalt  }
0x43: {  	_ =	shalt  }
0x44: {  	_ =	shalt  }
0x45: {  	_ =	shalt  }
0x46: {  	_ =	shalt  }
0x47: {  	_ =	shalt  }
0x48: {  	_ =	shalt  }
0x49: {  	_ =	shalt  }
0x4a: {  	_ =	shalt  }
0x4b: {  	_ =	shalt  }
0x4c: {  	_ =	shalt  }
0x4d: {  	_ =	shalt  }
0x4e: {  	_ =	shalt  }
0x4f: {  	_ =	shalt  }
0x50: {  	_ =	shalt  }
0x51: {  	_ =	shalt  }
0x52: {  	_ =	shalt  }
0x53: {  	_ =	shalt  }
0x54: {  	_ =	shalt  }
0x55: {  	_ =	shalt  }
0x56: {  	_ =	shalt  }
0x57: {  	_ =	shalt  }
0x58: {  	_ =	shalt  }
0x59: {  	_ =	shalt  }
0x5a: {  	_ =	shalt  }
0x5b: {  	_ =	shalt  }
0x5c: {  	_ =	shalt  }
0x5d: {  	_ =	shalt  }
0x5e: {  	_ =	shalt  }
0x5f: {  	_ =	shalt  }
0x60: {  	_ =	shalt  }
0x61: {  	_ =	shalt  }
0x62: {  	_ =	shalt  }
0x63: {  	_ =	shalt  }
0x64: {  	_ =	shalt  }
0x65: {  	_ =	shalt  }
0x66: {  	_ =	shalt  }
0x67: {  	_ =	shalt  }
0x68: {  	_ =	shalt  }
0x69: {  	_ =	shalt  }
0x6a: {  	_ =	shalt  }
0x6b: {  	_ =	shalt  }
0x6c: {  	_ =	shalt  }
0x6d: {  	_ =	shalt  }
0x6e: {  	_ =	shalt  }
0x6f: {  	_ =	shalt  }
0x70: {  	_ =	shalt  }
0x71: {  	_ =	shalt  }
0x72: {  	_ =	shalt  }
0x73: {  	_ =	shalt  }
0x74: {  	_ =	shalt  }
0x75: {  	_ =	shalt  }
0x76: {  	_ =	shalt  }
0x77: {  	_ =	shalt  }
0x78: {  	_ =	shalt  }
0x79: {  	_ =	shalt  }
0x7a: {  	_ =	shalt  }
0x7b: {  	_ =	shalt  }
0x7c: {  	_ =	shalt  }
0x7d: {  	_ =	shalt  }
0x7e: {  	_ =	shalt  }
0x7f: {  	_ =	shalt  }
0x80: {  	_ =	shalt  }
0x81: {  	_ =	shalt  }
0x82: {  	_ =	shalt  }
0x83: {  	_ =	shalt  }
0x84: {  	_ =	shalt  }
0x85: {  	_ =	shalt  }
0x86: {  	_ =	shalt  }
0x87: {  	_ =	shalt  }
.Lfunc_end0:
.L_simem_size_0:
called_computation.1_lowered:
.L_overlay_start_0:
0x88: {  	s2 =	sld [smem:$0x3FD9]  }
0x89: {  	s3 =	sld [smem:$0x3FFE];
	_ =	sdelay $0x1  }
0x8a: {  	s1 =	srdreg.scid  }
0x8b: {  	s0 =	sand.u32 $0x1, s1  }
0x8c: {  	s17 =	sshll.u32 s0, $0xA;
	s2 =	sadd.s32 s3, s2  }
0x8d: {  	s2 =	sadd.s32 s2, s17  }
0x8e: {  	[smem:$0x3FC5] =	sst s2  }
0x8f: {  	_ = 	snop  }
0x90: {  	s2 =	sld [smem:$0x3FD0];
	(tm) =	ssettm $0x1  }
0x91: {  	s18 =	sld [smem:$0x3FFB];
	_ =	sdelay $0x3  }
0x92: {  	_ =	strace s18  }
0x93: {  	s3 =	sld [smem:$0x3FFC];
	_ =	sdelay $0x3  }
0x94: {  	_ =	strace s3  }
0x95: {  	s3 =	sld [smem:$0x3FFD];
	_ =	sdelay $0x3  }
0x96: {  	_ =	strace s3  }
0x97: {  	_ =	strace $0x8FFFFFFF  }
0x98: {  	s19 =	sld [smem:$0x3FDB];
	_ =	sdelay $0x1  }
0x99: {  	s4 =	simm.s32 $_scs_section_size  }
0x9a: {  	s5 =	simm.s32 $_size__tile_overlayer_lowered;
	s6 =	simm.s32 $_tile_overlayer_lowered  }
0x9b: {  	s22 =	simm.s32 $0x1BFF;
	s21 =	sshll.u32 s6, $0x1;
	s3 =	sadd.s32 s4, s19  }
0x9c: {  	s7 =	simm.s32 $0x0;
	s20 =	sshll.u32 s5, $0x1;
	s5 =	sadd.s32 s21, s3  }
0x9d: {  	[timem:s7], [sflag:s22] =	dma.local [hbm:s5], s20  }
0x9e: {  	_ =	swait.ge [sflag:s22], s20  }
0x9f: {  	s4 =	ssub.s32 $0x0, s20;
	[sflag:s22] =	ssyncset.done $0x0  }
0xa0: {  	[sflag:s22] =	ssyncadd.s32 s4;
	_ =	sdelay $0x1  }
0xa1: {  	s23 =	simm.s32 $0x1B8B  }
0xa2: {  	_ =	swait.ge [sflag:s23], $0x1  }
0xa3: {  	[sflag:s23] =	ssyncset.done $0x0  }
0xa4: {  	s25 =	simm.s32 $0x1B8E;
	s24 =	sld [smem:$0x3FFE];
	[sflag:s23] =	ssyncadd.s32 $0xFFFFFFFF  }
0xa5: {  	s26 =	simm.s32 $execute0_lowered;
	[smem:$0x3FD2] =	sst s25  }
0xa6: {  	s5 =	sshll.u32 s26, $0x1;
	_ =	strace $0x80000046;
	[dreg:$0x1] =	wrdreg $0xFFFFFFFF  }
0xa7: {  	s28 =	simm.s32 $_size_execute0_lowered;
	s3 =	sadd.s32 s3, s5;
	[dreg:$0x0] =	wrdreg $0x0  }
0xa8: {  	s5 =	sshll.u32 s28, $0x1;
	[dreg:$0x2] =	wrdreg s3  }
0xa9: {  	[dreg:$0x3] =	wrdreg s5  }
0xaa: {  	[dreg:$0x4] =	wrdreg $0xC0  }
0xab: {  	_ =	task [dreg:s7], $0x5FFFF  }
0xac: {  	[dreg:$0x1] =	wrdreg $0xFFFFFFFF  }
0xad: {  	[dreg:$0x0] =	wrdreg $0x60  }
0xae: {  	[dreg:$0x2] =	wrdreg s24  }
0xaf: {  	[dreg:$0x3] =	wrdreg s2  }
0xb0: {  	[dreg:$0x4] =	wrdreg $0x9  }
0xb1: {  	_ =	task.clear_ibuf [dreg:s7], $0x5FFFF;
	_ =	strace $0x90000046  }
0xb2: {  	s29 =	simm.s32 $0x9;
	_ =	strace $0x80000048  }
0xb3: {  	_ =	swait.ge [sflag:s29], $0x1  }
0xb4: {  	[sflag:s29] =	ssyncadd.s32 $0xFFFFFFFF  }
0xb5: {  	_ =	strace $0x90000048  }
0xb6: {  	_ =	sfence  }
0xb7: {  	s30 =	sld [smem:$0x0];
	_ =	sdelay $0x2  }
0xb8: {  	s31 =	sshll.u32 s1, $0xD;
	s1 =	sshrl.u32 s1, $0x2  }
0xb9: {  	s3 =	sand.u32 $0x4000, s31;
	s1 =	sadd.s32 s1, s30  }
0xba: {  	s0 =	sor.u32 s3, s0;
	s1 =	sshll.u32 s1, $0x11  }
0xbb: {  	s0 =	sor.u32 s1, s0  }
0xbc: {  	s0 =	sadd.s32 $0x8F2B, s0  }
0xbd: {  	[sflag:s0] =	ssyncadd.remote.s32 $0x1  }
0xbe: {  	_ =	sfence.sel $0xFFFF  }
0xbf: {  	[dreg:$0x0] =	wrdreg $0xFFFFFFFF;
	(pc) =	sbr.abs _section_cstart, $3  }
0xc0: {  	[dreg:$0x1] =	wrdreg $0xFFFFFFFF  }
0xc1: {  	_ =	task.clear_ibuf [dreg:s7], $0x2FFFF;
	_ =	strace $0x9FFFFFFF  }
0xc2: {  	(tm) =	ssettm $0x7FFFFFFF  }
0xc3: {  	_ =	shalt  }
tec
execute0_lowered:
.L_overlay_start_1:
0x0: {  	(tag) =	ssettag $0x1  }
0x1: {  	s0 =	rddreg [dreg:$0x0]  }
0x2: {  	s1 =	rddreg [dreg:$0x1];
	s13 =	simm.s32 $0x0  }
0x3: {  	s2 =	srdreg.scid;
	s3 =	stileid.u32;
	s28 =	simm.s32 $0x15800  }
0x4: {  	s29 =	simm.s32 $0x1D4B0;
	s30 =	simm.s32 $0x16C00;
	s31 =	simm.s32 $0x1D500  }
0x5: {  	[smem:$0x7FF] =	sst s13;
	s2 =	sand.u32 $0x1, s2;
	s3 =	sshll.u32 s3, $0x1  }
0x6: {  	s6 =	sadd.s32 $0x1000, s0;
	_ =	strace $0x80000047;
	s4 =	sor.u32 s2, s3  }
0x7: {  	s3 =	sadd.s32 $0x7400, s0;
	s2 =	ssub.s32 $0x2, s2;
	s5 =	smul.u32 $0x1900, s4  }
0x8: {  	s0 =	sadd.s32 $0x800, s0;
	s22 =	sshrl.u32 s2, $0x1;
	s4 =	smul.u32 $0xC800, s4  }
0x9: {  	[dreg:$0x3] =	wrdreg s0;
	s0 =	ssub.s32 s2, s22;
	s7 =	sshrl.u32 s5, $0x3  }
0xa: {  	s8 =	sadd.s32 $0x320, s5;
	s25 =	sadd.s32 s1, s4;
	s26 =	sadd.s32 $0x640, s5  }
0xb: {  	s10 =	sadd.s32 $0x960, s5;
	s14 =	sadd.s32 $0xC80, s5;
	s18 =	sadd.s32 $0xFA0, s5  }
0xc: {  	s20 =	sadd.s32 $0x12C0, s5;
	s22 =	sadd.s32 $0x15E0, s5;
	s0 =	smax.u32 s0, $0x1  }
0xd: {  	s5 =	simm.s32 $0x1D5A0;
	s23 =	sadd.s32 s6, s7;
	s24 =	sshrl.u32 s8, $0x3  }
0xe: {  	[dreg:$0x6] =	wrdreg s25;
	s7 =	sshrl.u32 s26, $0x3;
	s9 =	sshll.u32 s8, $0x3  }
0xf: {  	s12 =	sshrl.u32 s10, $0x3;
	s15 =	sshrl.u32 s14, $0x3;
	s16 =	sshll.u32 s10, $0x3  }
0x10: {  	s19 =	sshrl.u32 s18, $0x3;
	s21 =	sshrl.u32 s20, $0x3;
	[dreg:$0x14] =	wrdreg s0  }
0x11: {  	s0 =	simm.s32 $0x18000;
	s8 =	simm.s32 $0x1BC00;
	s10 =	simm.s32 $0x3  }
0x12: {  	[dreg:$0x4] =	wrdreg s23;
	s2 =	sadd.s32 s6, s24;
	s4 =	sadd.s32 s6, s7  }
0x13: {  	s11 =	sadd.s32 s1, s9;
	s17 =	sadd.s32 s1, s16;
	s7 =	sadd.s32 s6, s19  }
0x14: {  	s23 =	sshrl.u32 s22, $0x3;
	s24 =	sshll.u32 s20, $0x3;
	[dreg:$0x5] =	wrdreg s2  }
0x15: {  	s16 =	simm.s32 $0x10800;
	s19 =	simm.s32 $0x1D3C0;
	[dreg:$0x7] =	wrdreg s4  }
0x16: {  	s20 =	simm.s32 $0x13000;
	s9 =	simm.s32 $0x1;
	[dreg:$0x8] =	wrdreg s11  }
0x17: {  	s4 =	sadd.s32 s6, s12;
	s2 =	sshll.u32 s26, $0x3;
	[dreg:$0xc] =	wrdreg s17  }
0x18: {  	[dreg:$0xd] =	wrdreg s7;
	s25 =	sadd.s32 s1, s24;
	s26 =	sshll.u32 s22, $0x3  }
0x19: {  	s22 =	simm.s32 $0x4;
	s24 =	simm.s32 $0x50;
	s7 =	simm.s32 $0x1D5F0  }
0x1a: {  	s11 =	simm.s32 $0x2;
	s12 =	simm.s32 $0x0;
	[dreg:$0x9] =	wrdreg s4  }
0x1b: {  	s2 =	sadd.s32 s1, s2;
	s4 =	sshll.u32 s14, $0x3;
	[dreg:$0x12] =	wrdreg s25  }
0x1c: {  	s25 =	simm.s32 $0x4000;
	[dreg:$0xa] =	wrdreg s2;
	s2 =	sadd.s32 s6, s15  }
0x1d: {  	s4 =	sadd.s32 s1, s4;
	s15 =	simm.s32 $0x1D320;
	[dreg:$0xb] =	wrdreg s2  }
0x1e: {  	[dreg:$0xe] =	wrdreg s4;
	s4 =	sadd.s32 s6, s21;
	s2 =	sshll.u32 s18, $0x3  }
0x1f: {  	s18 =	simm.s32 $0x11C00;
	s21 =	simm.s32 $0x1D410;
	[dreg:$0xf] =	wrdreg s4  }
0x20: {  	s2 =	sadd.s32 s1, s2;
	s1 =	sadd.s32 s1, s26;
	s26 =	simm.s32 $0x1D460  }
0x21: {  	s4 =	simm.s32 $0x19400;
	[dreg:$0x10] =	wrdreg s2;
	s2 =	sadd.s32 s6, s23  }
0x22: {  	[dreg:$0x13] =	wrdreg s1;
	s23 =	simm.s32 $0x1D000;
	s1 =	simm.s32 $0x1D550  }
0x23: {  	s6 =	simm.s32 $0x1A800;
	[dreg:$0x11] =	wrdreg s2;
	s2 =	simm.s32 $0x14400  }
.LBB2_1:
0x24: {  	s14 =	rddreg [dreg:$0x3]  }
0x25: {  	[tilespmem:s13], [sflag:$0x4] =	stream.linear.gather [hbm4b:s14+s13], $0x4000, $0x38;
	[tilespmem:$0x1D640] =	vst v63  }
0x26: {  	_ =	swait.ge [sflag:s22], $0x4000  }
0x27: {  	[sflag:s22] =	ssyncset.done $0x0  }
0x28: {  	s17 =	rddreg [dreg:$0x4];
	[sflag:s22] =	ssyncadd.s32 $0xFFFFC000  }
0x29: {  	[tilespmem:s23], [sflag:$0x4] =	stream.linear.gather [hbm4b:s17+s13], $0x320, $0x38;
	[tilespmem:$0x1D640] =	vst v63  }
0x2a: {  	_ =	swait.ge [sflag:s22], $0x320  }
0x2b: {  	[sflag:s22] =	ssyncset.done $0x0  }
0x2c: {  	[sflag:s22] =	ssyncadd.s32 $0xFFFFFCE0  }
0x2d: {  	[tilespmem:s25], [sflag:$0x1] =	stream.indirect.gather [hbm4b:s3+s24], $0x40, s23, s24, $0xb8;
	[tilespmem:$0x1D640] =	vst v63  }
0x2e: {  	s14 =	simm.s32 $0x1D050;
	s17 =	simm.s32 $0x5400  }
0x2f: {  	[tilespmem:s17], [sflag:$0x1] =	stream.indirect.gather [hbm4b:s3+s24], $0x40, s14, s24, $0xb8;
	[tilespmem:$0x1D640] =	vst v63  }
0x30: {  	s14 =	simm.s32 $0x1D0A0;
	s17 =	simm.s32 $0x6800  }
0x31: {  	[tilespmem:s17], [sflag:$0x1] =	stream.indirect.gather [hbm4b:s3+s24], $0x40, s14, s24, $0xb8;
	[tilespmem:$0x1D640] =	vst v63  }
0x32: {  	s14 =	simm.s32 $0x1D0F0;
	s17 =	simm.s32 $0x7C00  }
0x33: {  	[tilespmem:s17], [sflag:$0x1] =	stream.indirect.gather [hbm4b:s3+s24], $0x40, s14, s24, $0xb8;
	[tilespmem:$0x1D640] =	vst v63  }
0x34: {  	s14 =	simm.s32 $0x1D140;
	s17 =	simm.s32 $0x9000  }
0x35: {  	[tilespmem:s17], [sflag:$0x1] =	stream.indirect.gather [hbm4b:s3+s24], $0x40, s14, s24, $0xb8;
	[tilespmem:$0x1D640] =	vst v63  }
0x36: {  	s14 =	simm.s32 $0x1D190;
	s17 =	simm.s32 $0xA400  }
0x37: {  	[tilespmem:s17], [sflag:$0x1] =	stream.indirect.gather [hbm4b:s3+s24], $0x40, s14, s24, $0xb8;
	[tilespmem:$0x1D640] =	vst v63  }
0x38: {  	s14 =	simm.s32 $0x1D1E0;
	s17 =	simm.s32 $0xB800  }
0x39: {  	[tilespmem:s17], [sflag:$0x1] =	stream.indirect.gather [hbm4b:s3+s24], $0x40, s14, s24, $0xb8;
	[tilespmem:$0x1D640] =	vst v63  }
0x3a: {  	s14 =	simm.s32 $0x1D230;
	s17 =	simm.s32 $0xCC00  }
0x3b: {  	[tilespmem:s17], [sflag:$0x1] =	stream.indirect.gather [hbm4b:s3+s24], $0x40, s14, s24, $0xb8;
	[tilespmem:$0x1D640] =	vst v63  }
0x3c: {  	s14 =	simm.s32 $0x1D280;
	s17 =	simm.s32 $0xE000  }
0x3d: {  	[tilespmem:s17], [sflag:$0x1] =	stream.indirect.gather [hbm4b:s3+s24], $0x40, s14, s24, $0xb8;
	[tilespmem:$0x1D640] =	vst v63  }
0x3e: {  	s14 =	simm.s32 $0x1D2D0;
	s17 =	simm.s32 $0xF400  }
0x3f: {  	[tilespmem:s17], [sflag:$0x1] =	stream.indirect.gather [hbm4b:s3+s24], $0x40, s14, s24, $0xb8;
	[tilespmem:$0x1D640] =	vst v63  }
0x40: {  	s17 =	rddreg [dreg:$0x5]  }
0x41: {  	[tilespmem:s15], [sflag:$0x4] =	stream.linear.gather [hbm4b:s17+s13], $0x320, $0x38;
	[tilespmem:$0x1D640] =	vst v63  }
0x42: {  	_ =	swait.ge [sflag:s22], $0x320  }
0x43: {  	[sflag:s22] =	ssyncset.done $0x0  }
0x44: {  	[sflag:s22] =	ssyncadd.s32 $0xFFFFFCE0  }
0x45: {  	[tilespmem:s16], [sflag:$0x2] =	stream.indirect.gather [hbm4b:s3+s24], $0x40, s15, s24, $0xb8;
	[tilespmem:$0x1D640] =	vst v63  }
0x46: {  	s17 =	simm.s32 $0x1D370  }
0x47: {  	[tilespmem:s18], [sflag:$0x2] =	stream.indirect.gather [hbm4b:s3+s24], $0x40, s17, s24, $0xb8;
	[tilespmem:$0x1D640] =	vst v63  }
0x48: {  	_ = 	snop  }
0x49: {  	[tilespmem:s20], [sflag:$0x2] =	stream.indirect.gather [hbm4b:s3+s24], $0x40, s19, s24, $0xb8;
	[tilespmem:$0x1D640] =	vst v63  }
0x4a: {  	_ = 	snop  }
0x4b: {  	[tilespmem:s2], [sflag:$0x2] =	stream.indirect.gather [hbm4b:s3+s24], $0x40, s21, s24, $0xb8;
	[tilespmem:$0x1D640] =	vst v63  }
0x4c: {  	_ = 	snop  }
0x4d: {  	[tilespmem:s28], [sflag:$0x2] =	stream.indirect.gather [hbm4b:s3+s24], $0x40, s26, s24, $0xb8;
	[tilespmem:$0x1D640] =	vst v63  }
0x4e: {  	_ = 	snop  }
0x4f: {  	[tilespmem:s30], [sflag:$0x2] =	stream.indirect.gather [hbm4b:s3+s24], $0x40, s29, s24, $0xb8;
	[tilespmem:$0x1D640] =	vst v63  }
0x50: {  	_ = 	snop  }
0x51: {  	[tilespmem:s0], [sflag:$0x2] =	stream.indirect.gather [hbm4b:s3+s24], $0x40, s31, s24, $0xb8;
	[tilespmem:$0x1D640] =	vst v63  }
0x52: {  	_ = 	snop  }
0x53: {  	[tilespmem:s4], [sflag:$0x2] =	stream.indirect.gather [hbm4b:s3+s24], $0x40, s1, s24, $0xb8;
	[tilespmem:$0x1D640] =	vst v63  }
0x54: {  	_ = 	snop  }
0x55: {  	[tilespmem:s6], [sflag:$0x2] =	stream.indirect.gather [hbm4b:s3+s24], $0x40, s5, s24, $0xb8;
	[tilespmem:$0x1D640] =	vst v63  }
0x56: {  	_ = 	snop  }
0x57: {  	[tilespmem:s8], [sflag:$0x2] =	stream.indirect.gather [hbm4b:s3+s24], $0x40, s7, s24, $0xb8;
	[tilespmem:$0x1D640] =	vst v63  }
0x58: {  	_ =	swait.ge [sflag:s9], $0x1400  }
0x59: {  	[sflag:s9] =	ssyncset.done $0x0  }
0x5a: {  	[sflag:s9] =	ssyncadd.s32 $0xFFFFEC00  }
0x5b: {  	_ =	swait.ge [sflag:s9], $0x1400  }
0x5c: {  	[sflag:s9] =	ssyncset.done $0x0  }
0x5d: {  	[sflag:s9] =	ssyncadd.s32 $0xFFFFEC00  }
0x5e: {  	_ =	swait.ge [sflag:s9], $0x1400  }
0x5f: {  	[sflag:s9] =	ssyncset.done $0x0  }
0x60: {  	[sflag:s9] =	ssyncadd.s32 $0xFFFFEC00  }
0x61: {  	_ =	swait.ge [sflag:s9], $0x1400  }
0x62: {  	[sflag:s9] =	ssyncset.done $0x0  }
0x63: {  	[sflag:s9] =	ssyncadd.s32 $0xFFFFEC00  }
0x64: {  	_ =	swait.ge [sflag:s9], $0x1400  }
0x65: {  	[sflag:s9] =	ssyncset.done $0x0  }
0x66: {  	[sflag:s9] =	ssyncadd.s32 $0xFFFFEC00  }
0x67: {  	_ =	swait.ge [sflag:s9], $0x1400  }
0x68: {  	[sflag:s9] =	ssyncset.done $0x0  }
0x69: {  	[sflag:s9] =	ssyncadd.s32 $0xFFFFEC00  }
0x6a: {  	_ =	swait.ge [sflag:s9], $0x1400  }
0x6b: {  	[sflag:s9] =	ssyncset.done $0x0  }
0x6c: {  	[sflag:s9] =	ssyncadd.s32 $0xFFFFEC00  }
0x6d: {  	_ =	swait.ge [sflag:s9], $0x1400  }
0x6e: {  	[sflag:s9] =	ssyncset.done $0x0  }
0x6f: {  	[sflag:s9] =	ssyncadd.s32 $0xFFFFEC00  }
0x70: {  	_ =	swait.ge [sflag:s9], $0x1400  }
0x71: {  	[sflag:s9] =	ssyncset.done $0x0  }
0x72: {  	[sflag:s9] =	ssyncadd.s32 $0xFFFFEC00  }
0x73: {  	_ =	swait.ge [sflag:s9], $0x1400  }
0x74: {  	[sflag:s9] =	ssyncset.done $0x0  }
0x75: {  	s13 =	simm.s32 $0x0;
	[sflag:s9] =	ssyncadd.s32 $0xFFFFEC00  }
0x76: {  	v1 =	vld [tilespmem:s13+$0x70]  }
0x77: {  	v2 =	vld [tilespmem:s13+$0x40]  }
0x78: {  	v3 =	vld [tilespmem:s13+$0x50]  }
0x79: {  	v0 =	vld [tilespmem:s13+$0x60];
	_ =	sdelay $0x1  }
0x7a: {  	[tilespmem:s13+$0xD630] =	vst.add.f32.msk $0xffff, v1  }
0x7b: {  	[tilespmem:s13+$0x4000] =	vst.add.f32.msk $0xffff, v2  }
0x7c: {  	[tilespmem:s13+$0x4010] =	vst.add.f32.msk $0xffff, v3  }
0x7d: {  	[tilespmem:s13+$0x4020] =	vst.add.f32.msk $0xffff, v0  }
0x7e: {  	[tilespmem:s13+$0x4030] =	vst.add.f32.msk $0xffff, v1  }
0x7f: {  	[tilespmem:s13+$0x7200] =	vst.add.f32.msk $0xffff, v2  }
0x80: {  	[tilespmem:s13+$0x7210] =	vst.add.f32.msk $0xffff, v3  }
0x81: {  	[tilespmem:s13+$0x7220] =	vst.add.f32.msk $0xffff, v0  }
0x82: {  	[tilespmem:s13+$0x7230] =	vst.add.f32.msk $0xffff, v1  }
0x83: {  	[tilespmem:s13+$0xA400] =	vst.add.f32.msk $0xffff, v2  }
0x84: {  	[tilespmem:s13+$0xA410] =	vst.add.f32.msk $0xffff, v3  }
0x85: {  	[tilespmem:s13+$0xA420] =	vst.add.f32.msk $0xffff, v0  }
0x86: {  	[tilespmem:s13+$0xA430] =	vst.add.f32.msk $0xffff, v1  }
0x87: {  	[tilespmem:s13+$0xD600] =	vst.add.f32.msk $0xffff, v2  }
0x88: {  	s14 =	simm.s32 $0x200;
	s17 =	simm.s32 $0x40;
	[tilespmem:s13+$0xD610] =	vst.add.f32.msk $0xffff, v3  }
.LBB2_2:
0x89: {  	p0 =	sne.s32 s14, $0xC700;
	v1 =	vld [tilespmem:s17+$0x70]  }
0x8a: {  	v2 =	vld [tilespmem:s17+$0x40]  }
0x8b: {  	v3 =	vld [tilespmem:s17+$0x50]  }
0x8c: {  	v4 =	vld [tilespmem:s17+$0x60]  }
0x8d: {  	[tilespmem:s13+$0xD620] =	vst.add.f32.msk $0xffff, v0;
	s13 =	smov.u32 s17  }
0x8e: {  	[tilespmem:s13+$0xD630] =	vst.add.f32.msk $0xffff, v1  }
0x8f: {  	[tilespmem:s13+$0x4000] =	vst.add.f32.msk $0xffff, v2  }
0x90: {  	[tilespmem:s13+$0x4010] =	vst.add.f32.msk $0xffff, v3  }
0x91: {  	[tilespmem:s13+$0x4020] =	vst.add.f32.msk $0xffff, v4;
	v0 =	vmov v4  }
0x92: {  	[tilespmem:s13+$0x4030] =	vst.add.f32.msk $0xffff, v1  }
0x93: {  	[tilespmem:s13+$0x7200] =	vst.add.f32.msk $0xffff, v2  }
0x94: {  	[tilespmem:s13+$0x7210] =	vst.add.f32.msk $0xffff, v3  }
0x95: {  	[tilespmem:s13+$0x7220] =	vst.add.f32.msk $0xffff, v0  }
0x96: {  	[tilespmem:s13+$0x7230] =	vst.add.f32.msk $0xffff, v1  }
0x97: {  	[tilespmem:s13+$0xA400] =	vst.add.f32.msk $0xffff, v2  }
.Ltmp0:
0x98: {  	[tilespmem:s13+$0xA410] =	vst.add.f32.msk $0xffff, v3;
	(pc) =	sbr.rel @p0 .LBB2_2-.Ltmp0, $4  }
0x99: {  	[tilespmem:s13+$0xA420] =	vst.add.f32.msk $0xffff, v0  }
0x9a: {  	[tilespmem:s13+$0xA430] =	vst.add.f32.msk $0xffff, v1  }
0x9b: {  	[tilespmem:s13+$0xD600] =	vst.add.f32.msk $0xffff, v2  }
0x9c: {  	s17 =	sshra.s32 s14, $0x2;
	s14 =	sadd.s32 $0x100, s14;
	[tilespmem:s13+$0xD610] =	vst.add.f32.msk $0xffff, v3  }
0x9d: {  	v1 =	vld [tilespmem:s17+$0x70]  }
0x9e: {  	v2 =	vld [tilespmem:s17+$0x40]  }
0x9f: {  	v3 =	vld [tilespmem:s17+$0x50]  }
0xa0: {  	v4 =	vld [tilespmem:s17+$0x60]  }
0xa1: {  	[tilespmem:s13+$0xD620] =	vst.add.f32.msk $0xffff, v0  }
0xa2: {  	[tilespmem:s17+$0xD630] =	vst.add.f32.msk $0xffff, v1  }
0xa3: {  	[tilespmem:s17+$0x4000] =	vst.add.f32.msk $0xffff, v2  }
0xa4: {  	[tilespmem:s17+$0x4010] =	vst.add.f32.msk $0xffff, v3  }
0xa5: {  	[tilespmem:s17+$0x4020] =	vst.add.f32.msk $0xffff, v4  }
0xa6: {  	[tilespmem:s17+$0x4030] =	vst.add.f32.msk $0xffff, v1  }
0xa7: {  	[tilespmem:s17+$0x7200] =	vst.add.f32.msk $0xffff, v2  }
0xa8: {  	[tilespmem:s17+$0x7210] =	vst.add.f32.msk $0xffff, v3  }
0xa9: {  	[tilespmem:s17+$0x7220] =	vst.add.f32.msk $0xffff, v4  }
0xaa: {  	[tilespmem:s17+$0x7230] =	vst.add.f32.msk $0xffff, v1  }
0xab: {  	[tilespmem:s17+$0xA400] =	vst.add.f32.msk $0xffff, v2  }
0xac: {  	[tilespmem:s17+$0xA410] =	vst.add.f32.msk $0xffff, v3  }
0xad: {  	[tilespmem:s17+$0xA420] =	vst.add.f32.msk $0xffff, v4  }
0xae: {  	[tilespmem:s17+$0xA430] =	vst.add.f32.msk $0xffff, v1  }
0xaf: {  	[tilespmem:s17+$0xD600] =	vst.add.f32.msk $0xffff, v2  }
0xb0: {  	[tilespmem:s17+$0xD610] =	vst.add.f32.msk $0xffff, v3  }
0xb1: {  	s13 =	simm.s32 $0x0;
	s14 =	rddreg [dreg:$0x6];
	[tilespmem:s17+$0xD620] =	vst.add.f32.msk $0xffff, v4  }
0xb2: {  	[hbm4b:s14+s13] =	stream.linear.scatter [tilespmem:s25], [sflag:$0x3], $0xC800, $0x38;
	[tilespmem:$0x1D640] =	vst v63  }
0xb3: {  	_ =	swait.ge [sflag:s10], $0xC800  }
0xb4: {  	[sflag:s10] =	ssyncset.done $0x0  }
0xb5: {  	s17 =	rddreg [dreg:$0x7];
	[sflag:s10] =	ssyncadd.s32 $0xFFFF3800  }
0xb6: {  	[tilespmem:s23], [sflag:$0x4] =	stream.linear.gather [hbm4b:s17+s13], $0x320, $0x38;
	[tilespmem:$0x1D640] =	vst v63  }
0xb7: {  	_ =	swait.ge [sflag:s22], $0x320  }
0xb8: {  	[sflag:s22] =	ssyncset.done $0x0  }
0xb9: {  	[sflag:s22] =	ssyncadd.s32 $0xFFFFFCE0  }
0xba: {  	[tilespmem:s25], [sflag:$0x1] =	stream.indirect.gather [hbm4b:s3+s24], $0x40, s23, s24, $0xb8;
	[tilespmem:$0x1D640] =	vst v63  }
0xbb: {  	s14 =	simm.s32 $0x1D050;
	s17 =	simm.s32 $0x5400  }
0xbc: {  	[tilespmem:s17], [sflag:$0x1] =	stream.indirect.gather [hbm4b:s3+s24], $0x40, s14, s24, $0xb8;
	[tilespmem:$0x1D640] =	vst v63  }
0xbd: {  	s14 =	simm.s32 $0x1D0A0;
	s17 =	simm.s32 $0x6800  }
0xbe: {  	[tilespmem:s17], [sflag:$0x1] =	stream.indirect.gather [hbm4b:s3+s24], $0x40, s14, s24, $0xb8;
	[tilespmem:$0x1D640] =	vst v63  }
0xbf: {  	s14 =	simm.s32 $0x1D0F0;
	s17 =	simm.s32 $0x7C00  }
0xc0: {  	[tilespmem:s17], [sflag:$0x1] =	stream.indirect.gather [hbm4b:s3+s24], $0x40, s14, s24, $0xb8;
	[tilespmem:$0x1D640] =	vst v63  }
0xc1: {  	s14 =	simm.s32 $0x1D140;
	s17 =	simm.s32 $0x9000  }
0xc2: {  	[tilespmem:s17], [sflag:$0x1] =	stream.indirect.gather [hbm4b:s3+s24], $0x40, s14, s24, $0xb8;
	[tilespmem:$0x1D640] =	vst v63  }
0xc3: {  	s14 =	simm.s32 $0x1D190;
	s17 =	simm.s32 $0xA400  }
0xc4: {  	[tilespmem:s17], [sflag:$0x1] =	stream.indirect.gather [hbm4b:s3+s24], $0x40, s14, s24, $0xb8;
	[tilespmem:$0x1D640] =	vst v63  }
0xc5: {  	s14 =	simm.s32 $0x1D1E0;
	s17 =	simm.s32 $0xB800  }
0xc6: {  	[tilespmem:s17], [sflag:$0x1] =	stream.indirect.gather [hbm4b:s3+s24], $0x40, s14, s24, $0xb8;
	[tilespmem:$0x1D640] =	vst v63  }
0xc7: {  	s14 =	simm.s32 $0x1D230;
	s17 =	simm.s32 $0xCC00  }
0xc8: {  	[tilespmem:s17], [sflag:$0x1] =	stream.indirect.gather [hbm4b:s3+s24], $0x40, s14, s24, $0xb8;
	[tilespmem:$0x1D640] =	vst v63  }
0xc9: {  	s14 =	simm.s32 $0x1D280;
	s17 =	simm.s32 $0xE000  }
0xca: {  	[tilespmem:s17], [sflag:$0x1] =	stream.indirect.gather [hbm4b:s3+s24], $0x40, s14, s24, $0xb8;
	[tilespmem:$0x1D640] =	vst v63  }
0xcb: {  	s14 =	simm.s32 $0x1D2D0;
	s17 =	simm.s32 $0xF400  }
0xcc: {  	[tilespmem:s17], [sflag:$0x1] =	stream.indirect.gather [hbm4b:s3+s24], $0x40, s14, s24, $0xb8;
	[tilespmem:$0x1D640] =	vst v63  }
0xcd: {  	_ =	swait.ge [sflag:s11], $0x1400  }
0xce: {  	[sflag:s11] =	ssyncset.done $0x0  }
0xcf: {  	[sflag:s11] =	ssyncadd.s32 $0xFFFFEC00  }
0xd0: {  	_ =	swait.ge [sflag:s11], $0x1400  }
0xd1: {  	[sflag:s11] =	ssyncset.done $0x0  }
0xd2: {  	[sflag:s11] =	ssyncadd.s32 $0xFFFFEC00  }
0xd3: {  	_ =	swait.ge [sflag:s11], $0x1400  }
0xd4: {  	[sflag:s11] =	ssyncset.done $0x0  }
0xd5: {  	[sflag:s11] =	ssyncadd.s32 $0xFFFFEC00  }
0xd6: {  	_ =	swait.ge [sflag:s11], $0x1400  }
0xd7: {  	[sflag:s11] =	ssyncset.done $0x0  }
0xd8: {  	[sflag:s11] =	ssyncadd.s32 $0xFFFFEC00  }
0xd9: {  	_ =	swait.ge [sflag:s11], $0x1400  }
0xda: {  	[sflag:s11] =	ssyncset.done $0x0  }
0xdb: {  	[sflag:s11] =	ssyncadd.s32 $0xFFFFEC00  }
0xdc: {  	_ =	swait.ge [sflag:s11], $0x1400  }
0xdd: {  	[sflag:s11] =	ssyncset.done $0x0  }
0xde: {  	[sflag:s11] =	ssyncadd.s32 $0xFFFFEC00  }
0xdf: {  	_ =	swait.ge [sflag:s11], $0x1400  }
0xe0: {  	[sflag:s11] =	ssyncset.done $0x0  }
0xe1: {  	[sflag:s11] =	ssyncadd.s32 $0xFFFFEC00  }
0xe2: {  	_ =	swait.ge [sflag:s11], $0x1400  }
0xe3: {  	[sflag:s11] =	ssyncset.done $0x0  }
0xe4: {  	[sflag:s11] =	ssyncadd.s32 $0xFFFFEC00  }
0xe5: {  	_ =	swait.ge [sflag:s11], $0x1400  }
0xe6: {  	[sflag:s11] =	ssyncset.done $0x0  }
0xe7: {  	[sflag:s11] =	ssyncadd.s32 $0xFFFFEC00  }
0xe8: {  	_ =	swait.ge [sflag:s11], $0x1400  }
0xe9: {  	[sflag:s11] =	ssyncset.done $0x0  }
0xea: {  	s13 =	simm.s32 $0x0;
	[sflag:s11] =	ssyncadd.s32 $0xFFFFEC00  }
0xeb: {  	v1 =	vld [tilespmem:s13+$0x70]  }
0xec: {  	v2 =	vld [tilespmem:s13+$0x40]  }
0xed: {  	v3 =	vld [tilespmem:s13+$0x50]  }
0xee: {  	v0 =	vld [tilespmem:s13+$0x60];
	_ =	sdelay $0x1  }
0xef: {  	[tilespmem:s13+$0x19E30] =	vst.add.f32.msk $0xffff, v1  }
0xf0: {  	[tilespmem:s13+$0x10800] =	vst.add.f32.msk $0xffff, v2  }
0xf1: {  	[tilespmem:s13+$0x10810] =	vst.add.f32.msk $0xffff, v3  }
0xf2: {  	[tilespmem:s13+$0x10820] =	vst.add.f32.msk $0xffff, v0  }
0xf3: {  	[tilespmem:s13+$0x10830] =	vst.add.f32.msk $0xffff, v1  }
0xf4: {  	[tilespmem:s13+$0x13A00] =	vst.add.f32.msk $0xffff, v2  }
0xf5: {  	[tilespmem:s13+$0x13A10] =	vst.add.f32.msk $0xffff, v3  }
0xf6: {  	[tilespmem:s13+$0x13A20] =	vst.add.f32.msk $0xffff, v0  }
0xf7: {  	[tilespmem:s13+$0x13A30] =	vst.add.f32.msk $0xffff, v1  }
0xf8: {  	[tilespmem:s13+$0x16C00] =	vst.add.f32.msk $0xffff, v2  }
0xf9: {  	[tilespmem:s13+$0x16C10] =	vst.add.f32.msk $0xffff, v3  }
0xfa: {  	[tilespmem:s13+$0x16C20] =	vst.add.f32.msk $0xffff, v0  }
0xfb: {  	[tilespmem:s13+$0x16C30] =	vst.add.f32.msk $0xffff, v1  }
0xfc: {  	[tilespmem:s13+$0x19E00] =	vst.add.f32.msk $0xffff, v2  }
0xfd: {  	s17 =	simm.s32 $0x40;
	s14 =	simm.s32 $0x200;
	[tilespmem:s13+$0x19E10] =	vst.add.f32.msk $0xffff, v3  }
.LBB2_4:
0xfe: {  	p0 =	sne.s32 s14, $0xC700;
	v1 =	vld [tilespmem:s17+$0x70]  }
0xff: {  	v2 =	vld [tilespmem:s17+$0x40]  }
0x100: {  	v3 =	vld [tilespmem:s17+$0x50]  }
0x101: {  	v4 =	vld [tilespmem:s17+$0x60]  }
0x102: {  	[tilespmem:s13+$0x19E20] =	vst.add.f32.msk $0xffff, v0;
	s13 =	smov.u32 s17  }
0x103: {  	[tilespmem:s13+$0x19E30] =	vst.add.f32.msk $0xffff, v1  }
0x104: {  	[tilespmem:s13+$0x10800] =	vst.add.f32.msk $0xffff, v2  }
0x105: {  	[tilespmem:s13+$0x10810] =	vst.add.f32.msk $0xffff, v3  }
0x106: {  	[tilespmem:s13+$0x10820] =	vst.add.f32.msk $0xffff, v4;
	v0 =	vmov v4  }
0x107: {  	[tilespmem:s13+$0x10830] =	vst.add.f32.msk $0xffff, v1  }
0x108: {  	[tilespmem:s13+$0x13A00] =	vst.add.f32.msk $0xffff, v2  }
0x109: {  	[tilespmem:s13+$0x13A10] =	vst.add.f32.msk $0xffff, v3  }
0x10a: {  	[tilespmem:s13+$0x13A20] =	vst.add.f32.msk $0xffff, v0  }
0x10b: {  	[tilespmem:s13+$0x13A30] =	vst.add.f32.msk $0xffff, v1  }
0x10c: {  	[tilespmem:s13+$0x16C00] =	vst.add.f32.msk $0xffff, v2  }
.Ltmp1:
0x10d: {  	[tilespmem:s13+$0x16C10] =	vst.add.f32.msk $0xffff, v3;
	(pc) =	sbr.rel @p0 .LBB2_4-.Ltmp1, $4  }
0x10e: {  	[tilespmem:s13+$0x16C20] =	vst.add.f32.msk $0xffff, v0  }
0x10f: {  	[tilespmem:s13+$0x16C30] =	vst.add.f32.msk $0xffff, v1  }
0x110: {  	[tilespmem:s13+$0x19E00] =	vst.add.f32.msk $0xffff, v2  }
0x111: {  	s17 =	sshra.s32 s14, $0x2;
	s14 =	sadd.s32 $0x100, s14;
	[tilespmem:s13+$0x19E10] =	vst.add.f32.msk $0xffff, v3  }
0x112: {  	v1 =	vld [tilespmem:s17+$0x70]  }
0x113: {  	v2 =	vld [tilespmem:s17+$0x40]  }
0x114: {  	v3 =	vld [tilespmem:s17+$0x50]  }
0x115: {  	v4 =	vld [tilespmem:s17+$0x60]  }
0x116: {  	[tilespmem:s13+$0x19E20] =	vst.add.f32.msk $0xffff, v0  }
0x117: {  	[tilespmem:s17+$0x19E30] =	vst.add.f32.msk $0xffff, v1  }
0x118: {  	[tilespmem:s17+$0x10800] =	vst.add.f32.msk $0xffff, v2  }
0x119: {  	[tilespmem:s17+$0x10810] =	vst.add.f32.msk $0xffff, v3  }
0x11a: {  	[tilespmem:s17+$0x10820] =	vst.add.f32.msk $0xffff, v4  }
0x11b: {  	[tilespmem:s17+$0x10830] =	vst.add.f32.msk $0xffff, v1  }
0x11c: {  	[tilespmem:s17+$0x13A00] =	vst.add.f32.msk $0xffff, v2  }
0x11d: {  	[tilespmem:s17+$0x13A10] =	vst.add.f32.msk $0xffff, v3  }
0x11e: {  	[tilespmem:s17+$0x13A20] =	vst.add.f32.msk $0xffff, v4  }
0x11f: {  	[tilespmem:s17+$0x13A30] =	vst.add.f32.msk $0xffff, v1  }
0x120: {  	[tilespmem:s17+$0x16C00] =	vst.add.f32.msk $0xffff, v2  }
0x121: {  	[tilespmem:s17+$0x16C10] =	vst.add.f32.msk $0xffff, v3  }
0x122: {  	[tilespmem:s17+$0x16C20] =	vst.add.f32.msk $0xffff, v4  }
0x123: {  	[tilespmem:s17+$0x16C30] =	vst.add.f32.msk $0xffff, v1  }
0x124: {  	[tilespmem:s17+$0x19E00] =	vst.add.f32.msk $0xffff, v2  }
0x125: {  	[tilespmem:s17+$0x19E10] =	vst.add.f32.msk $0xffff, v3  }
0x126: {  	s13 =	simm.s32 $0x0;
	s14 =	rddreg [dreg:$0x8];
	[tilespmem:s17+$0x19E20] =	vst.add.f32.msk $0xffff, v4  }
0x127: {  	[hbm4b:s14+s13] =	stream.linear.scatter [tilespmem:s16], [sflag:$0x3], $0xC800, $0x38;
	[tilespmem:$0x1D640] =	vst v63  }
0x128: {  	_ =	swait.ge [sflag:s10], $0xC800  }
0x129: {  	[sflag:s10] =	ssyncset.done $0x0  }
0x12a: {  	s17 =	rddreg [dreg:$0x9];
	[sflag:s10] =	ssyncadd.s32 $0xFFFF3800  }
0x12b: {  	[tilespmem:s15], [sflag:$0x4] =	stream.linear.gather [hbm4b:s17+s13], $0x320, $0x38;
	[tilespmem:$0x1D640] =	vst v63  }
0x12c: {  	_ =	swait.ge [sflag:s22], $0x320  }
0x12d: {  	[sflag:s22] =	ssyncset.done $0x0  }
0x12e: {  	[sflag:s22] =	ssyncadd.s32 $0xFFFFFCE0  }
0x12f: {  	[tilespmem:s16], [sflag:$0x2] =	stream.indirect.gather [hbm4b:s3+s24], $0x40, s15, s24, $0xb8;
	[tilespmem:$0x1D640] =	vst v63  }
0x130: {  	s17 =	simm.s32 $0x1D370  }
0x131: {  	[tilespmem:s18], [sflag:$0x2] =	stream.indirect.gather [hbm4b:s3+s24], $0x40, s17, s24, $0xb8;
	[tilespmem:$0x1D640] =	vst v63  }
0x132: {  	_ = 	snop  }
0x133: {  	[tilespmem:s20], [sflag:$0x2] =	stream.indirect.gather [hbm4b:s3+s24], $0x40, s19, s24, $0xb8;
	[tilespmem:$0x1D640] =	vst v63  }
0x134: {  	_ = 	snop  }
0x135: {  	[tilespmem:s2], [sflag:$0x2] =	stream.indirect.gather [hbm4b:s3+s24], $0x40, s21, s24, $0xb8;
	[tilespmem:$0x1D640] =	vst v63  }
0x136: {  	_ = 	snop  }
0x137: {  	[tilespmem:s28], [sflag:$0x2] =	stream.indirect.gather [hbm4b:s3+s24], $0x40, s26, s24, $0xb8;
	[tilespmem:$0x1D640] =	vst v63  }
0x138: {  	_ = 	snop  }
0x139: {  	[tilespmem:s30], [sflag:$0x2] =	stream.indirect.gather [hbm4b:s3+s24], $0x40, s29, s24, $0xb8;
	[tilespmem:$0x1D640] =	vst v63  }
0x13a: {  	_ = 	snop  }
0x13b: {  	[tilespmem:s0], [sflag:$0x2] =	stream.indirect.gather [hbm4b:s3+s24], $0x40, s31, s24, $0xb8;
	[tilespmem:$0x1D640] =	vst v63  }
0x13c: {  	_ = 	snop  }
0x13d: {  	[tilespmem:s4], [sflag:$0x2] =	stream.indirect.gather [hbm4b:s3+s24], $0x40, s1, s24, $0xb8;
	[tilespmem:$0x1D640] =	vst v63  }
0x13e: {  	_ = 	snop  }
0x13f: {  	[tilespmem:s6], [sflag:$0x2] =	stream.indirect.gather [hbm4b:s3+s24], $0x40, s5, s24, $0xb8;
	[tilespmem:$0x1D640] =	vst v63  }
0x140: {  	_ = 	snop  }
0x141: {  	[tilespmem:s8], [sflag:$0x2] =	stream.indirect.gather [hbm4b:s3+s24], $0x40, s7, s24, $0xb8;
	[tilespmem:$0x1D640] =	vst v63  }
0x142: {  	_ =	swait.ge [sflag:s9], $0x1400  }
0x143: {  	[sflag:s9] =	ssyncset.done $0x0  }
0x144: {  	[sflag:s9] =	ssyncadd.s32 $0xFFFFEC00  }
0x145: {  	_ =	swait.ge [sflag:s9], $0x1400  }
0x146: {  	[sflag:s9] =	ssyncset.done $0x0  }
0x147: {  	[sflag:s9] =	ssyncadd.s32 $0xFFFFEC00  }
0x148: {  	_ =	swait.ge [sflag:s9], $0x1400  }
0x149: {  	[sflag:s9] =	ssyncset.done $0x0  }
0x14a: {  	[sflag:s9] =	ssyncadd.s32 $0xFFFFEC00  }
0x14b: {  	_ =	swait.ge [sflag:s9], $0x1400  }
0x14c: {  	[sflag:s9] =	ssyncset.done $0x0  }
0x14d: {  	[sflag:s9] =	ssyncadd.s32 $0xFFFFEC00  }
0x14e: {  	_ =	swait.ge [sflag:s9], $0x1400  }
0x14f: {  	[sflag:s9] =	ssyncset.done $0x0  }
0x150: {  	[sflag:s9] =	ssyncadd.s32 $0xFFFFEC00  }
0x151: {  	_ =	swait.ge [sflag:s9], $0x1400  }
0x152: {  	[sflag:s9] =	ssyncset.done $0x0  }
0x153: {  	[sflag:s9] =	ssyncadd.s32 $0xFFFFEC00  }
0x154: {  	_ =	swait.ge [sflag:s9], $0x1400  }
0x155: {  	[sflag:s9] =	ssyncset.done $0x0  }
0x156: {  	[sflag:s9] =	ssyncadd.s32 $0xFFFFEC00  }
0x157: {  	_ =	swait.ge [sflag:s9], $0x1400  }
0x158: {  	[sflag:s9] =	ssyncset.done $0x0  }
0x159: {  	[sflag:s9] =	ssyncadd.s32 $0xFFFFEC00  }
0x15a: {  	_ =	swait.ge [sflag:s9], $0x1400  }
0x15b: {  	[sflag:s9] =	ssyncset.done $0x0  }
0x15c: {  	[sflag:s9] =	ssyncadd.s32 $0xFFFFEC00  }
0x15d: {  	_ =	swait.ge [sflag:s9], $0x1400  }
0x15e: {  	[sflag:s9] =	ssyncset.done $0x0  }
0x15f: {  	s13 =	simm.s32 $0x0;
	[sflag:s9] =	ssyncadd.s32 $0xFFFFEC00  }
0x160: {  	v1 =	vld [tilespmem:s13+$0x70]  }
0x161: {  	v2 =	vld [tilespmem:s13+$0x40]  }
0x162: {  	v3 =	vld [tilespmem:s13+$0x50]  }
0x163: {  	v0 =	vld [tilespmem:s13+$0x60];
	_ =	sdelay $0x1  }
0x164: {  	[tilespmem:s13+$0xD630] =	vst.add.f32.msk $0xffff, v1  }
0x165: {  	[tilespmem:s13+$0x4000] =	vst.add.f32.msk $0xffff, v2  }
0x166: {  	[tilespmem:s13+$0x4010] =	vst.add.f32.msk $0xffff, v3  }
0x167: {  	[tilespmem:s13+$0x4020] =	vst.add.f32.msk $0xffff, v0  }
0x168: {  	[tilespmem:s13+$0x4030] =	vst.add.f32.msk $0xffff, v1  }
0x169: {  	[tilespmem:s13+$0x7200] =	vst.add.f32.msk $0xffff, v2  }
0x16a: {  	[tilespmem:s13+$0x7210] =	vst.add.f32.msk $0xffff, v3  }
0x16b: {  	[tilespmem:s13+$0x7220] =	vst.add.f32.msk $0xffff, v0  }
0x16c: {  	[tilespmem:s13+$0x7230] =	vst.add.f32.msk $0xffff, v1  }
0x16d: {  	[tilespmem:s13+$0xA400] =	vst.add.f32.msk $0xffff, v2  }
0x16e: {  	[tilespmem:s13+$0xA410] =	vst.add.f32.msk $0xffff, v3  }
0x16f: {  	[tilespmem:s13+$0xA420] =	vst.add.f32.msk $0xffff, v0  }
0x170: {  	[tilespmem:s13+$0xA430] =	vst.add.f32.msk $0xffff, v1  }
0x171: {  	[tilespmem:s13+$0xD600] =	vst.add.f32.msk $0xffff, v2  }
0x172: {  	s14 =	simm.s32 $0x200;
	s17 =	simm.s32 $0x40;
	[tilespmem:s13+$0xD610] =	vst.add.f32.msk $0xffff, v3  }
.LBB2_6:
0x173: {  	p0 =	sne.s32 s14, $0xC700;
	v1 =	vld [tilespmem:s17+$0x70]  }
0x174: {  	v2 =	vld [tilespmem:s17+$0x40]  }
0x175: {  	v3 =	vld [tilespmem:s17+$0x50]  }
0x176: {  	v4 =	vld [tilespmem:s17+$0x60]  }
0x177: {  	[tilespmem:s13+$0xD620] =	vst.add.f32.msk $0xffff, v0;
	s13 =	smov.u32 s17  }
0x178: {  	[tilespmem:s13+$0xD630] =	vst.add.f32.msk $0xffff, v1  }
0x179: {  	[tilespmem:s13+$0x4000] =	vst.add.f32.msk $0xffff, v2  }
0x17a: {  	[tilespmem:s13+$0x4010] =	vst.add.f32.msk $0xffff, v3  }
0x17b: {  	[tilespmem:s13+$0x4020] =	vst.add.f32.msk $0xffff, v4;
	v0 =	vmov v4  }
0x17c: {  	[tilespmem:s13+$0x4030] =	vst.add.f32.msk $0xffff, v1  }
0x17d: {  	[tilespmem:s13+$0x7200] =	vst.add.f32.msk $0xffff, v2  }
0x17e: {  	[tilespmem:s13+$0x7210] =	vst.add.f32.msk $0xffff, v3  }
0x17f: {  	[tilespmem:s13+$0x7220] =	vst.add.f32.msk $0xffff, v0  }
0x180: {  	[tilespmem:s13+$0x7230] =	vst.add.f32.msk $0xffff, v1  }
0x181: {  	[tilespmem:s13+$0xA400] =	vst.add.f32.msk $0xffff, v2  }
.Ltmp2:
0x182: {  	[tilespmem:s13+$0xA410] =	vst.add.f32.msk $0xffff, v3;
	(pc) =	sbr.rel @p0 .LBB2_6-.Ltmp2, $4  }
0x183: {  	[tilespmem:s13+$0xA420] =	vst.add.f32.msk $0xffff, v0  }
0x184: {  	[tilespmem:s13+$0xA430] =	vst.add.f32.msk $0xffff, v1  }
0x185: {  	[tilespmem:s13+$0xD600] =	vst.add.f32.msk $0xffff, v2  }
0x186: {  	s17 =	sshra.s32 s14, $0x2;
	s14 =	sadd.s32 $0x100, s14;
	[tilespmem:s13+$0xD610] =	vst.add.f32.msk $0xffff, v3  }
0x187: {  	v1 =	vld [tilespmem:s17+$0x70]  }
0x188: {  	v2 =	vld [tilespmem:s17+$0x40]  }
0x189: {  	v3 =	vld [tilespmem:s17+$0x50]  }
0x18a: {  	v4 =	vld [tilespmem:s17+$0x60]  }
0x18b: {  	[tilespmem:s13+$0xD620] =	vst.add.f32.msk $0xffff, v0  }
0x18c: {  	[tilespmem:s17+$0xD630] =	vst.add.f32.msk $0xffff, v1  }
0x18d: {  	[tilespmem:s17+$0x4000] =	vst.add.f32.msk $0xffff, v2  }
0x18e: {  	[tilespmem:s17+$0x4010] =	vst.add.f32.msk $0xffff, v3  }
0x18f: {  	[tilespmem:s17+$0x4020] =	vst.add.f32.msk $0xffff, v4  }
0x190: {  	[tilespmem:s17+$0x4030] =	vst.add.f32.msk $0xffff, v1  }
0x191: {  	[tilespmem:s17+$0x7200] =	vst.add.f32.msk $0xffff, v2  }
0x192: {  	[tilespmem:s17+$0x7210] =	vst.add.f32.msk $0xffff, v3  }
0x193: {  	[tilespmem:s17+$0x7220] =	vst.add.f32.msk $0xffff, v4  }
0x194: {  	[tilespmem:s17+$0x7230] =	vst.add.f32.msk $0xffff, v1  }
0x195: {  	[tilespmem:s17+$0xA400] =	vst.add.f32.msk $0xffff, v2  }
0x196: {  	[tilespmem:s17+$0xA410] =	vst.add.f32.msk $0xffff, v3  }
0x197: {  	[tilespmem:s17+$0xA420] =	vst.add.f32.msk $0xffff, v4  }
0x198: {  	[tilespmem:s17+$0xA430] =	vst.add.f32.msk $0xffff, v1  }
0x199: {  	[tilespmem:s17+$0xD600] =	vst.add.f32.msk $0xffff, v2  }
0x19a: {  	[tilespmem:s17+$0xD610] =	vst.add.f32.msk $0xffff, v3  }
0x19b: {  	s13 =	simm.s32 $0x0;
	s14 =	rddreg [dreg:$0xa];
	[tilespmem:s17+$0xD620] =	vst.add.f32.msk $0xffff, v4  }
0x19c: {  	[hbm4b:s14+s13] =	stream.linear.scatter [tilespmem:s25], [sflag:$0x3], $0xC800, $0x38;
	[tilespmem:$0x1D640] =	vst v63  }
0x19d: {  	_ =	swait.ge [sflag:s10], $0xC800  }
0x19e: {  	[sflag:s10] =	ssyncset.done $0x0  }
0x19f: {  	s17 =	rddreg [dreg:$0xb];
	[sflag:s10] =	ssyncadd.s32 $0xFFFF3800  }
0x1a0: {  	[tilespmem:s23], [sflag:$0x4] =	stream.linear.gather [hbm4b:s17+s13], $0x320, $0x38;
	[tilespmem:$0x1D640] =	vst v63  }
0x1a1: {  	_ =	swait.ge [sflag:s22], $0x320  }
0x1a2: {  	[sflag:s22] =	ssyncset.done $0x0  }
0x1a3: {  	[sflag:s22] =	ssyncadd.s32 $0xFFFFFCE0  }
0x1a4: {  	[tilespmem:s25], [sflag:$0x1] =	stream.indirect.gather [hbm4b:s3+s24], $0x40, s23, s24, $0xb8;
	[tilespmem:$0x1D640] =	vst v63  }
0x1a5: {  	s14 =	simm.s32 $0x1D050;
	s17 =	simm.s32 $0x5400  }
0x1a6: {  	[tilespmem:s17], [sflag:$0x1] =	stream.indirect.gather [hbm4b:s3+s24], $0x40, s14, s24, $0xb8;
	[tilespmem:$0x1D640] =	vst v63  }
0x1a7: {  	s14 =	simm.s32 $0x1D0A0;
	s17 =	simm.s32 $0x6800  }
0x1a8: {  	[tilespmem:s17], [sflag:$0x1] =	stream.indirect.gather [hbm4b:s3+s24], $0x40, s14, s24, $0xb8;
	[tilespmem:$0x1D640] =	vst v63  }
0x1a9: {  	s14 =	simm.s32 $0x1D0F0;
	s17 =	simm.s32 $0x7C00  }
0x1aa: {  	[tilespmem:s17], [sflag:$0x1] =	stream.indirect.gather [hbm4b:s3+s24], $0x40, s14, s24, $0xb8;
	[tilespmem:$0x1D640] =	vst v63  }
0x1ab: {  	s14 =	simm.s32 $0x1D140;
	s17 =	simm.s32 $0x9000  }
0x1ac: {  	[tilespmem:s17], [sflag:$0x1] =	stream.indirect.gather [hbm4b:s3+s24], $0x40, s14, s24, $0xb8;
	[tilespmem:$0x1D640] =	vst v63  }
0x1ad: {  	s14 =	simm.s32 $0x1D190;
	s17 =	simm.s32 $0xA400  }
0x1ae: {  	[tilespmem:s17], [sflag:$0x1] =	stream.indirect.gather [hbm4b:s3+s24], $0x40, s14, s24, $0xb8;
	[tilespmem:$0x1D640] =	vst v63  }
0x1af: {  	s14 =	simm.s32 $0x1D1E0;
	s17 =	simm.s32 $0xB800  }
0x1b0: {  	[tilespmem:s17], [sflag:$0x1] =	stream.indirect.gather [hbm4b:s3+s24], $0x40, s14, s24, $0xb8;
	[tilespmem:$0x1D640] =	vst v63  }
0x1b1: {  	s14 =	simm.s32 $0x1D230;
	s17 =	simm.s32 $0xCC00  }
0x1b2: {  	[tilespmem:s17], [sflag:$0x1] =	stream.indirect.gather [hbm4b:s3+s24], $0x40, s14, s24, $0xb8;
	[tilespmem:$0x1D640] =	vst v63  }
0x1b3: {  	s14 =	simm.s32 $0x1D280;
	s17 =	simm.s32 $0xE000  }
0x1b4: {  	[tilespmem:s17], [sflag:$0x1] =	stream.indirect.gather [hbm4b:s3+s24], $0x40, s14, s24, $0xb8;
	[tilespmem:$0x1D640] =	vst v63  }
0x1b5: {  	s14 =	simm.s32 $0x1D2D0;
	s17 =	simm.s32 $0xF400  }
0x1b6: {  	[tilespmem:s17], [sflag:$0x1] =	stream.indirect.gather [hbm4b:s3+s24], $0x40, s14, s24, $0xb8;
	[tilespmem:$0x1D640] =	vst v63  }
0x1b7: {  	_ =	swait.ge [sflag:s11], $0x1400  }
0x1b8: {  	[sflag:s11] =	ssyncset.done $0x0  }
0x1b9: {  	[sflag:s11] =	ssyncadd.s32 $0xFFFFEC00  }
0x1ba: {  	_ =	swait.ge [sflag:s11], $0x1400  }
0x1bb: {  	[sflag:s11] =	ssyncset.done $0x0  }
0x1bc: {  	[sflag:s11] =	ssyncadd.s32 $0xFFFFEC00  }
0x1bd: {  	_ =	swait.ge [sflag:s11], $0x1400  }
0x1be: {  	[sflag:s11] =	ssyncset.done $0x0  }
0x1bf: {  	[sflag:s11] =	ssyncadd.s32 $0xFFFFEC00  }
0x1c0: {  	_ =	swait.ge [sflag:s11], $0x1400  }
0x1c1: {  	[sflag:s11] =	ssyncset.done $0x0  }
0x1c2: {  	[sflag:s11] =	ssyncadd.s32 $0xFFFFEC00  }
0x1c3: {  	_ =	swait.ge [sflag:s11], $0x1400  }
0x1c4: {  	[sflag:s11] =	ssyncset.done $0x0  }
0x1c5: {  	[sflag:s11] =	ssyncadd.s32 $0xFFFFEC00  }
0x1c6: {  	_ =	swait.ge [sflag:s11], $0x1400  }
0x1c7: {  	[sflag:s11] =	ssyncset.done $0x0  }
0x1c8: {  	[sflag:s11] =	ssyncadd.s32 $0xFFFFEC00  }
0x1c9: {  	_ =	swait.ge [sflag:s11], $0x1400  }
0x1ca: {  	[sflag:s11] =	ssyncset.done $0x0  }
0x1cb: {  	[sflag:s11] =	ssyncadd.s32 $0xFFFFEC00  }
0x1cc: {  	_ =	swait.ge [sflag:s11], $0x1400  }
0x1cd: {  	[sflag:s11] =	ssyncset.done $0x0  }
0x1ce: {  	[sflag:s11] =	ssyncadd.s32 $0xFFFFEC00  }
0x1cf: {  	_ =	swait.ge [sflag:s11], $0x1400  }
0x1d0: {  	[sflag:s11] =	ssyncset.done $0x0  }
0x1d1: {  	[sflag:s11] =	ssyncadd.s32 $0xFFFFEC00  }
0x1d2: {  	_ =	swait.ge [sflag:s11], $0x1400  }
0x1d3: {  	[sflag:s11] =	ssyncset.done $0x0  }
0x1d4: {  	s13 =	simm.s32 $0x0;
	[sflag:s11] =	ssyncadd.s32 $0xFFFFEC00  }
0x1d5: {  	v1 =	vld [tilespmem:s13+$0x70]  }
0x1d6: {  	v2 =	vld [tilespmem:s13+$0x40]  }
0x1d7: {  	v3 =	vld [tilespmem:s13+$0x50]  }
0x1d8: {  	v0 =	vld [tilespmem:s13+$0x60];
	_ =	sdelay $0x1  }
0x1d9: {  	[tilespmem:s13+$0x19E30] =	vst.add.f32.msk $0xffff, v1  }
0x1da: {  	[tilespmem:s13+$0x10800] =	vst.add.f32.msk $0xffff, v2  }
0x1db: {  	[tilespmem:s13+$0x10810] =	vst.add.f32.msk $0xffff, v3  }
0x1dc: {  	[tilespmem:s13+$0x10820] =	vst.add.f32.msk $0xffff, v0  }
0x1dd: {  	[tilespmem:s13+$0x10830] =	vst.add.f32.msk $0xffff, v1  }
0x1de: {  	[tilespmem:s13+$0x13A00] =	vst.add.f32.msk $0xffff, v2  }
0x1df: {  	[tilespmem:s13+$0x13A10] =	vst.add.f32.msk $0xffff, v3  }
0x1e0: {  	[tilespmem:s13+$0x13A20] =	vst.add.f32.msk $0xffff, v0  }
0x1e1: {  	[tilespmem:s13+$0x13A30] =	vst.add.f32.msk $0xffff, v1  }
0x1e2: {  	[tilespmem:s13+$0x16C00] =	vst.add.f32.msk $0xffff, v2  }
0x1e3: {  	[tilespmem:s13+$0x16C10] =	vst.add.f32.msk $0xffff, v3  }
0x1e4: {  	[tilespmem:s13+$0x16C20] =	vst.add.f32.msk $0xffff, v0  }
0x1e5: {  	[tilespmem:s13+$0x16C30] =	vst.add.f32.msk $0xffff, v1  }
0x1e6: {  	[tilespmem:s13+$0x19E00] =	vst.add.f32.msk $0xffff, v2  }
0x1e7: {  	s17 =	simm.s32 $0x40;
	s14 =	simm.s32 $0x200;
	[tilespmem:s13+$0x19E10] =	vst.add.f32.msk $0xffff, v3  }
.LBB2_8:
0x1e8: {  	p0 =	sne.s32 s14, $0xC700;
	v1 =	vld [tilespmem:s17+$0x70]  }
0x1e9: {  	v2 =	vld [tilespmem:s17+$0x40]  }
0x1ea: {  	v3 =	vld [tilespmem:s17+$0x50]  }
0x1eb: {  	v4 =	vld [tilespmem:s17+$0x60]  }
0x1ec: {  	[tilespmem:s13+$0x19E20] =	vst.add.f32.msk $0xffff, v0;
	s13 =	smov.u32 s17  }
0x1ed: {  	[tilespmem:s13+$0x19E30] =	vst.add.f32.msk $0xffff, v1  }
0x1ee: {  	[tilespmem:s13+$0x10800] =	vst.add.f32.msk $0xffff, v2  }
0x1ef: {  	[tilespmem:s13+$0x10810] =	vst.add.f32.msk $0xffff, v3  }
0x1f0: {  	[tilespmem:s13+$0x10820] =	vst.add.f32.msk $0xffff, v4;
	v0 =	vmov v4  }
0x1f1: {  	[tilespmem:s13+$0x10830] =	vst.add.f32.msk $0xffff, v1  }
0x1f2: {  	[tilespmem:s13+$0x13A00] =	vst.add.f32.msk $0xffff, v2  }
0x1f3: {  	[tilespmem:s13+$0x13A10] =	vst.add.f32.msk $0xffff, v3  }
0x1f4: {  	[tilespmem:s13+$0x13A20] =	vst.add.f32.msk $0xffff, v0  }
0x1f5: {  	[tilespmem:s13+$0x13A30] =	vst.add.f32.msk $0xffff, v1  }
0x1f6: {  	[tilespmem:s13+$0x16C00] =	vst.add.f32.msk $0xffff, v2  }
.Ltmp3:
0x1f7: {  	[tilespmem:s13+$0x16C10] =	vst.add.f32.msk $0xffff, v3;
	(pc) =	sbr.rel @p0 .LBB2_8-.Ltmp3, $4  }
0x1f8: {  	[tilespmem:s13+$0x16C20] =	vst.add.f32.msk $0xffff, v0  }
0x1f9: {  	[tilespmem:s13+$0x16C30] =	vst.add.f32.msk $0xffff, v1  }
0x1fa: {  	[tilespmem:s13+$0x19E00] =	vst.add.f32.msk $0xffff, v2  }
0x1fb: {  	s17 =	sshra.s32 s14, $0x2;
	s14 =	sadd.s32 $0x100, s14;
	[tilespmem:s13+$0x19E10] =	vst.add.f32.msk $0xffff, v3  }
0x1fc: {  	v1 =	vld [tilespmem:s17+$0x70]  }
0x1fd: {  	v2 =	vld [tilespmem:s17+$0x40]  }
0x1fe: {  	v3 =	vld [tilespmem:s17+$0x50]  }
0x1ff: {  	v4 =	vld [tilespmem:s17+$0x60]  }
0x200: {  	[tilespmem:s13+$0x19E20] =	vst.add.f32.msk $0xffff, v0  }
0x201: {  	[tilespmem:s17+$0x19E30] =	vst.add.f32.msk $0xffff, v1  }
0x202: {  	[tilespmem:s17+$0x10800] =	vst.add.f32.msk $0xffff, v2  }
0x203: {  	[tilespmem:s17+$0x10810] =	vst.add.f32.msk $0xffff, v3  }
0x204: {  	[tilespmem:s17+$0x10820] =	vst.add.f32.msk $0xffff, v4  }
0x205: {  	[tilespmem:s17+$0x10830] =	vst.add.f32.msk $0xffff, v1  }
0x206: {  	[tilespmem:s17+$0x13A00] =	vst.add.f32.msk $0xffff, v2  }
0x207: {  	[tilespmem:s17+$0x13A10] =	vst.add.f32.msk $0xffff, v3  }
0x208: {  	[tilespmem:s17+$0x13A20] =	vst.add.f32.msk $0xffff, v4  }
0x209: {  	[tilespmem:s17+$0x13A30] =	vst.add.f32.msk $0xffff, v1  }
0x20a: {  	[tilespmem:s17+$0x16C00] =	vst.add.f32.msk $0xffff, v2  }
0x20b: {  	[tilespmem:s17+$0x16C10] =	vst.add.f32.msk $0xffff, v3  }
0x20c: {  	[tilespmem:s17+$0x16C20] =	vst.add.f32.msk $0xffff, v4  }
0x20d: {  	[tilespmem:s17+$0x16C30] =	vst.add.f32.msk $0xffff, v1  }
0x20e: {  	[tilespmem:s17+$0x19E00] =	vst.add.f32.msk $0xffff, v2  }
0x20f: {  	[tilespmem:s17+$0x19E10] =	vst.add.f32.msk $0xffff, v3  }
0x210: {  	s13 =	simm.s32 $0x0;
	s14 =	rddreg [dreg:$0xc];
	[tilespmem:s17+$0x19E20] =	vst.add.f32.msk $0xffff, v4  }
0x211: {  	[hbm4b:s14+s13] =	stream.linear.scatter [tilespmem:s16], [sflag:$0x3], $0xC800, $0x38;
	[tilespmem:$0x1D640] =	vst v63  }
0x212: {  	_ =	swait.ge [sflag:s10], $0xC800  }
0x213: {  	[sflag:s10] =	ssyncset.done $0x0  }
0x214: {  	s17 =	rddreg [dreg:$0xd];
	[sflag:s10] =	ssyncadd.s32 $0xFFFF3800  }
0x215: {  	[tilespmem:s15], [sflag:$0x4] =	stream.linear.gather [hbm4b:s17+s13], $0x320, $0x38;
	[tilespmem:$0x1D640] =	vst v63  }
0x216: {  	_ =	swait.ge [sflag:s22], $0x320  }
0x217: {  	[sflag:s22] =	ssyncset.done $0x0  }
0x218: {  	[sflag:s22] =	ssyncadd.s32 $0xFFFFFCE0  }
0x219: {  	[tilespmem:s16], [sflag:$0x2] =	stream.indirect.gather [hbm4b:s3+s24], $0x40, s15, s24, $0xb8;
	[tilespmem:$0x1D640] =	vst v63  }
0x21a: {  	s17 =	simm.s32 $0x1D370  }
0x21b: {  	[tilespmem:s18], [sflag:$0x2] =	stream.indirect.gather [hbm4b:s3+s24], $0x40, s17, s24, $0xb8;
	[tilespmem:$0x1D640] =	vst v63  }
0x21c: {  	_ = 	snop  }
0x21d: {  	[tilespmem:s20], [sflag:$0x2] =	stream.indirect.gather [hbm4b:s3+s24], $0x40, s19, s24, $0xb8;
	[tilespmem:$0x1D640] =	vst v63  }
0x21e: {  	_ = 	snop  }
0x21f: {  	[tilespmem:s2], [sflag:$0x2] =	stream.indirect.gather [hbm4b:s3+s24], $0x40, s21, s24, $0xb8;
	[tilespmem:$0x1D640] =	vst v63  }
0x220: {  	_ = 	snop  }
0x221: {  	[tilespmem:s28], [sflag:$0x2] =	stream.indirect.gather [hbm4b:s3+s24], $0x40, s26, s24, $0xb8;
	[tilespmem:$0x1D640] =	vst v63  }
0x222: {  	_ = 	snop  }
0x223: {  	[tilespmem:s30], [sflag:$0x2] =	stream.indirect.gather [hbm4b:s3+s24], $0x40, s29, s24, $0xb8;
	[tilespmem:$0x1D640] =	vst v63  }
0x224: {  	_ = 	snop  }
0x225: {  	[tilespmem:s0], [sflag:$0x2] =	stream.indirect.gather [hbm4b:s3+s24], $0x40, s31, s24, $0xb8;
	[tilespmem:$0x1D640] =	vst v63  }
0x226: {  	_ = 	snop  }
0x227: {  	[tilespmem:s4], [sflag:$0x2] =	stream.indirect.gather [hbm4b:s3+s24], $0x40, s1, s24, $0xb8;
	[tilespmem:$0x1D640] =	vst v63  }
0x228: {  	_ = 	snop  }
0x229: {  	[tilespmem:s6], [sflag:$0x2] =	stream.indirect.gather [hbm4b:s3+s24], $0x40, s5, s24, $0xb8;
	[tilespmem:$0x1D640] =	vst v63  }
0x22a: {  	_ = 	snop  }
0x22b: {  	[tilespmem:s8], [sflag:$0x2] =	stream.indirect.gather [hbm4b:s3+s24], $0x40, s7, s24, $0xb8;
	[tilespmem:$0x1D640] =	vst v63  }
0x22c: {  	_ =	swait.ge [sflag:s9], $0x1400  }
0x22d: {  	[sflag:s9] =	ssyncset.done $0x0  }
0x22e: {  	[sflag:s9] =	ssyncadd.s32 $0xFFFFEC00  }
0x22f: {  	_ =	swait.ge [sflag:s9], $0x1400  }
0x230: {  	[sflag:s9] =	ssyncset.done $0x0  }
0x231: {  	[sflag:s9] =	ssyncadd.s32 $0xFFFFEC00  }
0x232: {  	_ =	swait.ge [sflag:s9], $0x1400  }
0x233: {  	[sflag:s9] =	ssyncset.done $0x0  }
0x234: {  	[sflag:s9] =	ssyncadd.s32 $0xFFFFEC00  }
0x235: {  	_ =	swait.ge [sflag:s9], $0x1400  }
0x236: {  	[sflag:s9] =	ssyncset.done $0x0  }
0x237: {  	[sflag:s9] =	ssyncadd.s32 $0xFFFFEC00  }
0x238: {  	_ =	swait.ge [sflag:s9], $0x1400  }
0x239: {  	[sflag:s9] =	ssyncset.done $0x0  }
0x23a: {  	[sflag:s9] =	ssyncadd.s32 $0xFFFFEC00  }
0x23b: {  	_ =	swait.ge [sflag:s9], $0x1400  }
0x23c: {  	[sflag:s9] =	ssyncset.done $0x0  }
0x23d: {  	[sflag:s9] =	ssyncadd.s32 $0xFFFFEC00  }
0x23e: {  	_ =	swait.ge [sflag:s9], $0x1400  }
0x23f: {  	[sflag:s9] =	ssyncset.done $0x0  }
0x240: {  	[sflag:s9] =	ssyncadd.s32 $0xFFFFEC00  }
0x241: {  	_ =	swait.ge [sflag:s9], $0x1400  }
0x242: {  	[sflag:s9] =	ssyncset.done $0x0  }
0x243: {  	[sflag:s9] =	ssyncadd.s32 $0xFFFFEC00  }
0x244: {  	_ =	swait.ge [sflag:s9], $0x1400  }
0x245: {  	[sflag:s9] =	ssyncset.done $0x0  }
0x246: {  	[sflag:s9] =	ssyncadd.s32 $0xFFFFEC00  }
0x247: {  	_ =	swait.ge [sflag:s9], $0x1400  }
0x248: {  	[sflag:s9] =	ssyncset.done $0x0  }
0x249: {  	s13 =	simm.s32 $0x0;
	[sflag:s9] =	ssyncadd.s32 $0xFFFFEC00  }
0x24a: {  	v1 =	vld [tilespmem:s13+$0x70]  }
0x24b: {  	v2 =	vld [tilespmem:s13+$0x40]  }
0x24c: {  	v3 =	vld [tilespmem:s13+$0x50]  }
0x24d: {  	v0 =	vld [tilespmem:s13+$0x60];
	_ =	sdelay $0x1  }
0x24e: {  	[tilespmem:s13+$0xD630] =	vst.add.f32.msk $0xffff, v1  }
0x24f: {  	[tilespmem:s13+$0x4000] =	vst.add.f32.msk $0xffff, v2  }
0x250: {  	[tilespmem:s13+$0x4010] =	vst.add.f32.msk $0xffff, v3  }
0x251: {  	[tilespmem:s13+$0x4020] =	vst.add.f32.msk $0xffff, v0  }
0x252: {  	[tilespmem:s13+$0x4030] =	vst.add.f32.msk $0xffff, v1  }
0x253: {  	[tilespmem:s13+$0x7200] =	vst.add.f32.msk $0xffff, v2  }
0x254: {  	[tilespmem:s13+$0x7210] =	vst.add.f32.msk $0xffff, v3  }
0x255: {  	[tilespmem:s13+$0x7220] =	vst.add.f32.msk $0xffff, v0  }
0x256: {  	[tilespmem:s13+$0x7230] =	vst.add.f32.msk $0xffff, v1  }
0x257: {  	[tilespmem:s13+$0xA400] =	vst.add.f32.msk $0xffff, v2  }
0x258: {  	[tilespmem:s13+$0xA410] =	vst.add.f32.msk $0xffff, v3  }
0x259: {  	[tilespmem:s13+$0xA420] =	vst.add.f32.msk $0xffff, v0  }
0x25a: {  	[tilespmem:s13+$0xA430] =	vst.add.f32.msk $0xffff, v1  }
0x25b: {  	[tilespmem:s13+$0xD600] =	vst.add.f32.msk $0xffff, v2  }
0x25c: {  	s14 =	simm.s32 $0x200;
	s17 =	simm.s32 $0x40;
	[tilespmem:s13+$0xD610] =	vst.add.f32.msk $0xffff, v3  }
.LBB2_10:
0x25d: {  	p0 =	sne.s32 s14, $0xC700;
	v1 =	vld [tilespmem:s17+$0x70]  }
0x25e: {  	v2 =	vld [tilespmem:s17+$0x40]  }
0x25f: {  	v3 =	vld [tilespmem:s17+$0x50]  }
0x260: {  	v4 =	vld [tilespmem:s17+$0x60]  }
0x261: {  	[tilespmem:s13+$0xD620] =	vst.add.f32.msk $0xffff, v0;
	s13 =	smov.u32 s17  }
0x262: {  	[tilespmem:s13+$0xD630] =	vst.add.f32.msk $0xffff, v1  }
0x263: {  	[tilespmem:s13+$0x4000] =	vst.add.f32.msk $0xffff, v2  }
0x264: {  	[tilespmem:s13+$0x4010] =	vst.add.f32.msk $0xffff, v3  }
0x265: {  	[tilespmem:s13+$0x4020] =	vst.add.f32.msk $0xffff, v4;
	v0 =	vmov v4  }
0x266: {  	[tilespmem:s13+$0x4030] =	vst.add.f32.msk $0xffff, v1  }
0x267: {  	[tilespmem:s13+$0x7200] =	vst.add.f32.msk $0xffff, v2  }
0x268: {  	[tilespmem:s13+$0x7210] =	vst.add.f32.msk $0xffff, v3  }
0x269: {  	[tilespmem:s13+$0x7220] =	vst.add.f32.msk $0xffff, v0  }
0x26a: {  	[tilespmem:s13+$0x7230] =	vst.add.f32.msk $0xffff, v1  }
0x26b: {  	[tilespmem:s13+$0xA400] =	vst.add.f32.msk $0xffff, v2  }
.Ltmp4:
0x26c: {  	[tilespmem:s13+$0xA410] =	vst.add.f32.msk $0xffff, v3;
	(pc) =	sbr.rel @p0 .LBB2_10-.Ltmp4, $4  }
0x26d: {  	[tilespmem:s13+$0xA420] =	vst.add.f32.msk $0xffff, v0  }
0x26e: {  	[tilespmem:s13+$0xA430] =	vst.add.f32.msk $0xffff, v1  }
0x26f: {  	[tilespmem:s13+$0xD600] =	vst.add.f32.msk $0xffff, v2  }
0x270: {  	s17 =	sshra.s32 s14, $0x2;
	s14 =	sadd.s32 $0x100, s14;
	[tilespmem:s13+$0xD610] =	vst.add.f32.msk $0xffff, v3  }
0x271: {  	v1 =	vld [tilespmem:s17+$0x70]  }
0x272: {  	v2 =	vld [tilespmem:s17+$0x40]  }
0x273: {  	v3 =	vld [tilespmem:s17+$0x50]  }
0x274: {  	v4 =	vld [tilespmem:s17+$0x60]  }
0x275: {  	[tilespmem:s13+$0xD620] =	vst.add.f32.msk $0xffff, v0  }
0x276: {  	[tilespmem:s17+$0xD630] =	vst.add.f32.msk $0xffff, v1  }
0x277: {  	[tilespmem:s17+$0x4000] =	vst.add.f32.msk $0xffff, v2  }
0x278: {  	[tilespmem:s17+$0x4010] =	vst.add.f32.msk $0xffff, v3  }
0x279: {  	[tilespmem:s17+$0x4020] =	vst.add.f32.msk $0xffff, v4  }
0x27a: {  	[tilespmem:s17+$0x4030] =	vst.add.f32.msk $0xffff, v1  }
0x27b: {  	[tilespmem:s17+$0x7200] =	vst.add.f32.msk $0xffff, v2  }
0x27c: {  	[tilespmem:s17+$0x7210] =	vst.add.f32.msk $0xffff, v3  }
0x27d: {  	[tilespmem:s17+$0x7220] =	vst.add.f32.msk $0xffff, v4  }
0x27e: {  	[tilespmem:s17+$0x7230] =	vst.add.f32.msk $0xffff, v1  }
0x27f: {  	[tilespmem:s17+$0xA400] =	vst.add.f32.msk $0xffff, v2  }
0x280: {  	[tilespmem:s17+$0xA410] =	vst.add.f32.msk $0xffff, v3  }
0x281: {  	[tilespmem:s17+$0xA420] =	vst.add.f32.msk $0xffff, v4  }
0x282: {  	[tilespmem:s17+$0xA430] =	vst.add.f32.msk $0xffff, v1  }
0x283: {  	[tilespmem:s17+$0xD600] =	vst.add.f32.msk $0xffff, v2  }
0x284: {  	[tilespmem:s17+$0xD610] =	vst.add.f32.msk $0xffff, v3  }
0x285: {  	s13 =	simm.s32 $0x0;
	s14 =	rddreg [dreg:$0xe];
	[tilespmem:s17+$0xD620] =	vst.add.f32.msk $0xffff, v4  }
0x286: {  	[hbm4b:s14+s13] =	stream.linear.scatter [tilespmem:s25], [sflag:$0x3], $0xC800, $0x38;
	[tilespmem:$0x1D640] =	vst v63  }
0x287: {  	_ =	swait.ge [sflag:s10], $0xC800  }
0x288: {  	[sflag:s10] =	ssyncset.done $0x0  }
0x289: {  	s17 =	rddreg [dreg:$0xf];
	[sflag:s10] =	ssyncadd.s32 $0xFFFF3800  }
0x28a: {  	[tilespmem:s23], [sflag:$0x4] =	stream.linear.gather [hbm4b:s17+s13], $0x320, $0x38;
	[tilespmem:$0x1D640] =	vst v63  }
0x28b: {  	_ =	swait.ge [sflag:s22], $0x320  }
0x28c: {  	[sflag:s22] =	ssyncset.done $0x0  }
0x28d: {  	[sflag:s22] =	ssyncadd.s32 $0xFFFFFCE0  }
0x28e: {  	[tilespmem:s25], [sflag:$0x1] =	stream.indirect.gather [hbm4b:s3+s24], $0x40, s23, s24, $0xb8;
	[tilespmem:$0x1D640] =	vst v63  }
0x28f: {  	s14 =	simm.s32 $0x1D050;
	s17 =	simm.s32 $0x5400  }
0x290: {  	[tilespmem:s17], [sflag:$0x1] =	stream.indirect.gather [hbm4b:s3+s24], $0x40, s14, s24, $0xb8;
	[tilespmem:$0x1D640] =	vst v63  }
0x291: {  	s14 =	simm.s32 $0x1D0A0;
	s17 =	simm.s32 $0x6800  }
0x292: {  	[tilespmem:s17], [sflag:$0x1] =	stream.indirect.gather [hbm4b:s3+s24], $0x40, s14, s24, $0xb8;
	[tilespmem:$0x1D640] =	vst v63  }
0x293: {  	s14 =	simm.s32 $0x1D0F0;
	s17 =	simm.s32 $0x7C00  }
0x294: {  	[tilespmem:s17], [sflag:$0x1] =	stream.indirect.gather [hbm4b:s3+s24], $0x40, s14, s24, $0xb8;
	[tilespmem:$0x1D640] =	vst v63  }
0x295: {  	s14 =	simm.s32 $0x1D140;
	s17 =	simm.s32 $0x9000  }
0x296: {  	[tilespmem:s17], [sflag:$0x1] =	stream.indirect.gather [hbm4b:s3+s24], $0x40, s14, s24, $0xb8;
	[tilespmem:$0x1D640] =	vst v63  }
0x297: {  	s14 =	simm.s32 $0x1D190;
	s17 =	simm.s32 $0xA400  }
0x298: {  	[tilespmem:s17], [sflag:$0x1] =	stream.indirect.gather [hbm4b:s3+s24], $0x40, s14, s24, $0xb8;
	[tilespmem:$0x1D640] =	vst v63  }
0x299: {  	s14 =	simm.s32 $0x1D1E0;
	s17 =	simm.s32 $0xB800  }
0x29a: {  	[tilespmem:s17], [sflag:$0x1] =	stream.indirect.gather [hbm4b:s3+s24], $0x40, s14, s24, $0xb8;
	[tilespmem:$0x1D640] =	vst v63  }
0x29b: {  	s14 =	simm.s32 $0x1D230;
	s17 =	simm.s32 $0xCC00  }
0x29c: {  	[tilespmem:s17], [sflag:$0x1] =	stream.indirect.gather [hbm4b:s3+s24], $0x40, s14, s24, $0xb8;
	[tilespmem:$0x1D640] =	vst v63  }
0x29d: {  	s14 =	simm.s32 $0x1D280;
	s17 =	simm.s32 $0xE000  }
0x29e: {  	[tilespmem:s17], [sflag:$0x1] =	stream.indirect.gather [hbm4b:s3+s24], $0x40, s14, s24, $0xb8;
	[tilespmem:$0x1D640] =	vst v63  }
0x29f: {  	s14 =	simm.s32 $0x1D2D0;
	s17 =	simm.s32 $0xF400  }
0x2a0: {  	[tilespmem:s17], [sflag:$0x1] =	stream.indirect.gather [hbm4b:s3+s24], $0x40, s14, s24, $0xb8;
	[tilespmem:$0x1D640] =	vst v63  }
0x2a1: {  	_ =	swait.ge [sflag:s11], $0x1400  }
0x2a2: {  	[sflag:s11] =	ssyncset.done $0x0  }
0x2a3: {  	[sflag:s11] =	ssyncadd.s32 $0xFFFFEC00  }
0x2a4: {  	_ =	swait.ge [sflag:s11], $0x1400  }
0x2a5: {  	[sflag:s11] =	ssyncset.done $0x0  }
0x2a6: {  	[sflag:s11] =	ssyncadd.s32 $0xFFFFEC00  }
0x2a7: {  	_ =	swait.ge [sflag:s11], $0x1400  }
0x2a8: {  	[sflag:s11] =	ssyncset.done $0x0  }
0x2a9: {  	[sflag:s11] =	ssyncadd.s32 $0xFFFFEC00  }
0x2aa: {  	_ =	swait.ge [sflag:s11], $0x1400  }
0x2ab: {  	[sflag:s11] =	ssyncset.done $0x0  }
0x2ac: {  	[sflag:s11] =	ssyncadd.s32 $0xFFFFEC00  }
0x2ad: {  	_ =	swait.ge [sflag:s11], $0x1400  }
0x2ae: {  	[sflag:s11] =	ssyncset.done $0x0  }
0x2af: {  	[sflag:s11] =	ssyncadd.s32 $0xFFFFEC00  }
0x2b0: {  	_ =	swait.ge [sflag:s11], $0x1400  }
0x2b1: {  	[sflag:s11] =	ssyncset.done $0x0  }
0x2b2: {  	[sflag:s11] =	ssyncadd.s32 $0xFFFFEC00  }
0x2b3: {  	_ =	swait.ge [sflag:s11], $0x1400  }
0x2b4: {  	[sflag:s11] =	ssyncset.done $0x0  }
0x2b5: {  	[sflag:s11] =	ssyncadd.s32 $0xFFFFEC00  }
0x2b6: {  	_ =	swait.ge [sflag:s11], $0x1400  }
0x2b7: {  	[sflag:s11] =	ssyncset.done $0x0  }
0x2b8: {  	[sflag:s11] =	ssyncadd.s32 $0xFFFFEC00  }
0x2b9: {  	_ =	swait.ge [sflag:s11], $0x1400  }
0x2ba: {  	[sflag:s11] =	ssyncset.done $0x0  }
0x2bb: {  	[sflag:s11] =	ssyncadd.s32 $0xFFFFEC00  }
0x2bc: {  	_ =	swait.ge [sflag:s11], $0x1400  }
0x2bd: {  	[sflag:s11] =	ssyncset.done $0x0  }
0x2be: {  	s13 =	simm.s32 $0x0;
	[sflag:s11] =	ssyncadd.s32 $0xFFFFEC00  }
0x2bf: {  	v1 =	vld [tilespmem:s13+$0x70]  }
0x2c0: {  	v2 =	vld [tilespmem:s13+$0x40]  }
0x2c1: {  	v3 =	vld [tilespmem:s13+$0x50]  }
0x2c2: {  	v0 =	vld [tilespmem:s13+$0x60];
	_ =	sdelay $0x1  }
0x2c3: {  	[tilespmem:s13+$0x19E30] =	vst.add.f32.msk $0xffff, v1  }
0x2c4: {  	[tilespmem:s13+$0x10800] =	vst.add.f32.msk $0xffff, v2  }
0x2c5: {  	[tilespmem:s13+$0x10810] =	vst.add.f32.msk $0xffff, v3  }
0x2c6: {  	[tilespmem:s13+$0x10820] =	vst.add.f32.msk $0xffff, v0  }
0x2c7: {  	[tilespmem:s13+$0x10830] =	vst.add.f32.msk $0xffff, v1  }
0x2c8: {  	[tilespmem:s13+$0x13A00] =	vst.add.f32.msk $0xffff, v2  }
0x2c9: {  	[tilespmem:s13+$0x13A10] =	vst.add.f32.msk $0xffff, v3  }
0x2ca: {  	[tilespmem:s13+$0x13A20] =	vst.add.f32.msk $0xffff, v0  }
0x2cb: {  	[tilespmem:s13+$0x13A30] =	vst.add.f32.msk $0xffff, v1  }
0x2cc: {  	[tilespmem:s13+$0x16C00] =	vst.add.f32.msk $0xffff, v2  }
0x2cd: {  	[tilespmem:s13+$0x16C10] =	vst.add.f32.msk $0xffff, v3  }
0x2ce: {  	[tilespmem:s13+$0x16C20] =	vst.add.f32.msk $0xffff, v0  }
0x2cf: {  	[tilespmem:s13+$0x16C30] =	vst.add.f32.msk $0xffff, v1  }
0x2d0: {  	[tilespmem:s13+$0x19E00] =	vst.add.f32.msk $0xffff, v2  }
0x2d1: {  	s17 =	simm.s32 $0x40;
	s14 =	simm.s32 $0x200;
	[tilespmem:s13+$0x19E10] =	vst.add.f32.msk $0xffff, v3  }
.LBB2_12:
0x2d2: {  	p0 =	sne.s32 s14, $0xC700;
	v1 =	vld [tilespmem:s17+$0x70]  }
0x2d3: {  	v2 =	vld [tilespmem:s17+$0x40]  }
0x2d4: {  	v3 =	vld [tilespmem:s17+$0x50]  }
0x2d5: {  	v4 =	vld [tilespmem:s17+$0x60]  }
0x2d6: {  	[tilespmem:s13+$0x19E20] =	vst.add.f32.msk $0xffff, v0;
	s13 =	smov.u32 s17  }
0x2d7: {  	[tilespmem:s13+$0x19E30] =	vst.add.f32.msk $0xffff, v1  }
0x2d8: {  	[tilespmem:s13+$0x10800] =	vst.add.f32.msk $0xffff, v2  }
0x2d9: {  	[tilespmem:s13+$0x10810] =	vst.add.f32.msk $0xffff, v3  }
0x2da: {  	[tilespmem:s13+$0x10820] =	vst.add.f32.msk $0xffff, v4;
	v0 =	vmov v4  }
0x2db: {  	[tilespmem:s13+$0x10830] =	vst.add.f32.msk $0xffff, v1  }
0x2dc: {  	[tilespmem:s13+$0x13A00] =	vst.add.f32.msk $0xffff, v2  }
0x2dd: {  	[tilespmem:s13+$0x13A10] =	vst.add.f32.msk $0xffff, v3  }
0x2de: {  	[tilespmem:s13+$0x13A20] =	vst.add.f32.msk $0xffff, v0  }
0x2df: {  	[tilespmem:s13+$0x13A30] =	vst.add.f32.msk $0xffff, v1  }
0x2e0: {  	[tilespmem:s13+$0x16C00] =	vst.add.f32.msk $0xffff, v2  }
.Ltmp5:
0x2e1: {  	[tilespmem:s13+$0x16C10] =	vst.add.f32.msk $0xffff, v3;
	(pc) =	sbr.rel @p0 .LBB2_12-.Ltmp5, $4  }
0x2e2: {  	[tilespmem:s13+$0x16C20] =	vst.add.f32.msk $0xffff, v0  }
0x2e3: {  	[tilespmem:s13+$0x16C30] =	vst.add.f32.msk $0xffff, v1  }
0x2e4: {  	[tilespmem:s13+$0x19E00] =	vst.add.f32.msk $0xffff, v2  }
0x2e5: {  	s17 =	sshra.s32 s14, $0x2;
	s14 =	sadd.s32 $0x100, s14;
	[tilespmem:s13+$0x19E10] =	vst.add.f32.msk $0xffff, v3  }
0x2e6: {  	v1 =	vld [tilespmem:s17+$0x70]  }
0x2e7: {  	v2 =	vld [tilespmem:s17+$0x40]  }
0x2e8: {  	v3 =	vld [tilespmem:s17+$0x50]  }
0x2e9: {  	v4 =	vld [tilespmem:s17+$0x60]  }
0x2ea: {  	[tilespmem:s13+$0x19E20] =	vst.add.f32.msk $0xffff, v0  }
0x2eb: {  	[tilespmem:s17+$0x19E30] =	vst.add.f32.msk $0xffff, v1  }
0x2ec: {  	[tilespmem:s17+$0x10800] =	vst.add.f32.msk $0xffff, v2  }
0x2ed: {  	[tilespmem:s17+$0x10810] =	vst.add.f32.msk $0xffff, v3  }
0x2ee: {  	[tilespmem:s17+$0x10820] =	vst.add.f32.msk $0xffff, v4  }
0x2ef: {  	[tilespmem:s17+$0x10830] =	vst.add.f32.msk $0xffff, v1  }
0x2f0: {  	[tilespmem:s17+$0x13A00] =	vst.add.f32.msk $0xffff, v2  }
0x2f1: {  	[tilespmem:s17+$0x13A10] =	vst.add.f32.msk $0xffff, v3  }
0x2f2: {  	[tilespmem:s17+$0x13A20] =	vst.add.f32.msk $0xffff, v4  }
0x2f3: {  	[tilespmem:s17+$0x13A30] =	vst.add.f32.msk $0xffff, v1  }
0x2f4: {  	[tilespmem:s17+$0x16C00] =	vst.add.f32.msk $0xffff, v2  }
0x2f5: {  	[tilespmem:s17+$0x16C10] =	vst.add.f32.msk $0xffff, v3  }
0x2f6: {  	[tilespmem:s17+$0x16C20] =	vst.add.f32.msk $0xffff, v4  }
0x2f7: {  	[tilespmem:s17+$0x16C30] =	vst.add.f32.msk $0xffff, v1  }
0x2f8: {  	[tilespmem:s17+$0x19E00] =	vst.add.f32.msk $0xffff, v2  }
0x2f9: {  	[tilespmem:s17+$0x19E10] =	vst.add.f32.msk $0xffff, v3  }
0x2fa: {  	s13 =	simm.s32 $0x0;
	s14 =	rddreg [dreg:$0x10];
	[tilespmem:s17+$0x19E20] =	vst.add.f32.msk $0xffff, v4  }
0x2fb: {  	[hbm4b:s14+s13] =	stream.linear.scatter [tilespmem:s16], [sflag:$0x3], $0xC800, $0x38;
	[tilespmem:$0x1D640] =	vst v63  }
0x2fc: {  	_ =	swait.ge [sflag:s10], $0xC800  }
0x2fd: {  	[sflag:s10] =	ssyncset.done $0x0  }
0x2fe: {  	s17 =	rddreg [dreg:$0x11];
	[sflag:s10] =	ssyncadd.s32 $0xFFFF3800  }
0x2ff: {  	[tilespmem:s15], [sflag:$0x4] =	stream.linear.gather [hbm4b:s17+s13], $0x320, $0x38;
	[tilespmem:$0x1D640] =	vst v63  }
0x300: {  	_ =	swait.ge [sflag:s22], $0x320  }
0x301: {  	[sflag:s22] =	ssyncset.done $0x0  }
0x302: {  	[sflag:s22] =	ssyncadd.s32 $0xFFFFFCE0  }
0x303: {  	[tilespmem:s16], [sflag:$0x2] =	stream.indirect.gather [hbm4b:s3+s24], $0x40, s15, s24, $0xb8;
	[tilespmem:$0x1D640] =	vst v63  }
0x304: {  	s17 =	simm.s32 $0x1D370  }
0x305: {  	[tilespmem:s18], [sflag:$0x2] =	stream.indirect.gather [hbm4b:s3+s24], $0x40, s17, s24, $0xb8;
	[tilespmem:$0x1D640] =	vst v63  }
0x306: {  	_ = 	snop  }
0x307: {  	[tilespmem:s20], [sflag:$0x2] =	stream.indirect.gather [hbm4b:s3+s24], $0x40, s19, s24, $0xb8;
	[tilespmem:$0x1D640] =	vst v63  }
0x308: {  	_ = 	snop  }
0x309: {  	[tilespmem:s2], [sflag:$0x2] =	stream.indirect.gather [hbm4b:s3+s24], $0x40, s21, s24, $0xb8;
	[tilespmem:$0x1D640] =	vst v63  }
0x30a: {  	_ = 	snop  }
0x30b: {  	[tilespmem:s28], [sflag:$0x2] =	stream.indirect.gather [hbm4b:s3+s24], $0x40, s26, s24, $0xb8;
	[tilespmem:$0x1D640] =	vst v63  }
0x30c: {  	_ = 	snop  }
0x30d: {  	[tilespmem:s30], [sflag:$0x2] =	stream.indirect.gather [hbm4b:s3+s24], $0x40, s29, s24, $0xb8;
	[tilespmem:$0x1D640] =	vst v63  }
0x30e: {  	_ = 	snop  }
0x30f: {  	[tilespmem:s0], [sflag:$0x2] =	stream.indirect.gather [hbm4b:s3+s24], $0x40, s31, s24, $0xb8;
	[tilespmem:$0x1D640] =	vst v63  }
0x310: {  	_ = 	snop  }
0x311: {  	[tilespmem:s4], [sflag:$0x2] =	stream.indirect.gather [hbm4b:s3+s24], $0x40, s1, s24, $0xb8;
	[tilespmem:$0x1D640] =	vst v63  }
0x312: {  	_ = 	snop  }
0x313: {  	[tilespmem:s6], [sflag:$0x2] =	stream.indirect.gather [hbm4b:s3+s24], $0x40, s5, s24, $0xb8;
	[tilespmem:$0x1D640] =	vst v63  }
0x314: {  	_ = 	snop  }
0x315: {  	[tilespmem:s8], [sflag:$0x2] =	stream.indirect.gather [hbm4b:s3+s24], $0x40, s7, s24, $0xb8;
	[tilespmem:$0x1D640] =	vst v63  }
0x316: {  	_ =	swait.ge [sflag:s9], $0x1400  }
0x317: {  	[sflag:s9] =	ssyncset.done $0x0  }
0x318: {  	[sflag:s9] =	ssyncadd.s32 $0xFFFFEC00  }
0x319: {  	_ =	swait.ge [sflag:s9], $0x1400  }
0x31a: {  	[sflag:s9] =	ssyncset.done $0x0  }
0x31b: {  	[sflag:s9] =	ssyncadd.s32 $0xFFFFEC00  }
0x31c: {  	_ =	swait.ge [sflag:s9], $0x1400  }
0x31d: {  	[sflag:s9] =	ssyncset.done $0x0  }
0x31e: {  	[sflag:s9] =	ssyncadd.s32 $0xFFFFEC00  }
0x31f: {  	_ =	swait.ge [sflag:s9], $0x1400  }
0x320: {  	[sflag:s9] =	ssyncset.done $0x0  }
0x321: {  	[sflag:s9] =	ssyncadd.s32 $0xFFFFEC00  }
0x322: {  	_ =	swait.ge [sflag:s9], $0x1400  }
0x323: {  	[sflag:s9] =	ssyncset.done $0x0  }
0x324: {  	[sflag:s9] =	ssyncadd.s32 $0xFFFFEC00  }
0x325: {  	_ =	swait.ge [sflag:s9], $0x1400  }
0x326: {  	[sflag:s9] =	ssyncset.done $0x0  }
0x327: {  	[sflag:s9] =	ssyncadd.s32 $0xFFFFEC00  }
0x328: {  	_ =	swait.ge [sflag:s9], $0x1400  }
0x329: {  	[sflag:s9] =	ssyncset.done $0x0  }
0x32a: {  	[sflag:s9] =	ssyncadd.s32 $0xFFFFEC00  }
0x32b: {  	_ =	swait.ge [sflag:s9], $0x1400  }
0x32c: {  	[sflag:s9] =	ssyncset.done $0x0  }
0x32d: {  	[sflag:s9] =	ssyncadd.s32 $0xFFFFEC00  }
0x32e: {  	_ =	swait.ge [sflag:s9], $0x1400  }
0x32f: {  	[sflag:s9] =	ssyncset.done $0x0  }
0x330: {  	[sflag:s9] =	ssyncadd.s32 $0xFFFFEC00  }
0x331: {  	_ =	swait.ge [sflag:s9], $0x1400  }
0x332: {  	[sflag:s9] =	ssyncset.done $0x0  }
0x333: {  	s13 =	simm.s32 $0x0;
	[sflag:s9] =	ssyncadd.s32 $0xFFFFEC00  }
0x334: {  	v1 =	vld [tilespmem:s13+$0x70]  }
0x335: {  	v2 =	vld [tilespmem:s13+$0x40]  }
0x336: {  	v3 =	vld [tilespmem:s13+$0x50]  }
0x337: {  	v0 =	vld [tilespmem:s13+$0x60];
	_ =	sdelay $0x1  }
0x338: {  	[tilespmem:s13+$0xD630] =	vst.add.f32.msk $0xffff, v1  }
0x339: {  	[tilespmem:s13+$0x4000] =	vst.add.f32.msk $0xffff, v2  }
0x33a: {  	[tilespmem:s13+$0x4010] =	vst.add.f32.msk $0xffff, v3  }
0x33b: {  	[tilespmem:s13+$0x4020] =	vst.add.f32.msk $0xffff, v0  }
0x33c: {  	[tilespmem:s13+$0x4030] =	vst.add.f32.msk $0xffff, v1  }
0x33d: {  	[tilespmem:s13+$0x7200] =	vst.add.f32.msk $0xffff, v2  }
0x33e: {  	[tilespmem:s13+$0x7210] =	vst.add.f32.msk $0xffff, v3  }
0x33f: {  	[tilespmem:s13+$0x7220] =	vst.add.f32.msk $0xffff, v0  }
0x340: {  	[tilespmem:s13+$0x7230] =	vst.add.f32.msk $0xffff, v1  }
0x341: {  	[tilespmem:s13+$0xA400] =	vst.add.f32.msk $0xffff, v2  }
0x342: {  	[tilespmem:s13+$0xA410] =	vst.add.f32.msk $0xffff, v3  }
0x343: {  	[tilespmem:s13+$0xA420] =	vst.add.f32.msk $0xffff, v0  }
0x344: {  	[tilespmem:s13+$0xA430] =	vst.add.f32.msk $0xffff, v1  }
0x345: {  	[tilespmem:s13+$0xD600] =	vst.add.f32.msk $0xffff, v2  }
0x346: {  	s14 =	simm.s32 $0x200;
	s17 =	simm.s32 $0x40;
	[tilespmem:s13+$0xD610] =	vst.add.f32.msk $0xffff, v3  }
.LBB2_14:
0x347: {  	p0 =	sne.s32 s14, $0xC700;
	v1 =	vld [tilespmem:s17+$0x70]  }
0x348: {  	v2 =	vld [tilespmem:s17+$0x40]  }
0x349: {  	v3 =	vld [tilespmem:s17+$0x50]  }
0x34a: {  	v4 =	vld [tilespmem:s17+$0x60]  }
0x34b: {  	[tilespmem:s13+$0xD620] =	vst.add.f32.msk $0xffff, v0;
	s13 =	smov.u32 s17  }
0x34c: {  	[tilespmem:s13+$0xD630] =	vst.add.f32.msk $0xffff, v1  }
0x34d: {  	[tilespmem:s13+$0x4000] =	vst.add.f32.msk $0xffff, v2  }
0x34e: {  	[tilespmem:s13+$0x4010] =	vst.add.f32.msk $0xffff, v3  }
0x34f: {  	[tilespmem:s13+$0x4020] =	vst.add.f32.msk $0xffff, v4;
	v0 =	vmov v4  }
0x350: {  	[tilespmem:s13+$0x4030] =	vst.add.f32.msk $0xffff, v1  }
0x351: {  	[tilespmem:s13+$0x7200] =	vst.add.f32.msk $0xffff, v2  }
0x352: {  	[tilespmem:s13+$0x7210] =	vst.add.f32.msk $0xffff, v3  }
0x353: {  	[tilespmem:s13+$0x7220] =	vst.add.f32.msk $0xffff, v0  }
0x354: {  	[tilespmem:s13+$0x7230] =	vst.add.f32.msk $0xffff, v1  }
0x355: {  	[tilespmem:s13+$0xA400] =	vst.add.f32.msk $0xffff, v2  }
.Ltmp6:
0x356: {  	[tilespmem:s13+$0xA410] =	vst.add.f32.msk $0xffff, v3;
	(pc) =	sbr.rel @p0 .LBB2_14-.Ltmp6, $4  }
0x357: {  	[tilespmem:s13+$0xA420] =	vst.add.f32.msk $0xffff, v0  }
0x358: {  	[tilespmem:s13+$0xA430] =	vst.add.f32.msk $0xffff, v1  }
0x359: {  	[tilespmem:s13+$0xD600] =	vst.add.f32.msk $0xffff, v2  }
0x35a: {  	s17 =	sshra.s32 s14, $0x2;
	s14 =	sadd.s32 $0x100, s14;
	[tilespmem:s13+$0xD610] =	vst.add.f32.msk $0xffff, v3  }
0x35b: {  	v1 =	vld [tilespmem:s17+$0x70]  }
0x35c: {  	v2 =	vld [tilespmem:s17+$0x40]  }
0x35d: {  	v3 =	vld [tilespmem:s17+$0x50]  }
0x35e: {  	v4 =	vld [tilespmem:s17+$0x60]  }
0x35f: {  	[tilespmem:s13+$0xD620] =	vst.add.f32.msk $0xffff, v0  }
0x360: {  	[tilespmem:s17+$0xD630] =	vst.add.f32.msk $0xffff, v1  }
0x361: {  	[tilespmem:s17+$0x4000] =	vst.add.f32.msk $0xffff, v2  }
0x362: {  	[tilespmem:s17+$0x4010] =	vst.add.f32.msk $0xffff, v3  }
0x363: {  	[tilespmem:s17+$0x4020] =	vst.add.f32.msk $0xffff, v4  }
0x364: {  	[tilespmem:s17+$0x4030] =	vst.add.f32.msk $0xffff, v1  }
0x365: {  	[tilespmem:s17+$0x7200] =	vst.add.f32.msk $0xffff, v2  }
0x366: {  	[tilespmem:s17+$0x7210] =	vst.add.f32.msk $0xffff, v3  }
0x367: {  	[tilespmem:s17+$0x7220] =	vst.add.f32.msk $0xffff, v4  }
0x368: {  	[tilespmem:s17+$0x7230] =	vst.add.f32.msk $0xffff, v1  }
0x369: {  	[tilespmem:s17+$0xA400] =	vst.add.f32.msk $0xffff, v2  }
0x36a: {  	[tilespmem:s17+$0xA410] =	vst.add.f32.msk $0xffff, v3  }
0x36b: {  	[tilespmem:s17+$0xA420] =	vst.add.f32.msk $0xffff, v4  }
0x36c: {  	[tilespmem:s17+$0xA430] =	vst.add.f32.msk $0xffff, v1  }
0x36d: {  	[tilespmem:s17+$0xD600] =	vst.add.f32.msk $0xffff, v2  }
0x36e: {  	[tilespmem:s17+$0xD610] =	vst.add.f32.msk $0xffff, v3  }
0x36f: {  	s14 =	rddreg [dreg:$0x12];
	[tilespmem:s17+$0xD620] =	vst.add.f32.msk $0xffff, v4;
	s17 =	simm.s32 $0x0  }
0x370: {  	[hbm4b:s14+s17] =	stream.linear.scatter [tilespmem:s25], [sflag:$0x3], $0xC800, $0x38;
	[tilespmem:$0x1D640] =	vst v63  }
0x371: {  	_ =	swait.ge [sflag:s11], $0x1400  }
0x372: {  	[sflag:s11] =	ssyncset.done $0x0  }
0x373: {  	[sflag:s11] =	ssyncadd.s32 $0xFFFFEC00  }
0x374: {  	_ =	swait.ge [sflag:s11], $0x1400  }
0x375: {  	[sflag:s11] =	ssyncset.done $0x0  }
0x376: {  	[sflag:s11] =	ssyncadd.s32 $0xFFFFEC00  }
0x377: {  	_ =	swait.ge [sflag:s11], $0x1400  }
0x378: {  	[sflag:s11] =	ssyncset.done $0x0  }
0x379: {  	[sflag:s11] =	ssyncadd.s32 $0xFFFFEC00  }
0x37a: {  	_ =	swait.ge [sflag:s11], $0x1400  }
0x37b: {  	[sflag:s11] =	ssyncset.done $0x0  }
0x37c: {  	[sflag:s11] =	ssyncadd.s32 $0xFFFFEC00  }
0x37d: {  	_ =	swait.ge [sflag:s11], $0x1400  }
0x37e: {  	[sflag:s11] =	ssyncset.done $0x0  }
0x37f: {  	[sflag:s11] =	ssyncadd.s32 $0xFFFFEC00  }
0x380: {  	_ =	swait.ge [sflag:s11], $0x1400  }
0x381: {  	[sflag:s11] =	ssyncset.done $0x0  }
0x382: {  	[sflag:s11] =	ssyncadd.s32 $0xFFFFEC00  }
0x383: {  	_ =	swait.ge [sflag:s11], $0x1400  }
0x384: {  	[sflag:s11] =	ssyncset.done $0x0  }
0x385: {  	[sflag:s11] =	ssyncadd.s32 $0xFFFFEC00  }
0x386: {  	_ =	swait.ge [sflag:s11], $0x1400  }
0x387: {  	[sflag:s11] =	ssyncset.done $0x0  }
0x388: {  	[sflag:s11] =	ssyncadd.s32 $0xFFFFEC00  }
0x389: {  	_ =	swait.ge [sflag:s11], $0x1400  }
0x38a: {  	[sflag:s11] =	ssyncset.done $0x0  }
0x38b: {  	[sflag:s11] =	ssyncadd.s32 $0xFFFFEC00  }
0x38c: {  	_ =	swait.ge [sflag:s11], $0x1400  }
0x38d: {  	[sflag:s11] =	ssyncset.done $0x0  }
0x38e: {  	s13 =	simm.s32 $0x0;
	[sflag:s11] =	ssyncadd.s32 $0xFFFFEC00  }
0x38f: {  	v1 =	vld [tilespmem:s13+$0x70]  }
0x390: {  	v2 =	vld [tilespmem:s13+$0x40]  }
0x391: {  	v3 =	vld [tilespmem:s13+$0x50]  }
0x392: {  	v0 =	vld [tilespmem:s13+$0x60];
	_ =	sdelay $0x1  }
0x393: {  	[tilespmem:s13+$0x19E30] =	vst.add.f32.msk $0xffff, v1  }
0x394: {  	[tilespmem:s13+$0x10800] =	vst.add.f32.msk $0xffff, v2  }
0x395: {  	[tilespmem:s13+$0x10810] =	vst.add.f32.msk $0xffff, v3  }
0x396: {  	[tilespmem:s13+$0x10820] =	vst.add.f32.msk $0xffff, v0  }
0x397: {  	[tilespmem:s13+$0x10830] =	vst.add.f32.msk $0xffff, v1  }
0x398: {  	[tilespmem:s13+$0x13A00] =	vst.add.f32.msk $0xffff, v2  }
0x399: {  	[tilespmem:s13+$0x13A10] =	vst.add.f32.msk $0xffff, v3  }
0x39a: {  	[tilespmem:s13+$0x13A20] =	vst.add.f32.msk $0xffff, v0  }
0x39b: {  	[tilespmem:s13+$0x13A30] =	vst.add.f32.msk $0xffff, v1  }
0x39c: {  	[tilespmem:s13+$0x16C00] =	vst.add.f32.msk $0xffff, v2  }
0x39d: {  	[tilespmem:s13+$0x16C10] =	vst.add.f32.msk $0xffff, v3  }
0x39e: {  	[tilespmem:s13+$0x16C20] =	vst.add.f32.msk $0xffff, v0  }
0x39f: {  	[tilespmem:s13+$0x16C30] =	vst.add.f32.msk $0xffff, v1  }
0x3a0: {  	[tilespmem:s13+$0x19E00] =	vst.add.f32.msk $0xffff, v2  }
0x3a1: {  	s17 =	simm.s32 $0x40;
	s14 =	simm.s32 $0x200;
	[tilespmem:s13+$0x19E10] =	vst.add.f32.msk $0xffff, v3  }
.LBB2_16:
0x3a2: {  	p0 =	sne.s32 s14, $0xC700;
	v1 =	vld [tilespmem:s17+$0x70]  }
0x3a3: {  	v2 =	vld [tilespmem:s17+$0x40]  }
0x3a4: {  	v3 =	vld [tilespmem:s17+$0x50]  }
0x3a5: {  	v4 =	vld [tilespmem:s17+$0x60]  }
0x3a6: {  	[tilespmem:s13+$0x19E20] =	vst.add.f32.msk $0xffff, v0;
	s13 =	smov.u32 s17  }
0x3a7: {  	[tilespmem:s13+$0x19E30] =	vst.add.f32.msk $0xffff, v1  }
0x3a8: {  	[tilespmem:s13+$0x10800] =	vst.add.f32.msk $0xffff, v2  }
0x3a9: {  	[tilespmem:s13+$0x10810] =	vst.add.f32.msk $0xffff, v3  }
0x3aa: {  	[tilespmem:s13+$0x10820] =	vst.add.f32.msk $0xffff, v4;
	v0 =	vmov v4  }
0x3ab: {  	[tilespmem:s13+$0x10830] =	vst.add.f32.msk $0xffff, v1  }
0x3ac: {  	[tilespmem:s13+$0x13A00] =	vst.add.f32.msk $0xffff, v2  }
0x3ad: {  	[tilespmem:s13+$0x13A10] =	vst.add.f32.msk $0xffff, v3  }
0x3ae: {  	[tilespmem:s13+$0x13A20] =	vst.add.f32.msk $0xffff, v0  }
0x3af: {  	[tilespmem:s13+$0x13A30] =	vst.add.f32.msk $0xffff, v1  }
0x3b0: {  	[tilespmem:s13+$0x16C00] =	vst.add.f32.msk $0xffff, v2  }
.Ltmp7:
0x3b1: {  	[tilespmem:s13+$0x16C10] =	vst.add.f32.msk $0xffff, v3;
	(pc) =	sbr.rel @p0 .LBB2_16-.Ltmp7, $4  }
0x3b2: {  	[tilespmem:s13+$0x16C20] =	vst.add.f32.msk $0xffff, v0  }
0x3b3: {  	[tilespmem:s13+$0x16C30] =	vst.add.f32.msk $0xffff, v1  }
0x3b4: {  	[tilespmem:s13+$0x19E00] =	vst.add.f32.msk $0xffff, v2  }
0x3b5: {  	s17 =	sshra.s32 s14, $0x2;
	s14 =	sadd.s32 $0x100, s14;
	[tilespmem:s13+$0x19E10] =	vst.add.f32.msk $0xffff, v3  }
0x3b6: {  	v1 =	vld [tilespmem:s17+$0x70]  }
0x3b7: {  	v2 =	vld [tilespmem:s17+$0x40]  }
0x3b8: {  	v3 =	vld [tilespmem:s17+$0x50]  }
0x3b9: {  	v4 =	vld [tilespmem:s17+$0x60]  }
0x3ba: {  	[tilespmem:s13+$0x19E20] =	vst.add.f32.msk $0xffff, v0  }
0x3bb: {  	[tilespmem:s17+$0x19E30] =	vst.add.f32.msk $0xffff, v1  }
0x3bc: {  	[tilespmem:s17+$0x10800] =	vst.add.f32.msk $0xffff, v2  }
0x3bd: {  	[tilespmem:s17+$0x10810] =	vst.add.f32.msk $0xffff, v3  }
0x3be: {  	[tilespmem:s17+$0x10820] =	vst.add.f32.msk $0xffff, v4  }
0x3bf: {  	[tilespmem:s17+$0x10830] =	vst.add.f32.msk $0xffff, v1  }
0x3c0: {  	[tilespmem:s17+$0x13A00] =	vst.add.f32.msk $0xffff, v2  }
0x3c1: {  	[tilespmem:s17+$0x13A10] =	vst.add.f32.msk $0xffff, v3  }
0x3c2: {  	[tilespmem:s17+$0x13A20] =	vst.add.f32.msk $0xffff, v4  }
0x3c3: {  	[tilespmem:s17+$0x13A30] =	vst.add.f32.msk $0xffff, v1  }
0x3c4: {  	[tilespmem:s17+$0x16C00] =	vst.add.f32.msk $0xffff, v2  }
0x3c5: {  	[tilespmem:s17+$0x16C10] =	vst.add.f32.msk $0xffff, v3  }
0x3c6: {  	[tilespmem:s17+$0x16C20] =	vst.add.f32.msk $0xffff, v4  }
0x3c7: {  	[tilespmem:s17+$0x16C30] =	vst.add.f32.msk $0xffff, v1  }
0x3c8: {  	[tilespmem:s17+$0x19E00] =	vst.add.f32.msk $0xffff, v2  }
0x3c9: {  	[tilespmem:s17+$0x19E10] =	vst.add.f32.msk $0xffff, v3  }
0x3ca: {  	s13 =	simm.s32 $0x0;
	s14 =	rddreg [dreg:$0x13];
	[tilespmem:s17+$0x19E20] =	vst.add.f32.msk $0xffff, v4  }
0x3cb: {  	[hbm4b:s14+s13] =	stream.linear.scatter [tilespmem:s16], [sflag:$0x3], $0xC800, $0x38;
	[tilespmem:$0x1D640] =	vst v63  }
0x3cc: {  	_ =	swait.ge [sflag:s10], $0xC800  }
0x3cd: {  	[sflag:s10] =	ssyncset.done $0x0  }
0x3ce: {  	[sflag:s10] =	ssyncadd.s32 $0xFFFF3800  }
0x3cf: {  	_ =	swait.ge [sflag:s10], $0xC800  }
0x3d0: {  	s12 =	sadd.s32 $0x1, s12;
	s17 =	rddreg [dreg:$0x14]  }
0x3d1: {  	p0 =	sne.s32 s12, s17  }
.Ltmp8:
0x3d2: {  	_ = 	snop;
	(pc) =	sbr.rel @p0 .LBB2_1-.Ltmp8, $3  }
0x3d3: {  	_ =	sdelay $0x1  }
0x3d4: {  	[sflag:s10] =	ssyncset.done $0x0  }
0x3d5: {  	[sflag:s10] =	ssyncadd.s32 $0xFFFF3800  }
0x3d6: {  	_ =	sfence.sel $0x180000  }
0x3d7: {  	[bflag:$0x0] =	sbarrier.arrive $0xFFFF  }
0x3d8: {  	_ =	strace $0x90000047  }
0x3d9: {  	s0 =	stileid.u32;
	[bflag:$0x2] =	sbarrier.arrive $0xFFFF  }
0x3da: {  	p0 =	sne.s32 s0, $0x0;
	s0 =	rddreg [dreg:$0x2]  }
0x3db: {  	s0 =	sadd.s32 @!p0 $0x100000, s0  }
0x3dc: {  	[sflag:s0] =	ssyncadd.tile.s32 @!p0 $0x1;
	_ =	shalt  }
.Lfunc_end2:
_tile_overlayer_lowered:
.L_overlay_start_2:
0x3dd: {  	(tag) =	ssettag $0x2  }
0x3de: {  	s0 =	rddreg [dreg:$0x0];
	s2 =	stileid.u32  }
0x3df: {  	s1 =	rddreg [dreg:$0x1];
	p0 =	sne.s32 s2, $0x0  }
0x3e0: {  	s3 =	rddreg [dreg:$0x2];
	[bflag:$0x3] =	sbarrier.arrive $0xFFFF;
	s2 =	simm.s32 @!p0 $0x1C04  }
0x3e1: {  	[timem:s3], [sflag:s2] =	dma.local @!p0 [hbm:s0], s1  }
0x3e2: {  	s0 =	simm.s32 @!p0 $0x4  }
0x3e3: {  	_ =	swait.ge @!p0 [sflag:s0], s1  }
0x3e4: {  	s1 =	ssub.s32 @!p0 $0x0, s1;
	[sflag:s0] =	ssyncset.done @!p0 $0x0  }
0x3e5: {  	[sflag:s0] =	ssyncadd.s32 @!p0 s1  }
0x3e6: {  	[bflag:$0x3] =	sbarrier.arrive $0xFFFF  }
0x3e7: {  	_ =	shalt  }

// kernel: sparse-core-data-format-call.cloned.1.call-start
scs
called_computation_lowered:
.L_overlay_start_0:
0x0: {  	s2 =	sld [smem:$0x3FD9]  }
0x1: {  	s3 =	sld [smem:$0x3FFE];
	_ =	sdelay $0x1  }
0x2: {  	s1 =	srdreg.scid  }
0x3: {  	s0 =	sand.u32 $0x1, s1  }
0x4: {  	s18 =	sshll.u32 s0, $0xA;
	s2 =	sadd.s32 s3, s2  }
0x5: {  	s2 =	sadd.s32 s2, s18  }
0x6: {  	[smem:$0x3FC5] =	sst s2  }
0x7: {  	_ = 	snop  }
0x8: {  	s2 =	sld [smem:$0x3FD0];
	(tm) =	ssettm $0x1  }
0x9: {  	s19 =	sld [smem:$0x3FFB];
	_ =	sdelay $0x3  }
0xa: {  	_ =	strace s19  }
0xb: {  	s3 =	sld [smem:$0x3FFC];
	_ =	sdelay $0x3  }
0xc: {  	_ =	strace s3  }
0xd: {  	s3 =	sld [smem:$0x3FFD];
	_ =	sdelay $0x3  }
0xe: {  	_ =	strace s3  }
0xf: {  	_ =	strace $0x8FFFFFFF  }
0x10: {  	s20 =	sld [smem:$0x3FDB];
	_ =	sdelay $0x1  }
0x11: {  	s4 =	simm.s32 $_scs_section_size  }
0x12: {  	s5 =	simm.s32 $_size__tile_overlayer_lowered;
	s6 =	simm.s32 $_tile_overlayer_lowered  }
0x13: {  	s23 =	simm.s32 $0x1BFF;
	s22 =	sshll.u32 s6, $0x1;
	s3 =	sadd.s32 s4, s20  }
0x14: {  	s7 =	simm.s32 $0x0;
	s21 =	sshll.u32 s5, $0x1;
	s5 =	sadd.s32 s22, s3  }
0x15: {  	[timem:s7], [sflag:s23] =	dma.local [hbm:s5], s21  }
0x16: {  	_ =	swait.ge [sflag:s23], s21  }
0x17: {  	s4 =	ssub.s32 $0x0, s21;
	[sflag:s23] =	ssyncset.done $0x0  }
0x18: {  	[sflag:s23] =	ssyncadd.s32 s4;
	_ =	sdelay $0x1  }
0x19: {  	s24 =	simm.s32 $0x1B8B  }
0x1a: {  	_ =	swait.ge [sflag:s24], $0x1  }
0x1b: {  	[sflag:s24] =	ssyncset.done $0x0  }
0x1c: {  	s26 =	simm.s32 $0x1B8E;
	s25 =	sld [smem:$0x3FFE];
	[sflag:s24] =	ssyncadd.s32 $0xFFFFFFFF  }
0x1d: {  	s27 =	simm.s32 $execute0_lowered;
	[smem:$0x3FD2] =	sst s26  }
0x1e: {  	s5 =	sshll.u32 s27, $0x1;
	_ =	strace $0x80000049;
	[dreg:$0x1] =	wrdreg $0xFFFFFFFF  }
0x1f: {  	s28 =	simm.s32 $_size_execute0_lowered;
	s3 =	sadd.s32 s3, s5;
	[dreg:$0x0] =	wrdreg $0x0  }
0x20: {  	s5 =	sshll.u32 s28, $0x1;
	[dreg:$0x2] =	wrdreg s3  }
0x21: {  	[dreg:$0x3] =	wrdreg s5  }
0x22: {  	[dreg:$0x4] =	wrdreg $0xC0  }
0x23: {  	_ =	task [dreg:s7], $0x5FFFF  }
0x24: {  	[dreg:$0x1] =	wrdreg $0xFFFFFFFF  }
0x25: {  	[dreg:$0x0] =	wrdreg $0x60  }
0x26: {  	[dreg:$0x2] =	wrdreg s25  }
0x27: {  	[dreg:$0x3] =	wrdreg s2  }
0x28: {  	[dreg:$0x4] =	wrdreg $0x9  }
0x29: {  	_ =	task.clear_ibuf [dreg:s7], $0x5FFFF;
	_ =	strace $0x90000049  }
0x2a: {  	s29 =	simm.s32 $0x9;
	_ =	strace $0x8000004B  }
0x2b: {  	_ =	swait.ge [sflag:s29], $0x1  }
0x2c: {  	[sflag:s29] =	ssyncadd.s32 $0xFFFFFFFF  }
0x2d: {  	_ =	strace $0x9000004B  }
0x2e: {  	_ =	sfence  }
0x2f: {  	s30 =	sld [smem:$0x0];
	_ =	sdelay $0x2  }
0x30: {  	s31 =	sshll.u32 s1, $0xD;
	s1 =	sshrl.u32 s1, $0x2  }
0x31: {  	s3 =	sand.u32 $0x4000, s31;
	s1 =	sadd.s32 s1, s30  }
0x32: {  	s0 =	sor.u32 s3, s0;
	s1 =	sshll.u32 s1, $0x11  }
0x33: {  	s0 =	sor.u32 s1, s0  }
0x34: {  	s0 =	sadd.s32 $0x8F2B, s0  }
0x35: {  	[sflag:s0] =	ssyncadd.remote.s32 $0x1  }
0x36: {  	_ =	sfence.sel $0xFFFF  }
0x37: {  	[dreg:$0x0] =	wrdreg $0xFFFFFFFF;
	(pc) =	sbr.abs _section_cstart, $3  }
0x38: {  	[dreg:$0x1] =	wrdreg $0xFFFFFFFF  }
0x39: {  	_ =	task.clear_ibuf [dreg:s7], $0x2FFFF;
	_ =	strace $0x9FFFFFFF  }
0x3a: {  	(tm) =	ssettm $0x7FFFFFFF  }
0x3b: {  	_ =	shalt  }
tec
execute0_lowered:
.L_overlay_start_1:
0x0: {  	(tag) =	ssettag $0x1  }
0x1: {  	s0 =	stileid.u32;
	s6 =	rddreg [dreg:$0x0]  }
0x2: {  	s2 =	rddreg [dreg:$0x1];
	s5 =	srdreg.scid  }
0x3: {  	s31 =	simm.s32 $0x2;
	s13 =	simm.s32 $0x0;
	s1 =	sshll.u32 s0, $0x7  }
0x4: {  	s14 =	simm.s32 $0x0;
	s12 =	simm.s32 $0x0;
	s3 =	sand.u32 $0x380, s1  }
0x5: {  	s5 =	sshll.u32 s5, $0x4;
	s6 =	sadd.s32 $0x800, s6;
	s4 =	ssub.s32 $0x400, s3  }
0x6: {  	s1 =	rddreg [dreg:$0x2];
	_ =	strace $0x8000004A;
	s7 =	sand.u32 $0x380, s4  }
0x7: {  	s5 =	sand.u32 $0x10, s5;
	p0 =	sne.s32 s7, $0x0;
	s7 =	simm.s32 $0x1  }
.Ltmp0:
0x8: {  	s8 =	sshrl.u32 s4, $0xA;
	s7 =	simm.s32 @!p0 $0x0;
	(pc) =	sbr.rel .LBB1_1-.Ltmp0, $4  }
0x9: {  	s9 =	sor.u32 s0, s5;
	s4 =	simm.s32 $0x1;
	s30 =	sadd.s32 s7, s8  }
0xa: {  	s11 =	smov.u32 s3;
	[sflag:s4] =	ssyncpa.u1 $0x0;
	s5 =	smul.u32 $0x32, s30  }
0xb: {  	[sflag:s31] =	ssyncpa.u1 $0x0;
	p0 =	por $0x0, $0x0;
	s7 =	sshrl.u32 s9, $0x3  }
0xc: {  	s9 =	simm.s32 $0x2000;
	s10 =	smov.u32 s7;
	s8 =	sor.u32 $0x1, s5  }
.LBB1_4:
0xd: {  	s17 =	sand.u32 $0x1F80, s14;
	s13 =	sshll.u32 s13, $0xD  }
0xe: {  	[tilespmem:s16+$0x810 ss:$0x81] =	vst.msk $0xffff, v2;
	s18 =	sshrl.u32 s14, $0x3;
	s31 =	sand.u32 $0x7, s14;
	s17 =	sadd.s32 s2, s17  }
0xf: {  	[tilespmem:s16+$0x1020 ss:$0x81] =	vst.msk $0xffff, v0;
	s18 =	sand.u32 $0xF, s18;
	s14 =	sshll.u32 s31, $0x12;
	s13 =	sadd.s32 s13, s17  }
0x10: {  	[tilespmem:s16+$0x0 ss:$0x81] =	vst.msk $0xffff, v1;
	s14 =	sor.u32 $0x400, s14;
	s13 =	sadd.s32 s18, s13  }
0x11: {  	[hbm4b:s13+s14] =	stream.strided.scatter [tilespmem:s15], [sflag:$0x2], $0x2000, s9, s14, $0x20;
	[tilespmem:$0x8080] =	vst v63  }
.LBB1_5:
0x12: {  	s15 =	sadd.s32 $0x4, s10  }
0x13: {  	s13 =	sadd.s32 $0x400, s11;
	s17 =	smov.u32 s11;
	p2 =	sgt.s32 s15, $0xC7  }
0x14: {  	s17 =	smov.u32 @p2 s13  }
0x15: {  	s15 =	smov.u32 @p2 s7;
	p2 =	sgt.s32 s17, $0x3FF  }
0x16: {  	s17 =	smov.u32 @p2 s3;
	p2 =	sne.s32 s12, s8  }
.Ltmp1:
0x17: {  	p1 =	slt.u32 s12, $0x2;
	(pc) =	sbr.rel @!p2 .LBB1_6-.Ltmp1, $4  }
0x18: {  	s16 =	simm.s32 @!p1 $0x2  }
0x19: {  	s14 =	smov.u32 s11;
	p0 =	por !p0, !p0;
	_ =	swait.ge @!p1 [sflag:s16], $0x2000  }
0x1a: {  	s13 =	smov.u32 s10;
	[sflag:s16] =	ssyncset.done @!p1 $0x0;
	s10 =	smov.u32 s15  }
0x1b: {  	s12 =	sadd.s32 $0x1, s12;
	[sflag:s16] =	ssyncadd.s32 @!p1 $0xFFFFE000;
	s11 =	smov.u32 s17  }
.LBB1_1:
0x1c: {  	p1 =	sge.u32 s12, s5  }
0x1d: {  	s15 =	sand.u32 @!p1 $0x1FFFFFF, s10  }
0x1e: {  	s16 =	smulhi.u32 @!p1 $0x147AE15, s15;
	_ =	sdelay $0x1  }
0x1f: {  	s16 =	smul.u32 @!p1 $0xC8, s16  }
0x20: {  	s17 =	sxor.u32 @!p1 $0xFFFFFFFF, s12;
	s18 =	smul.u32 @!p1 $0xC80, s11  }
0x21: {  	s31 =	sadd.s32 $0xFFFFFFFF, s12;
	s17 =	sshll.u32 @!p1 s17, $0xD;
	s15 =	ssub.s32 @!p1 s15, s16  }
0x22: {  	s16 =	sand.u32 @!p1 $0x2000, s17;
	s17 =	sadd.s32 @!p1 s6, s18;
	s15 =	sshll.u32 @!p1 s15, $0x4  }
0x23: {  	s18 =	simm.s32 @!p1 $0x6400;
	s15 =	sadd.s32 @!p1 s15, s17;
	s17 =	simm.s32 @!p1 $0x40  }
0x24: {  	[tilespmem:s16], [sflag:$0x1] =	stream.strided.gather @!p1 [hbm4b:s15+s17], $0x2000, s18, s17, $0x38;
	[tilespmem:$0x8080] =	vst v63  }
0x25: {  	p1 =	sge.u32 s31, s5  }
.Ltmp2:
0x26: {  	_ = 	snop;
	(pc) =	sbr.rel @p1 .LBB1_5-.Ltmp2, $1  }
0x27: {  	_ =	sdelay $0x3  }
0x28: {  	s15 =	simm.s32 $0x1  }
0x29: {  	_ =	swait.ge [sflag:s4], $0x2000;
	s15 =	simm.s32 @!p0 $0x0  }
0x2a: {  	[sflag:s4] =	ssyncset.done $0x0;
	s16 =	sshll.u32 s15, $0xD  }
0x2b: {  	[sflag:s4] =	ssyncadd.s32 $0xFFFFE000;
	s19 =	sor.u32 $0x20, s16  }
0x2c: {  	s15 =	smul.u32 $0x8100, s15;
	v3 =	vld [tilespmem:s19+$0x10]  }
0x2d: {  	s30 =	sand.u32 $0x1, s12;
	v2 =	vld [tilespmem:s19+$0xFFFFFFF0]  }
0x2e: {  	s16 =	smul.u32 $0x8100, s30;
	s15 =	sshrl.u32 s15, $0x2;
	v0 =	vld [tilespmem:s19+$0x0]  }
0x2f: {  	v1 =	vld [tilespmem:s19+$0xFFFFFFE0];
	s17 =	sor.u32 $0x4000, s15  }
0x30: {  	s31 =	sshrl.u32 s16, $0x2;
	s16 =	sadd.s32 $0x0, s17  }
0x31: {  	s18 =	simm.s32 $0x4;
	s19 =	sadd.s32 $0x40, s19;
	s15 =	sor.u32 $0x4000, s31;
	[tilespmem:s16+$0x1830 ss:$0x81] =	vst.msk $0xffff, v3  }
.LBB1_3:
0x32: {  	v3 =	vld [tilespmem:s19+$0x10];
	p1 =	sne.s32 s18, $0x1FC;
	[tilespmem:s16+$0x810 ss:$0x81] =	vst.msk $0xffff, v2;
	s20 =	smov.u32 s18;
	s18 =	sadd.s32 $0x4, s18  }
.Ltmp3:
0x33: {  	v2 =	vld [tilespmem:s19+$0xFFFFFFF0];
	[tilespmem:s16+$0x1020 ss:$0x81] =	vst.msk $0xffff, v0;
	(pc) =	sbr.rel @p1 .LBB1_3-.Ltmp3, $4  }
0x34: {  	v0 =	vld [tilespmem:s19+$0x0];
	[tilespmem:s16+$0x0 ss:$0x81] =	vst.msk $0xffff, v1  }
0x35: {  	s16 =	sshra.s32 s20, $0x2;
	v1 =	vld [tilespmem:s19+$0xFFFFFFE0]  }
0x36: {  	s16 =	sadd.s32 s16, s17  }
0x37: {  	s19 =	sadd.s32 $0x40, s19;
	[tilespmem:s16+$0x1830 ss:$0x81] =	vst.msk $0xffff, v3  }
.Ltmp4:
0x38: {  	_ = 	snop;
	(pc) =	sbr.rel .LBB1_4-.Ltmp4, $1  }
0x39: {  	_ =	sdelay $0x3  }
.LBB1_6:
0x3a: {  	_ =	sfence.sel $0x180000  }
0x3b: {  	s2 =	simm.s32 $0x1;
	[bflag:$0x0] =	sbarrier.arrive $0xFFFF  }
0x3c: {  	s31 =	simm.s32 $0x2;
	[sflag:s2] =	ssyncpa.u1 $0x1  }
0x3d: {  	[sflag:s31] =	ssyncpa.u1 $0x1  }
0x3e: {  	p0 =	sne.s32 s0, $0x0;
	_ =	strace $0x9000004A  }
0x3f: {  	s0 =	sadd.s32 @!p0 $0x100000, s1;
	[bflag:$0x2] =	sbarrier.arrive $0xFFFF  }
0x40: {  	[sflag:s0] =	ssyncadd.tile.s32 @!p0 $0x1;
	_ =	shalt  }
.Lfunc_end1:
_tile_overlayer_lowered:
.L_overlay_start_2:
0x41: {  	(tag) =	ssettag $0x2  }
0x42: {  	s0 =	rddreg [dreg:$0x0];
	s2 =	stileid.u32  }
0x43: {  	s1 =	rddreg [dreg:$0x1];
	p0 =	sne.s32 s2, $0x0  }
0x44: {  	s3 =	rddreg [dreg:$0x2];
	[bflag:$0x3] =	sbarrier.arrive $0xFFFF;
	s2 =	simm.s32 @!p0 $0x1C01  }
0x45: {  	[timem:s3], [sflag:s2] =	dma.local @!p0 [hbm:s0], s1  }
0x46: {  	s0 =	simm.s32 @!p0 $0x1  }
0x47: {  	_ =	swait.ge @!p0 [sflag:s0], s1  }
0x48: {  	s1 =	ssub.s32 @!p0 $0x0, s1;
	[sflag:s0] =	ssyncset.done @!p0 $0x0  }
0x49: {  	[sflag:s0] =	ssyncadd.s32 @!p0 s1  }
0x4a: {  	[bflag:$0x3] =	sbarrier.arrive $0xFFFF  }
0x4b: {  	_ =	shalt  }

</sc_bundles>
